<compile_context>
chip_gen: v7x
topology: tpu7x:2x2x1
jax: 0.10.2.dev20260603
libtpu: 0.0.44.dev20260713+nightly
codegen_flags: <defaults>
</compile_context>

<pallas_src>
import jax
import jax.numpy as jnp
from jax import lax
from jax.experimental import pallas as pl
from jax.experimental.pallas import tpu as pltpu
from jax.experimental.pallas import tpu_sc as plsc

N_NODES = 10000
N_EDGES = 320000
N_FEAT = 128
N_HID = 128
ALPHA_SLOPE = 0.05

NC = 2
NS = 16
L = 16

EPW1 = 20160
E_PAD = NS * EPW1
K = 80
CH = 3360
NCH1 = EPW1 // CH
NSC0 = 4
NSC1 = 6 - NSC0
NPAD = 10240
RPW = NPAD // NS


def _tc_prep_body(x_ref, wt_ref, ap_ref, ab_ref, z_ref, e_ref):
    zb = jnp.dot(x_ref[...], wt_ref[...], preferred_element_type=jnp.float32)
    z_ref[...] = zb
    e_ref[...] = jnp.dot(zb, ap_ref[...], preferred_element_type=jnp.float32) + ab_ref[0]


def _tc_add_body(a_ref, b_ref, o_ref):
    o_ref[...] = a_ref[...] + b_ref[...]


def _node2d(n16):
    return [lax.shift_right_logical(n16, 7), jnp.bitwise_and(n16, 127)]


def _sc_body(z_hbm, e1_hbm, e2_hbm, sd_hbm, alpha_hbm, parts_hbm,
             bufA, bufB, bufC, h_v, sd_v, idx_v, srow0, srow1, srow2,
             gsem0, gsem1, gsem2, ssem0, ssem1, ssem2, out_sh, hsum_sh):
    c = lax.axis_index("c")
    s = lax.axis_index("s")
    base1 = s * EPW1
    base2 = base1 + c * (NSC0 * CH)
    nsc = NSC0 - (NSC0 - NSC1) * c

    zero16f = jnp.zeros((L,), jnp.float32)
    iota16 = lax.iota(jnp.int32, L)
    zi16 = jnp.zeros((L,), jnp.int32)

    bufs = (bufA, bufB, bufC)
    gsems = (gsem0, gsem1, gsem2)
    ssems = (ssem0, ssem1, ssem2)
    srows = (srow0, srow1, srow2)

    def zz(i, _):
        for j in range(N_HID // L):
            bufA[i, pl.ds(j * L, L)] = zero16f
            bufC[i, pl.ds(j * L, L)] = zero16f
        return 0
    lax.fori_loop(0, K, zz, 0)
    for kk in range(RPW // K):
        pltpu.async_copy(bufA, out_sh.at[pl.ds(s * RPW + kk * K, K)], gsem0)
    pltpu.sync_copy(bufC.at[pl.ds(s * 5, 5)], hsum_sh.at[pl.ds(s * 5, 5)])
    for kk in range(RPW // K):
        pltpu.make_async_copy(bufA, out_sh.at[pl.ds(s * RPW + kk * K, K)],
                              gsem0).wait()
    for j in range(K // L):
        idx_v[pl.ds(j * L, L)] = iota16 + j * L
    plsc.subcore_barrier()

    pltpu.sync_copy(e1_hbm, bufA)
    pltpu.sync_copy(e2_hbm, bufB)

    def p1c(cc, _):
        pltpu.sync_copy(sd_hbm.at[pl.ds((s * NCH1 + cc) * 2 * CH, 2 * CH)], sd_v)
        def p1(i, _):
            off = i * L
            s16 = sd_v[pl.ds(off, L)]
            d16 = sd_v[pl.ds(CH + off, L)]
            hv = (plsc.load_gather(bufA, _node2d(s16))
                  + plsc.load_gather(bufB, _node2d(d16)))
            hv = jnp.exp(jnp.maximum(hv, ALPHA_SLOPE * hv))
            h_v[pl.ds(off, L)] = hv
            plsc.addupdate_scatter(bufC, _node2d(s16), hv)
            return 0
        lax.fori_loop(0, CH // L, p1, 0)

        @pl.when((cc >= c * NSC0) & (cc < c * NSC0 + nsc))
        def _():
            pltpu.sync_copy(h_v, alpha_hbm.at[pl.ds(base1 + cc * CH, CH)])
        return 0
    with jax.named_scope("p1_edges"):
        lax.fori_loop(0, NCH1, p1c, 0)

    with jax.named_scope("p1_combine"):
        pltpu.sync_copy(bufC, hsum_sh.at[idx_v], add=True)
        plsc.subcore_barrier()
        pltpu.sync_copy(hsum_sh, bufC)

    def pac(cc, _):
        pltpu.sync_copy(
            sd_hbm.at[pl.ds((s * NCH1 + c * NSC0 + cc) * 2 * CH, CH)],
            sd_v.at[pl.ds(0, CH)])
        pltpu.sync_copy(alpha_hbm.at[pl.ds(base2 + cc * CH, CH)], h_v)

        def pa(i, _):
            off = i * L
            s16 = sd_v[pl.ds(off, L)]
            hs16 = plsc.load_gather(bufC, _node2d(s16))
            h_v[pl.ds(off, L)] = h_v[pl.ds(off, L)] / hs16
            return 0
        lax.fori_loop(0, CH // L, pa, 0)
        pltpu.sync_copy(h_v, alpha_hbm.at[pl.ds(base2 + cc * CH, CH)])
        return 0
    with jax.named_scope("alpha_prepass"):
        lax.fori_loop(0, nsc, pac, 0)

    def _gd(t, off):
        return pltpu.make_async_copy(
            z_hbm.at[sd_v.at[pl.ds(CH + off, K)]], bufs[t], gsems[t])

    def _sd(t, buf):
        return pltpu.make_async_copy(buf, out_sh.at[srows[t]], ssems[t])

    def p2s(sc, _):
        pltpu.sync_copy(
            sd_hbm.at[pl.ds((s * NCH1 + c * NSC0 + sc) * 2 * CH, 2 * CH)], sd_v)
        pltpu.sync_copy(alpha_hbm.at[pl.ds(base2 + sc * CH, CH)], h_v)

        for t in range(2):
            @pl.when(sc > 0)
            def _():
                _sd(t, bufs[t]).wait()
            _gd(t, t * K).start()

        def p2(m, _):
            for t in range(3):
                k = 3 * m + t
                buf, srow = bufs[t], srows[t]
                _gd(t, k * K).wait()
                for j in range(K // L):
                    srow[pl.ds(j * L, L)] = sd_v[pl.ds(k * K + j * L, L)]
                aoff = k * K

                def scale(e4, _):
                    e = 4 * e4
                    afs = [plsc.load_gather(h_v, [zi16 + (aoff + e + d)])
                           for d in range(4)]
                    for d in range(4):
                        for j in range(N_HID // L):
                            buf[e + d, pl.ds(j * L, L)] = (
                                buf[e + d, pl.ds(j * L, L)] * afs[d])
                    return 0
                lax.fori_loop(0, K // 4, scale, 0)
                _sd(t, buf).start(add=True)

                t2 = (t + 2) % 3
                kn = k + 2

                @pl.when(kn <= CH // K - 1)
                def _():
                    @pl.when((sc + k) > 0)
                    def _():
                        _sd(t2, bufs[t2]).wait()
                    _gd(t2, kn * K).start()
            return 0
        lax.fori_loop(0, CH // K // 3, p2, 0)
        return 0
    with jax.named_scope("p2_rows"):
        lax.fori_loop(0, nsc, p2s, 0)

        for t in range(3):
            _sd(t, bufs[t]).wait()
    plsc.subcore_barrier()

    with jax.named_scope("copyout"):
        pltpu.sync_copy(out_sh.at[pl.ds(s * RPW, RPW)],
                        parts_hbm.at[c, pl.ds(s * RPW, RPW)])


@jax.jit
def _run(x, src, dst, Wt, Apad, ab2):
    z, e_pad = pl.pallas_call(
        _tc_prep_body,
        grid=(10,),
        in_specs=[
            pl.BlockSpec((1000, N_FEAT), lambda i: (i, 0)),
            pl.BlockSpec((N_FEAT, N_HID), lambda i: (0, 0)),
            pl.BlockSpec((N_HID, N_HID), lambda i: (0, 0)),
            pl.BlockSpec(memory_space=pltpu.SMEM),
        ],
        out_specs=[
            pl.BlockSpec((1000, N_HID), lambda i: (i, 0)),
            pl.BlockSpec((1000, N_HID), lambda i: (i, 0)),
        ],
        out_shape=[
            jax.ShapeDtypeStruct((N_NODES, N_HID), jnp.float32),
            jax.ShapeDtypeStruct((N_NODES, N_HID), jnp.float32),
        ],
    )(x, Wt, Apad, ab2)

    e1 = jnp.pad(e_pad[:, 0], (0, NPAD - N_NODES)).reshape(K, N_HID)
    e2 = jnp.pad(e_pad[:, 1], (0, NPAD - N_NODES)).reshape(K, N_HID)
    src_p = jnp.concatenate(
        [src, jnp.full((E_PAD - N_EDGES,), N_NODES, jnp.int32)])
    dst_p = jnp.concatenate(
        [dst, jnp.zeros((E_PAD - N_EDGES,), jnp.int32)])
    sd = jnp.stack([src_p.reshape(E_PAD // CH, CH),
                    dst_p.reshape(E_PAD // CH, CH)], axis=1).reshape(-1)

    sc = pl.kernel(
        _sc_body,
        out_type=(
            jax.ShapeDtypeStruct((E_PAD,), jnp.float32),
            jax.ShapeDtypeStruct((NC, NPAD, N_HID), jnp.float32),
        ),
        mesh=plsc.VectorSubcoreMesh(core_axis_name="c", subcore_axis_name="s"),
        compiler_params=pltpu.CompilerParams(
            needs_layout_passes=False, use_tc_tiling_on_sc=False),
        scratch_types=[
            pltpu.VMEM((K, N_HID), jnp.float32),
            pltpu.VMEM((K, N_HID), jnp.float32),
            pltpu.VMEM((K, N_HID), jnp.float32),
            pltpu.VMEM((CH,), jnp.float32),
            pltpu.VMEM((2 * CH,), jnp.int32),
            pltpu.VMEM((K,), jnp.int32),
            pltpu.VMEM((K,), jnp.int32),
            pltpu.VMEM((K,), jnp.int32),
            pltpu.VMEM((K,), jnp.int32),
            pltpu.SemaphoreType.DMA,
            pltpu.SemaphoreType.DMA,
            pltpu.SemaphoreType.DMA,
            pltpu.SemaphoreType.DMA,
            pltpu.SemaphoreType.DMA,
            pltpu.SemaphoreType.DMA,
            pltpu.VMEM_SHARED((NPAD, N_HID), jnp.float32),
            pltpu.VMEM_SHARED((K, N_HID), jnp.float32),
        ],
    )
    alpha_p, parts = sc(z, e1, e2, sd)

    out = pl.pallas_call(
        _tc_add_body,
        grid=(10,),
        in_specs=[
            pl.BlockSpec((1000, N_HID), lambda i: (i, 0)),
            pl.BlockSpec((1000, N_HID), lambda i: (i, 0)),
        ],
        out_specs=pl.BlockSpec((1000, N_HID), lambda i: (i, 0)),
        out_shape=jax.ShapeDtypeStruct((N_NODES, N_HID), jnp.float32),
    )(parts[0, :N_NODES], parts[1, :N_NODES])
    return out, alpha_p[:N_EDGES]


def kernel(x, edge_index, W, a_w, a_b):
    ei = edge_index.astype(jnp.int32)
    src = ei[0]
    dst = ei[1]
    Wt = W.T
    a1 = a_w[0, :N_HID]
    a2 = a_w[0, N_HID:]
    Apad = jnp.zeros((N_HID, N_HID), jnp.float32).at[:, 0].set(a1).at[:, 1].set(a2)
    ab2 = (a_b * 0.5).astype(jnp.float32)
    return _run(x, src, dst, Wt, Apad, ab2)

# --- scband reference (transcript-rebuilt; emitter-appended) ---
"""Pipeline reference for scband-gatlayer-257698038185 (READ-ONLY COPY).

The authoritative reference and input builder live on the scoring server;
editing this copy changes nothing except your own understanding.
"""

import jax, jax.numpy as jnp
import numpy as np

N_NODES = 10000
N_EDGES = 320000
N_FEAT = 128
N_HIDDEN = 128
ALPHA = 0.05


def setup_inputs(seed: int = 0) -> dict:
    key = jax.random.key(seed)
    k1, k2, k3, k4, k5 = jax.random.split(key, 5)
    x = jax.random.normal(k1, (N_NODES, N_FEAT), dtype=jnp.float32)
    edge_index = jax.random.randint(k2, (2, N_EDGES), 0, N_NODES, dtype=jnp.int64)
    # fc: Linear(n_feat, n_hidden, bias=False) -> weight [n_hidden, n_feat]
    W = jax.random.normal(k3, (N_HIDDEN, N_FEAT), dtype=jnp.float32) * (1.0 / np.sqrt(N_FEAT))
    # a: Linear(2*n_hidden, 1) -> weight [1, 2*n_hidden], bias [1]
    a_w = jax.random.normal(k4, (1, 2 * N_HIDDEN), dtype=jnp.float32) * (1.0 / np.sqrt(2 * N_HIDDEN))
    a_b = jax.random.normal(k5, (1,), dtype=jnp.float32) * 0.01
    return {"x": x, "edge_index": edge_index, "W": W, "a_w": a_w, "a_b": a_b}


def reference(x, edge_index, W, a_w, a_b):
    src = edge_index[0, :]
    dst = edge_index[1, :]
    # z = self.fc(x)
    z = x @ W.T  # [N, n_hidden]
    # h = cat(z[src], z[dst]) @ a.T + b
    h = jnp.concatenate((z[src, :], z[dst, :]), axis=1)  # [E, 2*n_hidden]
    h = h @ a_w.T + a_b  # [E, 1]
    # leakyrelu with negative_slope=alpha
    h = jnp.where(h > 0, h, ALPHA * h)
    h = jnp.exp(jnp.squeeze(h))  # [E]
    # scatter_add over source nodes (softmax denominator)
    h_sum = jnp.zeros((N_NODES,), dtype=h.dtype).at[src].add(h)
    h_norm = h_sum[src]  # gather
    alpha = h / h_norm  # [E]
    # out = sparse.mm(adj_att, z): out[i] = sum_{(i,j) in E} alpha_ij * z[j]
    out = jnp.zeros((N_NODES, N_HIDDEN), dtype=z.dtype).at[src].add(alpha[:, None] * z[dst, :])
    return (out, alpha)

if __name__ == "__main__":
    import jax
    _d = setup_inputs()
    print(jax.jit(kernel)(*tuple(_d.values())))

</pallas_src>

<mosaic_0001>
#map = affine_map<(d0, d1) -> (0, 0)>
#map1 = affine_map<(d0, d1) -> (0)>
#map2 = affine_map<(d0, d1) -> (0, 0, 0)>
module attributes {stable_mosaic.version = 14 : i64} {
  func.func @_sc_body(%arg0: i32, %arg1: i32, %arg2: memref<10000x128xf32, #tpu.memory_space<hbm>>, %arg3: memref<80x128xf32, #tpu.memory_space<hbm>>, %arg4: memref<80x128xf32, #tpu.memory_space<hbm>>, %arg5: memref<645120xi32, #tpu.memory_space<hbm>>, %arg6: memref<322560xf32, #tpu.memory_space<hbm>>, %arg7: memref<2x10240x128xf32, #tpu.memory_space<hbm>>, %arg8: memref<80x128xf32, #tpu.memory_space<vmem>>, %arg9: memref<80x128xf32, #tpu.memory_space<vmem>>, %arg10: memref<80x128xf32, #tpu.memory_space<vmem>>, %arg11: memref<3360xf32, #tpu.memory_space<vmem>>, %arg12: memref<6720xi32, #tpu.memory_space<vmem>>, %arg13: memref<80xi32, #tpu.memory_space<vmem>>, %arg14: memref<80xi32, #tpu.memory_space<vmem>>, %arg15: memref<80xi32, #tpu.memory_space<vmem>>, %arg16: memref<80xi32, #tpu.memory_space<vmem>>, %arg17: memref<!tpu.dma_semaphore, #tpu.memory_space<semaphore_mem>>, %arg18: memref<!tpu.dma_semaphore, #tpu.memory_space<semaphore_mem>>, %arg19: memref<!tpu.dma_semaphore, #tpu.memory_space<semaphore_mem>>, %arg20: memref<!tpu.dma_semaphore, #tpu.memory_space<semaphore_mem>>, %arg21: memref<!tpu.dma_semaphore, #tpu.memory_space<semaphore_mem>>, %arg22: memref<!tpu.dma_semaphore, #tpu.memory_space<semaphore_mem>>, %arg23: memref<10240x128xf32, #tpu.memory_space<vmem_shared>>, %arg24: memref<80x128xf32, #tpu.memory_space<vmem_shared>>) attributes {dimension_semantics = [#tpu.dimension_semantics<core_parallel>, #tpu.dimension_semantics<subcore_parallel>], iteration_bounds = array<i64: 2, 16>, scalar_prefetch = 0 : i64, scratch_operands = 17 : i64, tpu.core_type = #tpu.core_type<sc_vector_subcore>, window_params = [{transform_indices = #map}, {transform_indices = #map}, {transform_indices = #map}, {transform_indices = #map1}, {transform_indices = #map1}, {transform_indices = #map2}]} {
    %mul3A = arith.constant 20160 : i32
    %mul3A_0 = arith.muli %arg1, %mul3A : i32
    %mul3A_1 = arith.constant 13440 : i32
    %mul3A_2 = arith.muli %arg0, %mul3A_1 : i32
    %add3A = arith.addi %mul3A_0, %mul3A_2 : i32
    %mul3A_3 = arith.constant 2 : i32
    %mul3A_4 = arith.muli %mul3A_3, %arg0 : i32
    %sub3A = arith.constant 4 : i32
    %sub3A_5 = arith.subi %sub3A, %mul3A_4 : i32
    %broadcast_in_dim3A = arith.constant 0.000000e+00 : f32
    %broadcast_in_dim3A_6 = vector.broadcast %broadcast_in_dim3A : f32 to vector<16xf32>
    %iota3A = tpu.iota {dimensions = array<i32: 0>} : vector<16xi32>
    %broadcast_in_dim3A_7 = arith.constant 0 : i32
    %broadcast_in_dim3A_8 = vector.broadcast %broadcast_in_dim3A_7 : i32 to vector<16xi32>
    %scan3A = arith.constant 0 : i32
    %scan3A_9 = arith.constant 0 : i32
    %scan3A_10 = arith.constant 80 : i32
    %scan3A_11 = arith.addi %scan3A_9, %scan3A_10 : i32
    %scan3A_12 = arith.constant 1 : i32
    %scan3A_13 = scf.for %scan3A_214 = %scan3A_9 to %scan3A_11 step %scan3A_12 iter_args(%scan3A_215 = %scan3A) -> (i32)  : i32 {
      %swap3A_216 = arith.index_cast %scan3A_214 : i32 to index
      %swap3A_217 = arith.constant 0 : index
      %swap3A_218 = tpu.vector_load %arg8[%swap3A_216, %swap3A_217] {strides = array<i32>} : memref<80x128xf32, #tpu.memory_space<vmem>>, vector<16xf32>,
      tpu.vector_store %arg8[%swap3A_216, %swap3A_217], %broadcast_in_dim3A_6 {strides = array<i32>} : memref<80x128xf32, #tpu.memory_space<vmem>>, vector<16xf32>,
      %swap3A_219 = arith.index_cast %scan3A_214 : i32 to index
      %swap3A_220 = arith.constant 0 : index
      %swap3A_221 = tpu.vector_load %arg10[%swap3A_219, %swap3A_220] {strides = array<i32>} : memref<80x128xf32, #tpu.memory_space<vmem>>, vector<16xf32>,
      tpu.vector_store %arg10[%swap3A_219, %swap3A_220], %broadcast_in_dim3A_6 {strides = array<i32>} : memref<80x128xf32, #tpu.memory_space<vmem>>, vector<16xf32>,
      %swap3A_222 = arith.index_cast %scan3A_214 : i32 to index
      %swap3A_223 = arith.constant 16 : index
      %swap3A_224 = tpu.vector_load %arg8[%swap3A_222, %swap3A_223] {strides = array<i32>} : memref<80x128xf32, #tpu.memory_space<vmem>>, vector<16xf32>,
      tpu.vector_store %arg8[%swap3A_222, %swap3A_223], %broadcast_in_dim3A_6 {strides = array<i32>} : memref<80x128xf32, #tpu.memory_space<vmem>>, vector<16xf32>,
      %swap3A_225 = arith.index_cast %scan3A_214 : i32 to index
      %swap3A_226 = arith.constant 16 : index
      %swap3A_227 = tpu.vector_load %arg10[%swap3A_225, %swap3A_226] {strides = array<i32>} : memref<80x128xf32, #tpu.memory_space<vmem>>, vector<16xf32>,
      tpu.vector_store %arg10[%swap3A_225, %swap3A_226], %broadcast_in_dim3A_6 {strides = array<i32>} : memref<80x128xf32, #tpu.memory_space<vmem>>, vector<16xf32>,
      %swap3A_228 = arith.index_cast %scan3A_214 : i32 to index
      %swap3A_229 = arith.constant 32 : index
      %swap3A_230 = tpu.vector_load %arg8[%swap3A_228, %swap3A_229] {strides = array<i32>} : memref<80x128xf32, #tpu.memory_space<vmem>>, vector<16xf32>,
      tpu.vector_store %arg8[%swap3A_228, %swap3A_229], %broadcast_in_dim3A_6 {strides = array<i32>} : memref<80x128xf32, #tpu.memory_space<vmem>>, vector<16xf32>,
      %swap3A_231 = arith.index_cast %scan3A_214 : i32 to index
      %swap3A_232 = arith.constant 32 : index
      %swap3A_233 = tpu.vector_load %arg10[%swap3A_231, %swap3A_232] {strides = array<i32>} : memref<80x128xf32, #tpu.memory_space<vmem>>, vector<16xf32>,
      tpu.vector_store %arg10[%swap3A_231, %swap3A_232], %broadcast_in_dim3A_6 {strides = array<i32>} : memref<80x128xf32, #tpu.memory_space<vmem>>, vector<16xf32>,
      %swap3A_234 = arith.index_cast %scan3A_214 : i32 to index
      %swap3A_235 = arith.constant 48 : index
      %swap3A_236 = tpu.vector_load %arg8[%swap3A_234, %swap3A_235] {strides = array<i32>} : memref<80x128xf32, #tpu.memory_space<vmem>>, vector<16xf32>,
      tpu.vector_store %arg8[%swap3A_234, %swap3A_235], %broadcast_in_dim3A_6 {strides = array<i32>} : memref<80x128xf32, #tpu.memory_space<vmem>>, vector<16xf32>,
      %swap3A_237 = arith.index_cast %scan3A_214 : i32 to index
      %swap3A_238 = arith.constant 48 : index
      %swap3A_239 = tpu.vector_load %arg10[%swap3A_237, %swap3A_238] {strides = array<i32>} : memref<80x128xf32, #tpu.memory_space<vmem>>, vector<16xf32>,
      tpu.vector_store %arg10[%swap3A_237, %swap3A_238], %broadcast_in_dim3A_6 {strides = array<i32>} : memref<80x128xf32, #tpu.memory_space<vmem>>, vector<16xf32>,
      %swap3A_240 = arith.index_cast %scan3A_214 : i32 to index
      %swap3A_241 = arith.constant 64 : index
      %swap3A_242 = tpu.vector_load %arg8[%swap3A_240, %swap3A_241] {strides = array<i32>} : memref<80x128xf32, #tpu.memory_space<vmem>>, vector<16xf32>,
      tpu.vector_store %arg8[%swap3A_240, %swap3A_241], %broadcast_in_dim3A_6 {strides = array<i32>} : memref<80x128xf32, #tpu.memory_space<vmem>>, vector<16xf32>,
      %swap3A_243 = arith.index_cast %scan3A_214 : i32 to index
      %swap3A_244 = arith.constant 64 : index
      %swap3A_245 = tpu.vector_load %arg10[%swap3A_243, %swap3A_244] {strides = array<i32>} : memref<80x128xf32, #tpu.memory_space<vmem>>, vector<16xf32>,
      tpu.vector_store %arg10[%swap3A_243, %swap3A_244], %broadcast_in_dim3A_6 {strides = array<i32>} : memref<80x128xf32, #tpu.memory_space<vmem>>, vector<16xf32>,
      %swap3A_246 = arith.index_cast %scan3A_214 : i32 to index
      %swap3A_247 = arith.constant 80 : index
      %swap3A_248 = tpu.vector_load %arg8[%swap3A_246, %swap3A_247] {strides = array<i32>} : memref<80x128xf32, #tpu.memory_space<vmem>>, vector<16xf32>,
      tpu.vector_store %arg8[%swap3A_246, %swap3A_247], %broadcast_in_dim3A_6 {strides = array<i32>} : memref<80x128xf32, #tpu.memory_space<vmem>>, vector<16xf32>,
      %swap3A_249 = arith.index_cast %scan3A_214 : i32 to index
      %swap3A_250 = arith.constant 80 : index
      %swap3A_251 = tpu.vector_load %arg10[%swap3A_249, %swap3A_250] {strides = array<i32>} : memref<80x128xf32, #tpu.memory_space<vmem>>, vector<16xf32>,
      tpu.vector_store %arg10[%swap3A_249, %swap3A_250], %broadcast_in_dim3A_6 {strides = array<i32>} : memref<80x128xf32, #tpu.memory_space<vmem>>, vector<16xf32>,
      %swap3A_252 = arith.index_cast %scan3A_214 : i32 to index
      %swap3A_253 = arith.constant 96 : index
      %swap3A_254 = tpu.vector_load %arg8[%swap3A_252, %swap3A_253] {strides = array<i32>} : memref<80x128xf32, #tpu.memory_space<vmem>>, vector<16xf32>,
      tpu.vector_store %arg8[%swap3A_252, %swap3A_253], %broadcast_in_dim3A_6 {strides = array<i32>} : memref<80x128xf32, #tpu.memory_space<vmem>>, vector<16xf32>,
      %swap3A_255 = arith.index_cast %scan3A_214 : i32 to index
      %swap3A_256 = arith.constant 96 : index
      %swap3A_257 = tpu.vector_load %arg10[%swap3A_255, %swap3A_256] {strides = array<i32>} : memref<80x128xf32, #tpu.memory_space<vmem>>, vector<16xf32>,
      tpu.vector_store %arg10[%swap3A_255, %swap3A_256], %broadcast_in_dim3A_6 {strides = array<i32>} : memref<80x128xf32, #tpu.memory_space<vmem>>, vector<16xf32>,
      %swap3A_258 = arith.index_cast %scan3A_214 : i32 to index
      %swap3A_259 = arith.constant 112 : index
      %swap3A_260 = tpu.vector_load %arg8[%swap3A_258, %swap3A_259] {strides = array<i32>} : memref<80x128xf32, #tpu.memory_space<vmem>>, vector<16xf32>,
      tpu.vector_store %arg8[%swap3A_258, %swap3A_259], %broadcast_in_dim3A_6 {strides = array<i32>} : memref<80x128xf32, #tpu.memory_space<vmem>>, vector<16xf32>,
      %swap3A_261 = arith.index_cast %scan3A_214 : i32 to index
      %swap3A_262 = arith.constant 112 : index
      %swap3A_263 = tpu.vector_load %arg10[%swap3A_261, %swap3A_262] {strides = array<i32>} : memref<80x128xf32, #tpu.memory_space<vmem>>, vector<16xf32>,
      tpu.vector_store %arg10[%swap3A_261, %swap3A_262], %broadcast_in_dim3A_6 {strides = array<i32>} : memref<80x128xf32, #tpu.memory_space<vmem>>, vector<16xf32>,
      %scan3A_264 = arith.constant 0 : i32
      scf.yield %scan3A_264 : i32
    }
    %scan3A_14 = arith.constant 80 : i32
    %mul3A_15 = arith.constant 640 : i32
    %mul3A_16 = arith.muli %arg1, %mul3A_15 : i32
    %add3A_17 = arith.constant 0 : i32
    %add3A_18 = arith.addi %mul3A_16, %add3A_17 : i32
    %dma_start3A = arith.constant 0 : i32
    %dma_start3A_19 = tpu.memref_slice %arg23[%add3A_18, %dma_start3A] : memref<10240x128xf32, #tpu.memory_space<vmem_shared>> -> memref<80x128xf32, #tpu.memory_space<vmem_shared>>
    %dma_start3A_20 = arith.constant 0 : i32
    %dma_start3A_21 = tpu.memref_slice %arg23[%add3A_18, %dma_start3A_20] : memref<10240x128xf32, #tpu.memory_space<vmem_shared>> -> memref<80x128xf32, #tpu.memory_space<vmem_shared>>
    tpu.enqueue_dma source(%arg8 : memref<80x128xf32, #tpu.memory_space<vmem>>) target(%dma_start3A_21 : memref<80x128xf32, #tpu.memory_space<vmem_shared>>) target_semaphore(%arg17 : memref<!tpu.dma_semaphore, #tpu.memory_space<semaphore_mem>>)
    %mul3A_22 = arith.constant 640 : i32
    %mul3A_23 = arith.muli %arg1, %mul3A_22 : i32
    %add3A_24 = arith.constant 80 : i32
    %add3A_25 = arith.addi %mul3A_23, %add3A_24 : i32
    %dma_start3A_26 = arith.constant 0 : i32
    %dma_start3A_27 = tpu.memref_slice %arg23[%add3A_25, %dma_start3A_26] : memref<10240x128xf32, #tpu.memory_space<vmem_shared>> -> memref<80x128xf32, #tpu.memory_space<vmem_shared>>
    %dma_start3A_28 = arith.constant 0 : i32
    %dma_start3A_29 = tpu.memref_slice %arg23[%add3A_25, %dma_start3A_28] : memref<10240x128xf32, #tpu.memory_space<vmem_shared>> -> memref<80x128xf32, #tpu.memory_space<vmem_shared>>
    tpu.enqueue_dma source(%arg8 : memref<80x128xf32, #tpu.memory_space<vmem>>) target(%dma_start3A_29 : memref<80x128xf32, #tpu.memory_space<vmem_shared>>) target_semaphore(%arg17 : memref<!tpu.dma_semaphore, #tpu.memory_space<semaphore_mem>>)
    %mul3A_30 = arith.constant 640 : i32
    %mul3A_31 = arith.muli %arg1, %mul3A_30 : i32
    %add3A_32 = arith.constant 160 : i32
    %add3A_33 = arith.addi %mul3A_31, %add3A_32 : i32
    %dma_start3A_34 = arith.constant 0 : i32
    %dma_start3A_35 = tpu.memref_slice %arg23[%add3A_33, %dma_start3A_34] : memref<10240x128xf32, #tpu.memory_space<vmem_shared>> -> memref<80x128xf32, #tpu.memory_space<vmem_shared>>
    %dma_start3A_36 = arith.constant 0 : i32
    %dma_start3A_37 = tpu.memref_slice %arg23[%add3A_33, %dma_start3A_36] : memref<10240x128xf32, #tpu.memory_space<vmem_shared>> -> memref<80x128xf32, #tpu.memory_space<vmem_shared>>
    tpu.enqueue_dma source(%arg8 : memref<80x128xf32, #tpu.memory_space<vmem>>) target(%dma_start3A_37 : memref<80x128xf32, #tpu.memory_space<vmem_shared>>) target_semaphore(%arg17 : memref<!tpu.dma_semaphore, #tpu.memory_space<semaphore_mem>>)
    %mul3A_38 = arith.constant 640 : i32
    %mul3A_39 = arith.muli %arg1, %mul3A_38 : i32
    %add3A_40 = arith.constant 240 : i32
    %add3A_41 = arith.addi %mul3A_39, %add3A_40 : i32
    %dma_start3A_42 = arith.constant 0 : i32
    %dma_start3A_43 = tpu.memref_slice %arg23[%add3A_41, %dma_start3A_42] : memref<10240x128xf32, #tpu.memory_space<vmem_shared>> -> memref<80x128xf32, #tpu.memory_space<vmem_shared>>
    %dma_start3A_44 = arith.constant 0 : i32
    %dma_start3A_45 = tpu.memref_slice %arg23[%add3A_41, %dma_start3A_44] : memref<10240x128xf32, #tpu.memory_space<vmem_shared>> -> memref<80x128xf32, #tpu.memory_space<vmem_shared>>
    tpu.enqueue_dma source(%arg8 : memref<80x128xf32, #tpu.memory_space<vmem>>) target(%dma_start3A_45 : memref<80x128xf32, #tpu.memory_space<vmem_shared>>) target_semaphore(%arg17 : memref<!tpu.dma_semaphore, #tpu.memory_space<semaphore_mem>>)
    %mul3A_46 = arith.constant 640 : i32
    %mul3A_47 = arith.muli %arg1, %mul3A_46 : i32
    %add3A_48 = arith.constant 320 : i32
    %add3A_49 = arith.addi %mul3A_47, %add3A_48 : i32
    %dma_start3A_50 = arith.constant 0 : i32
    %dma_start3A_51 = tpu.memref_slice %arg23[%add3A_49, %dma_start3A_50] : memref<10240x128xf32, #tpu.memory_space<vmem_shared>> -> memref<80x128xf32, #tpu.memory_space<vmem_shared>>
    %dma_start3A_52 = arith.constant 0 : i32
    %dma_start3A_53 = tpu.memref_slice %arg23[%add3A_49, %dma_start3A_52] : memref<10240x128xf32, #tpu.memory_space<vmem_shared>> -> memref<80x128xf32, #tpu.memory_space<vmem_shared>>
    tpu.enqueue_dma source(%arg8 : memref<80x128xf32, #tpu.memory_space<vmem>>) target(%dma_start3A_53 : memref<80x128xf32, #tpu.memory_space<vmem_shared>>) target_semaphore(%arg17 : memref<!tpu.dma_semaphore, #tpu.memory_space<semaphore_mem>>)
    %mul3A_54 = arith.constant 640 : i32
    %mul3A_55 = arith.muli %arg1, %mul3A_54 : i32
    %add3A_56 = arith.constant 400 : i32
    %add3A_57 = arith.addi %mul3A_55, %add3A_56 : i32
    %dma_start3A_58 = arith.constant 0 : i32
    %dma_start3A_59 = tpu.memref_slice %arg23[%add3A_57, %dma_start3A_58] : memref<10240x128xf32, #tpu.memory_space<vmem_shared>> -> memref<80x128xf32, #tpu.memory_space<vmem_shared>>
    %dma_start3A_60 = arith.constant 0 : i32
    %dma_start3A_61 = tpu.memref_slice %arg23[%add3A_57, %dma_start3A_60] : memref<10240x128xf32, #tpu.memory_space<vmem_shared>> -> memref<80x128xf32, #tpu.memory_space<vmem_shared>>
    tpu.enqueue_dma source(%arg8 : memref<80x128xf32, #tpu.memory_space<vmem>>) target(%dma_start3A_61 : memref<80x128xf32, #tpu.memory_space<vmem_shared>>) target_semaphore(%arg17 : memref<!tpu.dma_semaphore, #tpu.memory_space<semaphore_mem>>)
    %mul3A_62 = arith.constant 640 : i32
    %mul3A_63 = arith.muli %arg1, %mul3A_62 : i32
    %add3A_64 = arith.constant 480 : i32
    %add3A_65 = arith.addi %mul3A_63, %add3A_64 : i32
    %dma_start3A_66 = arith.constant 0 : i32
    %dma_start3A_67 = tpu.memref_slice %arg23[%add3A_65, %dma_start3A_66] : memref<10240x128xf32, #tpu.memory_space<vmem_shared>> -> memref<80x128xf32, #tpu.memory_space<vmem_shared>>
    %dma_start3A_68 = arith.constant 0 : i32
    %dma_start3A_69 = tpu.memref_slice %arg23[%add3A_65, %dma_start3A_68] : memref<10240x128xf32, #tpu.memory_space<vmem_shared>> -> memref<80x128xf32, #tpu.memory_space<vmem_shared>>
    tpu.enqueue_dma source(%arg8 : memref<80x128xf32, #tpu.memory_space<vmem>>) target(%dma_start3A_69 : memref<80x128xf32, #tpu.memory_space<vmem_shared>>) target_semaphore(%arg17 : memref<!tpu.dma_semaphore, #tpu.memory_space<semaphore_mem>>)
    %mul3A_70 = arith.constant 640 : i32
    %mul3A_71 = arith.muli %arg1, %mul3A_70 : i32
    %add3A_72 = arith.constant 560 : i32
    %add3A_73 = arith.addi %mul3A_71, %add3A_72 : i32
    %dma_start3A_74 = arith.constant 0 : i32
    %dma_start3A_75 = tpu.memref_slice %arg23[%add3A_73, %dma_start3A_74] : memref<10240x128xf32, #tpu.memory_space<vmem_shared>> -> memref<80x128xf32, #tpu.memory_space<vmem_shared>>
    %dma_start3A_76 = arith.constant 0 : i32
    %dma_start3A_77 = tpu.memref_slice %arg23[%add3A_73, %dma_start3A_76] : memref<10240x128xf32, #tpu.memory_space<vmem_shared>> -> memref<80x128xf32, #tpu.memory_space<vmem_shared>>
    tpu.enqueue_dma source(%arg8 : memref<80x128xf32, #tpu.memory_space<vmem>>) target(%dma_start3A_77 : memref<80x128xf32, #tpu.memory_space<vmem_shared>>) target_semaphore(%arg17 : memref<!tpu.dma_semaphore, #tpu.memory_space<semaphore_mem>>)
    %mul3A_78 = arith.constant 5 : i32
    %mul3A_79 = arith.muli %arg1, %mul3A_78 : i32
    %mul3A_80 = arith.constant 5 : i32
    %mul3A_81 = arith.muli %arg1, %mul3A_80 : i32
    "tpu.region"() ({
      %run_scoped3A = tpu.sem_alloc : memref<!tpu.dma_semaphore, #tpu.memory_space<semaphore_mem>>
      %dma_start3A_214 = arith.constant 0 : i32
      %dma_start3A_215 = tpu.memref_slice %arg10[%mul3A_79, %dma_start3A_214] : memref<80x128xf32, #tpu.memory_space<vmem>> -> memref<5x128xf32, #tpu.memory_space<vmem>>
      %dma_start3A_216 = arith.constant 0 : i32
      %dma_start3A_217 = tpu.memref_slice %arg24[%mul3A_81, %dma_start3A_216] : memref<80x128xf32, #tpu.memory_space<vmem_shared>> -> memref<5x128xf32, #tpu.memory_space<vmem_shared>>
      %dma_start3A_218 = arith.constant 0 : i32
      %dma_start3A_219 = tpu.memref_slice %arg24[%mul3A_81, %dma_start3A_218] : memref<80x128xf32, #tpu.memory_space<vmem_shared>> -> memref<5x128xf32, #tpu.memory_space<vmem_shared>>
      %dma_start3A_220 = arith.constant 0 : i32
      %dma_start3A_221 = tpu.memref_slice %arg10[%mul3A_79, %dma_start3A_220] : memref<80x128xf32, #tpu.memory_space<vmem>> -> memref<5x128xf32, #tpu.memory_space<vmem>>
      tpu.enqueue_dma source(%dma_start3A_221 : memref<5x128xf32, #tpu.memory_space<vmem>>) target(%dma_start3A_219 : memref<5x128xf32, #tpu.memory_space<vmem_shared>>) target_semaphore(%run_scoped3A : memref<!tpu.dma_semaphore, #tpu.memory_space<semaphore_mem>>)
      %dma_wait3A_222 = arith.constant 0 : i32
      %dma_wait3A_223 = tpu.memref_slice %arg10[%mul3A_79, %dma_wait3A_222] : memref<80x128xf32, #tpu.memory_space<vmem>> -> memref<5x128xf32, #tpu.memory_space<vmem>>
      %dma_wait3A_224 = arith.constant 0 : i32
      %dma_wait3A_225 = tpu.memref_slice %arg24[%mul3A_81, %dma_wait3A_224] : memref<80x128xf32, #tpu.memory_space<vmem_shared>> -> memref<5x128xf32, #tpu.memory_space<vmem_shared>>
      %dma_wait3A_226 = arith.constant 0 : i32
      %dma_wait3A_227 = tpu.memref_slice %arg24[%mul3A_81, %dma_wait3A_226] : memref<80x128xf32, #tpu.memory_space<vmem_shared>> -> memref<5x128xf32, #tpu.memory_space<vmem_shared>>
      %dma_wait3A_228 = arith.constant 0 : i32
      %dma_wait3A_229 = tpu.memref_slice %arg10[%mul3A_79, %dma_wait3A_228] : memref<80x128xf32, #tpu.memory_space<vmem>> -> memref<5x128xf32, #tpu.memory_space<vmem>>
      tpu.wait_dma2 semaphore(%run_scoped3A : memref<!tpu.dma_semaphore, #tpu.memory_space<semaphore_mem>>) src(%dma_wait3A_229 : memref<5x128xf32, #tpu.memory_space<vmem>>) dst(%dma_wait3A_227 : memref<5x128xf32, #tpu.memory_space<vmem_shared>>)
      tpu.yield
    }) : () -> ()
    %mul3A_82 = arith.constant 640 : i32
    %mul3A_83 = arith.muli %arg1, %mul3A_82 : i32
    %add3A_84 = arith.constant 0 : i32
    %add3A_85 = arith.addi %mul3A_83, %add3A_84 : i32
    %dma_wait3A = arith.constant 0 : i32
    %dma_wait3A_86 = tpu.memref_slice %arg23[%add3A_85, %dma_wait3A] : memref<10240x128xf32, #tpu.memory_space<vmem_shared>> -> memref<80x128xf32, #tpu.memory_space<vmem_shared>>
    %dma_wait3A_87 = arith.constant 0 : i32
    %dma_wait3A_88 = tpu.memref_slice %arg23[%add3A_85, %dma_wait3A_87] : memref<10240x128xf32, #tpu.memory_space<vmem_shared>> -> memref<80x128xf32, #tpu.memory_space<vmem_shared>>
    tpu.wait_dma2 semaphore(%arg17 : memref<!tpu.dma_semaphore, #tpu.memory_space<semaphore_mem>>) src(%arg8 : memref<80x128xf32, #tpu.memory_space<vmem>>) dst(%dma_wait3A_88 : memref<80x128xf32, #tpu.memory_space<vmem_shared>>)
    %mul3A_89 = arith.constant 640 : i32
    %mul3A_90 = arith.muli %arg1, %mul3A_89 : i32
    %add3A_91 = arith.constant 80 : i32
    %add3A_92 = arith.addi %mul3A_90, %add3A_91 : i32
    %dma_wait3A_93 = arith.constant 0 : i32
    %dma_wait3A_94 = tpu.memref_slice %arg23[%add3A_92, %dma_wait3A_93] : memref<10240x128xf32, #tpu.memory_space<vmem_shared>> -> memref<80x128xf32, #tpu.memory_space<vmem_shared>>
    %dma_wait3A_95 = arith.constant 0 : i32
    %dma_wait3A_96 = tpu.memref_slice %arg23[%add3A_92, %dma_wait3A_95] : memref<10240x128xf32, #tpu.memory_space<vmem_shared>> -> memref<80x128xf32, #tpu.memory_space<vmem_shared>>
    tpu.wait_dma2 semaphore(%arg17 : memref<!tpu.dma_semaphore, #tpu.memory_space<semaphore_mem>>) src(%arg8 : memref<80x128xf32, #tpu.memory_space<vmem>>) dst(%dma_wait3A_96 : memref<80x128xf32, #tpu.memory_space<vmem_shared>>)
    %mul3A_97 = arith.constant 640 : i32
    %mul3A_98 = arith.muli %arg1, %mul3A_97 : i32
    %add3A_99 = arith.constant 160 : i32
    %add3A_100 = arith.addi %mul3A_98, %add3A_99 : i32
    %dma_wait3A_101 = arith.constant 0 : i32
    %dma_wait3A_102 = tpu.memref_slice %arg23[%add3A_100, %dma_wait3A_101] : memref<10240x128xf32, #tpu.memory_space<vmem_shared>> -> memref<80x128xf32, #tpu.memory_space<vmem_shared>>
    %dma_wait3A_103 = arith.constant 0 : i32
    %dma_wait3A_104 = tpu.memref_slice %arg23[%add3A_100, %dma_wait3A_103] : memref<10240x128xf32, #tpu.memory_space<vmem_shared>> -> memref<80x128xf32, #tpu.memory_space<vmem_shared>>
    tpu.wait_dma2 semaphore(%arg17 : memref<!tpu.dma_semaphore, #tpu.memory_space<semaphore_mem>>) src(%arg8 : memref<80x128xf32, #tpu.memory_space<vmem>>) dst(%dma_wait3A_104 : memref<80x128xf32, #tpu.memory_space<vmem_shared>>)
    %mul3A_105 = arith.constant 640 : i32
    %mul3A_106 = arith.muli %arg1, %mul3A_105 : i32
    %add3A_107 = arith.constant 240 : i32
    %add3A_108 = arith.addi %mul3A_106, %add3A_107 : i32
    %dma_wait3A_109 = arith.constant 0 : i32
    %dma_wait3A_110 = tpu.memref_slice %arg23[%add3A_108, %dma_wait3A_109] : memref<10240x128xf32, #tpu.memory_space<vmem_shared>> -> memref<80x128xf32, #tpu.memory_space<vmem_shared>>
    %dma_wait3A_111 = arith.constant 0 : i32
    %dma_wait3A_112 = tpu.memref_slice %arg23[%add3A_108, %dma_wait3A_111] : memref<10240x128xf32, #tpu.memory_space<vmem_shared>> -> memref<80x128xf32, #tpu.memory_space<vmem_shared>>
    tpu.wait_dma2 semaphore(%arg17 : memref<!tpu.dma_semaphore, #tpu.memory_space<semaphore_mem>>) src(%arg8 : memref<80x128xf32, #tpu.memory_space<vmem>>) dst(%dma_wait3A_112 : memref<80x128xf32, #tpu.memory_space<vmem_shared>>)
    %mul3A_113 = arith.constant 640 : i32
    %mul3A_114 = arith.muli %arg1, %mul3A_113 : i32
    %add3A_115 = arith.constant 320 : i32
    %add3A_116 = arith.addi %mul3A_114, %add3A_115 : i32
    %dma_wait3A_117 = arith.constant 0 : i32
    %dma_wait3A_118 = tpu.memref_slice %arg23[%add3A_116, %dma_wait3A_117] : memref<10240x128xf32, #tpu.memory_space<vmem_shared>> -> memref<80x128xf32, #tpu.memory_space<vmem_shared>>
    %dma_wait3A_119 = arith.constant 0 : i32
    %dma_wait3A_120 = tpu.memref_slice %arg23[%add3A_116, %dma_wait3A_119] : memref<10240x128xf32, #tpu.memory_space<vmem_shared>> -> memref<80x128xf32, #tpu.memory_space<vmem_shared>>
    tpu.wait_dma2 semaphore(%arg17 : memref<!tpu.dma_semaphore, #tpu.memory_space<semaphore_mem>>) src(%arg8 : memref<80x128xf32, #tpu.memory_space<vmem>>) dst(%dma_wait3A_120 : memref<80x128xf32, #tpu.memory_space<vmem_shared>>)
    %mul3A_121 = arith.constant 640 : i32
    %mul3A_122 = arith.muli %arg1, %mul3A_121 : i32
    %add3A_123 = arith.constant 400 : i32
    %add3A_124 = arith.addi %mul3A_122, %add3A_123 : i32
    %dma_wait3A_125 = arith.constant 0 : i32
    %dma_wait3A_126 = tpu.memref_slice %arg23[%add3A_124, %dma_wait3A_125] : memref<10240x128xf32, #tpu.memory_space<vmem_shared>> -> memref<80x128xf32, #tpu.memory_space<vmem_shared>>
    %dma_wait3A_127 = arith.constant 0 : i32
    %dma_wait3A_128 = tpu.memref_slice %arg23[%add3A_124, %dma_wait3A_127] : memref<10240x128xf32, #tpu.memory_space<vmem_shared>> -> memref<80x128xf32, #tpu.memory_space<vmem_shared>>
    tpu.wait_dma2 semaphore(%arg17 : memref<!tpu.dma_semaphore, #tpu.memory_space<semaphore_mem>>) src(%arg8 : memref<80x128xf32, #tpu.memory_space<vmem>>) dst(%dma_wait3A_128 : memref<80x128xf32, #tpu.memory_space<vmem_shared>>)
    %mul3A_129 = arith.constant 640 : i32
    %mul3A_130 = arith.muli %arg1, %mul3A_129 : i32
    %add3A_131 = arith.constant 480 : i32
    %add3A_132 = arith.addi %mul3A_130, %add3A_131 : i32
    %dma_wait3A_133 = arith.constant 0 : i32
    %dma_wait3A_134 = tpu.memref_slice %arg23[%add3A_132, %dma_wait3A_133] : memref<10240x128xf32, #tpu.memory_space<vmem_shared>> -> memref<80x128xf32, #tpu.memory_space<vmem_shared>>
    %dma_wait3A_135 = arith.constant 0 : i32
    %dma_wait3A_136 = tpu.memref_slice %arg23[%add3A_132, %dma_wait3A_135] : memref<10240x128xf32, #tpu.memory_space<vmem_shared>> -> memref<80x128xf32, #tpu.memory_space<vmem_shared>>
    tpu.wait_dma2 semaphore(%arg17 : memref<!tpu.dma_semaphore, #tpu.memory_space<semaphore_mem>>) src(%arg8 : memref<80x128xf32, #tpu.memory_space<vmem>>) dst(%dma_wait3A_136 : memref<80x128xf32, #tpu.memory_space<vmem_shared>>)
    %mul3A_137 = arith.constant 640 : i32
    %mul3A_138 = arith.muli %arg1, %mul3A_137 : i32
    %add3A_139 = arith.constant 560 : i32
    %add3A_140 = arith.addi %mul3A_138, %add3A_139 : i32
    %dma_wait3A_141 = arith.constant 0 : i32
    %dma_wait3A_142 = tpu.memref_slice %arg23[%add3A_140, %dma_wait3A_141] : memref<10240x128xf32, #tpu.memory_space<vmem_shared>> -> memref<80x128xf32, #tpu.memory_space<vmem_shared>>
    %dma_wait3A_143 = arith.constant 0 : i32
    %dma_wait3A_144 = tpu.memref_slice %arg23[%add3A_140, %dma_wait3A_143] : memref<10240x128xf32, #tpu.memory_space<vmem_shared>> -> memref<80x128xf32, #tpu.memory_space<vmem_shared>>
    tpu.wait_dma2 semaphore(%arg17 : memref<!tpu.dma_semaphore, #tpu.memory_space<semaphore_mem>>) src(%arg8 : memref<80x128xf32, #tpu.memory_space<vmem>>) dst(%dma_wait3A_144 : memref<80x128xf32, #tpu.memory_space<vmem_shared>>)
    %add3A_145 = arith.constant 0 : i32
    %add3A_146 = vector.broadcast %add3A_145 : i32 to vector<16xi32>
    %add3A_147 = arith.addi %iota3A, %add3A_146 : vector<16xi32>
    %swap3A = arith.constant 0 : index
    %swap3A_148 = tpu.vector_load %arg13[%swap3A] {strides = array<i32>} : memref<80xi32, #tpu.memory_space<vmem>>, vector<16xi32>,
    tpu.vector_store %arg13[%swap3A], %add3A_147 {strides = array<i32>} : memref<80xi32, #tpu.memory_space<vmem>>, vector<16xi32>,
    %add3A_149 = arith.constant 16 : i32
    %add3A_150 = vector.broadcast %add3A_149 : i32 to vector<16xi32>
    %add3A_151 = arith.addi %iota3A, %add3A_150 : vector<16xi32>
    %swap3A_152 = arith.constant 16 : index
    %swap3A_153 = tpu.vector_load %arg13[%swap3A_152] {strides = array<i32>} : memref<80xi32, #tpu.memory_space<vmem>>, vector<16xi32>,
    tpu.vector_store %arg13[%swap3A_152], %add3A_151 {strides = array<i32>} : memref<80xi32, #tpu.memory_space<vmem>>, vector<16xi32>,
    %add3A_154 = arith.constant 32 : i32
    %add3A_155 = vector.broadcast %add3A_154 : i32 to vector<16xi32>
    %add3A_156 = arith.addi %iota3A, %add3A_155 : vector<16xi32>
    %swap3A_157 = arith.constant 32 : index
    %swap3A_158 = tpu.vector_load %arg13[%swap3A_157] {strides = array<i32>} : memref<80xi32, #tpu.memory_space<vmem>>, vector<16xi32>,
    tpu.vector_store %arg13[%swap3A_157], %add3A_156 {strides = array<i32>} : memref<80xi32, #tpu.memory_space<vmem>>, vector<16xi32>,
    %add3A_159 = arith.constant 48 : i32
    %add3A_160 = vector.broadcast %add3A_159 : i32 to vector<16xi32>
    %add3A_161 = arith.addi %iota3A, %add3A_160 : vector<16xi32>
    %swap3A_162 = arith.constant 48 : index
    %swap3A_163 = tpu.vector_load %arg13[%swap3A_162] {strides = array<i32>} : memref<80xi32, #tpu.memory_space<vmem>>, vector<16xi32>,
    tpu.vector_store %arg13[%swap3A_162], %add3A_161 {strides = array<i32>} : memref<80xi32, #tpu.memory_space<vmem>>, vector<16xi32>,
    %add3A_164 = arith.constant 64 : i32
    %add3A_165 = vector.broadcast %add3A_164 : i32 to vector<16xi32>
    %add3A_166 = arith.addi %iota3A, %add3A_165 : vector<16xi32>
    %swap3A_167 = arith.constant 64 : index
    %swap3A_168 = tpu.vector_load %arg13[%swap3A_167] {strides = array<i32>} : memref<80xi32, #tpu.memory_space<vmem>>, vector<16xi32>,
    tpu.vector_store %arg13[%swap3A_167], %add3A_166 {strides = array<i32>} : memref<80xi32, #tpu.memory_space<vmem>>, vector<16xi32>,
    %barrier3A = arith.constant 0 : index
    tpu.barrier barrier_id(%barrier3A)
    "tpu.region"() ({
      %run_scoped3A = tpu.sem_alloc : memref<!tpu.dma_semaphore, #tpu.memory_space<semaphore_mem>>
      tpu.enqueue_dma source(%arg3 : memref<80x128xf32, #tpu.memory_space<hbm>>) target(%arg8 : memref<80x128xf32, #tpu.memory_space<vmem>>) target_semaphore(%run_scoped3A : memref<!tpu.dma_semaphore, #tpu.memory_space<semaphore_mem>>)
      tpu.wait_dma2 semaphore(%run_scoped3A : memref<!tpu.dma_semaphore, #tpu.memory_space<semaphore_mem>>) src(%arg3 : memref<80x128xf32, #tpu.memory_space<hbm>>) dst(%arg8 : memref<80x128xf32, #tpu.memory_space<vmem>>)
      tpu.yield
    }) : () -> ()
    "tpu.region"() ({
      %run_scoped3A = tpu.sem_alloc : memref<!tpu.dma_semaphore, #tpu.memory_space<semaphore_mem>>
      tpu.enqueue_dma source(%arg4 : memref<80x128xf32, #tpu.memory_space<hbm>>) target(%arg9 : memref<80x128xf32, #tpu.memory_space<vmem>>) target_semaphore(%run_scoped3A : memref<!tpu.dma_semaphore, #tpu.memory_space<semaphore_mem>>)
      tpu.wait_dma2 semaphore(%run_scoped3A : memref<!tpu.dma_semaphore, #tpu.memory_space<semaphore_mem>>) src(%arg4 : memref<80x128xf32, #tpu.memory_space<hbm>>) dst(%arg9 : memref<80x128xf32, #tpu.memory_space<vmem>>)
      tpu.yield
    }) : () -> ()
    "tpu.trace_start"() <{level = 10 : i32, message = "p1_edges"}> : () -> ()
    %scan3A_169 = arith.constant 0 : i32
    %scan3A_170 = arith.constant 0 : i32
    %scan3A_171 = arith.constant 6 : i32
    %scan3A_172 = arith.addi %scan3A_170, %scan3A_171 : i32
    %scan3A_173 = arith.constant 1 : i32
    %scan3A_174 = scf.for %scan3A_214 = %scan3A_170 to %scan3A_172 step %scan3A_173 iter_args(%scan3A_215 = %scan3A_169) -> (i32)  : i32 {
      %mul3A_216 = arith.constant 6 : i32
      %mul3A_217 = arith.muli %arg1, %mul3A_216 : i32
      %add3A_218 = arith.addi %mul3A_217, %scan3A_214 : i32
      %mul3A_219 = arith.constant 2 : i32
      %mul3A_220 = arith.muli %add3A_218, %mul3A_219 : i32
      %mul3A_221 = arith.constant 3360 : i32
      %mul3A_222 = arith.muli %mul3A_220, %mul3A_221 : i32
      "tpu.region"() ({
        %run_scoped3A = tpu.sem_alloc : memref<!tpu.dma_semaphore, #tpu.memory_space<semaphore_mem>>
        %dma_start3A_237 = tpu.memref_slice %arg5[%mul3A_222] : memref<645120xi32, #tpu.memory_space<hbm>> -> memref<6720xi32, #tpu.memory_space<hbm>>
        %dma_start3A_238 = tpu.memref_slice %arg5[%mul3A_222] : memref<645120xi32, #tpu.memory_space<hbm>> -> memref<6720xi32, #tpu.memory_space<hbm>>
        tpu.enqueue_dma source(%dma_start3A_238 : memref<6720xi32, #tpu.memory_space<hbm>>) target(%arg12 : memref<6720xi32, #tpu.memory_space<vmem>>) target_semaphore(%run_scoped3A : memref<!tpu.dma_semaphore, #tpu.memory_space<semaphore_mem>>)
        %dma_wait3A_239 = tpu.memref_slice %arg5[%mul3A_222] : memref<645120xi32, #tpu.memory_space<hbm>> -> memref<6720xi32, #tpu.memory_space<hbm>>
        %dma_wait3A_240 = tpu.memref_slice %arg5[%mul3A_222] : memref<645120xi32, #tpu.memory_space<hbm>> -> memref<6720xi32, #tpu.memory_space<hbm>>
        tpu.wait_dma2 semaphore(%run_scoped3A : memref<!tpu.dma_semaphore, #tpu.memory_space<semaphore_mem>>) src(%dma_wait3A_240 : memref<6720xi32, #tpu.memory_space<hbm>>) dst(%arg12 : memref<6720xi32, #tpu.memory_space<vmem>>)
        tpu.yield
      }) : () -> ()
      %scan3A_223 = arith.constant 0 : i32
      %scan3A_224 = arith.constant 0 : i32
      %scan3A_225 = arith.constant 210 : i32
      %scan3A_226 = arith.addi %scan3A_224, %scan3A_225 : i32
      %scan3A_227 = arith.constant 1 : i32
      %scan3A_228 = scf.for %scan3A_237 = %scan3A_224 to %scan3A_226 step %scan3A_227 iter_args(%scan3A_238 = %scan3A_223) -> (i32)  : i32 {
        %mul3A_239 = arith.constant 16 : i32
        %mul3A_240 = arith.muli %scan3A_237, %mul3A_239 : i32
        %get3A = arith.index_cast %mul3A_240 : i32 to index
        %get3A_241 = tpu.vector_load %arg12[%get3A] {strides = array<i32>} : memref<6720xi32, #tpu.memory_space<vmem>>, vector<16xi32>,
        %add3A_242 = arith.constant 3360 : i32
        %add3A_243 = arith.addi %add3A_242, %mul3A_240 : i32
        %get3A_244 = arith.index_cast %add3A_243 : i32 to index
        %get3A_245 = tpu.vector_load %arg12[%get3A_244] {strides = array<i32>} : memref<6720xi32, #tpu.memory_space<vmem>>, vector<16xi32>,
        %shift_right_logical3A = arith.constant 7 : i32
        %shift_right_logical3A_246 = vector.broadcast %shift_right_logical3A : i32 to vector<16xi32>
        %shift_right_logical3A_247 = arith.shrui %get3A_241, %shift_right_logical3A_246 : vector<16xi32>
        %and3A_248 = arith.constant 127 : i32
        %and3A_249 = vector.broadcast %and3A_248 : i32 to vector<16xi32>
        %and3A_250 = arith.andi %get3A_241, %and3A_249 : vector<16xi32>
        %gather3A = tpu.vector_load_idx %arg8[%shift_right_logical3A_247, %and3A_250] : memref<80x128xf32, #tpu.memory_space<vmem>>[vector<16xi32>, vector<16xi32>], vector<16xf32>,
        %shift_right_logical3A_251 = arith.constant 7 : i32
        %shift_right_logical3A_252 = vector.broadcast %shift_right_logical3A_251 : i32 to vector<16xi32>
        %shift_right_logical3A_253 = arith.shrui %get3A_245, %shift_right_logical3A_252 : vector<16xi32>
        %and3A_254 = arith.constant 127 : i32
        %and3A_255 = vector.broadcast %and3A_254 : i32 to vector<16xi32>
        %and3A_256 = arith.andi %get3A_245, %and3A_255 : vector<16xi32>
        %gather3A_257 = tpu.vector_load_idx %arg9[%shift_right_logical3A_253, %and3A_256] : memref<80x128xf32, #tpu.memory_space<vmem>>[vector<16xi32>, vector<16xi32>], vector<16xf32>,
        %add3A_258 = arith.addf %gather3A, %gather3A_257 : vector<16xf32>
        %mul3A_259 = arith.constant 5.000000e-02 : f32
        %mul3A_260 = vector.broadcast %mul3A_259 : f32 to vector<16xf32>
        %mul3A_261 = arith.mulf %mul3A_260, %add3A_258 : vector<16xf32>
        %max3A = arith.maximumf %add3A_258, %mul3A_261 : vector<16xf32>
        %exp3A = math.exp %max3A : vector<16xf32>
        %swap3A_262 = arith.index_cast %mul3A_240 : i32 to index
        %swap3A_263 = tpu.vector_load %arg11[%swap3A_262] {strides = array<i32>} : memref<3360xf32, #tpu.memory_space<vmem>>, vector<16xf32>,
        tpu.vector_store %arg11[%swap3A_262], %exp3A {strides = array<i32>} : memref<3360xf32, #tpu.memory_space<vmem>>, vector<16xf32>,
        %shift_right_logical3A_264 = arith.constant 7 : i32
        %shift_right_logical3A_265 = vector.broadcast %shift_right_logical3A_264 : i32 to vector<16xi32>
        %shift_right_logical3A_266 = arith.shrui %get3A_241, %shift_right_logical3A_265 : vector<16xi32>
        %and3A_267 = arith.constant 127 : i32
        %and3A_268 = vector.broadcast %and3A_267 : i32 to vector<16xi32>
        %and3A_269 = arith.andi %get3A_241, %and3A_268 : vector<16xi32>
        tpu.vector_store_idx %arg10[%shift_right_logical3A_266, %and3A_269], %exp3A {add = true} : memref<80x128xf32, #tpu.memory_space<vmem>>[vector<16xi32>, vector<16xi32>], vector<16xf32>,
        %scan3A_270 = arith.constant 0 : i32
        scf.yield %scan3A_270 : i32
      }
      %scan3A_229 = arith.constant 210 : i32
      %mul3A_230 = arith.constant 4 : i32
      %mul3A_231 = arith.muli %arg0, %mul3A_230 : i32
      %ge3A = arith.cmpi sge, %scan3A_214, %mul3A_231 : i32
      %mul3A_232 = arith.constant 4 : i32
      %mul3A_233 = arith.muli %arg0, %mul3A_232 : i32
      %add3A_234 = arith.addi %mul3A_233, %sub3A_5 : i32
      %lt3A = arith.cmpi slt, %scan3A_214, %add3A_234 : i32
      %and3A = arith.andi %ge3A, %lt3A : i1
      %convert_element_type3A = arith.extui %and3A : i1 to i32
      %cond3A = arith.constant 0 : i32
      %cond3A_235 = arith.cmpi ne, %convert_element_type3A, %cond3A : i32
      scf.if %cond3A_235 {
        %mul3A_237 = arith.constant 3360 : i32
        %mul3A_238 = arith.muli %scan3A_214, %mul3A_237 : i32
        %add3A_239 = arith.addi %mul3A_0, %mul3A_238 : i32
        "tpu.region"() ({
          %run_scoped3A = tpu.sem_alloc : memref<!tpu.dma_semaphore, #tpu.memory_space<semaphore_mem>>
          %dma_start3A_240 = tpu.memref_slice %arg6[%add3A_239] : memref<322560xf32, #tpu.memory_space<hbm>> -> memref<3360xf32, #tpu.memory_space<hbm>>
          %dma_start3A_241 = tpu.memref_slice %arg6[%add3A_239] : memref<322560xf32, #tpu.memory_space<hbm>> -> memref<3360xf32, #tpu.memory_space<hbm>>
          tpu.enqueue_dma source(%arg11 : memref<3360xf32, #tpu.memory_space<vmem>>) target(%dma_start3A_241 : memref<3360xf32, #tpu.memory_space<hbm>>) target_semaphore(%run_scoped3A : memref<!tpu.dma_semaphore, #tpu.memory_space<semaphore_mem>>)
          %dma_wait3A_242 = tpu.memref_slice %arg6[%add3A_239] : memref<322560xf32, #tpu.memory_space<hbm>> -> memref<3360xf32, #tpu.memory_space<hbm>>
          %dma_wait3A_243 = tpu.memref_slice %arg6[%add3A_239] : memref<322560xf32, #tpu.memory_space<hbm>> -> memref<3360xf32, #tpu.memory_space<hbm>>
          tpu.wait_dma2 semaphore(%run_scoped3A : memref<!tpu.dma_semaphore, #tpu.memory_space<semaphore_mem>>) src(%arg11 : memref<3360xf32, #tpu.memory_space<vmem>>) dst(%dma_wait3A_243 : memref<3360xf32, #tpu.memory_space<hbm>>)
          tpu.yield
        }) : () -> ()
      } else {
      }
      %scan3A_236 = arith.constant 0 : i32
      scf.yield %scan3A_236 : i32
    }
    %scan3A_175 = arith.constant 6 : i32
    "tpu.trace_stop"() : () -> ()
    "tpu.trace_start"() <{level = 10 : i32, message = "p1_combine"}> : () -> ()
    "tpu.region"() ({
      %run_scoped3A = tpu.sem_alloc : memref<!tpu.dma_semaphore, #tpu.memory_space<semaphore_mem>>
      %dma_start3A_214 = arith.constant 0 : i32
      %dma_start3A_215 = arith.constant 0 : i32
      %dma_start3A_216 = tpu.memref_slice %arg24[%dma_start3A_214, %dma_start3A_215] : memref<80x128xf32, #tpu.memory_space<vmem_shared>> -> memref<80x128xf32, #tpu.memory_space<vmem_shared>>
      tpu.enqueue_indirect_dma source(%arg10 : memref<80x128xf32, #tpu.memory_space<vmem>>) target(%dma_start3A_216 : memref<80x128xf32, #tpu.memory_space<vmem_shared>>) offsets(%arg13 : memref<80xi32, #tpu.memory_space<vmem>>) semaphore(%run_scoped3A : memref<!tpu.dma_semaphore, #tpu.memory_space<semaphore_mem>>) {add = true}
      %dma_wait3A_217 = arith.constant 0 : i32
      %dma_wait3A_218 = arith.constant 0 : i32
      %dma_wait3A_219 = tpu.memref_slice %arg24[%dma_wait3A_217, %dma_wait3A_218] : memref<80x128xf32, #tpu.memory_space<vmem_shared>> -> memref<80x128xf32, #tpu.memory_space<vmem_shared>>
      tpu.wait_indirect_dma semaphore(%run_scoped3A : memref<!tpu.dma_semaphore, #tpu.memory_space<semaphore_mem>>) src(%arg10 : memref<80x128xf32, #tpu.memory_space<vmem>>) dst(%dma_wait3A_219 : memref<80x128xf32, #tpu.memory_space<vmem_shared>>)
      tpu.yield
    }) : () -> ()
    %barrier3A_176 = arith.constant 0 : index
    tpu.barrier barrier_id(%barrier3A_176)
    "tpu.region"() ({
      %run_scoped3A = tpu.sem_alloc : memref<!tpu.dma_semaphore, #tpu.memory_space<semaphore_mem>>
      tpu.enqueue_dma source(%arg24 : memref<80x128xf32, #tpu.memory_space<vmem_shared>>) target(%arg10 : memref<80x128xf32, #tpu.memory_space<vmem>>) target_semaphore(%run_scoped3A : memref<!tpu.dma_semaphore, #tpu.memory_space<semaphore_mem>>)
      tpu.wait_dma2 semaphore(%run_scoped3A : memref<!tpu.dma_semaphore, #tpu.memory_space<semaphore_mem>>) src(%arg24 : memref<80x128xf32, #tpu.memory_space<vmem_shared>>) dst(%arg10 : memref<80x128xf32, #tpu.memory_space<vmem>>)
      tpu.yield
    }) : () -> ()
    %while3A = arith.constant 0 : i32
    %while3A_177 = arith.constant 0 : i32
    "tpu.trace_stop"() : () -> ()
    "tpu.trace_start"() <{level = 10 : i32, message = "alpha_prepass"}> : () -> ()
    %while3A_178 = arith.subi %sub3A_5, %while3A : i32
    %while3A_179 = arith.addi %while3A, %while3A_178 : i32
    %while3A_180 = arith.constant 1 : i32
    %while3A_181 = arith.divsi %while3A_178, %while3A_180 : i32
    %while3A_182 = arith.muli %while3A_181, %while3A_180 : i32
    %while3A_183 = arith.addi %while3A, %while3A_182 : i32
    %while3A_184 = arith.constant 1 : i32
    %while3A_185 = scf.for %while3A_214 = %while3A to %while3A_183 step %while3A_184 iter_args(%while3A_215 = %while3A_177) -> (i32)  : i32 {
      %mul3A_216 = arith.constant 6 : i32
      %mul3A_217 = arith.muli %arg1, %mul3A_216 : i32
      %mul3A_218 = arith.constant 4 : i32
      %mul3A_219 = arith.muli %arg0, %mul3A_218 : i32
      %add3A_220 = arith.addi %mul3A_217, %mul3A_219 : i32
      %add3A_221 = arith.addi %add3A_220, %while3A_214 : i32
      %mul3A_222 = arith.constant 2 : i32
      %mul3A_223 = arith.muli %add3A_221, %mul3A_222 : i32
      %mul3A_224 = arith.constant 3360 : i32
      %mul3A_225 = arith.muli %mul3A_223, %mul3A_224 : i32
      "tpu.region"() ({
        %run_scoped3A = tpu.sem_alloc : memref<!tpu.dma_semaphore, #tpu.memory_space<semaphore_mem>>
        %dma_start3A_240 = arith.constant 0 : i32
        %dma_start3A_241 = tpu.memref_slice %arg12[%dma_start3A_240] : memref<6720xi32, #tpu.memory_space<vmem>> -> memref<3360xi32, #tpu.memory_space<vmem>>
        %dma_start3A_242 = tpu.memref_slice %arg5[%mul3A_225] : memref<645120xi32, #tpu.memory_space<hbm>> -> memref<3360xi32, #tpu.memory_space<hbm>>
        %dma_start3A_243 = arith.constant 0 : i32
        %dma_start3A_244 = tpu.memref_slice %arg12[%dma_start3A_243] : memref<6720xi32, #tpu.memory_space<vmem>> -> memref<3360xi32, #tpu.memory_space<vmem>>
        %dma_start3A_245 = tpu.memref_slice %arg5[%mul3A_225] : memref<645120xi32, #tpu.memory_space<hbm>> -> memref<3360xi32, #tpu.memory_space<hbm>>
        tpu.enqueue_dma source(%dma_start3A_245 : memref<3360xi32, #tpu.memory_space<hbm>>) target(%dma_start3A_244 : memref<3360xi32, #tpu.memory_space<vmem>>) target_semaphore(%run_scoped3A : memref<!tpu.dma_semaphore, #tpu.memory_space<semaphore_mem>>)
        %dma_wait3A_246 = arith.constant 0 : i32
        %dma_wait3A_247 = tpu.memref_slice %arg12[%dma_wait3A_246] : memref<6720xi32, #tpu.memory_space<vmem>> -> memref<3360xi32, #tpu.memory_space<vmem>>
        %dma_wait3A_248 = tpu.memref_slice %arg5[%mul3A_225] : memref<645120xi32, #tpu.memory_space<hbm>> -> memref<3360xi32, #tpu.memory_space<hbm>>
        %dma_wait3A_249 = arith.constant 0 : i32
        %dma_wait3A_250 = tpu.memref_slice %arg12[%dma_wait3A_249] : memref<6720xi32, #tpu.memory_space<vmem>> -> memref<3360xi32, #tpu.memory_space<vmem>>
        %dma_wait3A_251 = tpu.memref_slice %arg5[%mul3A_225] : memref<645120xi32, #tpu.memory_space<hbm>> -> memref<3360xi32, #tpu.memory_space<hbm>>
        tpu.wait_dma2 semaphore(%run_scoped3A : memref<!tpu.dma_semaphore, #tpu.memory_space<semaphore_mem>>) src(%dma_wait3A_251 : memref<3360xi32, #tpu.memory_space<hbm>>) dst(%dma_wait3A_250 : memref<3360xi32, #tpu.memory_space<vmem>>)
        tpu.yield
      }) : () -> ()
      %mul3A_226 = arith.constant 3360 : i32
      %mul3A_227 = arith.muli %while3A_214, %mul3A_226 : i32
      %add3A_228 = arith.addi %add3A, %mul3A_227 : i32
      "tpu.region"() ({
        %run_scoped3A = tpu.sem_alloc : memref<!tpu.dma_semaphore, #tpu.memory_space<semaphore_mem>>
        %dma_start3A_240 = tpu.memref_slice %arg6[%add3A_228] : memref<322560xf32, #tpu.memory_space<hbm>> -> memref<3360xf32, #tpu.memory_space<hbm>>
        %dma_start3A_241 = tpu.memref_slice %arg6[%add3A_228] : memref<322560xf32, #tpu.memory_space<hbm>> -> memref<3360xf32, #tpu.memory_space<hbm>>
        tpu.enqueue_dma source(%dma_start3A_241 : memref<3360xf32, #tpu.memory_space<hbm>>) target(%arg11 : memref<3360xf32, #tpu.memory_space<vmem>>) target_semaphore(%run_scoped3A : memref<!tpu.dma_semaphore, #tpu.memory_space<semaphore_mem>>)
        %dma_wait3A_242 = tpu.memref_slice %arg6[%add3A_228] : memref<322560xf32, #tpu.memory_space<hbm>> -> memref<3360xf32, #tpu.memory_space<hbm>>
        %dma_wait3A_243 = tpu.memref_slice %arg6[%add3A_228] : memref<322560xf32, #tpu.memory_space<hbm>> -> memref<3360xf32, #tpu.memory_space<hbm>>
        tpu.wait_dma2 semaphore(%run_scoped3A : memref<!tpu.dma_semaphore, #tpu.memory_space<semaphore_mem>>) src(%dma_wait3A_243 : memref<3360xf32, #tpu.memory_space<hbm>>) dst(%arg11 : memref<3360xf32, #tpu.memory_space<vmem>>)
        tpu.yield
      }) : () -> ()
      %scan3A_229 = arith.constant 0 : i32
      %scan3A_230 = arith.constant 0 : i32
      %scan3A_231 = arith.constant 210 : i32
      %scan3A_232 = arith.addi %scan3A_230, %scan3A_231 : i32
      %scan3A_233 = arith.constant 1 : i32
      %scan3A_234 = scf.for %scan3A_240 = %scan3A_230 to %scan3A_232 step %scan3A_233 iter_args(%scan3A_241 = %scan3A_229) -> (i32)  : i32 {
        %mul3A_242 = arith.constant 16 : i32
        %mul3A_243 = arith.muli %scan3A_240, %mul3A_242 : i32
        %get3A = arith.index_cast %mul3A_243 : i32 to index
        %get3A_244 = tpu.vector_load %arg12[%get3A] {strides = array<i32>} : memref<6720xi32, #tpu.memory_space<vmem>>, vector<16xi32>,
        %shift_right_logical3A = arith.constant 7 : i32
        %shift_right_logical3A_245 = vector.broadcast %shift_right_logical3A : i32 to vector<16xi32>
        %shift_right_logical3A_246 = arith.shrui %get3A_244, %shift_right_logical3A_245 : vector<16xi32>
        %and3A = arith.constant 127 : i32
        %and3A_247 = vector.broadcast %and3A : i32 to vector<16xi32>
        %and3A_248 = arith.andi %get3A_244, %and3A_247 : vector<16xi32>
        %gather3A = tpu.vector_load_idx %arg10[%shift_right_logical3A_246, %and3A_248] : memref<80x128xf32, #tpu.memory_space<vmem>>[vector<16xi32>, vector<16xi32>], vector<16xf32>,
        %get3A_249 = arith.index_cast %mul3A_243 : i32 to index
        %get3A_250 = tpu.vector_load %arg11[%get3A_249] {strides = array<i32>} : memref<3360xf32, #tpu.memory_space<vmem>>, vector<16xf32>,
        %div3A = arith.divf %get3A_250, %gather3A : vector<16xf32>
        %swap3A_251 = arith.index_cast %mul3A_243 : i32 to index
        %swap3A_252 = tpu.vector_load %arg11[%swap3A_251] {strides = array<i32>} : memref<3360xf32, #tpu.memory_space<vmem>>, vector<16xf32>,
        tpu.vector_store %arg11[%swap3A_251], %div3A {strides = array<i32>} : memref<3360xf32, #tpu.memory_space<vmem>>, vector<16xf32>,
        %scan3A_253 = arith.constant 0 : i32
        scf.yield %scan3A_253 : i32
      }
      %scan3A_235 = arith.constant 210 : i32
      %mul3A_236 = arith.constant 3360 : i32
      %mul3A_237 = arith.muli %while3A_214, %mul3A_236 : i32
      %add3A_238 = arith.addi %add3A, %mul3A_237 : i32
      "tpu.region"() ({
        %run_scoped3A = tpu.sem_alloc : memref<!tpu.dma_semaphore, #tpu.memory_space<semaphore_mem>>
        %dma_start3A_240 = tpu.memref_slice %arg6[%add3A_238] : memref<322560xf32, #tpu.memory_space<hbm>> -> memref<3360xf32, #tpu.memory_space<hbm>>
        %dma_start3A_241 = tpu.memref_slice %arg6[%add3A_238] : memref<322560xf32, #tpu.memory_space<hbm>> -> memref<3360xf32, #tpu.memory_space<hbm>>
        tpu.enqueue_dma source(%arg11 : memref<3360xf32, #tpu.memory_space<vmem>>) target(%dma_start3A_241 : memref<3360xf32, #tpu.memory_space<hbm>>) target_semaphore(%run_scoped3A : memref<!tpu.dma_semaphore, #tpu.memory_space<semaphore_mem>>)
        %dma_wait3A_242 = tpu.memref_slice %arg6[%add3A_238] : memref<322560xf32, #tpu.memory_space<hbm>> -> memref<3360xf32, #tpu.memory_space<hbm>>
        %dma_wait3A_243 = tpu.memref_slice %arg6[%add3A_238] : memref<322560xf32, #tpu.memory_space<hbm>> -> memref<3360xf32, #tpu.memory_space<hbm>>
        tpu.wait_dma2 semaphore(%run_scoped3A : memref<!tpu.dma_semaphore, #tpu.memory_space<semaphore_mem>>) src(%arg11 : memref<3360xf32, #tpu.memory_space<vmem>>) dst(%dma_wait3A_243 : memref<3360xf32, #tpu.memory_space<hbm>>)
        tpu.yield
      }) : () -> ()
      %while3A_239 = arith.constant 0 : i32
      scf.yield %while3A_239 : i32
    }
    %while3A_186 = arith.constant 1 : i32
    %while3A_187 = scf.for %while3A_214 = %while3A_183 to %while3A_179 step %while3A_186 iter_args(%while3A_215 = %while3A_185) -> (i32)  : i32 {
      %mul3A_216 = arith.constant 6 : i32
      %mul3A_217 = arith.muli %arg1, %mul3A_216 : i32
      %mul3A_218 = arith.constant 4 : i32
      %mul3A_219 = arith.muli %arg0, %mul3A_218 : i32
      %add3A_220 = arith.addi %mul3A_217, %mul3A_219 : i32
      %add3A_221 = arith.addi %add3A_220, %while3A_214 : i32
      %mul3A_222 = arith.constant 2 : i32
      %mul3A_223 = arith.muli %add3A_221, %mul3A_222 : i32
      %mul3A_224 = arith.constant 3360 : i32
      %mul3A_225 = arith.muli %mul3A_223, %mul3A_224 : i32
      "tpu.region"() ({
        %run_scoped3A = tpu.sem_alloc : memref<!tpu.dma_semaphore, #tpu.memory_space<semaphore_mem>>
        %dma_start3A_240 = arith.constant 0 : i32
        %dma_start3A_241 = tpu.memref_slice %arg12[%dma_start3A_240] : memref<6720xi32, #tpu.memory_space<vmem>> -> memref<3360xi32, #tpu.memory_space<vmem>>
        %dma_start3A_242 = tpu.memref_slice %arg5[%mul3A_225] : memref<645120xi32, #tpu.memory_space<hbm>> -> memref<3360xi32, #tpu.memory_space<hbm>>
        %dma_start3A_243 = arith.constant 0 : i32
        %dma_start3A_244 = tpu.memref_slice %arg12[%dma_start3A_243] : memref<6720xi32, #tpu.memory_space<vmem>> -> memref<3360xi32, #tpu.memory_space<vmem>>
        %dma_start3A_245 = tpu.memref_slice %arg5[%mul3A_225] : memref<645120xi32, #tpu.memory_space<hbm>> -> memref<3360xi32, #tpu.memory_space<hbm>>
        tpu.enqueue_dma source(%dma_start3A_245 : memref<3360xi32, #tpu.memory_space<hbm>>) target(%dma_start3A_244 : memref<3360xi32, #tpu.memory_space<vmem>>) target_semaphore(%run_scoped3A : memref<!tpu.dma_semaphore, #tpu.memory_space<semaphore_mem>>)
        %dma_wait3A_246 = arith.constant 0 : i32
        %dma_wait3A_247 = tpu.memref_slice %arg12[%dma_wait3A_246] : memref<6720xi32, #tpu.memory_space<vmem>> -> memref<3360xi32, #tpu.memory_space<vmem>>
        %dma_wait3A_248 = tpu.memref_slice %arg5[%mul3A_225] : memref<645120xi32, #tpu.memory_space<hbm>> -> memref<3360xi32, #tpu.memory_space<hbm>>
        %dma_wait3A_249 = arith.constant 0 : i32
        %dma_wait3A_250 = tpu.memref_slice %arg12[%dma_wait3A_249] : memref<6720xi32, #tpu.memory_space<vmem>> -> memref<3360xi32, #tpu.memory_space<vmem>>
        %dma_wait3A_251 = tpu.memref_slice %arg5[%mul3A_225] : memref<645120xi32, #tpu.memory_space<hbm>> -> memref<3360xi32, #tpu.memory_space<hbm>>
        tpu.wait_dma2 semaphore(%run_scoped3A : memref<!tpu.dma_semaphore, #tpu.memory_space<semaphore_mem>>) src(%dma_wait3A_251 : memref<3360xi32, #tpu.memory_space<hbm>>) dst(%dma_wait3A_250 : memref<3360xi32, #tpu.memory_space<vmem>>)
        tpu.yield
      }) : () -> ()
      %mul3A_226 = arith.constant 3360 : i32
      %mul3A_227 = arith.muli %while3A_214, %mul3A_226 : i32
      %add3A_228 = arith.addi %add3A, %mul3A_227 : i32
      "tpu.region"() ({
        %run_scoped3A = tpu.sem_alloc : memref<!tpu.dma_semaphore, #tpu.memory_space<semaphore_mem>>
        %dma_start3A_240 = tpu.memref_slice %arg6[%add3A_228] : memref<322560xf32, #tpu.memory_space<hbm>> -> memref<3360xf32, #tpu.memory_space<hbm>>
        %dma_start3A_241 = tpu.memref_slice %arg6[%add3A_228] : memref<322560xf32, #tpu.memory_space<hbm>> -> memref<3360xf32, #tpu.memory_space<hbm>>
        tpu.enqueue_dma source(%dma_start3A_241 : memref<3360xf32, #tpu.memory_space<hbm>>) target(%arg11 : memref<3360xf32, #tpu.memory_space<vmem>>) target_semaphore(%run_scoped3A : memref<!tpu.dma_semaphore, #tpu.memory_space<semaphore_mem>>)
        %dma_wait3A_242 = tpu.memref_slice %arg6[%add3A_228] : memref<322560xf32, #tpu.memory_space<hbm>> -> memref<3360xf32, #tpu.memory_space<hbm>>
        %dma_wait3A_243 = tpu.memref_slice %arg6[%add3A_228] : memref<322560xf32, #tpu.memory_space<hbm>> -> memref<3360xf32, #tpu.memory_space<hbm>>
        tpu.wait_dma2 semaphore(%run_scoped3A : memref<!tpu.dma_semaphore, #tpu.memory_space<semaphore_mem>>) src(%dma_wait3A_243 : memref<3360xf32, #tpu.memory_space<hbm>>) dst(%arg11 : memref<3360xf32, #tpu.memory_space<vmem>>)
        tpu.yield
      }) : () -> ()
      %scan3A_229 = arith.constant 0 : i32
      %scan3A_230 = arith.constant 0 : i32
      %scan3A_231 = arith.constant 210 : i32
      %scan3A_232 = arith.addi %scan3A_230, %scan3A_231 : i32
      %scan3A_233 = arith.constant 1 : i32
      %scan3A_234 = scf.for %scan3A_240 = %scan3A_230 to %scan3A_232 step %scan3A_233 iter_args(%scan3A_241 = %scan3A_229) -> (i32)  : i32 {
        %mul3A_242 = arith.constant 16 : i32
        %mul3A_243 = arith.muli %scan3A_240, %mul3A_242 : i32
        %get3A = arith.index_cast %mul3A_243 : i32 to index
        %get3A_244 = tpu.vector_load %arg12[%get3A] {strides = array<i32>} : memref<6720xi32, #tpu.memory_space<vmem>>, vector<16xi32>,
        %shift_right_logical3A = arith.constant 7 : i32
        %shift_right_logical3A_245 = vector.broadcast %shift_right_logical3A : i32 to vector<16xi32>
        %shift_right_logical3A_246 = arith.shrui %get3A_244, %shift_right_logical3A_245 : vector<16xi32>
        %and3A = arith.constant 127 : i32
        %and3A_247 = vector.broadcast %and3A : i32 to vector<16xi32>
        %and3A_248 = arith.andi %get3A_244, %and3A_247 : vector<16xi32>
        %gather3A = tpu.vector_load_idx %arg10[%shift_right_logical3A_246, %and3A_248] : memref<80x128xf32, #tpu.memory_space<vmem>>[vector<16xi32>, vector<16xi32>], vector<16xf32>,
        %get3A_249 = arith.index_cast %mul3A_243 : i32 to index
        %get3A_250 = tpu.vector_load %arg11[%get3A_249] {strides = array<i32>} : memref<3360xf32, #tpu.memory_space<vmem>>, vector<16xf32>,
        %div3A = arith.divf %get3A_250, %gather3A : vector<16xf32>
        %swap3A_251 = arith.index_cast %mul3A_243 : i32 to index
        %swap3A_252 = tpu.vector_load %arg11[%swap3A_251] {strides = array<i32>} : memref<3360xf32, #tpu.memory_space<vmem>>, vector<16xf32>,
        tpu.vector_store %arg11[%swap3A_251], %div3A {strides = array<i32>} : memref<3360xf32, #tpu.memory_space<vmem>>, vector<16xf32>,
        %scan3A_253 = arith.constant 0 : i32
        scf.yield %scan3A_253 : i32
      }
      %scan3A_235 = arith.constant 210 : i32
      %mul3A_236 = arith.constant 3360 : i32
      %mul3A_237 = arith.muli %while3A_214, %mul3A_236 : i32
      %add3A_238 = arith.addi %add3A, %mul3A_237 : i32
      "tpu.region"() ({
        %run_scoped3A = tpu.sem_alloc : memref<!tpu.dma_semaphore, #tpu.memory_space<semaphore_mem>>
        %dma_start3A_240 = tpu.memref_slice %arg6[%add3A_238] : memref<322560xf32, #tpu.memory_space<hbm>> -> memref<3360xf32, #tpu.memory_space<hbm>>
        %dma_start3A_241 = tpu.memref_slice %arg6[%add3A_238] : memref<322560xf32, #tpu.memory_space<hbm>> -> memref<3360xf32, #tpu.memory_space<hbm>>
        tpu.enqueue_dma source(%arg11 : memref<3360xf32, #tpu.memory_space<vmem>>) target(%dma_start3A_241 : memref<3360xf32, #tpu.memory_space<hbm>>) target_semaphore(%run_scoped3A : memref<!tpu.dma_semaphore, #tpu.memory_space<semaphore_mem>>)
        %dma_wait3A_242 = tpu.memref_slice %arg6[%add3A_238] : memref<322560xf32, #tpu.memory_space<hbm>> -> memref<3360xf32, #tpu.memory_space<hbm>>
        %dma_wait3A_243 = tpu.memref_slice %arg6[%add3A_238] : memref<322560xf32, #tpu.memory_space<hbm>> -> memref<3360xf32, #tpu.memory_space<hbm>>
        tpu.wait_dma2 semaphore(%run_scoped3A : memref<!tpu.dma_semaphore, #tpu.memory_space<semaphore_mem>>) src(%arg11 : memref<3360xf32, #tpu.memory_space<vmem>>) dst(%dma_wait3A_243 : memref<3360xf32, #tpu.memory_space<hbm>>)
        tpu.yield
      }) : () -> ()
      %while3A_239 = arith.constant 0 : i32
      scf.yield %while3A_239 : i32
    }
    %while3A_188 = arith.constant 0 : i32
    %while3A_189 = arith.constant 0 : i32
    "tpu.trace_stop"() : () -> ()
    "tpu.trace_start"() <{level = 10 : i32, message = "p2_rows"}> : () -> ()
    %while3A_190 = arith.subi %sub3A_5, %while3A_188 : i32
    %while3A_191 = arith.addi %while3A_188, %while3A_190 : i32
    %while3A_192 = arith.constant 1 : i32
    %while3A_193 = arith.divsi %while3A_190, %while3A_192 : i32
    %while3A_194 = arith.muli %while3A_193, %while3A_192 : i32
    %while3A_195 = arith.addi %while3A_188, %while3A_194 : i32
    %while3A_196 = arith.constant 1 : i32
    %while3A_197 = scf.for %while3A_214 = %while3A_188 to %while3A_195 step %while3A_196 iter_args(%while3A_215 = %while3A_189) -> (i32)  : i32 {
      %mul3A_216 = arith.constant 6 : i32
      %mul3A_217 = arith.muli %arg1, %mul3A_216 : i32
      %mul3A_218 = arith.constant 4 : i32
      %mul3A_219 = arith.muli %arg0, %mul3A_218 : i32
      %add3A_220 = arith.addi %mul3A_217, %mul3A_219 : i32
      %add3A_221 = arith.addi %add3A_220, %while3A_214 : i32
      %mul3A_222 = arith.constant 2 : i32
      %mul3A_223 = arith.muli %add3A_221, %mul3A_222 : i32
      %mul3A_224 = arith.constant 3360 : i32
      %mul3A_225 = arith.muli %mul3A_223, %mul3A_224 : i32
      "tpu.region"() ({
        %run_scoped3A = tpu.sem_alloc : memref<!tpu.dma_semaphore, #tpu.memory_space<semaphore_mem>>
        %dma_start3A_254 = tpu.memref_slice %arg5[%mul3A_225] : memref<645120xi32, #tpu.memory_space<hbm>> -> memref<6720xi32, #tpu.memory_space<hbm>>
        %dma_start3A_255 = tpu.memref_slice %arg5[%mul3A_225] : memref<645120xi32, #tpu.memory_space<hbm>> -> memref<6720xi32, #tpu.memory_space<hbm>>
        tpu.enqueue_dma source(%dma_start3A_255 : memref<6720xi32, #tpu.memory_space<hbm>>) target(%arg12 : memref<6720xi32, #tpu.memory_space<vmem>>) target_semaphore(%run_scoped3A : memref<!tpu.dma_semaphore, #tpu.memory_space<semaphore_mem>>)
        %dma_wait3A_256 = tpu.memref_slice %arg5[%mul3A_225] : memref<645120xi32, #tpu.memory_space<hbm>> -> memref<6720xi32, #tpu.memory_space<hbm>>
        %dma_wait3A_257 = tpu.memref_slice %arg5[%mul3A_225] : memref<645120xi32, #tpu.memory_space<hbm>> -> memref<6720xi32, #tpu.memory_space<hbm>>
        tpu.wait_dma2 semaphore(%run_scoped3A : memref<!tpu.dma_semaphore, #tpu.memory_space<semaphore_mem>>) src(%dma_wait3A_257 : memref<6720xi32, #tpu.memory_space<hbm>>) dst(%arg12 : memref<6720xi32, #tpu.memory_space<vmem>>)
        tpu.yield
      }) : () -> ()
      %mul3A_226 = arith.constant 3360 : i32
      %mul3A_227 = arith.muli %while3A_214, %mul3A_226 : i32
      %add3A_228 = arith.addi %add3A, %mul3A_227 : i32
      "tpu.region"() ({
        %run_scoped3A = tpu.sem_alloc : memref<!tpu.dma_semaphore, #tpu.memory_space<semaphore_mem>>
        %dma_start3A_254 = tpu.memref_slice %arg6[%add3A_228] : memref<322560xf32, #tpu.memory_space<hbm>> -> memref<3360xf32, #tpu.memory_space<hbm>>
        %dma_start3A_255 = tpu.memref_slice %arg6[%add3A_228] : memref<322560xf32, #tpu.memory_space<hbm>> -> memref<3360xf32, #tpu.memory_space<hbm>>
        tpu.enqueue_dma source(%dma_start3A_255 : memref<3360xf32, #tpu.memory_space<hbm>>) target(%arg11 : memref<3360xf32, #tpu.memory_space<vmem>>) target_semaphore(%run_scoped3A : memref<!tpu.dma_semaphore, #tpu.memory_space<semaphore_mem>>)
        %dma_wait3A_256 = tpu.memref_slice %arg6[%add3A_228] : memref<322560xf32, #tpu.memory_space<hbm>> -> memref<3360xf32, #tpu.memory_space<hbm>>
        %dma_wait3A_257 = tpu.memref_slice %arg6[%add3A_228] : memref<322560xf32, #tpu.memory_space<hbm>> -> memref<3360xf32, #tpu.memory_space<hbm>>
        tpu.wait_dma2 semaphore(%run_scoped3A : memref<!tpu.dma_semaphore, #tpu.memory_space<semaphore_mem>>) src(%dma_wait3A_257 : memref<3360xf32, #tpu.memory_space<hbm>>) dst(%arg11 : memref<3360xf32, #tpu.memory_space<vmem>>)
        tpu.yield
      }) : () -> ()
      %gt3A = arith.constant 0 : i32
      %gt3A_229 = arith.cmpi sgt, %while3A_214, %gt3A : i32
      %convert_element_type3A = arith.extui %gt3A_229 : i1 to i32
      %cond3A = arith.constant 0 : i32
      %cond3A_230 = arith.cmpi ne, %convert_element_type3A, %cond3A : i32
      scf.if %cond3A_230 {
        %dma_wait3A_254 = arith.constant 0 : i32
        %dma_wait3A_255 = arith.constant 0 : i32
        %dma_wait3A_256 = tpu.memref_slice %arg23[%dma_wait3A_254, %dma_wait3A_255] : memref<10240x128xf32, #tpu.memory_space<vmem_shared>> -> memref<10240x128xf32, #tpu.memory_space<vmem_shared>>
        tpu.wait_indirect_dma semaphore(%arg20 : memref<!tpu.dma_semaphore, #tpu.memory_space<semaphore_mem>>) src(%arg8 : memref<80x128xf32, #tpu.memory_space<vmem>>) dst(%dma_wait3A_256 : memref<10240x128xf32, #tpu.memory_space<vmem_shared>>)
      } else {
      }
      %dma_start3A_231 = arith.constant 3360 : i32
      %dma_start3A_232 = tpu.memref_slice %arg12[%dma_start3A_231] : memref<6720xi32, #tpu.memory_space<vmem>> -> memref<80xi32, #tpu.memory_space<vmem>>
      %dma_start3A_233 = arith.constant 0 : i32
      %dma_start3A_234 = arith.constant 0 : i32
      %dma_start3A_235 = tpu.memref_slice %arg2[%dma_start3A_233, %dma_start3A_234] : memref<10000x128xf32, #tpu.memory_space<hbm>> -> memref<10000x128xf32, #tpu.memory_space<hbm>>
      tpu.enqueue_indirect_dma source(%dma_start3A_235 : memref<10000x128xf32, #tpu.memory_space<hbm>>) target(%arg8 : memref<80x128xf32, #tpu.memory_space<vmem>>) offsets(%dma_start3A_232 : memref<80xi32, #tpu.memory_space<vmem>>) semaphore(%arg17 : memref<!tpu.dma_semaphore, #tpu.memory_space<semaphore_mem>>)
      %gt3A_236 = arith.constant 0 : i32
      %gt3A_237 = arith.cmpi sgt, %while3A_214, %gt3A_236 : i32
      %convert_element_type3A_238 = arith.extui %gt3A_237 : i1 to i32
      %cond3A_239 = arith.constant 0 : i32
      %cond3A_240 = arith.cmpi ne, %convert_element_type3A_238, %cond3A_239 : i32
      scf.if %cond3A_240 {
        %dma_wait3A_254 = arith.constant 0 : i32
        %dma_wait3A_255 = arith.constant 0 : i32
        %dma_wait3A_256 = tpu.memref_slice %arg23[%dma_wait3A_254, %dma_wait3A_255] : memref<10240x128xf32, #tpu.memory_space<vmem_shared>> -> memref<10240x128xf32, #tpu.memory_space<vmem_shared>>
        tpu.wait_indirect_dma semaphore(%arg21 : memref<!tpu.dma_semaphore, #tpu.memory_space<semaphore_mem>>) src(%arg9 : memref<80x128xf32, #tpu.memory_space<vmem>>) dst(%dma_wait3A_256 : memref<10240x128xf32, #tpu.memory_space<vmem_shared>>)
      } else {
      }
      %dma_start3A_241 = arith.constant 3440 : i32
      %dma_start3A_242 = tpu.memref_slice %arg12[%dma_start3A_241] : memref<6720xi32, #tpu.memory_space<vmem>> -> memref<80xi32, #tpu.memory_space<vmem>>
      %dma_start3A_243 = arith.constant 0 : i32
      %dma_start3A_244 = arith.constant 0 : i32
      %dma_start3A_245 = tpu.memref_slice %arg2[%dma_start3A_243, %dma_start3A_244] : memref<10000x128xf32, #tpu.memory_space<hbm>> -> memref<10000x128xf32, #tpu.memory_space<hbm>>
      tpu.enqueue_indirect_dma source(%dma_start3A_245 : memref<10000x128xf32, #tpu.memory_space<hbm>>) target(%arg9 : memref<80x128xf32, #tpu.memory_space<vmem>>) offsets(%dma_start3A_242 : memref<80xi32, #tpu.memory_space<vmem>>) semaphore(%arg18 : memref<!tpu.dma_semaphore, #tpu.memory_space<semaphore_mem>>)
      %scan3A_246 = arith.constant 0 : i32
      %scan3A_247 = arith.constant 0 : i32
      %scan3A_248 = arith.constant 14 : i32
      %scan3A_249 = arith.addi %scan3A_247, %scan3A_248 : i32
      %scan3A_250 = arith.constant 1 : i32
      %scan3A_251 = scf.for %scan3A_254 = %scan3A_247 to %scan3A_249 step %scan3A_250 iter_args(%scan3A_255 = %scan3A_246) -> (i32)  : i32 {
        %mul3A_256 = arith.constant 3 : i32
        %mul3A_257 = arith.muli %mul3A_256, %scan3A_254 : i32
        %add3A_258 = arith.constant 0 : i32
        %add3A_259 = arith.addi %mul3A_257, %add3A_258 : i32
        %mul3A_260 = arith.constant 80 : i32
        %mul3A_261 = arith.muli %add3A_259, %mul3A_260 : i32
        %add3A_262 = arith.constant 3360 : i32
        %add3A_263 = arith.addi %add3A_262, %mul3A_261 : i32
        %dma_wait3A_264 = tpu.memref_slice %arg12[%add3A_263] : memref<6720xi32, #tpu.memory_space<vmem>> -> memref<80xi32, #tpu.memory_space<vmem>>
        %dma_wait3A_265 = arith.constant 0 : i32
        %dma_wait3A_266 = arith.constant 0 : i32
        %dma_wait3A_267 = tpu.memref_slice %arg2[%dma_wait3A_265, %dma_wait3A_266] : memref<10000x128xf32, #tpu.memory_space<hbm>> -> memref<10000x128xf32, #tpu.memory_space<hbm>>
        tpu.wait_indirect_dma semaphore(%arg17 : memref<!tpu.dma_semaphore, #tpu.memory_space<semaphore_mem>>) src(%dma_wait3A_267 : memref<10000x128xf32, #tpu.memory_space<hbm>>) dst(%arg8 : memref<80x128xf32, #tpu.memory_space<vmem>>)
        %mul3A_268 = arith.constant 80 : i32
        %mul3A_269 = arith.muli %add3A_259, %mul3A_268 : i32
        %add3A_270 = arith.constant 0 : i32
        %add3A_271 = arith.addi %mul3A_269, %add3A_270 : i32
        %get3A = arith.index_cast %add3A_271 : i32 to index
        %get3A_272 = tpu.vector_load %arg12[%get3A] {strides = array<i32>} : memref<6720xi32, #tpu.memory_space<vmem>>, vector<16xi32>,
        %swap3A_273 = arith.constant 0 : index
        %swap3A_274 = tpu.vector_load %arg14[%swap3A_273] {strides = array<i32>} : memref<80xi32, #tpu.memory_space<vmem>>, vector<16xi32>,
        tpu.vector_store %arg14[%swap3A_273], %get3A_272 {strides = array<i32>} : memref<80xi32, #tpu.memory_space<vmem>>, vector<16xi32>,
        %mul3A_275 = arith.constant 80 : i32
        %mul3A_276 = arith.muli %add3A_259, %mul3A_275 : i32
        %add3A_277 = arith.constant 16 : i32
        %add3A_278 = arith.addi %mul3A_276, %add3A_277 : i32
        %get3A_279 = arith.index_cast %add3A_278 : i32 to index
        %get3A_280 = tpu.vector_load %arg12[%get3A_279] {strides = array<i32>} : memref<6720xi32, #tpu.memory_space<vmem>>, vector<16xi32>,
        %swap3A_281 = arith.constant 16 : index
        %swap3A_282 = tpu.vector_load %arg14[%swap3A_281] {strides = array<i32>} : memref<80xi32, #tpu.memory_space<vmem>>, vector<16xi32>,
        tpu.vector_store %arg14[%swap3A_281], %get3A_280 {strides = array<i32>} : memref<80xi32, #tpu.memory_space<vmem>>, vector<16xi32>,
        %mul3A_283 = arith.constant 80 : i32
        %mul3A_284 = arith.muli %add3A_259, %mul3A_283 : i32
        %add3A_285 = arith.constant 32 : i32
        %add3A_286 = arith.addi %mul3A_284, %add3A_285 : i32
        %get3A_287 = arith.index_cast %add3A_286 : i32 to index
        %get3A_288 = tpu.vector_load %arg12[%get3A_287] {strides = array<i32>} : memref<6720xi32, #tpu.memory_space<vmem>>, vector<16xi32>,
        %swap3A_289 = arith.constant 32 : index
        %swap3A_290 = tpu.vector_load %arg14[%swap3A_289] {strides = array<i32>} : memref<80xi32, #tpu.memory_space<vmem>>, vector<16xi32>,
        tpu.vector_store %arg14[%swap3A_289], %get3A_288 {strides = array<i32>} : memref<80xi32, #tpu.memory_space<vmem>>, vector<16xi32>,
        %mul3A_291 = arith.constant 80 : i32
        %mul3A_292 = arith.muli %add3A_259, %mul3A_291 : i32
        %add3A_293 = arith.constant 48 : i32
        %add3A_294 = arith.addi %mul3A_292, %add3A_293 : i32
        %get3A_295 = arith.index_cast %add3A_294 : i32 to index
        %get3A_296 = tpu.vector_load %arg12[%get3A_295] {strides = array<i32>} : memref<6720xi32, #tpu.memory_space<vmem>>, vector<16xi32>,
        %swap3A_297 = arith.constant 48 : index
        %swap3A_298 = tpu.vector_load %arg14[%swap3A_297] {strides = array<i32>} : memref<80xi32, #tpu.memory_space<vmem>>, vector<16xi32>,
        tpu.vector_store %arg14[%swap3A_297], %get3A_296 {strides = array<i32>} : memref<80xi32, #tpu.memory_space<vmem>>, vector<16xi32>,
        %mul3A_299 = arith.constant 80 : i32
        %mul3A_300 = arith.muli %add3A_259, %mul3A_299 : i32
        %add3A_301 = arith.constant 64 : i32
        %add3A_302 = arith.addi %mul3A_300, %add3A_301 : i32
        %get3A_303 = arith.index_cast %add3A_302 : i32 to index
        %get3A_304 = tpu.vector_load %arg12[%get3A_303] {strides = array<i32>} : memref<6720xi32, #tpu.memory_space<vmem>>, vector<16xi32>,
        %swap3A_305 = arith.constant 64 : index
        %swap3A_306 = tpu.vector_load %arg14[%swap3A_305] {strides = array<i32>} : memref<80xi32, #tpu.memory_space<vmem>>, vector<16xi32>,
        tpu.vector_store %arg14[%swap3A_305], %get3A_304 {strides = array<i32>} : memref<80xi32, #tpu.memory_space<vmem>>, vector<16xi32>,
        %mul3A_307 = arith.constant 80 : i32
        %mul3A_308 = arith.muli %add3A_259, %mul3A_307 : i32
        %scan3A_309 = arith.constant 0 : i32
        %scan3A_310 = arith.constant 0 : i32
        %scan3A_311 = arith.constant 20 : i32
        %scan3A_312 = arith.addi %scan3A_310, %scan3A_311 : i32
        %scan3A_313 = arith.constant 1 : i32
        %scan3A_314 = scf.for %scan3A_468 = %scan3A_310 to %scan3A_312 step %scan3A_313 iter_args(%scan3A_469 = %scan3A_309) -> (i32)  : i32 {
          %mul3A_470 = arith.constant 4 : i32
          %mul3A_471 = arith.muli %mul3A_470, %scan3A_468 : i32
          %add3A_472 = arith.addi %mul3A_308, %mul3A_471 : i32
          %add3A_473 = arith.constant 0 : i32
          %add3A_474 = arith.addi %add3A_472, %add3A_473 : i32
          %add3A_475 = vector.broadcast %add3A_474 : i32 to vector<16xi32>
          %add3A_476 = arith.addi %broadcast_in_dim3A_8, %add3A_475 : vector<16xi32>
          %gather3A = tpu.vector_load_idx %arg11[%add3A_476] : memref<3360xf32, #tpu.memory_space<vmem>>[vector<16xi32>], vector<16xf32>,
          %add3A_477 = arith.addi %mul3A_308, %mul3A_471 : i32
          %add3A_478 = arith.constant 1 : i32
          %add3A_479 = arith.addi %add3A_477, %add3A_478 : i32
          %add3A_480 = vector.broadcast %add3A_479 : i32 to vector<16xi32>
          %add3A_481 = arith.addi %broadcast_in_dim3A_8, %add3A_480 : vector<16xi32>
          %gather3A_482 = tpu.vector_load_idx %arg11[%add3A_481] : memref<3360xf32, #tpu.memory_space<vmem>>[vector<16xi32>], vector<16xf32>,
          %add3A_483 = arith.addi %mul3A_308, %mul3A_471 : i32
          %add3A_484 = arith.constant 2 : i32
          %add3A_485 = arith.addi %add3A_483, %add3A_484 : i32
          %add3A_486 = vector.broadcast %add3A_485 : i32 to vector<16xi32>
          %add3A_487 = arith.addi %broadcast_in_dim3A_8, %add3A_486 : vector<16xi32>
          %gather3A_488 = tpu.vector_load_idx %arg11[%add3A_487] : memref<3360xf32, #tpu.memory_space<vmem>>[vector<16xi32>], vector<16xf32>,
          %add3A_489 = arith.addi %mul3A_308, %mul3A_471 : i32
          %add3A_490 = arith.constant 3 : i32
          %add3A_491 = arith.addi %add3A_489, %add3A_490 : i32
          %add3A_492 = vector.broadcast %add3A_491 : i32 to vector<16xi32>
          %add3A_493 = arith.addi %broadcast_in_dim3A_8, %add3A_492 : vector<16xi32>
          %gather3A_494 = tpu.vector_load_idx %arg11[%add3A_493] : memref<3360xf32, #tpu.memory_space<vmem>>[vector<16xi32>], vector<16xf32>,
          %add3A_495 = arith.constant 0 : i32
          %add3A_496 = arith.addi %mul3A_471, %add3A_495 : i32
          %get3A_497 = arith.index_cast %add3A_496 : i32 to index
          %get3A_498 = arith.constant 0 : index
          %get3A_499 = tpu.vector_load %arg8[%get3A_497, %get3A_498] {strides = array<i32>} : memref<80x128xf32, #tpu.memory_space<vmem>>, vector<16xf32>,
          %mul3A_500 = arith.mulf %get3A_499, %gather3A : vector<16xf32>
          %add3A_501 = arith.constant 0 : i32
          %add3A_502 = arith.addi %mul3A_471, %add3A_501 : i32
          %swap3A_503 = arith.index_cast %add3A_502 : i32 to index
          %swap3A_504 = arith.constant 0 : index
          %swap3A_505 = tpu.vector_load %arg8[%swap3A_503, %swap3A_504] {strides = array<i32>} : memref<80x128xf32, #tpu.memory_space<vmem>>, vector<16xf32>,
          tpu.vector_store %arg8[%swap3A_503, %swap3A_504], %mul3A_500 {strides = array<i32>} : memref<80x128xf32, #tpu.memory_space<vmem>>, vector<16xf32>,
          %add3A_506 = arith.constant 0 : i32
          %add3A_507 = arith.addi %mul3A_471, %add3A_506 : i32
          %get3A_508 = arith.index_cast %add3A_507 : i32 to index
          %get3A_509 = arith.constant 16 : index
          %get3A_510 = tpu.vector_load %arg8[%get3A_508, %get3A_509] {strides = array<i32>} : memref<80x128xf32, #tpu.memory_space<vmem>>, vector<16xf32>,
          %mul3A_511 = arith.mulf %get3A_510, %gather3A : vector<16xf32>
          %add3A_512 = arith.constant 0 : i32
          %add3A_513 = arith.addi %mul3A_471, %add3A_512 : i32
          %swap3A_514 = arith.index_cast %add3A_513 : i32 to index
          %swap3A_515 = arith.constant 16 : index
          %swap3A_516 = tpu.vector_load %arg8[%swap3A_514, %swap3A_515] {strides = array<i32>} : memref<80x128xf32, #tpu.memory_space<vmem>>, vector<16xf32>,
          tpu.vector_store %arg8[%swap3A_514, %swap3A_515], %mul3A_511 {strides = array<i32>} : memref<80x128xf32, #tpu.memory_space<vmem>>, vector<16xf32>,
          %add3A_517 = arith.constant 0 : i32
          %add3A_518 = arith.addi %mul3A_471, %add3A_517 : i32
          %get3A_519 = arith.index_cast %add3A_518 : i32 to index
          %get3A_520 = arith.constant 32 : index
          %get3A_521 = tpu.vector_load %arg8[%get3A_519, %get3A_520] {strides = array<i32>} : memref<80x128xf32, #tpu.memory_space<vmem>>, vector<16xf32>,
          %mul3A_522 = arith.mulf %get3A_521, %gather3A : vector<16xf32>
          %add3A_523 = arith.constant 0 : i32
          %add3A_524 = arith.addi %mul3A_471, %add3A_523 : i32
          %swap3A_525 = arith.index_cast %add3A_524 : i32 to index
          %swap3A_526 = arith.constant 32 : index
          %swap3A_527 = tpu.vector_load %arg8[%swap3A_525, %swap3A_526] {strides = array<i32>} : memref<80x128xf32, #tpu.memory_space<vmem>>, vector<16xf32>,
          tpu.vector_store %arg8[%swap3A_525, %swap3A_526], %mul3A_522 {strides = array<i32>} : memref<80x128xf32, #tpu.memory_space<vmem>>, vector<16xf32>,
          %add3A_528 = arith.constant 0 : i32
          %add3A_529 = arith.addi %mul3A_471, %add3A_528 : i32
          %get3A_530 = arith.index_cast %add3A_529 : i32 to index
          %get3A_531 = arith.constant 48 : index
          %get3A_532 = tpu.vector_load %arg8[%get3A_530, %get3A_531] {strides = array<i32>} : memref<80x128xf32, #tpu.memory_space<vmem>>, vector<16xf32>,
          %mul3A_533 = arith.mulf %get3A_532, %gather3A : vector<16xf32>
          %add3A_534 = arith.constant 0 : i32
          %add3A_535 = arith.addi %mul3A_471, %add3A_534 : i32
          %swap3A_536 = arith.index_cast %add3A_535 : i32 to index
          %swap3A_537 = arith.constant 48 : index
          %swap3A_538 = tpu.vector_load %arg8[%swap3A_536, %swap3A_537] {strides = array<i32>} : memref<80x128xf32, #tpu.memory_space<vmem>>, vector<16xf32>,
          tpu.vector_store %arg8[%swap3A_536, %swap3A_537], %mul3A_533 {strides = array<i32>} : memref<80x128xf32, #tpu.memory_space<vmem>>, vector<16xf32>,
          %add3A_539 = arith.constant 0 : i32
          %add3A_540 = arith.addi %mul3A_471, %add3A_539 : i32
          %get3A_541 = arith.index_cast %add3A_540 : i32 to index
          %get3A_542 = arith.constant 64 : index
          %get3A_543 = tpu.vector_load %arg8[%get3A_541, %get3A_542] {strides = array<i32>} : memref<80x128xf32, #tpu.memory_space<vmem>>, vector<16xf32>,
          %mul3A_544 = arith.mulf %get3A_543, %gather3A : vector<16xf32>
          %add3A_545 = arith.constant 0 : i32
          %add3A_546 = arith.addi %mul3A_471, %add3A_545 : i32
          %swap3A_547 = arith.index_cast %add3A_546 : i32 to index
          %swap3A_548 = arith.constant 64 : index
          %swap3A_549 = tpu.vector_load %arg8[%swap3A_547, %swap3A_548] {strides = array<i32>} : memref<80x128xf32, #tpu.memory_space<vmem>>, vector<16xf32>,
          tpu.vector_store %arg8[%swap3A_547, %swap3A_548], %mul3A_544 {strides = array<i32>} : memref<80x128xf32, #tpu.memory_space<vmem>>, vector<16xf32>,
          %add3A_550 = arith.constant 0 : i32
          %add3A_551 = arith.addi %mul3A_471, %add3A_550 : i32
          %get3A_552 = arith.index_cast %add3A_551 : i32 to index
          %get3A_553 = arith.constant 80 : index
          %get3A_554 = tpu.vector_load %arg8[%get3A_552, %get3A_553] {strides = array<i32>} : memref<80x128xf32, #tpu.memory_space<vmem>>, vector<16xf32>,
          %mul3A_555 = arith.mulf %get3A_554, %gather3A : vector<16xf32>
          %add3A_556 = arith.constant 0 : i32
          %add3A_557 = arith.addi %mul3A_471, %add3A_556 : i32
          %swap3A_558 = arith.index_cast %add3A_557 : i32 to index
          %swap3A_559 = arith.constant 80 : index
          %swap3A_560 = tpu.vector_load %arg8[%swap3A_558, %swap3A_559] {strides = array<i32>} : memref<80x128xf32, #tpu.memory_space<vmem>>, vector<16xf32>,
          tpu.vector_store %arg8[%swap3A_558, %swap3A_559], %mul3A_555 {strides = array<i32>} : memref<80x128xf32, #tpu.memory_space<vmem>>, vector<16xf32>,
          %add3A_561 = arith.constant 0 : i32
          %add3A_562 = arith.addi %mul3A_471, %add3A_561 : i32
          %get3A_563 = arith.index_cast %add3A_562 : i32 to index
          %get3A_564 = arith.constant 96 : index
          %get3A_565 = tpu.vector_load %arg8[%get3A_563, %get3A_564] {strides = array<i32>} : memref<80x128xf32, #tpu.memory_space<vmem>>, vector<16xf32>,
          %mul3A_566 = arith.mulf %get3A_565, %gather3A : vector<16xf32>
          %add3A_567 = arith.constant 0 : i32
          %add3A_568 = arith.addi %mul3A_471, %add3A_567 : i32
          %swap3A_569 = arith.index_cast %add3A_568 : i32 to index
          %swap3A_570 = arith.constant 96 : index
          %swap3A_571 = tpu.vector_load %arg8[%swap3A_569, %swap3A_570] {strides = array<i32>} : memref<80x128xf32, #tpu.memory_space<vmem>>, vector<16xf32>,
          tpu.vector_store %arg8[%swap3A_569, %swap3A_570], %mul3A_566 {strides = array<i32>} : memref<80x128xf32, #tpu.memory_space<vmem>>, vector<16xf32>,
          %add3A_572 = arith.constant 0 : i32
          %add3A_573 = arith.addi %mul3A_471, %add3A_572 : i32
          %get3A_574 = arith.index_cast %add3A_573 : i32 to index
          %get3A_575 = arith.constant 112 : index
          %get3A_576 = tpu.vector_load %arg8[%get3A_574, %get3A_575] {strides = array<i32>} : memref<80x128xf32, #tpu.memory_space<vmem>>, vector<16xf32>,
          %mul3A_577 = arith.mulf %get3A_576, %gather3A : vector<16xf32>
          %add3A_578 = arith.constant 0 : i32
          %add3A_579 = arith.addi %mul3A_471, %add3A_578 : i32
          %swap3A_580 = arith.index_cast %add3A_579 : i32 to index
          %swap3A_581 = arith.constant 112 : index
          %swap3A_582 = tpu.vector_load %arg8[%swap3A_580, %swap3A_581] {strides = array<i32>} : memref<80x128xf32, #tpu.memory_space<vmem>>, vector<16xf32>,
          tpu.vector_store %arg8[%swap3A_580, %swap3A_581], %mul3A_577 {strides = array<i32>} : memref<80x128xf32, #tpu.memory_space<vmem>>, vector<16xf32>,
          %add3A_583 = arith.constant 1 : i32
          %add3A_584 = arith.addi %mul3A_471, %add3A_583 : i32
          %get3A_585 = arith.index_cast %add3A_584 : i32 to index
          %get3A_586 = arith.constant 0 : index
          %get3A_587 = tpu.vector_load %arg8[%get3A_585, %get3A_586] {strides = array<i32>} : memref<80x128xf32, #tpu.memory_space<vmem>>, vector<16xf32>,
          %mul3A_588 = arith.mulf %get3A_587, %gather3A_482 : vector<16xf32>
          %add3A_589 = arith.constant 1 : i32
          %add3A_590 = arith.addi %mul3A_471, %add3A_589 : i32
          %swap3A_591 = arith.index_cast %add3A_590 : i32 to index
          %swap3A_592 = arith.constant 0 : index
          %swap3A_593 = tpu.vector_load %arg8[%swap3A_591, %swap3A_592] {strides = array<i32>} : memref<80x128xf32, #tpu.memory_space<vmem>>, vector<16xf32>,
          tpu.vector_store %arg8[%swap3A_591, %swap3A_592], %mul3A_588 {strides = array<i32>} : memref<80x128xf32, #tpu.memory_space<vmem>>, vector<16xf32>,
          %add3A_594 = arith.constant 1 : i32
          %add3A_595 = arith.addi %mul3A_471, %add3A_594 : i32
          %get3A_596 = arith.index_cast %add3A_595 : i32 to index
          %get3A_597 = arith.constant 16 : index
          %get3A_598 = tpu.vector_load %arg8[%get3A_596, %get3A_597] {strides = array<i32>} : memref<80x128xf32, #tpu.memory_space<vmem>>, vector<16xf32>,
          %mul3A_599 = arith.mulf %get3A_598, %gather3A_482 : vector<16xf32>
          %add3A_600 = arith.constant 1 : i32
          %add3A_601 = arith.addi %mul3A_471, %add3A_600 : i32
          %swap3A_602 = arith.index_cast %add3A_601 : i32 to index
          %swap3A_603 = arith.constant 16 : index
          %swap3A_604 = tpu.vector_load %arg8[%swap3A_602, %swap3A_603] {strides = array<i32>} : memref<80x128xf32, #tpu.memory_space<vmem>>, vector<16xf32>,
          tpu.vector_store %arg8[%swap3A_602, %swap3A_603], %mul3A_599 {strides = array<i32>} : memref<80x128xf32, #tpu.memory_space<vmem>>, vector<16xf32>,
          %add3A_605 = arith.constant 1 : i32
          %add3A_606 = arith.addi %mul3A_471, %add3A_605 : i32
          %get3A_607 = arith.index_cast %add3A_606 : i32 to index
          %get3A_608 = arith.constant 32 : index
          %get3A_609 = tpu.vector_load %arg8[%get3A_607, %get3A_608] {strides = array<i32>} : memref<80x128xf32, #tpu.memory_space<vmem>>, vector<16xf32>,
          %mul3A_610 = arith.mulf %get3A_609, %gather3A_482 : vector<16xf32>
          %add3A_611 = arith.constant 1 : i32
          %add3A_612 = arith.addi %mul3A_471, %add3A_611 : i32
          %swap3A_613 = arith.index_cast %add3A_612 : i32 to index
          %swap3A_614 = arith.constant 32 : index
          %swap3A_615 = tpu.vector_load %arg8[%swap3A_613, %swap3A_614] {strides = array<i32>} : memref<80x128xf32, #tpu.memory_space<vmem>>, vector<16xf32>,
          tpu.vector_store %arg8[%swap3A_613, %swap3A_614], %mul3A_610 {strides = array<i32>} : memref<80x128xf32, #tpu.memory_space<vmem>>, vector<16xf32>,
          %add3A_616 = arith.constant 1 : i32
          %add3A_617 = arith.addi %mul3A_471, %add3A_616 : i32
          %get3A_618 = arith.index_cast %add3A_617 : i32 to index
          %get3A_619 = arith.constant 48 : index
          %get3A_620 = tpu.vector_load %arg8[%get3A_618, %get3A_619] {strides = array<i32>} : memref<80x128xf32, #tpu.memory_space<vmem>>, vector<16xf32>,
          %mul3A_621 = arith.mulf %get3A_620, %gather3A_482 : vector<16xf32>
          %add3A_622 = arith.constant 1 : i32
          %add3A_623 = arith.addi %mul3A_471, %add3A_622 : i32
          %swap3A_624 = arith.index_cast %add3A_623 : i32 to index
          %swap3A_625 = arith.constant 48 : index
          %swap3A_626 = tpu.vector_load %arg8[%swap3A_624, %swap3A_625] {strides = array<i32>} : memref<80x128xf32, #tpu.memory_space<vmem>>, vector<16xf32>,
          tpu.vector_store %arg8[%swap3A_624, %swap3A_625], %mul3A_621 {strides = array<i32>} : memref<80x128xf32, #tpu.memory_space<vmem>>, vector<16xf32>,
          %add3A_627 = arith.constant 1 : i32
          %add3A_628 = arith.addi %mul3A_471, %add3A_627 : i32
          %get3A_629 = arith.index_cast %add3A_628 : i32 to index
          %get3A_630 = arith.constant 64 : index
          %get3A_631 = tpu.vector_load %arg8[%get3A_629, %get3A_630] {strides = array<i32>} : memref<80x128xf32, #tpu.memory_space<vmem>>, vector<16xf32>,
          %mul3A_632 = arith.mulf %get3A_631, %gather3A_482 : vector<16xf32>
          %add3A_633 = arith.constant 1 : i32
          %add3A_634 = arith.addi %mul3A_471, %add3A_633 : i32
          %swap3A_635 = arith.index_cast %add3A_634 : i32 to index
          %swap3A_636 = arith.constant 64 : index
          %swap3A_637 = tpu.vector_load %arg8[%swap3A_635, %swap3A_636] {strides = array<i32>} : memref<80x128xf32, #tpu.memory_space<vmem>>, vector<16xf32>,
          tpu.vector_store %arg8[%swap3A_635, %swap3A_636], %mul3A_632 {strides = array<i32>} : memref<80x128xf32, #tpu.memory_space<vmem>>, vector<16xf32>,
          %add3A_638 = arith.constant 1 : i32
          %add3A_639 = arith.addi %mul3A_471, %add3A_638 : i32
          %get3A_640 = arith.index_cast %add3A_639 : i32 to index
          %get3A_641 = arith.constant 80 : index
          %get3A_642 = tpu.vector_load %arg8[%get3A_640, %get3A_641] {strides = array<i32>} : memref<80x128xf32, #tpu.memory_space<vmem>>, vector<16xf32>,
          %mul3A_643 = arith.mulf %get3A_642, %gather3A_482 : vector<16xf32>
          %add3A_644 = arith.constant 1 : i32
          %add3A_645 = arith.addi %mul3A_471, %add3A_644 : i32
          %swap3A_646 = arith.index_cast %add3A_645 : i32 to index
          %swap3A_647 = arith.constant 80 : index
          %swap3A_648 = tpu.vector_load %arg8[%swap3A_646, %swap3A_647] {strides = array<i32>} : memref<80x128xf32, #tpu.memory_space<vmem>>, vector<16xf32>,
          tpu.vector_store %arg8[%swap3A_646, %swap3A_647], %mul3A_643 {strides = array<i32>} : memref<80x128xf32, #tpu.memory_space<vmem>>, vector<16xf32>,
          %add3A_649 = arith.constant 1 : i32
          %add3A_650 = arith.addi %mul3A_471, %add3A_649 : i32
          %get3A_651 = arith.index_cast %add3A_650 : i32 to index
          %get3A_652 = arith.constant 96 : index
          %get3A_653 = tpu.vector_load %arg8[%get3A_651, %get3A_652] {strides = array<i32>} : memref<80x128xf32, #tpu.memory_space<vmem>>, vector<16xf32>,
          %mul3A_654 = arith.mulf %get3A_653, %gather3A_482 : vector<16xf32>
          %add3A_655 = arith.constant 1 : i32
          %add3A_656 = arith.addi %mul3A_471, %add3A_655 : i32
          %swap3A_657 = arith.index_cast %add3A_656 : i32 to index
          %swap3A_658 = arith.constant 96 : index
          %swap3A_659 = tpu.vector_load %arg8[%swap3A_657, %swap3A_658] {strides = array<i32>} : memref<80x128xf32, #tpu.memory_space<vmem>>, vector<16xf32>,
          tpu.vector_store %arg8[%swap3A_657, %swap3A_658], %mul3A_654 {strides = array<i32>} : memref<80x128xf32, #tpu.memory_space<vmem>>, vector<16xf32>,
          %add3A_660 = arith.constant 1 : i32
          %add3A_661 = arith.addi %mul3A_471, %add3A_660 : i32
          %get3A_662 = arith.index_cast %add3A_661 : i32 to index
          %get3A_663 = arith.constant 112 : index
          %get3A_664 = tpu.vector_load %arg8[%get3A_662, %get3A_663] {strides = array<i32>} : memref<80x128xf32, #tpu.memory_space<vmem>>, vector<16xf32>,
          %mul3A_665 = arith.mulf %get3A_664, %gather3A_482 : vector<16xf32>
          %add3A_666 = arith.constant 1 : i32
          %add3A_667 = arith.addi %mul3A_471, %add3A_666 : i32
          %swap3A_668 = arith.index_cast %add3A_667 : i32 to index
          %swap3A_669 = arith.constant 112 : index
          %swap3A_670 = tpu.vector_load %arg8[%swap3A_668, %swap3A_669] {strides = array<i32>} : memref<80x128xf32, #tpu.memory_space<vmem>>, vector<16xf32>,
          tpu.vector_store %arg8[%swap3A_668, %swap3A_669], %mul3A_665 {strides = array<i32>} : memref<80x128xf32, #tpu.memory_space<vmem>>, vector<16xf32>,
          %add3A_671 = arith.constant 2 : i32
          %add3A_672 = arith.addi %mul3A_471, %add3A_671 : i32
          %get3A_673 = arith.index_cast %add3A_672 : i32 to index
          %get3A_674 = arith.constant 0 : index
          %get3A_675 = tpu.vector_load %arg8[%get3A_673, %get3A_674] {strides = array<i32>} : memref<80x128xf32, #tpu.memory_space<vmem>>, vector<16xf32>,
          %mul3A_676 = arith.mulf %get3A_675, %gather3A_488 : vector<16xf32>
          %add3A_677 = arith.constant 2 : i32
          %add3A_678 = arith.addi %mul3A_471, %add3A_677 : i32
          %swap3A_679 = arith.index_cast %add3A_678 : i32 to index
          %swap3A_680 = arith.constant 0 : index
          %swap3A_681 = tpu.vector_load %arg8[%swap3A_679, %swap3A_680] {strides = array<i32>} : memref<80x128xf32, #tpu.memory_space<vmem>>, vector<16xf32>,
          tpu.vector_store %arg8[%swap3A_679, %swap3A_680], %mul3A_676 {strides = array<i32>} : memref<80x128xf32, #tpu.memory_space<vmem>>, vector<16xf32>,
          %add3A_682 = arith.constant 2 : i32
          %add3A_683 = arith.addi %mul3A_471, %add3A_682 : i32
          %get3A_684 = arith.index_cast %add3A_683 : i32 to index
          %get3A_685 = arith.constant 16 : index
          %get3A_686 = tpu.vector_load %arg8[%get3A_684, %get3A_685] {strides = array<i32>} : memref<80x128xf32, #tpu.memory_space<vmem>>, vector<16xf32>,
          %mul3A_687 = arith.mulf %get3A_686, %gather3A_488 : vector<16xf32>
          %add3A_688 = arith.constant 2 : i32
          %add3A_689 = arith.addi %mul3A_471, %add3A_688 : i32
          %swap3A_690 = arith.index_cast %add3A_689 : i32 to index
          %swap3A_691 = arith.constant 16 : index
          %swap3A_692 = tpu.vector_load %arg8[%swap3A_690, %swap3A_691] {strides = array<i32>} : memref<80x128xf32, #tpu.memory_space<vmem>>, vector<16xf32>,
          tpu.vector_store %arg8[%swap3A_690, %swap3A_691], %mul3A_687 {strides = array<i32>} : memref<80x128xf32, #tpu.memory_space<vmem>>, vector<16xf32>,
          %add3A_693 = arith.constant 2 : i32
          %add3A_694 = arith.addi %mul3A_471, %add3A_693 : i32
          %get3A_695 = arith.index_cast %add3A_694 : i32 to index
          %get3A_696 = arith.constant 32 : index
          %get3A_697 = tpu.vector_load %arg8[%get3A_695, %get3A_696] {strides = array<i32>} : memref<80x128xf32, #tpu.memory_space<vmem>>, vector<16xf32>,
          %mul3A_698 = arith.mulf %get3A_697, %gather3A_488 : vector<16xf32>
          %add3A_699 = arith.constant 2 : i32
          %add3A_700 = arith.addi %mul3A_471, %add3A_699 : i32
          %swap3A_701 = arith.index_cast %add3A_700 : i32 to index
          %swap3A_702 = arith.constant 32 : index
          %swap3A_703 = tpu.vector_load %arg8[%swap3A_701, %swap3A_702] {strides = array<i32>} : memref<80x128xf32, #tpu.memory_space<vmem>>, vector<16xf32>,
          tpu.vector_store %arg8[%swap3A_701, %swap3A_702], %mul3A_698 {strides = array<i32>} : memref<80x128xf32, #tpu.memory_space<vmem>>, vector<16xf32>,
          %add3A_704 = arith.constant 2 : i32
          %add3A_705 = arith.addi %mul3A_471, %add3A_704 : i32
          %get3A_706 = arith.index_cast %add3A_705 : i32 to index
          %get3A_707 = arith.constant 48 : index
          %get3A_708 = tpu.vector_load %arg8[%get3A_706, %get3A_707] {strides = array<i32>} : memref<80x128xf32, #tpu.memory_space<vmem>>, vector<16xf32>,
          %mul3A_709 = arith.mulf %get3A_708, %gather3A_488 : vector<16xf32>
          %add3A_710 = arith.constant 2 : i32
          %add3A_711 = arith.addi %mul3A_471, %add3A_710 : i32
          %swap3A_712 = arith.index_cast %add3A_711 : i32 to index
          %swap3A_713 = arith.constant 48 : index
          %swap3A_714 = tpu.vector_load %arg8[%swap3A_712, %swap3A_713] {strides = array<i32>} : memref<80x128xf32, #tpu.memory_space<vmem>>, vector<16xf32>,
          tpu.vector_store %arg8[%swap3A_712, %swap3A_713], %mul3A_709 {strides = array<i32>} : memref<80x128xf32, #tpu.memory_space<vmem>>, vector<16xf32>,
          %add3A_715 = arith.constant 2 : i32
          %add3A_716 = arith.addi %mul3A_471, %add3A_715 : i32
          %get3A_717 = arith.index_cast %add3A_716 : i32 to index
          %get3A_718 = arith.constant 64 : index
          %get3A_719 = tpu.vector_load %arg8[%get3A_717, %get3A_718] {strides = array<i32>} : memref<80x128xf32, #tpu.memory_space<vmem>>, vector<16xf32>,
          %mul3A_720 = arith.mulf %get3A_719, %gather3A_488 : vector<16xf32>
          %add3A_721 = arith.constant 2 : i32
          %add3A_722 = arith.addi %mul3A_471, %add3A_721 : i32
          %swap3A_723 = arith.index_cast %add3A_722 : i32 to index
          %swap3A_724 = arith.constant 64 : index
          %swap3A_725 = tpu.vector_load %arg8[%swap3A_723, %swap3A_724] {strides = array<i32>} : memref<80x128xf32, #tpu.memory_space<vmem>>, vector<16xf32>,
          tpu.vector_store %arg8[%swap3A_723, %swap3A_724], %mul3A_720 {strides = array<i32>} : memref<80x128xf32, #tpu.memory_space<vmem>>, vector<16xf32>,
          %add3A_726 = arith.constant 2 : i32
          %add3A_727 = arith.addi %mul3A_471, %add3A_726 : i32
          %get3A_728 = arith.index_cast %add3A_727 : i32 to index
          %get3A_729 = arith.constant 80 : index
          %get3A_730 = tpu.vector_load %arg8[%get3A_728, %get3A_729] {strides = array<i32>} : memref<80x128xf32, #tpu.memory_space<vmem>>, vector<16xf32>,
          %mul3A_731 = arith.mulf %get3A_730, %gather3A_488 : vector<16xf32>
          %add3A_732 = arith.constant 2 : i32
          %add3A_733 = arith.addi %mul3A_471, %add3A_732 : i32
          %swap3A_734 = arith.index_cast %add3A_733 : i32 to index
          %swap3A_735 = arith.constant 80 : index
          %swap3A_736 = tpu.vector_load %arg8[%swap3A_734, %swap3A_735] {strides = array<i32>} : memref<80x128xf32, #tpu.memory_space<vmem>>, vector<16xf32>,
          tpu.vector_store %arg8[%swap3A_734, %swap3A_735], %mul3A_731 {strides = array<i32>} : memref<80x128xf32, #tpu.memory_space<vmem>>, vector<16xf32>,
          %add3A_737 = arith.constant 2 : i32
          %add3A_738 = arith.addi %mul3A_471, %add3A_737 : i32
          %get3A_739 = arith.index_cast %add3A_738 : i32 to index
          %get3A_740 = arith.constant 96 : index
          %get3A_741 = tpu.vector_load %arg8[%get3A_739, %get3A_740] {strides = array<i32>} : memref<80x128xf32, #tpu.memory_space<vmem>>, vector<16xf32>,
          %mul3A_742 = arith.mulf %get3A_741, %gather3A_488 : vector<16xf32>
          %add3A_743 = arith.constant 2 : i32
          %add3A_744 = arith.addi %mul3A_471, %add3A_743 : i32
          %swap3A_745 = arith.index_cast %add3A_744 : i32 to index
          %swap3A_746 = arith.constant 96 : index
          %swap3A_747 = tpu.vector_load %arg8[%swap3A_745, %swap3A_746] {strides = array<i32>} : memref<80x128xf32, #tpu.memory_space<vmem>>, vector<16xf32>,
          tpu.vector_store %arg8[%swap3A_745, %swap3A_746], %mul3A_742 {strides = array<i32>} : memref<80x128xf32, #tpu.memory_space<vmem>>, vector<16xf32>,
          %add3A_748 = arith.constant 2 : i32
          %add3A_749 = arith.addi %mul3A_471, %add3A_748 : i32
          %get3A_750 = arith.index_cast %add3A_749 : i32 to index
          %get3A_751 = arith.constant 112 : index
          %get3A_752 = tpu.vector_load %arg8[%get3A_750, %get3A_751] {strides = array<i32>} : memref<80x128xf32, #tpu.memory_space<vmem>>, vector<16xf32>,
          %mul3A_753 = arith.mulf %get3A_752, %gather3A_488 : vector<16xf32>
          %add3A_754 = arith.constant 2 : i32
          %add3A_755 = arith.addi %mul3A_471, %add3A_754 : i32
          %swap3A_756 = arith.index_cast %add3A_755 : i32 to index
          %swap3A_757 = arith.constant 112 : index
          %swap3A_758 = tpu.vector_load %arg8[%swap3A_756, %swap3A_757] {strides = array<i32>} : memref<80x128xf32, #tpu.memory_space<vmem>>, vector<16xf32>,
          tpu.vector_store %arg8[%swap3A_756, %swap3A_757], %mul3A_753 {strides = array<i32>} : memref<80x128xf32, #tpu.memory_space<vmem>>, vector<16xf32>,
          %add3A_759 = arith.constant 3 : i32
          %add3A_760 = arith.addi %mul3A_471, %add3A_759 : i32
          %get3A_761 = arith.index_cast %add3A_760 : i32 to index
          %get3A_762 = arith.constant 0 : index
          %get3A_763 = tpu.vector_load %arg8[%get3A_761, %get3A_762] {strides = array<i32>} : memref<80x128xf32, #tpu.memory_space<vmem>>, vector<16xf32>,
          %mul3A_764 = arith.mulf %get3A_763, %gather3A_494 : vector<16xf32>
          %add3A_765 = arith.constant 3 : i32
          %add3A_766 = arith.addi %mul3A_471, %add3A_765 : i32
          %swap3A_767 = arith.index_cast %add3A_766 : i32 to index
          %swap3A_768 = arith.constant 0 : index
          %swap3A_769 = tpu.vector_load %arg8[%swap3A_767, %swap3A_768] {strides = array<i32>} : memref<80x128xf32, #tpu.memory_space<vmem>>, vector<16xf32>,
          tpu.vector_store %arg8[%swap3A_767, %swap3A_768], %mul3A_764 {strides = array<i32>} : memref<80x128xf32, #tpu.memory_space<vmem>>, vector<16xf32>,
          %add3A_770 = arith.constant 3 : i32
          %add3A_771 = arith.addi %mul3A_471, %add3A_770 : i32
          %get3A_772 = arith.index_cast %add3A_771 : i32 to index
          %get3A_773 = arith.constant 16 : index
          %get3A_774 = tpu.vector_load %arg8[%get3A_772, %get3A_773] {strides = array<i32>} : memref<80x128xf32, #tpu.memory_space<vmem>>, vector<16xf32>,
          %mul3A_775 = arith.mulf %get3A_774, %gather3A_494 : vector<16xf32>
          %add3A_776 = arith.constant 3 : i32
          %add3A_777 = arith.addi %mul3A_471, %add3A_776 : i32
          %swap3A_778 = arith.index_cast %add3A_777 : i32 to index
          %swap3A_779 = arith.constant 16 : index
          %swap3A_780 = tpu.vector_load %arg8[%swap3A_778, %swap3A_779] {strides = array<i32>} : memref<80x128xf32, #tpu.memory_space<vmem>>, vector<16xf32>,
          tpu.vector_store %arg8[%swap3A_778, %swap3A_779], %mul3A_775 {strides = array<i32>} : memref<80x128xf32, #tpu.memory_space<vmem>>, vector<16xf32>,
          %add3A_781 = arith.constant 3 : i32
          %add3A_782 = arith.addi %mul3A_471, %add3A_781 : i32
          %get3A_783 = arith.index_cast %add3A_782 : i32 to index
          %get3A_784 = arith.constant 32 : index
          %get3A_785 = tpu.vector_load %arg8[%get3A_783, %get3A_784] {strides = array<i32>} : memref<80x128xf32, #tpu.memory_space<vmem>>, vector<16xf32>,
          %mul3A_786 = arith.mulf %get3A_785, %gather3A_494 : vector<16xf32>
          %add3A_787 = arith.constant 3 : i32
          %add3A_788 = arith.addi %mul3A_471, %add3A_787 : i32
          %swap3A_789 = arith.index_cast %add3A_788 : i32 to index
          %swap3A_790 = arith.constant 32 : index
          %swap3A_791 = tpu.vector_load %arg8[%swap3A_789, %swap3A_790] {strides = array<i32>} : memref<80x128xf32, #tpu.memory_space<vmem>>, vector<16xf32>,
          tpu.vector_store %arg8[%swap3A_789, %swap3A_790], %mul3A_786 {strides = array<i32>} : memref<80x128xf32, #tpu.memory_space<vmem>>, vector<16xf32>,
          %add3A_792 = arith.constant 3 : i32
          %add3A_793 = arith.addi %mul3A_471, %add3A_792 : i32
          %get3A_794 = arith.index_cast %add3A_793 : i32 to index
          %get3A_795 = arith.constant 48 : index
          %get3A_796 = tpu.vector_load %arg8[%get3A_794, %get3A_795] {strides = array<i32>} : memref<80x128xf32, #tpu.memory_space<vmem>>, vector<16xf32>,
          %mul3A_797 = arith.mulf %get3A_796, %gather3A_494 : vector<16xf32>
          %add3A_798 = arith.constant 3 : i32
          %add3A_799 = arith.addi %mul3A_471, %add3A_798 : i32
          %swap3A_800 = arith.index_cast %add3A_799 : i32 to index
          %swap3A_801 = arith.constant 48 : index
          %swap3A_802 = tpu.vector_load %arg8[%swap3A_800, %swap3A_801] {strides = array<i32>} : memref<80x128xf32, #tpu.memory_space<vmem>>, vector<16xf32>,
          tpu.vector_store %arg8[%swap3A_800, %swap3A_801], %mul3A_797 {strides = array<i32>} : memref<80x128xf32, #tpu.memory_space<vmem>>, vector<16xf32>,
          %add3A_803 = arith.constant 3 : i32
          %add3A_804 = arith.addi %mul3A_471, %add3A_803 : i32
          %get3A_805 = arith.index_cast %add3A_804 : i32 to index
          %get3A_806 = arith.constant 64 : index
          %get3A_807 = tpu.vector_load %arg8[%get3A_805, %get3A_806] {strides = array<i32>} : memref<80x128xf32, #tpu.memory_space<vmem>>, vector<16xf32>,
          %mul3A_808 = arith.mulf %get3A_807, %gather3A_494 : vector<16xf32>
          %add3A_809 = arith.constant 3 : i32
          %add3A_810 = arith.addi %mul3A_471, %add3A_809 : i32
          %swap3A_811 = arith.index_cast %add3A_810 : i32 to index
          %swap3A_812 = arith.constant 64 : index
          %swap3A_813 = tpu.vector_load %arg8[%swap3A_811, %swap3A_812] {strides = array<i32>} : memref<80x128xf32, #tpu.memory_space<vmem>>, vector<16xf32>,
          tpu.vector_store %arg8[%swap3A_811, %swap3A_812], %mul3A_808 {strides = array<i32>} : memref<80x128xf32, #tpu.memory_space<vmem>>, vector<16xf32>,
          %add3A_814 = arith.constant 3 : i32
          %add3A_815 = arith.addi %mul3A_471, %add3A_814 : i32
          %get3A_816 = arith.index_cast %add3A_815 : i32 to index
          %get3A_817 = arith.constant 80 : index
          %get3A_818 = tpu.vector_load %arg8[%get3A_816, %get3A_817] {strides = array<i32>} : memref<80x128xf32, #tpu.memory_space<vmem>>, vector<16xf32>,
          %mul3A_819 = arith.mulf %get3A_818, %gather3A_494 : vector<16xf32>
          %add3A_820 = arith.constant 3 : i32
          %add3A_821 = arith.addi %mul3A_471, %add3A_820 : i32
          %swap3A_822 = arith.index_cast %add3A_821 : i32 to index
          %swap3A_823 = arith.constant 80 : index
          %swap3A_824 = tpu.vector_load %arg8[%swap3A_822, %swap3A_823] {strides = array<i32>} : memref<80x128xf32, #tpu.memory_space<vmem>>, vector<16xf32>,
          tpu.vector_store %arg8[%swap3A_822, %swap3A_823], %mul3A_819 {strides = array<i32>} : memref<80x128xf32, #tpu.memory_space<vmem>>, vector<16xf32>,
          %add3A_825 = arith.constant 3 : i32
          %add3A_826 = arith.addi %mul3A_471, %add3A_825 : i32
          %get3A_827 = arith.index_cast %add3A_826 : i32 to index
          %get3A_828 = arith.constant 96 : index
          %get3A_829 = tpu.vector_load %arg8[%get3A_827, %get3A_828] {strides = array<i32>} : memref<80x128xf32, #tpu.memory_space<vmem>>, vector<16xf32>,
          %mul3A_830 = arith.mulf %get3A_829, %gather3A_494 : vector<16xf32>
          %add3A_831 = arith.constant 3 : i32
          %add3A_832 = arith.addi %mul3A_471, %add3A_831 : i32
          %swap3A_833 = arith.index_cast %add3A_832 : i32 to index
          %swap3A_834 = arith.constant 96 : index
          %swap3A_835 = tpu.vector_load %arg8[%swap3A_833, %swap3A_834] {strides = array<i32>} : memref<80x128xf32, #tpu.memory_space<vmem>>, vector<16xf32>,
          tpu.vector_store %arg8[%swap3A_833, %swap3A_834], %mul3A_830 {strides = array<i32>} : memref<80x128xf32, #tpu.memory_space<vmem>>, vector<16xf32>,
          %add3A_836 = arith.constant 3 : i32
          %add3A_837 = arith.addi %mul3A_471, %add3A_836 : i32
          %get3A_838 = arith.index_cast %add3A_837 : i32 to index
          %get3A_839 = arith.constant 112 : index
          %get3A_840 = tpu.vector_load %arg8[%get3A_838, %get3A_839] {strides = array<i32>} : memref<80x128xf32, #tpu.memory_space<vmem>>, vector<16xf32>,
          %mul3A_841 = arith.mulf %get3A_840, %gather3A_494 : vector<16xf32>
          %add3A_842 = arith.constant 3 : i32
          %add3A_843 = arith.addi %mul3A_471, %add3A_842 : i32
          %swap3A_844 = arith.index_cast %add3A_843 : i32 to index
          %swap3A_845 = arith.constant 112 : index
          %swap3A_846 = tpu.vector_load %arg8[%swap3A_844, %swap3A_845] {strides = array<i32>} : memref<80x128xf32, #tpu.memory_space<vmem>>, vector<16xf32>,
          tpu.vector_store %arg8[%swap3A_844, %swap3A_845], %mul3A_841 {strides = array<i32>} : memref<80x128xf32, #tpu.memory_space<vmem>>, vector<16xf32>,
          %scan3A_847 = arith.constant 0 : i32
          scf.yield %scan3A_847 : i32
        }
        %scan3A_315 = arith.constant 20 : i32
        %dma_start3A_316 = arith.constant 0 : i32
        %dma_start3A_317 = arith.constant 0 : i32
        %dma_start3A_318 = tpu.memref_slice %arg23[%dma_start3A_316, %dma_start3A_317] : memref<10240x128xf32, #tpu.memory_space<vmem_shared>> -> memref<10240x128xf32, #tpu.memory_space<vmem_shared>>
        tpu.enqueue_indirect_dma source(%arg8 : memref<80x128xf32, #tpu.memory_space<vmem>>) target(%dma_start3A_318 : memref<10240x128xf32, #tpu.memory_space<vmem_shared>>) offsets(%arg14 : memref<80xi32, #tpu.memory_space<vmem>>) semaphore(%arg20 : memref<!tpu.dma_semaphore, #tpu.memory_space<semaphore_mem>>) {add = true}
        %add3A_319 = arith.constant 2 : i32
        %add3A_320 = arith.addi %add3A_259, %add3A_319 : i32
        %le3A = arith.constant 41 : i32
        %le3A_321 = arith.cmpi sle, %add3A_320, %le3A : i32
        %convert_element_type3A_322 = arith.extui %le3A_321 : i1 to i32
        %cond3A_323 = arith.constant 0 : i32
        %cond3A_324 = arith.cmpi ne, %convert_element_type3A_322, %cond3A_323 : i32
        scf.if %cond3A_324 {
          %add3A_468 = arith.addi %while3A_214, %add3A_259 : i32
          %gt3A_469 = arith.constant 0 : i32
          %gt3A_470 = arith.cmpi sgt, %add3A_468, %gt3A_469 : i32
          %convert_element_type3A_471 = arith.extui %gt3A_470 : i1 to i32
          %cond3A_472 = arith.constant 0 : i32
          %cond3A_473 = arith.cmpi ne, %convert_element_type3A_471, %cond3A_472 : i32
          scf.if %cond3A_473 {
            %dma_wait3A_482 = arith.constant 0 : i32
            %dma_wait3A_483 = arith.constant 0 : i32
            %dma_wait3A_484 = tpu.memref_slice %arg23[%dma_wait3A_482, %dma_wait3A_483] : memref<10240x128xf32, #tpu.memory_space<vmem_shared>> -> memref<10240x128xf32, #tpu.memory_space<vmem_shared>>
            tpu.wait_indirect_dma semaphore(%arg22 : memref<!tpu.dma_semaphore, #tpu.memory_space<semaphore_mem>>) src(%arg10 : memref<80x128xf32, #tpu.memory_space<vmem>>) dst(%dma_wait3A_484 : memref<10240x128xf32, #tpu.memory_space<vmem_shared>>)
          } else {
          }
          %mul3A_474 = arith.constant 80 : i32
          %mul3A_475 = arith.muli %add3A_320, %mul3A_474 : i32
          %add3A_476 = arith.constant 3360 : i32
          %add3A_477 = arith.addi %add3A_476, %mul3A_475 : i32
          %dma_start3A_478 = tpu.memref_slice %arg12[%add3A_477] : memref<6720xi32, #tpu.memory_space<vmem>> -> memref<80xi32, #tpu.memory_space<vmem>>
          %dma_start3A_479 = arith.constant 0 : i32
          %dma_start3A_480 = arith.constant 0 : i32
          %dma_start3A_481 = tpu.memref_slice %arg2[%dma_start3A_479, %dma_start3A_480] : memref<10000x128xf32, #tpu.memory_space<hbm>> -> memref<10000x128xf32, #tpu.memory_space<hbm>>
          tpu.enqueue_indirect_dma source(%dma_start3A_481 : memref<10000x128xf32, #tpu.memory_space<hbm>>) target(%arg10 : memref<80x128xf32, #tpu.memory_space<vmem>>) offsets(%dma_start3A_478 : memref<80xi32, #tpu.memory_space<vmem>>) semaphore(%arg19 : memref<!tpu.dma_semaphore, #tpu.memory_space<semaphore_mem>>)
        } else {
        }
        %mul3A_325 = arith.constant 3 : i32
        %mul3A_326 = arith.muli %mul3A_325, %scan3A_254 : i32
        %add3A_327 = arith.constant 1 : i32
        %add3A_328 = arith.addi %mul3A_326, %add3A_327 : i32
        %mul3A_329 = arith.constant 80 : i32
        %mul3A_330 = arith.muli %add3A_328, %mul3A_329 : i32
        %add3A_331 = arith.constant 3360 : i32
        %add3A_332 = arith.addi %add3A_331, %mul3A_330 : i32
        %dma_wait3A_333 = tpu.memref_slice %arg12[%add3A_332] : memref<6720xi32, #tpu.memory_space<vmem>> -> memref<80xi32, #tpu.memory_space<vmem>>
        %dma_wait3A_334 = arith.constant 0 : i32
        %dma_wait3A_335 = arith.constant 0 : i32
        %dma_wait3A_336 = tpu.memref_slice %arg2[%dma_wait3A_334, %dma_wait3A_335] : memref<10000x128xf32, #tpu.memory_space<hbm>> -> memref<10000x128xf32, #tpu.memory_space<hbm>>
        tpu.wait_indirect_dma semaphore(%arg18 : memref<!tpu.dma_semaphore, #tpu.memory_space<semaphore_mem>>) src(%dma_wait3A_336 : memref<10000x128xf32, #tpu.memory_space<hbm>>) dst(%arg9 : memref<80x128xf32, #tpu.memory_space<vmem>>)
        %mul3A_337 = arith.constant 80 : i32
        %mul3A_338 = arith.muli %add3A_328, %mul3A_337 : i32
        %add3A_339 = arith.constant 0 : i32
        %add3A_340 = arith.addi %mul3A_338, %add3A_339 : i32
        %get3A_341 = arith.index_cast %add3A_340 : i32 to index
        %get3A_342 = tpu.vector_load %arg12[%get3A_341] {strides = array<i32>} : memref<6720xi32, #tpu.memory_space<vmem>>, vector<16xi32>,
        %swap3A_343 = arith.constant 0 : index
        %swap3A_344 = tpu.vector_load %arg15[%swap3A_343] {strides = array<i32>} : memref<80xi32, #tpu.memory_space<vmem>>, vector<16xi32>,
        tpu.vector_store %arg15[%swap3A_343], %get3A_342 {strides = array<i32>} : memref<80xi32, #tpu.memory_space<vmem>>, vector<16xi32>,
        %mul3A_345 = arith.constant 80 : i32
        %mul3A_346 = arith.muli %add3A_328, %mul3A_345 : i32
        %add3A_347 = arith.constant 16 : i32
        %add3A_348 = arith.addi %mul3A_346, %add3A_347 : i32
        %get3A_349 = arith.index_cast %add3A_348 : i32 to index
        %get3A_350 = tpu.vector_load %arg12[%get3A_349] {strides = array<i32>} : memref<6720xi32, #tpu.memory_space<vmem>>, vector<16xi32>,
        %swap3A_351 = arith.constant 16 : index
        %swap3A_352 = tpu.vector_load %arg15[%swap3A_351] {strides = array<i32>} : memref<80xi32, #tpu.memory_space<vmem>>, vector<16xi32>,
        tpu.vector_store %arg15[%swap3A_351], %get3A_350 {strides = array<i32>} : memref<80xi32, #tpu.memory_space<vmem>>, vector<16xi32>,
        %mul3A_353 = arith.constant 80 : i32
        %mul3A_354 = arith.muli %add3A_328, %mul3A_353 : i32
        %add3A_355 = arith.constant 32 : i32
        %add3A_356 = arith.addi %mul3A_354, %add3A_355 : i32
        %get3A_357 = arith.index_cast %add3A_356 : i32 to index
        %get3A_358 = tpu.vector_load %arg12[%get3A_357] {strides = array<i32>} : memref<6720xi32, #tpu.memory_space<vmem>>, vector<16xi32>,
        %swap3A_359 = arith.constant 32 : index
        %swap3A_360 = tpu.vector_load %arg15[%swap3A_359] {strides = array<i32>} : memref<80xi32, #tpu.memory_space<vmem>>, vector<16xi32>,
        tpu.vector_store %arg15[%swap3A_359], %get3A_358 {strides = array<i32>} : memref<80xi32, #tpu.memory_space<vmem>>, vector<16xi32>,
        %mul3A_361 = arith.constant 80 : i32
        %mul3A_362 = arith.muli %add3A_328, %mul3A_361 : i32
        %add3A_363 = arith.constant 48 : i32
        %add3A_364 = arith.addi %mul3A_362, %add3A_363 : i32
        %get3A_365 = arith.index_cast %add3A_364 : i32 to index
        %get3A_366 = tpu.vector_load %arg12[%get3A_365] {strides = array<i32>} : memref<6720xi32, #tpu.memory_space<vmem>>, vector<16xi32>,
        %swap3A_367 = arith.constant 48 : index
        %swap3A_368 = tpu.vector_load %arg15[%swap3A_367] {strides = array<i32>} : memref<80xi32, #tpu.memory_space<vmem>>, vector<16xi32>,
        tpu.vector_store %arg15[%swap3A_367], %get3A_366 {strides = array<i32>} : memref<80xi32, #tpu.memory_space<vmem>>, vector<16xi32>,
        %mul3A_369 = arith.constant 80 : i32
        %mul3A_370 = arith.muli %add3A_328, %mul3A_369 : i32
        %add3A_371 = arith.constant 64 : i32
        %add3A_372 = arith.addi %mul3A_370, %add3A_371 : i32
        %get3A_373 = arith.index_cast %add3A_372 : i32 to index
        %get3A_374 = tpu.vector_load %arg12[%get3A_373] {strides = array<i32>} : memref<6720xi32, #tpu.memory_space<vmem>>, vector<16xi32>,
        %swap3A_375 = arith.constant 64 : index
        %swap3A_376 = tpu.vector_load %arg15[%swap3A_375] {strides = array<i32>} : memref<80xi32, #tpu.memory_space<vmem>>, vector<16xi32>,
        tpu.vector_store %arg15[%swap3A_375], %get3A_374 {strides = array<i32>} : memref<80xi32, #tpu.memory_space<vmem>>, vector<16xi32>,
        %mul3A_377 = arith.constant 80 : i32
        %mul3A_378 = arith.muli %add3A_328, %mul3A_377 : i32
        %scan3A_379 = arith.constant 0 : i32
        %scan3A_380 = arith.constant 0 : i32
        %scan3A_381 = arith.constant 20 : i32
        %scan3A_382 = arith.addi %scan3A_380, %scan3A_381 : i32
        %scan3A_383 = arith.constant 1 : i32
        %scan3A_384 = scf.for %scan3A_468 = %scan3A_380 to %scan3A_382 step %scan3A_383 iter_args(%scan3A_469 = %scan3A_379) -> (i32)  : i32 {
          %mul3A_470 = arith.constant 4 : i32
          %mul3A_471 = arith.muli %mul3A_470, %scan3A_468 : i32
          %add3A_472 = arith.addi %mul3A_378, %mul3A_471 : i32
          %add3A_473 = arith.constant 0 : i32
          %add3A_474 = arith.addi %add3A_472, %add3A_473 : i32
          %add3A_475 = vector.broadcast %add3A_474 : i32 to vector<16xi32>
          %add3A_476 = arith.addi %broadcast_in_dim3A_8, %add3A_475 : vector<16xi32>
          %gather3A = tpu.vector_load_idx %arg11[%add3A_476] : memref<3360xf32, #tpu.memory_space<vmem>>[vector<16xi32>], vector<16xf32>,
          %add3A_477 = arith.addi %mul3A_378, %mul3A_471 : i32
          %add3A_478 = arith.constant 1 : i32
          %add3A_479 = arith.addi %add3A_477, %add3A_478 : i32
          %add3A_480 = vector.broadcast %add3A_479 : i32 to vector<16xi32>
          %add3A_481 = arith.addi %broadcast_in_dim3A_8, %add3A_480 : vector<16xi32>
          %gather3A_482 = tpu.vector_load_idx %arg11[%add3A_481] : memref<3360xf32, #tpu.memory_space<vmem>>[vector<16xi32>], vector<16xf32>,
          %add3A_483 = arith.addi %mul3A_378, %mul3A_471 : i32
          %add3A_484 = arith.constant 2 : i32
          %add3A_485 = arith.addi %add3A_483, %add3A_484 : i32
          %add3A_486 = vector.broadcast %add3A_485 : i32 to vector<16xi32>
          %add3A_487 = arith.addi %broadcast_in_dim3A_8, %add3A_486 : vector<16xi32>
          %gather3A_488 = tpu.vector_load_idx %arg11[%add3A_487] : memref<3360xf32, #tpu.memory_space<vmem>>[vector<16xi32>], vector<16xf32>,
          %add3A_489 = arith.addi %mul3A_378, %mul3A_471 : i32
          %add3A_490 = arith.constant 3 : i32
          %add3A_491 = arith.addi %add3A_489, %add3A_490 : i32
          %add3A_492 = vector.broadcast %add3A_491 : i32 to vector<16xi32>
          %add3A_493 = arith.addi %broadcast_in_dim3A_8, %add3A_492 : vector<16xi32>
          %gather3A_494 = tpu.vector_load_idx %arg11[%add3A_493] : memref<3360xf32, #tpu.memory_space<vmem>>[vector<16xi32>], vector<16xf32>,
          %add3A_495 = arith.constant 0 : i32
          %add3A_496 = arith.addi %mul3A_471, %add3A_495 : i32
          %get3A_497 = arith.index_cast %add3A_496 : i32 to index
          %get3A_498 = arith.constant 0 : index
          %get3A_499 = tpu.vector_load %arg9[%get3A_497, %get3A_498] {strides = array<i32>} : memref<80x128xf32, #tpu.memory_space<vmem>>, vector<16xf32>,
          %mul3A_500 = arith.mulf %get3A_499, %gather3A : vector<16xf32>
          %add3A_501 = arith.constant 0 : i32
          %add3A_502 = arith.addi %mul3A_471, %add3A_501 : i32
          %swap3A_503 = arith.index_cast %add3A_502 : i32 to index
          %swap3A_504 = arith.constant 0 : index
          %swap3A_505 = tpu.vector_load %arg9[%swap3A_503, %swap3A_504] {strides = array<i32>} : memref<80x128xf32, #tpu.memory_space<vmem>>, vector<16xf32>,
          tpu.vector_store %arg9[%swap3A_503, %swap3A_504], %mul3A_500 {strides = array<i32>} : memref<80x128xf32, #tpu.memory_space<vmem>>, vector<16xf32>,
          %add3A_506 = arith.constant 0 : i32
          %add3A_507 = arith.addi %mul3A_471, %add3A_506 : i32
          %get3A_508 = arith.index_cast %add3A_507 : i32 to index
          %get3A_509 = arith.constant 16 : index
          %get3A_510 = tpu.vector_load %arg9[%get3A_508, %get3A_509] {strides = array<i32>} : memref<80x128xf32, #tpu.memory_space<vmem>>, vector<16xf32>,
          %mul3A_511 = arith.mulf %get3A_510, %gather3A : vector<16xf32>
          %add3A_512 = arith.constant 0 : i32
          %add3A_513 = arith.addi %mul3A_471, %add3A_512 : i32
          %swap3A_514 = arith.index_cast %add3A_513 : i32 to index
          %swap3A_515 = arith.constant 16 : index
          %swap3A_516 = tpu.vector_load %arg9[%swap3A_514, %swap3A_515] {strides = array<i32>} : memref<80x128xf32, #tpu.memory_space<vmem>>, vector<16xf32>,
          tpu.vector_store %arg9[%swap3A_514, %swap3A_515], %mul3A_511 {strides = array<i32>} : memref<80x128xf32, #tpu.memory_space<vmem>>, vector<16xf32>,
          %add3A_517 = arith.constant 0 : i32
          %add3A_518 = arith.addi %mul3A_471, %add3A_517 : i32
          %get3A_519 = arith.index_cast %add3A_518 : i32 to index
          %get3A_520 = arith.constant 32 : index
          %get3A_521 = tpu.vector_load %arg9[%get3A_519, %get3A_520] {strides = array<i32>} : memref<80x128xf32, #tpu.memory_space<vmem>>, vector<16xf32>,
          %mul3A_522 = arith.mulf %get3A_521, %gather3A : vector<16xf32>
          %add3A_523 = arith.constant 0 : i32
          %add3A_524 = arith.addi %mul3A_471, %add3A_523 : i32
          %swap3A_525 = arith.index_cast %add3A_524 : i32 to index
          %swap3A_526 = arith.constant 32 : index
          %swap3A_527 = tpu.vector_load %arg9[%swap3A_525, %swap3A_526] {strides = array<i32>} : memref<80x128xf32, #tpu.memory_space<vmem>>, vector<16xf32>,
          tpu.vector_store %arg9[%swap3A_525, %swap3A_526], %mul3A_522 {strides = array<i32>} : memref<80x128xf32, #tpu.memory_space<vmem>>, vector<16xf32>,
          %add3A_528 = arith.constant 0 : i32
          %add3A_529 = arith.addi %mul3A_471, %add3A_528 : i32
          %get3A_530 = arith.index_cast %add3A_529 : i32 to index
          %get3A_531 = arith.constant 48 : index
          %get3A_532 = tpu.vector_load %arg9[%get3A_530, %get3A_531] {strides = array<i32>} : memref<80x128xf32, #tpu.memory_space<vmem>>, vector<16xf32>,
          %mul3A_533 = arith.mulf %get3A_532, %gather3A : vector<16xf32>
          %add3A_534 = arith.constant 0 : i32
          %add3A_535 = arith.addi %mul3A_471, %add3A_534 : i32
          %swap3A_536 = arith.index_cast %add3A_535 : i32 to index
          %swap3A_537 = arith.constant 48 : index
          %swap3A_538 = tpu.vector_load %arg9[%swap3A_536, %swap3A_537] {strides = array<i32>} : memref<80x128xf32, #tpu.memory_space<vmem>>, vector<16xf32>,
          tpu.vector_store %arg9[%swap3A_536, %swap3A_537], %mul3A_533 {strides = array<i32>} : memref<80x128xf32, #tpu.memory_space<vmem>>, vector<16xf32>,
          %add3A_539 = arith.constant 0 : i32
          %add3A_540 = arith.addi %mul3A_471, %add3A_539 : i32
          %get3A_541 = arith.index_cast %add3A_540 : i32 to index
          %get3A_542 = arith.constant 64 : index
          %get3A_543 = tpu.vector_load %arg9[%get3A_541, %get3A_542] {strides = array<i32>} : memref<80x128xf32, #tpu.memory_space<vmem>>, vector<16xf32>,
          %mul3A_544 = arith.mulf %get3A_543, %gather3A : vector<16xf32>
          %add3A_545 = arith.constant 0 : i32
          %add3A_546 = arith.addi %mul3A_471, %add3A_545 : i32
          %swap3A_547 = arith.index_cast %add3A_546 : i32 to index
          %swap3A_548 = arith.constant 64 : index
          %swap3A_549 = tpu.vector_load %arg9[%swap3A_547, %swap3A_548] {strides = array<i32>} : memref<80x128xf32, #tpu.memory_space<vmem>>, vector<16xf32>,
          tpu.vector_store %arg9[%swap3A_547, %swap3A_548], %mul3A_544 {strides = array<i32>} : memref<80x128xf32, #tpu.memory_space<vmem>>, vector<16xf32>,
          %add3A_550 = arith.constant 0 : i32
          %add3A_551 = arith.addi %mul3A_471, %add3A_550 : i32
          %get3A_552 = arith.index_cast %add3A_551 : i32 to index
          %get3A_553 = arith.constant 80 : index
          %get3A_554 = tpu.vector_load %arg9[%get3A_552, %get3A_553] {strides = array<i32>} : memref<80x128xf32, #tpu.memory_space<vmem>>, vector<16xf32>,
          %mul3A_555 = arith.mulf %get3A_554, %gather3A : vector<16xf32>
          %add3A_556 = arith.constant 0 : i32
          %add3A_557 = arith.addi %mul3A_471, %add3A_556 : i32
          %swap3A_558 = arith.index_cast %add3A_557 : i32 to index
          %swap3A_559 = arith.constant 80 : index
          %swap3A_560 = tpu.vector_load %arg9[%swap3A_558, %swap3A_559] {strides = array<i32>} : memref<80x128xf32, #tpu.memory_space<vmem>>, vector<16xf32>,
          tpu.vector_store %arg9[%swap3A_558, %swap3A_559], %mul3A_555 {strides = array<i32>} : memref<80x128xf32, #tpu.memory_space<vmem>>, vector<16xf32>,
          %add3A_561 = arith.constant 0 : i32
          %add3A_562 = arith.addi %mul3A_471, %add3A_561 : i32
          %get3A_563 = arith.index_cast %add3A_562 : i32 to index
          %get3A_564 = arith.constant 96 : index
          %get3A_565 = tpu.vector_load %arg9[%get3A_563, %get3A_564] {strides = array<i32>} : memref<80x128xf32, #tpu.memory_space<vmem>>, vector<16xf32>,
          %mul3A_566 = arith.mulf %get3A_565, %gather3A : vector<16xf32>
          %add3A_567 = arith.constant 0 : i32
          %add3A_568 = arith.addi %mul3A_471, %add3A_567 : i32
          %swap3A_569 = arith.index_cast %add3A_568 : i32 to index
          %swap3A_570 = arith.constant 96 : index
          %swap3A_571 = tpu.vector_load %arg9[%swap3A_569, %swap3A_570] {strides = array<i32>} : memref<80x128xf32, #tpu.memory_space<vmem>>, vector<16xf32>,
          tpu.vector_store %arg9[%swap3A_569, %swap3A_570], %mul3A_566 {strides = array<i32>} : memref<80x128xf32, #tpu.memory_space<vmem>>, vector<16xf32>,
          %add3A_572 = arith.constant 0 : i32
          %add3A_573 = arith.addi %mul3A_471, %add3A_572 : i32
          %get3A_574 = arith.index_cast %add3A_573 : i32 to index
          %get3A_575 = arith.constant 112 : index
          %get3A_576 = tpu.vector_load %arg9[%get3A_574, %get3A_575] {strides = array<i32>} : memref<80x128xf32, #tpu.memory_space<vmem>>, vector<16xf32>,
          %mul3A_577 = arith.mulf %get3A_576, %gather3A : vector<16xf32>
          %add3A_578 = arith.constant 0 : i32
          %add3A_579 = arith.addi %mul3A_471, %add3A_578 : i32
          %swap3A_580 = arith.index_cast %add3A_579 : i32 to index
          %swap3A_581 = arith.constant 112 : index
          %swap3A_582 = tpu.vector_load %arg9[%swap3A_580, %swap3A_581] {strides = array<i32>} : memref<80x128xf32, #tpu.memory_space<vmem>>, vector<16xf32>,
          tpu.vector_store %arg9[%swap3A_580, %swap3A_581], %mul3A_577 {strides = array<i32>} : memref<80x128xf32, #tpu.memory_space<vmem>>, vector<16xf32>,
          %add3A_583 = arith.constant 1 : i32
          %add3A_584 = arith.addi %mul3A_471, %add3A_583 : i32
          %get3A_585 = arith.index_cast %add3A_584 : i32 to index
          %get3A_586 = arith.constant 0 : index
          %get3A_587 = tpu.vector_load %arg9[%get3A_585, %get3A_586] {strides = array<i32>} : memref<80x128xf32, #tpu.memory_space<vmem>>, vector<16xf32>,
          %mul3A_588 = arith.mulf %get3A_587, %gather3A_482 : vector<16xf32>
          %add3A_589 = arith.constant 1 : i32
          %add3A_590 = arith.addi %mul3A_471, %add3A_589 : i32
          %swap3A_591 = arith.index_cast %add3A_590 : i32 to index
          %swap3A_592 = arith.constant 0 : index
          %swap3A_593 = tpu.vector_load %arg9[%swap3A_591, %swap3A_592] {strides = array<i32>} : memref<80x128xf32, #tpu.memory_space<vmem>>, vector<16xf32>,
          tpu.vector_store %arg9[%swap3A_591, %swap3A_592], %mul3A_588 {strides = array<i32>} : memref<80x128xf32, #tpu.memory_space<vmem>>, vector<16xf32>,
          %add3A_594 = arith.constant 1 : i32
          %add3A_595 = arith.addi %mul3A_471, %add3A_594 : i32
          %get3A_596 = arith.index_cast %add3A_595 : i32 to index
          %get3A_597 = arith.constant 16 : index
          %get3A_598 = tpu.vector_load %arg9[%get3A_596, %get3A_597] {strides = array<i32>} : memref<80x128xf32, #tpu.memory_space<vmem>>, vector<16xf32>,
          %mul3A_599 = arith.mulf %get3A_598, %gather3A_482 : vector<16xf32>
          %add3A_600 = arith.constant 1 : i32
          %add3A_601 = arith.addi %mul3A_471, %add3A_600 : i32
          %swap3A_602 = arith.index_cast %add3A_601 : i32 to index
          %swap3A_603 = arith.constant 16 : index
          %swap3A_604 = tpu.vector_load %arg9[%swap3A_602, %swap3A_603] {strides = array<i32>} : memref<80x128xf32, #tpu.memory_space<vmem>>, vector<16xf32>,
          tpu.vector_store %arg9[%swap3A_602, %swap3A_603], %mul3A_599 {strides = array<i32>} : memref<80x128xf32, #tpu.memory_space<vmem>>, vector<16xf32>,
          %add3A_605 = arith.constant 1 : i32
          %add3A_606 = arith.addi %mul3A_471, %add3A_605 : i32
          %get3A_607 = arith.index_cast %add3A_606 : i32 to index
          %get3A_608 = arith.constant 32 : index
          %get3A_609 = tpu.vector_load %arg9[%get3A_607, %get3A_608] {strides = array<i32>} : memref<80x128xf32, #tpu.memory_space<vmem>>, vector<16xf32>,
          %mul3A_610 = arith.mulf %get3A_609, %gather3A_482 : vector<16xf32>
          %add3A_611 = arith.constant 1 : i32
          %add3A_612 = arith.addi %mul3A_471, %add3A_611 : i32
          %swap3A_613 = arith.index_cast %add3A_612 : i32 to index
          %swap3A_614 = arith.constant 32 : index
          %swap3A_615 = tpu.vector_load %arg9[%swap3A_613, %swap3A_614] {strides = array<i32>} : memref<80x128xf32, #tpu.memory_space<vmem>>, vector<16xf32>,
          tpu.vector_store %arg9[%swap3A_613, %swap3A_614], %mul3A_610 {strides = array<i32>} : memref<80x128xf32, #tpu.memory_space<vmem>>, vector<16xf32>,
          %add3A_616 = arith.constant 1 : i32
          %add3A_617 = arith.addi %mul3A_471, %add3A_616 : i32
          %get3A_618 = arith.index_cast %add3A_617 : i32 to index
          %get3A_619 = arith.constant 48 : index
          %get3A_620 = tpu.vector_load %arg9[%get3A_618, %get3A_619] {strides = array<i32>} : memref<80x128xf32, #tpu.memory_space<vmem>>, vector<16xf32>,
          %mul3A_621 = arith.mulf %get3A_620, %gather3A_482 : vector<16xf32>
          %add3A_622 = arith.constant 1 : i32
          %add3A_623 = arith.addi %mul3A_471, %add3A_622 : i32
          %swap3A_624 = arith.index_cast %add3A_623 : i32 to index
          %swap3A_625 = arith.constant 48 : index
          %swap3A_626 = tpu.vector_load %arg9[%swap3A_624, %swap3A_625] {strides = array<i32>} : memref<80x128xf32, #tpu.memory_space<vmem>>, vector<16xf32>,
          tpu.vector_store %arg9[%swap3A_624, %swap3A_625], %mul3A_621 {strides = array<i32>} : memref<80x128xf32, #tpu.memory_space<vmem>>, vector<16xf32>,
          %add3A_627 = arith.constant 1 : i32
          %add3A_628 = arith.addi %mul3A_471, %add3A_627 : i32
          %get3A_629 = arith.index_cast %add3A_628 : i32 to index
          %get3A_630 = arith.constant 64 : index
          %get3A_631 = tpu.vector_load %arg9[%get3A_629, %get3A_630] {strides = array<i32>} : memref<80x128xf32, #tpu.memory_space<vmem>>, vector<16xf32>,
          %mul3A_632 = arith.mulf %get3A_631, %gather3A_482 : vector<16xf32>
          %add3A_633 = arith.constant 1 : i32
          %add3A_634 = arith.addi %mul3A_471, %add3A_633 : i32
          %swap3A_635 = arith.index_cast %add3A_634 : i32 to index
          %swap3A_636 = arith.constant 64 : index
          %swap3A_637 = tpu.vector_load %arg9[%swap3A_635, %swap3A_636] {strides = array<i32>} : memref<80x128xf32, #tpu.memory_space<vmem>>, vector<16xf32>,
          tpu.vector_store %arg9[%swap3A_635, %swap3A_636], %mul3A_632 {strides = array<i32>} : memref<80x128xf32, #tpu.memory_space<vmem>>, vector<16xf32>,
          %add3A_638 = arith.constant 1 : i32
          %add3A_639 = arith.addi %mul3A_471, %add3A_638 : i32
          %get3A_640 = arith.index_cast %add3A_639 : i32 to index
          %get3A_641 = arith.constant 80 : index
          %get3A_642 = tpu.vector_load %arg9[%get3A_640, %get3A_641] {strides = array<i32>} : memref<80x128xf32, #tpu.memory_space<vmem>>, vector<16xf32>,
          %mul3A_643 = arith.mulf %get3A_642, %gather3A_482 : vector<16xf32>
          %add3A_644 = arith.constant 1 : i32
          %add3A_645 = arith.addi %mul3A_471, %add3A_644 : i32
          %swap3A_646 = arith.index_cast %add3A_645 : i32 to index
          %swap3A_647 = arith.constant 80 : index
          %swap3A_648 = tpu.vector_load %arg9[%swap3A_646, %swap3A_647] {strides = array<i32>} : memref<80x128xf32, #tpu.memory_space<vmem>>, vector<16xf32>,
          tpu.vector_store %arg9[%swap3A_646, %swap3A_647], %mul3A_643 {strides = array<i32>} : memref<80x128xf32, #tpu.memory_space<vmem>>, vector<16xf32>,
          %add3A_649 = arith.constant 1 : i32
          %add3A_650 = arith.addi %mul3A_471, %add3A_649 : i32
          %get3A_651 = arith.index_cast %add3A_650 : i32 to index
          %get3A_652 = arith.constant 96 : index
          %get3A_653 = tpu.vector_load %arg9[%get3A_651, %get3A_652] {strides = array<i32>} : memref<80x128xf32, #tpu.memory_space<vmem>>, vector<16xf32>,
          %mul3A_654 = arith.mulf %get3A_653, %gather3A_482 : vector<16xf32>
          %add3A_655 = arith.constant 1 : i32
          %add3A_656 = arith.addi %mul3A_471, %add3A_655 : i32
          %swap3A_657 = arith.index_cast %add3A_656 : i32 to index
          %swap3A_658 = arith.constant 96 : index
          %swap3A_659 = tpu.vector_load %arg9[%swap3A_657, %swap3A_658] {strides = array<i32>} : memref<80x128xf32, #tpu.memory_space<vmem>>, vector<16xf32>,
          tpu.vector_store %arg9[%swap3A_657, %swap3A_658], %mul3A_654 {strides = array<i32>} : memref<80x128xf32, #tpu.memory_space<vmem>>, vector<16xf32>,
          %add3A_660 = arith.constant 1 : i32
          %add3A_661 = arith.addi %mul3A_471, %add3A_660 : i32
          %get3A_662 = arith.index_cast %add3A_661 : i32 to index
          %get3A_663 = arith.constant 112 : index
          %get3A_664 = tpu.vector_load %arg9[%get3A_662, %get3A_663] {strides = array<i32>} : memref<80x128xf32, #tpu.memory_space<vmem>>, vector<16xf32>,
          %mul3A_665 = arith.mulf %get3A_664, %gather3A_482 : vector<16xf32>
          %add3A_666 = arith.constant 1 : i32
          %add3A_667 = arith.addi %mul3A_471, %add3A_666 : i32
          %swap3A_668 = arith.index_cast %add3A_667 : i32 to index
          %swap3A_669 = arith.constant 112 : index
          %swap3A_670 = tpu.vector_load %arg9[%swap3A_668, %swap3A_669] {strides = array<i32>} : memref<80x128xf32, #tpu.memory_space<vmem>>, vector<16xf32>,
          tpu.vector_store %arg9[%swap3A_668, %swap3A_669], %mul3A_665 {strides = array<i32>} : memref<80x128xf32, #tpu.memory_space<vmem>>, vector<16xf32>,
          %add3A_671 = arith.constant 2 : i32
          %add3A_672 = arith.addi %mul3A_471, %add3A_671 : i32
          %get3A_673 = arith.index_cast %add3A_672 : i32 to index
          %get3A_674 = arith.constant 0 : index
          %get3A_675 = tpu.vector_load %arg9[%get3A_673, %get3A_674] {strides = array<i32>} : memref<80x128xf32, #tpu.memory_space<vmem>>, vector<16xf32>,
          %mul3A_676 = arith.mulf %get3A_675, %gather3A_488 : vector<16xf32>
          %add3A_677 = arith.constant 2 : i32
          %add3A_678 = arith.addi %mul3A_471, %add3A_677 : i32
          %swap3A_679 = arith.index_cast %add3A_678 : i32 to index
          %swap3A_680 = arith.constant 0 : index
          %swap3A_681 = tpu.vector_load %arg9[%swap3A_679, %swap3A_680] {strides = array<i32>} : memref<80x128xf32, #tpu.memory_space<vmem>>, vector<16xf32>,
          tpu.vector_store %arg9[%swap3A_679, %swap3A_680], %mul3A_676 {strides = array<i32>} : memref<80x128xf32, #tpu.memory_space<vmem>>, vector<16xf32>,
          %add3A_682 = arith.constant 2 : i32
          %add3A_683 = arith.addi %mul3A_471, %add3A_682 : i32
          %get3A_684 = arith.index_cast %add3A_683 : i32 to index
          %get3A_685 = arith.constant 16 : index
          %get3A_686 = tpu.vector_load %arg9[%get3A_684, %get3A_685] {strides = array<i32>} : memref<80x128xf32, #tpu.memory_space<vmem>>, vector<16xf32>,
          %mul3A_687 = arith.mulf %get3A_686, %gather3A_488 : vector<16xf32>
          %add3A_688 = arith.constant 2 : i32
          %add3A_689 = arith.addi %mul3A_471, %add3A_688 : i32
          %swap3A_690 = arith.index_cast %add3A_689 : i32 to index
          %swap3A_691 = arith.constant 16 : index
          %swap3A_692 = tpu.vector_load %arg9[%swap3A_690, %swap3A_691] {strides = array<i32>} : memref<80x128xf32, #tpu.memory_space<vmem>>, vector<16xf32>,
          tpu.vector_store %arg9[%swap3A_690, %swap3A_691], %mul3A_687 {strides = array<i32>} : memref<80x128xf32, #tpu.memory_space<vmem>>, vector<16xf32>,
          %add3A_693 = arith.constant 2 : i32
          %add3A_694 = arith.addi %mul3A_471, %add3A_693 : i32
          %get3A_695 = arith.index_cast %add3A_694 : i32 to index
          %get3A_696 = arith.constant 32 : index
          %get3A_697 = tpu.vector_load %arg9[%get3A_695, %get3A_696] {strides = array<i32>} : memref<80x128xf32, #tpu.memory_space<vmem>>, vector<16xf32>,
          %mul3A_698 = arith.mulf %get3A_697, %gather3A_488 : vector<16xf32>
          %add3A_699 = arith.constant 2 : i32
          %add3A_700 = arith.addi %mul3A_471, %add3A_699 : i32
          %swap3A_701 = arith.index_cast %add3A_700 : i32 to index
          %swap3A_702 = arith.constant 32 : index
          %swap3A_703 = tpu.vector_load %arg9[%swap3A_701, %swap3A_702] {strides = array<i32>} : memref<80x128xf32, #tpu.memory_space<vmem>>, vector<16xf32>,
          tpu.vector_store %arg9[%swap3A_701, %swap3A_702], %mul3A_698 {strides = array<i32>} : memref<80x128xf32, #tpu.memory_space<vmem>>, vector<16xf32>,
          %add3A_704 = arith.constant 2 : i32
          %add3A_705 = arith.addi %mul3A_471, %add3A_704 : i32
          %get3A_706 = arith.index_cast %add3A_705 : i32 to index
          %get3A_707 = arith.constant 48 : index
          %get3A_708 = tpu.vector_load %arg9[%get3A_706, %get3A_707] {strides = array<i32>} : memref<80x128xf32, #tpu.memory_space<vmem>>, vector<16xf32>,
          %mul3A_709 = arith.mulf %get3A_708, %gather3A_488 : vector<16xf32>
          %add3A_710 = arith.constant 2 : i32
          %add3A_711 = arith.addi %mul3A_471, %add3A_710 : i32
          %swap3A_712 = arith.index_cast %add3A_711 : i32 to index
          %swap3A_713 = arith.constant 48 : index
          %swap3A_714 = tpu.vector_load %arg9[%swap3A_712, %swap3A_713] {strides = array<i32>} : memref<80x128xf32, #tpu.memory_space<vmem>>, vector<16xf32>,
          tpu.vector_store %arg9[%swap3A_712, %swap3A_713], %mul3A_709 {strides = array<i32>} : memref<80x128xf32, #tpu.memory_space<vmem>>, vector<16xf32>,
          %add3A_715 = arith.constant 2 : i32
          %add3A_716 = arith.addi %mul3A_471, %add3A_715 : i32
          %get3A_717 = arith.index_cast %add3A_716 : i32 to index
          %get3A_718 = arith.constant 64 : index
          %get3A_719 = tpu.vector_load %arg9[%get3A_717, %get3A_718] {strides = array<i32>} : memref<80x128xf32, #tpu.memory_space<vmem>>, vector<16xf32>,
          %mul3A_720 = arith.mulf %get3A_719, %gather3A_488 : vector<16xf32>
          %add3A_721 = arith.constant 2 : i32
          %add3A_722 = arith.addi %mul3A_471, %add3A_721 : i32
          %swap3A_723 = arith.index_cast %add3A_722 : i32 to index
          %swap3A_724 = arith.constant 64 : index
          %swap3A_725 = tpu.vector_load %arg9[%swap3A_723, %swap3A_724] {strides = array<i32>} : memref<80x128xf32, #tpu.memory_space<vmem>>, vector<16xf32>,
          tpu.vector_store %arg9[%swap3A_723, %swap3A_724], %mul3A_720 {strides = array<i32>} : memref<80x128xf32, #tpu.memory_space<vmem>>, vector<16xf32>,
          %add3A_726 = arith.constant 2 : i32
          %add3A_727 = arith.addi %mul3A_471, %add3A_726 : i32
          %get3A_728 = arith.index_cast %add3A_727 : i32 to index
          %get3A_729 = arith.constant 80 : index
          %get3A_730 = tpu.vector_load %arg9[%get3A_728, %get3A_729] {strides = array<i32>} : memref<80x128xf32, #tpu.memory_space<vmem>>, vector<16xf32>,
          %mul3A_731 = arith.mulf %get3A_730, %gather3A_488 : vector<16xf32>
          %add3A_732 = arith.constant 2 : i32
          %add3A_733 = arith.addi %mul3A_471, %add3A_732 : i32
          %swap3A_734 = arith.index_cast %add3A_733 : i32 to index
          %swap3A_735 = arith.constant 80 : index
          %swap3A_736 = tpu.vector_load %arg9[%swap3A_734, %swap3A_735] {strides = array<i32>} : memref<80x128xf32, #tpu.memory_space<vmem>>, vector<16xf32>,
          tpu.vector_store %arg9[%swap3A_734, %swap3A_735], %mul3A_731 {strides = array<i32>} : memref<80x128xf32, #tpu.memory_space<vmem>>, vector<16xf32>,
          %add3A_737 = arith.constant 2 : i32
          %add3A_738 = arith.addi %mul3A_471, %add3A_737 : i32
          %get3A_739 = arith.index_cast %add3A_738 : i32 to index
          %get3A_740 = arith.constant 96 : index
          %get3A_741 = tpu.vector_load %arg9[%get3A_739, %get3A_740] {strides = array<i32>} : memref<80x128xf32, #tpu.memory_space<vmem>>, vector<16xf32>,
          %mul3A_742 = arith.mulf %get3A_741, %gather3A_488 : vector<16xf32>
          %add3A_743 = arith.constant 2 : i32
          %add3A_744 = arith.addi %mul3A_471, %add3A_743 : i32
          %swap3A_745 = arith.index_cast %add3A_744 : i32 to index
          %swap3A_746 = arith.constant 96 : index
          %swap3A_747 = tpu.vector_load %arg9[%swap3A_745, %swap3A_746] {strides = array<i32>} : memref<80x128xf32, #tpu.memory_space<vmem>>, vector<16xf32>,
          tpu.vector_store %arg9[%swap3A_745, %swap3A_746], %mul3A_742 {strides = array<i32>} : memref<80x128xf32, #tpu.memory_space<vmem>>, vector<16xf32>,
          %add3A_748 = arith.constant 2 : i32
          %add3A_749 = arith.addi %mul3A_471, %add3A_748 : i32
          %get3A_750 = arith.index_cast %add3A_749 : i32 to index
          %get3A_751 = arith.constant 112 : index
          %get3A_752 = tpu.vector_load %arg9[%get3A_750, %get3A_751] {strides = array<i32>} : memref<80x128xf32, #tpu.memory_space<vmem>>, vector<16xf32>,
          %mul3A_753 = arith.mulf %get3A_752, %gather3A_488 : vector<16xf32>
          %add3A_754 = arith.constant 2 : i32
          %add3A_755 = arith.addi %mul3A_471, %add3A_754 : i32
          %swap3A_756 = arith.index_cast %add3A_755 : i32 to index
          %swap3A_757 = arith.constant 112 : index
          %swap3A_758 = tpu.vector_load %arg9[%swap3A_756, %swap3A_757] {strides = array<i32>} : memref<80x128xf32, #tpu.memory_space<vmem>>, vector<16xf32>,
          tpu.vector_store %arg9[%swap3A_756, %swap3A_757], %mul3A_753 {strides = array<i32>} : memref<80x128xf32, #tpu.memory_space<vmem>>, vector<16xf32>,
          %add3A_759 = arith.constant 3 : i32
          %add3A_760 = arith.addi %mul3A_471, %add3A_759 : i32
          %get3A_761 = arith.index_cast %add3A_760 : i32 to index
          %get3A_762 = arith.constant 0 : index
          %get3A_763 = tpu.vector_load %arg9[%get3A_761, %get3A_762] {strides = array<i32>} : memref<80x128xf32, #tpu.memory_space<vmem>>, vector<16xf32>,
          %mul3A_764 = arith.mulf %get3A_763, %gather3A_494 : vector<16xf32>
          %add3A_765 = arith.constant 3 : i32
          %add3A_766 = arith.addi %mul3A_471, %add3A_765 : i32
          %swap3A_767 = arith.index_cast %add3A_766 : i32 to index
          %swap3A_768 = arith.constant 0 : index
          %swap3A_769 = tpu.vector_load %arg9[%swap3A_767, %swap3A_768] {strides = array<i32>} : memref<80x128xf32, #tpu.memory_space<vmem>>, vector<16xf32>,
          tpu.vector_store %arg9[%swap3A_767, %swap3A_768], %mul3A_764 {strides = array<i32>} : memref<80x128xf32, #tpu.memory_space<vmem>>, vector<16xf32>,
          %add3A_770 = arith.constant 3 : i32
          %add3A_771 = arith.addi %mul3A_471, %add3A_770 : i32
          %get3A_772 = arith.index_cast %add3A_771 : i32 to index
          %get3A_773 = arith.constant 16 : index
          %get3A_774 = tpu.vector_load %arg9[%get3A_772, %get3A_773] {strides = array<i32>} : memref<80x128xf32, #tpu.memory_space<vmem>>, vector<16xf32>,
          %mul3A_775 = arith.mulf %get3A_774, %gather3A_494 : vector<16xf32>
          %add3A_776 = arith.constant 3 : i32
          %add3A_777 = arith.addi %mul3A_471, %add3A_776 : i32
          %swap3A_778 = arith.index_cast %add3A_777 : i32 to index
          %swap3A_779 = arith.constant 16 : index
          %swap3A_780 = tpu.vector_load %arg9[%swap3A_778, %swap3A_779] {strides = array<i32>} : memref<80x128xf32, #tpu.memory_space<vmem>>, vector<16xf32>,
          tpu.vector_store %arg9[%swap3A_778, %swap3A_779], %mul3A_775 {strides = array<i32>} : memref<80x128xf32, #tpu.memory_space<vmem>>, vector<16xf32>,
          %add3A_781 = arith.constant 3 : i32
          %add3A_782 = arith.addi %mul3A_471, %add3A_781 : i32
          %get3A_783 = arith.index_cast %add3A_782 : i32 to index
          %get3A_784 = arith.constant 32 : index
          %get3A_785 = tpu.vector_load %arg9[%get3A_783, %get3A_784] {strides = array<i32>} : memref<80x128xf32, #tpu.memory_space<vmem>>, vector<16xf32>,
          %mul3A_786 = arith.mulf %get3A_785, %gather3A_494 : vector<16xf32>
          %add3A_787 = arith.constant 3 : i32
          %add3A_788 = arith.addi %mul3A_471, %add3A_787 : i32
          %swap3A_789 = arith.index_cast %add3A_788 : i32 to index
          %swap3A_790 = arith.constant 32 : index
          %swap3A_791 = tpu.vector_load %arg9[%swap3A_789, %swap3A_790] {strides = array<i32>} : memref<80x128xf32, #tpu.memory_space<vmem>>, vector<16xf32>,
          tpu.vector_store %arg9[%swap3A_789, %swap3A_790], %mul3A_786 {strides = array<i32>} : memref<80x128xf32, #tpu.memory_space<vmem>>, vector<16xf32>,
          %add3A_792 = arith.constant 3 : i32
          %add3A_793 = arith.addi %mul3A_471, %add3A_792 : i32
          %get3A_794 = arith.index_cast %add3A_793 : i32 to index
          %get3A_795 = arith.constant 48 : index
          %get3A_796 = tpu.vector_load %arg9[%get3A_794, %get3A_795] {strides = array<i32>} : memref<80x128xf32, #tpu.memory_space<vmem>>, vector<16xf32>,
          %mul3A_797 = arith.mulf %get3A_796, %gather3A_494 : vector<16xf32>
          %add3A_798 = arith.constant 3 : i32
          %add3A_799 = arith.addi %mul3A_471, %add3A_798 : i32
          %swap3A_800 = arith.index_cast %add3A_799 : i32 to index
          %swap3A_801 = arith.constant 48 : index
          %swap3A_802 = tpu.vector_load %arg9[%swap3A_800, %swap3A_801] {strides = array<i32>} : memref<80x128xf32, #tpu.memory_space<vmem>>, vector<16xf32>,
          tpu.vector_store %arg9[%swap3A_800, %swap3A_801], %mul3A_797 {strides = array<i32>} : memref<80x128xf32, #tpu.memory_space<vmem>>, vector<16xf32>,
          %add3A_803 = arith.constant 3 : i32
          %add3A_804 = arith.addi %mul3A_471, %add3A_803 : i32
          %get3A_805 = arith.index_cast %add3A_804 : i32 to index
          %get3A_806 = arith.constant 64 : index
          %get3A_807 = tpu.vector_load %arg9[%get3A_805, %get3A_806] {strides = array<i32>} : memref<80x128xf32, #tpu.memory_space<vmem>>, vector<16xf32>,
          %mul3A_808 = arith.mulf %get3A_807, %gather3A_494 : vector<16xf32>
          %add3A_809 = arith.constant 3 : i32
          %add3A_810 = arith.addi %mul3A_471, %add3A_809 : i32
          %swap3A_811 = arith.index_cast %add3A_810 : i32 to index
          %swap3A_812 = arith.constant 64 : index
          %swap3A_813 = tpu.vector_load %arg9[%swap3A_811, %swap3A_812] {strides = array<i32>} : memref<80x128xf32, #tpu.memory_space<vmem>>, vector<16xf32>,
          tpu.vector_store %arg9[%swap3A_811, %swap3A_812], %mul3A_808 {strides = array<i32>} : memref<80x128xf32, #tpu.memory_space<vmem>>, vector<16xf32>,
          %add3A_814 = arith.constant 3 : i32
          %add3A_815 = arith.addi %mul3A_471, %add3A_814 : i32
          %get3A_816 = arith.index_cast %add3A_815 : i32 to index
          %get3A_817 = arith.constant 80 : index
          %get3A_818 = tpu.vector_load %arg9[%get3A_816, %get3A_817] {strides = array<i32>} : memref<80x128xf32, #tpu.memory_space<vmem>>, vector<16xf32>,
          %mul3A_819 = arith.mulf %get3A_818, %gather3A_494 : vector<16xf32>
          %add3A_820 = arith.constant 3 : i32
          %add3A_821 = arith.addi %mul3A_471, %add3A_820 : i32
          %swap3A_822 = arith.index_cast %add3A_821 : i32 to index
          %swap3A_823 = arith.constant 80 : index
          %swap3A_824 = tpu.vector_load %arg9[%swap3A_822, %swap3A_823] {strides = array<i32>} : memref<80x128xf32, #tpu.memory_space<vmem>>, vector<16xf32>,
          tpu.vector_store %arg9[%swap3A_822, %swap3A_823], %mul3A_819 {strides = array<i32>} : memref<80x128xf32, #tpu.memory_space<vmem>>, vector<16xf32>,
          %add3A_825 = arith.constant 3 : i32
          %add3A_826 = arith.addi %mul3A_471, %add3A_825 : i32
          %get3A_827 = arith.index_cast %add3A_826 : i32 to index
          %get3A_828 = arith.constant 96 : index
          %get3A_829 = tpu.vector_load %arg9[%get3A_827, %get3A_828] {strides = array<i32>} : memref<80x128xf32, #tpu.memory_space<vmem>>, vector<16xf32>,
          %mul3A_830 = arith.mulf %get3A_829, %gather3A_494 : vector<16xf32>
          %add3A_831 = arith.constant 3 : i32
          %add3A_832 = arith.addi %mul3A_471, %add3A_831 : i32
          %swap3A_833 = arith.index_cast %add3A_832 : i32 to index
          %swap3A_834 = arith.constant 96 : index
          %swap3A_835 = tpu.vector_load %arg9[%swap3A_833, %swap3A_834] {strides = array<i32>} : memref<80x128xf32, #tpu.memory_space<vmem>>, vector<16xf32>,
          tpu.vector_store %arg9[%swap3A_833, %swap3A_834], %mul3A_830 {strides = array<i32>} : memref<80x128xf32, #tpu.memory_space<vmem>>, vector<16xf32>,
          %add3A_836 = arith.constant 3 : i32
          %add3A_837 = arith.addi %mul3A_471, %add3A_836 : i32
          %get3A_838 = arith.index_cast %add3A_837 : i32 to index
          %get3A_839 = arith.constant 112 : index
          %get3A_840 = tpu.vector_load %arg9[%get3A_838, %get3A_839] {strides = array<i32>} : memref<80x128xf32, #tpu.memory_space<vmem>>, vector<16xf32>,
          %mul3A_841 = arith.mulf %get3A_840, %gather3A_494 : vector<16xf32>
          %add3A_842 = arith.constant 3 : i32
          %add3A_843 = arith.addi %mul3A_471, %add3A_842 : i32
          %swap3A_844 = arith.index_cast %add3A_843 : i32 to index
          %swap3A_845 = arith.constant 112 : index
          %swap3A_846 = tpu.vector_load %arg9[%swap3A_844, %swap3A_845] {strides = array<i32>} : memref<80x128xf32, #tpu.memory_space<vmem>>, vector<16xf32>,
          tpu.vector_store %arg9[%swap3A_844, %swap3A_845], %mul3A_841 {strides = array<i32>} : memref<80x128xf32, #tpu.memory_space<vmem>>, vector<16xf32>,
          %scan3A_847 = arith.constant 0 : i32
          scf.yield %scan3A_847 : i32
        }
        %scan3A_385 = arith.constant 20 : i32
        %dma_start3A_386 = arith.constant 0 : i32
        %dma_start3A_387 = arith.constant 0 : i32
        %dma_start3A_388 = tpu.memref_slice %arg23[%dma_start3A_386, %dma_start3A_387] : memref<10240x128xf32, #tpu.memory_space<vmem_shared>> -> memref<10240x128xf32, #tpu.memory_space<vmem_shared>>
        tpu.enqueue_indirect_dma source(%arg9 : memref<80x128xf32, #tpu.memory_space<vmem>>) target(%dma_start3A_388 : memref<10240x128xf32, #tpu.memory_space<vmem_shared>>) offsets(%arg15 : memref<80xi32, #tpu.memory_space<vmem>>) semaphore(%arg21 : memref<!tpu.dma_semaphore, #tpu.memory_space<semaphore_mem>>) {add = true}
        %add3A_389 = arith.constant 2 : i32
        %add3A_390 = arith.addi %add3A_328, %add3A_389 : i32
        %le3A_391 = arith.constant 41 : i32
        %le3A_392 = arith.cmpi sle, %add3A_390, %le3A_391 : i32
        %convert_element_type3A_393 = arith.extui %le3A_392 : i1 to i32
        %cond3A_394 = arith.constant 0 : i32
        %cond3A_395 = arith.cmpi ne, %convert_element_type3A_393, %cond3A_394 : i32
        scf.if %cond3A_395 {
          %add3A_468 = arith.addi %while3A_214, %add3A_328 : i32
          %gt3A_469 = arith.constant 0 : i32
          %gt3A_470 = arith.cmpi sgt, %add3A_468, %gt3A_469 : i32
          %convert_element_type3A_471 = arith.extui %gt3A_470 : i1 to i32
          %cond3A_472 = arith.constant 0 : i32
          %cond3A_473 = arith.cmpi ne, %convert_element_type3A_471, %cond3A_472 : i32
          scf.if %cond3A_473 {
            %dma_wait3A_482 = arith.constant 0 : i32
            %dma_wait3A_483 = arith.constant 0 : i32
            %dma_wait3A_484 = tpu.memref_slice %arg23[%dma_wait3A_482, %dma_wait3A_483] : memref<10240x128xf32, #tpu.memory_space<vmem_shared>> -> memref<10240x128xf32, #tpu.memory_space<vmem_shared>>
            tpu.wait_indirect_dma semaphore(%arg20 : memref<!tpu.dma_semaphore, #tpu.memory_space<semaphore_mem>>) src(%arg8 : memref<80x128xf32, #tpu.memory_space<vmem>>) dst(%dma_wait3A_484 : memref<10240x128xf32, #tpu.memory_space<vmem_shared>>)
          } else {
          }
          %mul3A_474 = arith.constant 80 : i32
          %mul3A_475 = arith.muli %add3A_390, %mul3A_474 : i32
          %add3A_476 = arith.constant 3360 : i32
          %add3A_477 = arith.addi %add3A_476, %mul3A_475 : i32
          %dma_start3A_478 = tpu.memref_slice %arg12[%add3A_477] : memref<6720xi32, #tpu.memory_space<vmem>> -> memref<80xi32, #tpu.memory_space<vmem>>
          %dma_start3A_479 = arith.constant 0 : i32
          %dma_start3A_480 = arith.constant 0 : i32
          %dma_start3A_481 = tpu.memref_slice %arg2[%dma_start3A_479, %dma_start3A_480] : memref<10000x128xf32, #tpu.memory_space<hbm>> -> memref<10000x128xf32, #tpu.memory_space<hbm>>
          tpu.enqueue_indirect_dma source(%dma_start3A_481 : memref<10000x128xf32, #tpu.memory_space<hbm>>) target(%arg8 : memref<80x128xf32, #tpu.memory_space<vmem>>) offsets(%dma_start3A_478 : memref<80xi32, #tpu.memory_space<vmem>>) semaphore(%arg17 : memref<!tpu.dma_semaphore, #tpu.memory_space<semaphore_mem>>)
        } else {
        }
        %mul3A_396 = arith.constant 3 : i32
        %mul3A_397 = arith.muli %mul3A_396, %scan3A_254 : i32
        %add3A_398 = arith.constant 2 : i32
        %add3A_399 = arith.addi %mul3A_397, %add3A_398 : i32
        %mul3A_400 = arith.constant 80 : i32
        %mul3A_401 = arith.muli %add3A_399, %mul3A_400 : i32
        %add3A_402 = arith.constant 3360 : i32
        %add3A_403 = arith.addi %add3A_402, %mul3A_401 : i32
        %dma_wait3A_404 = tpu.memref_slice %arg12[%add3A_403] : memref<6720xi32, #tpu.memory_space<vmem>> -> memref<80xi32, #tpu.memory_space<vmem>>
        %dma_wait3A_405 = arith.constant 0 : i32
        %dma_wait3A_406 = arith.constant 0 : i32
        %dma_wait3A_407 = tpu.memref_slice %arg2[%dma_wait3A_405, %dma_wait3A_406] : memref<10000x128xf32, #tpu.memory_space<hbm>> -> memref<10000x128xf32, #tpu.memory_space<hbm>>
        tpu.wait_indirect_dma semaphore(%arg19 : memref<!tpu.dma_semaphore, #tpu.memory_space<semaphore_mem>>) src(%dma_wait3A_407 : memref<10000x128xf32, #tpu.memory_space<hbm>>) dst(%arg10 : memref<80x128xf32, #tpu.memory_space<vmem>>)
        %mul3A_408 = arith.constant 80 : i32
        %mul3A_409 = arith.muli %add3A_399, %mul3A_408 : i32
        %add3A_410 = arith.constant 0 : i32
        %add3A_411 = arith.addi %mul3A_409, %add3A_410 : i32
        %get3A_412 = arith.index_cast %add3A_411 : i32 to index
        %get3A_413 = tpu.vector_load %arg12[%get3A_412] {strides = array<i32>} : memref<6720xi32, #tpu.memory_space<vmem>>, vector<16xi32>,
        %swap3A_414 = arith.constant 0 : index
        %swap3A_415 = tpu.vector_load %arg16[%swap3A_414] {strides = array<i32>} : memref<80xi32, #tpu.memory_space<vmem>>, vector<16xi32>,
        tpu.vector_store %arg16[%swap3A_414], %get3A_413 {strides = array<i32>} : memref<80xi32, #tpu.memory_space<vmem>>, vector<16xi32>,
        %mul3A_416 = arith.constant 80 : i32
        %mul3A_417 = arith.muli %add3A_399, %mul3A_416 : i32
        %add3A_418 = arith.constant 16 : i32
        %add3A_419 = arith.addi %mul3A_417, %add3A_418 : i32
        %get3A_420 = arith.index_cast %add3A_419 : i32 to index
        %get3A_421 = tpu.vector_load %arg12[%get3A_420] {strides = array<i32>} : memref<6720xi32, #tpu.memory_space<vmem>>, vector<16xi32>,
        %swap3A_422 = arith.constant 16 : index
        %swap3A_423 = tpu.vector_load %arg16[%swap3A_422] {strides = array<i32>} : memref<80xi32, #tpu.memory_space<vmem>>, vector<16xi32>,
        tpu.vector_store %arg16[%swap3A_422], %get3A_421 {strides = array<i32>} : memref<80xi32, #tpu.memory_space<vmem>>, vector<16xi32>,
        %mul3A_424 = arith.constant 80 : i32
        %mul3A_425 = arith.muli %add3A_399, %mul3A_424 : i32
        %add3A_426 = arith.constant 32 : i32
        %add3A_427 = arith.addi %mul3A_425, %add3A_426 : i32
        %get3A_428 = arith.index_cast %add3A_427 : i32 to index
        %get3A_429 = tpu.vector_load %arg12[%get3A_428] {strides = array<i32>} : memref<6720xi32, #tpu.memory_space<vmem>>, vector<16xi32>,
        %swap3A_430 = arith.constant 32 : index
        %swap3A_431 = tpu.vector_load %arg16[%swap3A_430] {strides = array<i32>} : memref<80xi32, #tpu.memory_space<vmem>>, vector<16xi32>,
        tpu.vector_store %arg16[%swap3A_430], %get3A_429 {strides = array<i32>} : memref<80xi32, #tpu.memory_space<vmem>>, vector<16xi32>,
        %mul3A_432 = arith.constant 80 : i32
        %mul3A_433 = arith.muli %add3A_399, %mul3A_432 : i32
        %add3A_434 = arith.constant 48 : i32
        %add3A_435 = arith.addi %mul3A_433, %add3A_434 : i32
        %get3A_436 = arith.index_cast %add3A_435 : i32 to index
        %get3A_437 = tpu.vector_load %arg12[%get3A_436] {strides = array<i32>} : memref<6720xi32, #tpu.memory_space<vmem>>, vector<16xi32>,
        %swap3A_438 = arith.constant 48 : index
        %swap3A_439 = tpu.vector_load %arg16[%swap3A_438] {strides = array<i32>} : memref<80xi32, #tpu.memory_space<vmem>>, vector<16xi32>,
        tpu.vector_store %arg16[%swap3A_438], %get3A_437 {strides = array<i32>} : memref<80xi32, #tpu.memory_space<vmem>>, vector<16xi32>,
        %mul3A_440 = arith.constant 80 : i32
        %mul3A_441 = arith.muli %add3A_399, %mul3A_440 : i32
        %add3A_442 = arith.constant 64 : i32
        %add3A_443 = arith.addi %mul3A_441, %add3A_442 : i32
        %get3A_444 = arith.index_cast %add3A_443 : i32 to index
        %get3A_445 = tpu.vector_load %arg12[%get3A_444] {strides = array<i32>} : memref<6720xi32, #tpu.memory_space<vmem>>, vector<16xi32>,
        %swap3A_446 = arith.constant 64 : index
        %swap3A_447 = tpu.vector_load %arg16[%swap3A_446] {strides = array<i32>} : memref<80xi32, #tpu.memory_space<vmem>>, vector<16xi32>,
        tpu.vector_store %arg16[%swap3A_446], %get3A_445 {strides = array<i32>} : memref<80xi32, #tpu.memory_space<vmem>>, vector<16xi32>,
        %mul3A_448 = arith.constant 80 : i32
        %mul3A_449 = arith.muli %add3A_399, %mul3A_448 : i32
        %scan3A_450 = arith.constant 0 : i32
        %scan3A_451 = arith.constant 0 : i32
        %scan3A_452 = arith.constant 20 : i32
        %scan3A_453 = arith.addi %scan3A_451, %scan3A_452 : i32
        %scan3A_454 = arith.constant 1 : i32
        %scan3A_455 = scf.for %scan3A_468 = %scan3A_451 to %scan3A_453 step %scan3A_454 iter_args(%scan3A_469 = %scan3A_450) -> (i32)  : i32 {
          %mul3A_470 = arith.constant 4 : i32
          %mul3A_471 = arith.muli %mul3A_470, %scan3A_468 : i32
          %add3A_472 = arith.addi %mul3A_449, %mul3A_471 : i32
          %add3A_473 = arith.constant 0 : i32
          %add3A_474 = arith.addi %add3A_472, %add3A_473 : i32
          %add3A_475 = vector.broadcast %add3A_474 : i32 to vector<16xi32>
          %add3A_476 = arith.addi %broadcast_in_dim3A_8, %add3A_475 : vector<16xi32>
          %gather3A = tpu.vector_load_idx %arg11[%add3A_476] : memref<3360xf32, #tpu.memory_space<vmem>>[vector<16xi32>], vector<16xf32>,
          %add3A_477 = arith.addi %mul3A_449, %mul3A_471 : i32
          %add3A_478 = arith.constant 1 : i32
          %add3A_479 = arith.addi %add3A_477, %add3A_478 : i32
          %add3A_480 = vector.broadcast %add3A_479 : i32 to vector<16xi32>
          %add3A_481 = arith.addi %broadcast_in_dim3A_8, %add3A_480 : vector<16xi32>
          %gather3A_482 = tpu.vector_load_idx %arg11[%add3A_481] : memref<3360xf32, #tpu.memory_space<vmem>>[vector<16xi32>], vector<16xf32>,
          %add3A_483 = arith.addi %mul3A_449, %mul3A_471 : i32
          %add3A_484 = arith.constant 2 : i32
          %add3A_485 = arith.addi %add3A_483, %add3A_484 : i32
          %add3A_486 = vector.broadcast %add3A_485 : i32 to vector<16xi32>
          %add3A_487 = arith.addi %broadcast_in_dim3A_8, %add3A_486 : vector<16xi32>
          %gather3A_488 = tpu.vector_load_idx %arg11[%add3A_487] : memref<3360xf32, #tpu.memory_space<vmem>>[vector<16xi32>], vector<16xf32>,
          %add3A_489 = arith.addi %mul3A_449, %mul3A_471 : i32
          %add3A_490 = arith.constant 3 : i32
          %add3A_491 = arith.addi %add3A_489, %add3A_490 : i32
          %add3A_492 = vector.broadcast %add3A_491 : i32 to vector<16xi32>
          %add3A_493 = arith.addi %broadcast_in_dim3A_8, %add3A_492 : vector<16xi32>
          %gather3A_494 = tpu.vector_load_idx %arg11[%add3A_493] : memref<3360xf32, #tpu.memory_space<vmem>>[vector<16xi32>], vector<16xf32>,
          %add3A_495 = arith.constant 0 : i32
          %add3A_496 = arith.addi %mul3A_471, %add3A_495 : i32
          %get3A_497 = arith.index_cast %add3A_496 : i32 to index
          %get3A_498 = arith.constant 0 : index
          %get3A_499 = tpu.vector_load %arg10[%get3A_497, %get3A_498] {strides = array<i32>} : memref<80x128xf32, #tpu.memory_space<vmem>>, vector<16xf32>,
          %mul3A_500 = arith.mulf %get3A_499, %gather3A : vector<16xf32>
          %add3A_501 = arith.constant 0 : i32
          %add3A_502 = arith.addi %mul3A_471, %add3A_501 : i32
          %swap3A_503 = arith.index_cast %add3A_502 : i32 to index
          %swap3A_504 = arith.constant 0 : index
          %swap3A_505 = tpu.vector_load %arg10[%swap3A_503, %swap3A_504] {strides = array<i32>} : memref<80x128xf32, #tpu.memory_space<vmem>>, vector<16xf32>,
          tpu.vector_store %arg10[%swap3A_503, %swap3A_504], %mul3A_500 {strides = array<i32>} : memref<80x128xf32, #tpu.memory_space<vmem>>, vector<16xf32>,
          %add3A_506 = arith.constant 0 : i32
          %add3A_507 = arith.addi %mul3A_471, %add3A_506 : i32
          %get3A_508 = arith.index_cast %add3A_507 : i32 to index
          %get3A_509 = arith.constant 16 : index
          %get3A_510 = tpu.vector_load %arg10[%get3A_508, %get3A_509] {strides = array<i32>} : memref<80x128xf32, #tpu.memory_space<vmem>>, vector<16xf32>,
          %mul3A_511 = arith.mulf %get3A_510, %gather3A : vector<16xf32>
          %add3A_512 = arith.constant 0 : i32
          %add3A_513 = arith.addi %mul3A_471, %add3A_512 : i32
          %swap3A_514 = arith.index_cast %add3A_513 : i32 to index
          %swap3A_515 = arith.constant 16 : index
          %swap3A_516 = tpu.vector_load %arg10[%swap3A_514, %swap3A_515] {strides = array<i32>} : memref<80x128xf32, #tpu.memory_space<vmem>>, vector<16xf32>,
          tpu.vector_store %arg10[%swap3A_514, %swap3A_515], %mul3A_511 {strides = array<i32>} : memref<80x128xf32, #tpu.memory_space<vmem>>, vector<16xf32>,
          %add3A_517 = arith.constant 0 : i32
          %add3A_518 = arith.addi %mul3A_471, %add3A_517 : i32
          %get3A_519 = arith.index_cast %add3A_518 : i32 to index
          %get3A_520 = arith.constant 32 : index
          %get3A_521 = tpu.vector_load %arg10[%get3A_519, %get3A_520] {strides = array<i32>} : memref<80x128xf32, #tpu.memory_space<vmem>>, vector<16xf32>,
          %mul3A_522 = arith.mulf %get3A_521, %gather3A : vector<16xf32>
          %add3A_523 = arith.constant 0 : i32
          %add3A_524 = arith.addi %mul3A_471, %add3A_523 : i32
          %swap3A_525 = arith.index_cast %add3A_524 : i32 to index
          %swap3A_526 = arith.constant 32 : index
          %swap3A_527 = tpu.vector_load %arg10[%swap3A_525, %swap3A_526] {strides = array<i32>} : memref<80x128xf32, #tpu.memory_space<vmem>>, vector<16xf32>,
          tpu.vector_store %arg10[%swap3A_525, %swap3A_526], %mul3A_522 {strides = array<i32>} : memref<80x128xf32, #tpu.memory_space<vmem>>, vector<16xf32>,
          %add3A_528 = arith.constant 0 : i32
          %add3A_529 = arith.addi %mul3A_471, %add3A_528 : i32
          %get3A_530 = arith.index_cast %add3A_529 : i32 to index
          %get3A_531 = arith.constant 48 : index
          %get3A_532 = tpu.vector_load %arg10[%get3A_530, %get3A_531] {strides = array<i32>} : memref<80x128xf32, #tpu.memory_space<vmem>>, vector<16xf32>,
          %mul3A_533 = arith.mulf %get3A_532, %gather3A : vector<16xf32>
          %add3A_534 = arith.constant 0 : i32
          %add3A_535 = arith.addi %mul3A_471, %add3A_534 : i32
          %swap3A_536 = arith.index_cast %add3A_535 : i32 to index
          %swap3A_537 = arith.constant 48 : index
          %swap3A_538 = tpu.vector_load %arg10[%swap3A_536, %swap3A_537] {strides = array<i32>} : memref<80x128xf32, #tpu.memory_space<vmem>>, vector<16xf32>,
          tpu.vector_store %arg10[%swap3A_536, %swap3A_537], %mul3A_533 {strides = array<i32>} : memref<80x128xf32, #tpu.memory_space<vmem>>, vector<16xf32>,
          %add3A_539 = arith.constant 0 : i32
          %add3A_540 = arith.addi %mul3A_471, %add3A_539 : i32
          %get3A_541 = arith.index_cast %add3A_540 : i32 to index
          %get3A_542 = arith.constant 64 : index
          %get3A_543 = tpu.vector_load %arg10[%get3A_541, %get3A_542] {strides = array<i32>} : memref<80x128xf32, #tpu.memory_space<vmem>>, vector<16xf32>,
          %mul3A_544 = arith.mulf %get3A_543, %gather3A : vector<16xf32>
          %add3A_545 = arith.constant 0 : i32
          %add3A_546 = arith.addi %mul3A_471, %add3A_545 : i32
          %swap3A_547 = arith.index_cast %add3A_546 : i32 to index
          %swap3A_548 = arith.constant 64 : index
          %swap3A_549 = tpu.vector_load %arg10[%swap3A_547, %swap3A_548] {strides = array<i32>} : memref<80x128xf32, #tpu.memory_space<vmem>>, vector<16xf32>,
          tpu.vector_store %arg10[%swap3A_547, %swap3A_548], %mul3A_544 {strides = array<i32>} : memref<80x128xf32, #tpu.memory_space<vmem>>, vector<16xf32>,
          %add3A_550 = arith.constant 0 : i32
          %add3A_551 = arith.addi %mul3A_471, %add3A_550 : i32
          %get3A_552 = arith.index_cast %add3A_551 : i32 to index
          %get3A_553 = arith.constant 80 : index
          %get3A_554 = tpu.vector_load %arg10[%get3A_552, %get3A_553] {strides = array<i32>} : memref<80x128xf32, #tpu.memory_space<vmem>>, vector<16xf32>,
          %mul3A_555 = arith.mulf %get3A_554, %gather3A : vector<16xf32>
          %add3A_556 = arith.constant 0 : i32
          %add3A_557 = arith.addi %mul3A_471, %add3A_556 : i32
          %swap3A_558 = arith.index_cast %add3A_557 : i32 to index
          %swap3A_559 = arith.constant 80 : index
          %swap3A_560 = tpu.vector_load %arg10[%swap3A_558, %swap3A_559] {strides = array<i32>} : memref<80x128xf32, #tpu.memory_space<vmem>>, vector<16xf32>,
          tpu.vector_store %arg10[%swap3A_558, %swap3A_559], %mul3A_555 {strides = array<i32>} : memref<80x128xf32, #tpu.memory_space<vmem>>, vector<16xf32>,
          %add3A_561 = arith.constant 0 : i32
          %add3A_562 = arith.addi %mul3A_471, %add3A_561 : i32
          %get3A_563 = arith.index_cast %add3A_562 : i32 to index
          %get3A_564 = arith.constant 96 : index
          %get3A_565 = tpu.vector_load %arg10[%get3A_563, %get3A_564] {strides = array<i32>} : memref<80x128xf32, #tpu.memory_space<vmem>>, vector<16xf32>,
          %mul3A_566 = arith.mulf %get3A_565, %gather3A : vector<16xf32>
          %add3A_567 = arith.constant 0 : i32
          %add3A_568 = arith.addi %mul3A_471, %add3A_567 : i32
          %swap3A_569 = arith.index_cast %add3A_568 : i32 to index
          %swap3A_570 = arith.constant 96 : index
          %swap3A_571 = tpu.vector_load %arg10[%swap3A_569, %swap3A_570] {strides = array<i32>} : memref<80x128xf32, #tpu.memory_space<vmem>>, vector<16xf32>,
          tpu.vector_store %arg10[%swap3A_569, %swap3A_570], %mul3A_566 {strides = array<i32>} : memref<80x128xf32, #tpu.memory_space<vmem>>, vector<16xf32>,
          %add3A_572 = arith.constant 0 : i32
          %add3A_573 = arith.addi %mul3A_471, %add3A_572 : i32
          %get3A_574 = arith.index_cast %add3A_573 : i32 to index
          %get3A_575 = arith.constant 112 : index
          %get3A_576 = tpu.vector_load %arg10[%get3A_574, %get3A_575] {strides = array<i32>} : memref<80x128xf32, #tpu.memory_space<vmem>>, vector<16xf32>,
          %mul3A_577 = arith.mulf %get3A_576, %gather3A : vector<16xf32>
          %add3A_578 = arith.constant 0 : i32
          %add3A_579 = arith.addi %mul3A_471, %add3A_578 : i32
          %swap3A_580 = arith.index_cast %add3A_579 : i32 to index
          %swap3A_581 = arith.constant 112 : index
          %swap3A_582 = tpu.vector_load %arg10[%swap3A_580, %swap3A_581] {strides = array<i32>} : memref<80x128xf32, #tpu.memory_space<vmem>>, vector<16xf32>,
          tpu.vector_store %arg10[%swap3A_580, %swap3A_581], %mul3A_577 {strides = array<i32>} : memref<80x128xf32, #tpu.memory_space<vmem>>, vector<16xf32>,
          %add3A_583 = arith.constant 1 : i32
          %add3A_584 = arith.addi %mul3A_471, %add3A_583 : i32
          %get3A_585 = arith.index_cast %add3A_584 : i32 to index
          %get3A_586 = arith.constant 0 : index
          %get3A_587 = tpu.vector_load %arg10[%get3A_585, %get3A_586] {strides = array<i32>} : memref<80x128xf32, #tpu.memory_space<vmem>>, vector<16xf32>,
          %mul3A_588 = arith.mulf %get3A_587, %gather3A_482 : vector<16xf32>
          %add3A_589 = arith.constant 1 : i32
          %add3A_590 = arith.addi %mul3A_471, %add3A_589 : i32
          %swap3A_591 = arith.index_cast %add3A_590 : i32 to index
          %swap3A_592 = arith.constant 0 : index
          %swap3A_593 = tpu.vector_load %arg10[%swap3A_591, %swap3A_592] {strides = array<i32>} : memref<80x128xf32, #tpu.memory_space<vmem>>, vector<16xf32>,
          tpu.vector_store %arg10[%swap3A_591, %swap3A_592], %mul3A_588 {strides = array<i32>} : memref<80x128xf32, #tpu.memory_space<vmem>>, vector<16xf32>,
          %add3A_594 = arith.constant 1 : i32
          %add3A_595 = arith.addi %mul3A_471, %add3A_594 : i32
          %get3A_596 = arith.index_cast %add3A_595 : i32 to index
          %get3A_597 = arith.constant 16 : index
          %get3A_598 = tpu.vector_load %arg10[%get3A_596, %get3A_597] {strides = array<i32>} : memref<80x128xf32, #tpu.memory_space<vmem>>, vector<16xf32>,
          %mul3A_599 = arith.mulf %get3A_598, %gather3A_482 : vector<16xf32>
          %add3A_600 = arith.constant 1 : i32
          %add3A_601 = arith.addi %mul3A_471, %add3A_600 : i32
          %swap3A_602 = arith.index_cast %add3A_601 : i32 to index
          %swap3A_603 = arith.constant 16 : index
          %swap3A_604 = tpu.vector_load %arg10[%swap3A_602, %swap3A_603] {strides = array<i32>} : memref<80x128xf32, #tpu.memory_space<vmem>>, vector<16xf32>,
          tpu.vector_store %arg10[%swap3A_602, %swap3A_603], %mul3A_599 {strides = array<i32>} : memref<80x128xf32, #tpu.memory_space<vmem>>, vector<16xf32>,
          %add3A_605 = arith.constant 1 : i32
          %add3A_606 = arith.addi %mul3A_471, %add3A_605 : i32
          %get3A_607 = arith.index_cast %add3A_606 : i32 to index
          %get3A_608 = arith.constant 32 : index
          %get3A_609 = tpu.vector_load %arg10[%get3A_607, %get3A_608] {strides = array<i32>} : memref<80x128xf32, #tpu.memory_space<vmem>>, vector<16xf32>,
          %mul3A_610 = arith.mulf %get3A_609, %gather3A_482 : vector<16xf32>
          %add3A_611 = arith.constant 1 : i32
          %add3A_612 = arith.addi %mul3A_471, %add3A_611 : i32
          %swap3A_613 = arith.index_cast %add3A_612 : i32 to index
          %swap3A_614 = arith.constant 32 : index
          %swap3A_615 = tpu.vector_load %arg10[%swap3A_613, %swap3A_614] {strides = array<i32>} : memref<80x128xf32, #tpu.memory_space<vmem>>, vector<16xf32>,
          tpu.vector_store %arg10[%swap3A_613, %swap3A_614], %mul3A_610 {strides = array<i32>} : memref<80x128xf32, #tpu.memory_space<vmem>>, vector<16xf32>,
          %add3A_616 = arith.constant 1 : i32
          %add3A_617 = arith.addi %mul3A_471, %add3A_616 : i32
          %get3A_618 = arith.index_cast %add3A_617 : i32 to index
          %get3A_619 = arith.constant 48 : index
          %get3A_620 = tpu.vector_load %arg10[%get3A_618, %get3A_619] {strides = array<i32>} : memref<80x128xf32, #tpu.memory_space<vmem>>, vector<16xf32>,
          %mul3A_621 = arith.mulf %get3A_620, %gather3A_482 : vector<16xf32>
          %add3A_622 = arith.constant 1 : i32
          %add3A_623 = arith.addi %mul3A_471, %add3A_622 : i32
          %swap3A_624 = arith.index_cast %add3A_623 : i32 to index
          %swap3A_625 = arith.constant 48 : index
          %swap3A_626 = tpu.vector_load %arg10[%swap3A_624, %swap3A_625] {strides = array<i32>} : memref<80x128xf32, #tpu.memory_space<vmem>>, vector<16xf32>,
          tpu.vector_store %arg10[%swap3A_624, %swap3A_625], %mul3A_621 {strides = array<i32>} : memref<80x128xf32, #tpu.memory_space<vmem>>, vector<16xf32>,
          %add3A_627 = arith.constant 1 : i32
          %add3A_628 = arith.addi %mul3A_471, %add3A_627 : i32
          %get3A_629 = arith.index_cast %add3A_628 : i32 to index
          %get3A_630 = arith.constant 64 : index
          %get3A_631 = tpu.vector_load %arg10[%get3A_629, %get3A_630] {strides = array<i32>} : memref<80x128xf32, #tpu.memory_space<vmem>>, vector<16xf32>,
          %mul3A_632 = arith.mulf %get3A_631, %gather3A_482 : vector<16xf32>
          %add3A_633 = arith.constant 1 : i32
          %add3A_634 = arith.addi %mul3A_471, %add3A_633 : i32
          %swap3A_635 = arith.index_cast %add3A_634 : i32 to index
          %swap3A_636 = arith.constant 64 : index
          %swap3A_637 = tpu.vector_load %arg10[%swap3A_635, %swap3A_636] {strides = array<i32>} : memref<80x128xf32, #tpu.memory_space<vmem>>, vector<16xf32>,
          tpu.vector_store %arg10[%swap3A_635, %swap3A_636], %mul3A_632 {strides = array<i32>} : memref<80x128xf32, #tpu.memory_space<vmem>>, vector<16xf32>,
          %add3A_638 = arith.constant 1 : i32
          %add3A_639 = arith.addi %mul3A_471, %add3A_638 : i32
          %get3A_640 = arith.index_cast %add3A_639 : i32 to index
          %get3A_641 = arith.constant 80 : index
          %get3A_642 = tpu.vector_load %arg10[%get3A_640, %get3A_641] {strides = array<i32>} : memref<80x128xf32, #tpu.memory_space<vmem>>, vector<16xf32>,
          %mul3A_643 = arith.mulf %get3A_642, %gather3A_482 : vector<16xf32>
          %add3A_644 = arith.constant 1 : i32
          %add3A_645 = arith.addi %mul3A_471, %add3A_644 : i32
          %swap3A_646 = arith.index_cast %add3A_645 : i32 to index
          %swap3A_647 = arith.constant 80 : index
          %swap3A_648 = tpu.vector_load %arg10[%swap3A_646, %swap3A_647] {strides = array<i32>} : memref<80x128xf32, #tpu.memory_space<vmem>>, vector<16xf32>,
          tpu.vector_store %arg10[%swap3A_646, %swap3A_647], %mul3A_643 {strides = array<i32>} : memref<80x128xf32, #tpu.memory_space<vmem>>, vector<16xf32>,
          %add3A_649 = arith.constant 1 : i32
          %add3A_650 = arith.addi %mul3A_471, %add3A_649 : i32
          %get3A_651 = arith.index_cast %add3A_650 : i32 to index
          %get3A_652 = arith.constant 96 : index
          %get3A_653 = tpu.vector_load %arg10[%get3A_651, %get3A_652] {strides = array<i32>} : memref<80x128xf32, #tpu.memory_space<vmem>>, vector<16xf32>,
          %mul3A_654 = arith.mulf %get3A_653, %gather3A_482 : vector<16xf32>
          %add3A_655 = arith.constant 1 : i32
          %add3A_656 = arith.addi %mul3A_471, %add3A_655 : i32
          %swap3A_657 = arith.index_cast %add3A_656 : i32 to index
          %swap3A_658 = arith.constant 96 : index
          %swap3A_659 = tpu.vector_load %arg10[%swap3A_657, %swap3A_658] {strides = array<i32>} : memref<80x128xf32, #tpu.memory_space<vmem>>, vector<16xf32>,
          tpu.vector_store %arg10[%swap3A_657, %swap3A_658], %mul3A_654 {strides = array<i32>} : memref<80x128xf32, #tpu.memory_space<vmem>>, vector<16xf32>,
          %add3A_660 = arith.constant 1 : i32
          %add3A_661 = arith.addi %mul3A_471, %add3A_660 : i32
          %get3A_662 = arith.index_cast %add3A_661 : i32 to index
          %get3A_663 = arith.constant 112 : index
          %get3A_664 = tpu.vector_load %arg10[%get3A_662, %get3A_663] {strides = array<i32>} : memref<80x128xf32, #tpu.memory_space<vmem>>, vector<16xf32>,
          %mul3A_665 = arith.mulf %get3A_664, %gather3A_482 : vector<16xf32>
          %add3A_666 = arith.constant 1 : i32
          %add3A_667 = arith.addi %mul3A_471, %add3A_666 : i32
          %swap3A_668 = arith.index_cast %add3A_667 : i32 to index
          %swap3A_669 = arith.constant 112 : index
          %swap3A_670 = tpu.vector_load %arg10[%swap3A_668, %swap3A_669] {strides = array<i32>} : memref<80x128xf32, #tpu.memory_space<vmem>>, vector<16xf32>,
          tpu.vector_store %arg10[%swap3A_668, %swap3A_669], %mul3A_665 {strides = array<i32>} : memref<80x128xf32, #tpu.memory_space<vmem>>, vector<16xf32>,
          %add3A_671 = arith.constant 2 : i32
          %add3A_672 = arith.addi %mul3A_471, %add3A_671 : i32
          %get3A_673 = arith.index_cast %add3A_672 : i32 to index
          %get3A_674 = arith.constant 0 : index
          %get3A_675 = tpu.vector_load %arg10[%get3A_673, %get3A_674] {strides = array<i32>} : memref<80x128xf32, #tpu.memory_space<vmem>>, vector<16xf32>,
          %mul3A_676 = arith.mulf %get3A_675, %gather3A_488 : vector<16xf32>
          %add3A_677 = arith.constant 2 : i32
          %add3A_678 = arith.addi %mul3A_471, %add3A_677 : i32
          %swap3A_679 = arith.index_cast %add3A_678 : i32 to index
          %swap3A_680 = arith.constant 0 : index
          %swap3A_681 = tpu.vector_load %arg10[%swap3A_679, %swap3A_680] {strides = array<i32>} : memref<80x128xf32, #tpu.memory_space<vmem>>, vector<16xf32>,
          tpu.vector_store %arg10[%swap3A_679, %swap3A_680], %mul3A_676 {strides = array<i32>} : memref<80x128xf32, #tpu.memory_space<vmem>>, vector<16xf32>,
          %add3A_682 = arith.constant 2 : i32
          %add3A_683 = arith.addi %mul3A_471, %add3A_682 : i32
          %get3A_684 = arith.index_cast %add3A_683 : i32 to index
          %get3A_685 = arith.constant 16 : index
          %get3A_686 = tpu.vector_load %arg10[%get3A_684, %get3A_685] {strides = array<i32>} : memref<80x128xf32, #tpu.memory_space<vmem>>, vector<16xf32>,
          %mul3A_687 = arith.mulf %get3A_686, %gather3A_488 : vector<16xf32>
          %add3A_688 = arith.constant 2 : i32
          %add3A_689 = arith.addi %mul3A_471, %add3A_688 : i32
          %swap3A_690 = arith.index_cast %add3A_689 : i32 to index
          %swap3A_691 = arith.constant 16 : index
          %swap3A_692 = tpu.vector_load %arg10[%swap3A_690, %swap3A_691] {strides = array<i32>} : memref<80x128xf32, #tpu.memory_space<vmem>>, vector<16xf32>,
          tpu.vector_store %arg10[%swap3A_690, %swap3A_691], %mul3A_687 {strides = array<i32>} : memref<80x128xf32, #tpu.memory_space<vmem>>, vector<16xf32>,
          %add3A_693 = arith.constant 2 : i32
          %add3A_694 = arith.addi %mul3A_471, %add3A_693 : i32
          %get3A_695 = arith.index_cast %add3A_694 : i32 to index
          %get3A_696 = arith.constant 32 : index
          %get3A_697 = tpu.vector_load %arg10[%get3A_695, %get3A_696] {strides = array<i32>} : memref<80x128xf32, #tpu.memory_space<vmem>>, vector<16xf32>,
          %mul3A_698 = arith.mulf %get3A_697, %gather3A_488 : vector<16xf32>
          %add3A_699 = arith.constant 2 : i32
          %add3A_700 = arith.addi %mul3A_471, %add3A_699 : i32
          %swap3A_701 = arith.index_cast %add3A_700 : i32 to index
          %swap3A_702 = arith.constant 32 : index
          %swap3A_703 = tpu.vector_load %arg10[%swap3A_701, %swap3A_702] {strides = array<i32>} : memref<80x128xf32, #tpu.memory_space<vmem>>, vector<16xf32>,
          tpu.vector_store %arg10[%swap3A_701, %swap3A_702], %mul3A_698 {strides = array<i32>} : memref<80x128xf32, #tpu.memory_space<vmem>>, vector<16xf32>,
          %add3A_704 = arith.constant 2 : i32
          %add3A_705 = arith.addi %mul3A_471, %add3A_704 : i32
          %get3A_706 = arith.index_cast %add3A_705 : i32 to index
          %get3A_707 = arith.constant 48 : index
          %get3A_708 = tpu.vector_load %arg10[%get3A_706, %get3A_707] {strides = array<i32>} : memref<80x128xf32, #tpu.memory_space<vmem>>, vector<16xf32>,
          %mul3A_709 = arith.mulf %get3A_708, %gather3A_488 : vector<16xf32>
          %add3A_710 = arith.constant 2 : i32
          %add3A_711 = arith.addi %mul3A_471, %add3A_710 : i32
          %swap3A_712 = arith.index_cast %add3A_711 : i32 to index
          %swap3A_713 = arith.constant 48 : index
          %swap3A_714 = tpu.vector_load %arg10[%swap3A_712, %swap3A_713] {strides = array<i32>} : memref<80x128xf32, #tpu.memory_space<vmem>>, vector<16xf32>,
          tpu.vector_store %arg10[%swap3A_712, %swap3A_713], %mul3A_709 {strides = array<i32>} : memref<80x128xf32, #tpu.memory_space<vmem>>, vector<16xf32>,
          %add3A_715 = arith.constant 2 : i32
          %add3A_716 = arith.addi %mul3A_471, %add3A_715 : i32
          %get3A_717 = arith.index_cast %add3A_716 : i32 to index
          %get3A_718 = arith.constant 64 : index
          %get3A_719 = tpu.vector_load %arg10[%get3A_717, %get3A_718] {strides = array<i32>} : memref<80x128xf32, #tpu.memory_space<vmem>>, vector<16xf32>,
          %mul3A_720 = arith.mulf %get3A_719, %gather3A_488 : vector<16xf32>
          %add3A_721 = arith.constant 2 : i32
          %add3A_722 = arith.addi %mul3A_471, %add3A_721 : i32
          %swap3A_723 = arith.index_cast %add3A_722 : i32 to index
          %swap3A_724 = arith.constant 64 : index
          %swap3A_725 = tpu.vector_load %arg10[%swap3A_723, %swap3A_724] {strides = array<i32>} : memref<80x128xf32, #tpu.memory_space<vmem>>, vector<16xf32>,
          tpu.vector_store %arg10[%swap3A_723, %swap3A_724], %mul3A_720 {strides = array<i32>} : memref<80x128xf32, #tpu.memory_space<vmem>>, vector<16xf32>,
          %add3A_726 = arith.constant 2 : i32
          %add3A_727 = arith.addi %mul3A_471, %add3A_726 : i32
          %get3A_728 = arith.index_cast %add3A_727 : i32 to index
          %get3A_729 = arith.constant 80 : index
          %get3A_730 = tpu.vector_load %arg10[%get3A_728, %get3A_729] {strides = array<i32>} : memref<80x128xf32, #tpu.memory_space<vmem>>, vector<16xf32>,
          %mul3A_731 = arith.mulf %get3A_730, %gather3A_488 : vector<16xf32>
          %add3A_732 = arith.constant 2 : i32
          %add3A_733 = arith.addi %mul3A_471, %add3A_732 : i32
          %swap3A_734 = arith.index_cast %add3A_733 : i32 to index
          %swap3A_735 = arith.constant 80 : index
          %swap3A_736 = tpu.vector_load %arg10[%swap3A_734, %swap3A_735] {strides = array<i32>} : memref<80x128xf32, #tpu.memory_space<vmem>>, vector<16xf32>,
          tpu.vector_store %arg10[%swap3A_734, %swap3A_735], %mul3A_731 {strides = array<i32>} : memref<80x128xf32, #tpu.memory_space<vmem>>, vector<16xf32>,
          %add3A_737 = arith.constant 2 : i32
          %add3A_738 = arith.addi %mul3A_471, %add3A_737 : i32
          %get3A_739 = arith.index_cast %add3A_738 : i32 to index
          %get3A_740 = arith.constant 96 : index
          %get3A_741 = tpu.vector_load %arg10[%get3A_739, %get3A_740] {strides = array<i32>} : memref<80x128xf32, #tpu.memory_space<vmem>>, vector<16xf32>,
          %mul3A_742 = arith.mulf %get3A_741, %gather3A_488 : vector<16xf32>
          %add3A_743 = arith.constant 2 : i32
          %add3A_744 = arith.addi %mul3A_471, %add3A_743 : i32
          %swap3A_745 = arith.index_cast %add3A_744 : i32 to index
          %swap3A_746 = arith.constant 96 : index
          %swap3A_747 = tpu.vector_load %arg10[%swap3A_745, %swap3A_746] {strides = array<i32>} : memref<80x128xf32, #tpu.memory_space<vmem>>, vector<16xf32>,
          tpu.vector_store %arg10[%swap3A_745, %swap3A_746], %mul3A_742 {strides = array<i32>} : memref<80x128xf32, #tpu.memory_space<vmem>>, vector<16xf32>,
          %add3A_748 = arith.constant 2 : i32
          %add3A_749 = arith.addi %mul3A_471, %add3A_748 : i32
          %get3A_750 = arith.index_cast %add3A_749 : i32 to index
          %get3A_751 = arith.constant 112 : index
          %get3A_752 = tpu.vector_load %arg10[%get3A_750, %get3A_751] {strides = array<i32>} : memref<80x128xf32, #tpu.memory_space<vmem>>, vector<16xf32>,
          %mul3A_753 = arith.mulf %get3A_752, %gather3A_488 : vector<16xf32>
          %add3A_754 = arith.constant 2 : i32
          %add3A_755 = arith.addi %mul3A_471, %add3A_754 : i32
          %swap3A_756 = arith.index_cast %add3A_755 : i32 to index
          %swap3A_757 = arith.constant 112 : index
          %swap3A_758 = tpu.vector_load %arg10[%swap3A_756, %swap3A_757] {strides = array<i32>} : memref<80x128xf32, #tpu.memory_space<vmem>>, vector<16xf32>,
          tpu.vector_store %arg10[%swap3A_756, %swap3A_757], %mul3A_753 {strides = array<i32>} : memref<80x128xf32, #tpu.memory_space<vmem>>, vector<16xf32>,
          %add3A_759 = arith.constant 3 : i32
          %add3A_760 = arith.addi %mul3A_471, %add3A_759 : i32
          %get3A_761 = arith.index_cast %add3A_760 : i32 to index
          %get3A_762 = arith.constant 0 : index
          %get3A_763 = tpu.vector_load %arg10[%get3A_761, %get3A_762] {strides = array<i32>} : memref<80x128xf32, #tpu.memory_space<vmem>>, vector<16xf32>,
          %mul3A_764 = arith.mulf %get3A_763, %gather3A_494 : vector<16xf32>
          %add3A_765 = arith.constant 3 : i32
          %add3A_766 = arith.addi %mul3A_471, %add3A_765 : i32
          %swap3A_767 = arith.index_cast %add3A_766 : i32 to index
          %swap3A_768 = arith.constant 0 : index
          %swap3A_769 = tpu.vector_load %arg10[%swap3A_767, %swap3A_768] {strides = array<i32>} : memref<80x128xf32, #tpu.memory_space<vmem>>, vector<16xf32>,
          tpu.vector_store %arg10[%swap3A_767, %swap3A_768], %mul3A_764 {strides = array<i32>} : memref<80x128xf32, #tpu.memory_space<vmem>>, vector<16xf32>,
          %add3A_770 = arith.constant 3 : i32
          %add3A_771 = arith.addi %mul3A_471, %add3A_770 : i32
          %get3A_772 = arith.index_cast %add3A_771 : i32 to index
          %get3A_773 = arith.constant 16 : index
          %get3A_774 = tpu.vector_load %arg10[%get3A_772, %get3A_773] {strides = array<i32>} : memref<80x128xf32, #tpu.memory_space<vmem>>, vector<16xf32>,
          %mul3A_775 = arith.mulf %get3A_774, %gather3A_494 : vector<16xf32>
          %add3A_776 = arith.constant 3 : i32
          %add3A_777 = arith.addi %mul3A_471, %add3A_776 : i32
          %swap3A_778 = arith.index_cast %add3A_777 : i32 to index
          %swap3A_779 = arith.constant 16 : index
          %swap3A_780 = tpu.vector_load %arg10[%swap3A_778, %swap3A_779] {strides = array<i32>} : memref<80x128xf32, #tpu.memory_space<vmem>>, vector<16xf32>,
          tpu.vector_store %arg10[%swap3A_778, %swap3A_779], %mul3A_775 {strides = array<i32>} : memref<80x128xf32, #tpu.memory_space<vmem>>, vector<16xf32>,
          %add3A_781 = arith.constant 3 : i32
          %add3A_782 = arith.addi %mul3A_471, %add3A_781 : i32
          %get3A_783 = arith.index_cast %add3A_782 : i32 to index
          %get3A_784 = arith.constant 32 : index
          %get3A_785 = tpu.vector_load %arg10[%get3A_783, %get3A_784] {strides = array<i32>} : memref<80x128xf32, #tpu.memory_space<vmem>>, vector<16xf32>,
          %mul3A_786 = arith.mulf %get3A_785, %gather3A_494 : vector<16xf32>
          %add3A_787 = arith.constant 3 : i32
          %add3A_788 = arith.addi %mul3A_471, %add3A_787 : i32
          %swap3A_789 = arith.index_cast %add3A_788 : i32 to index
          %swap3A_790 = arith.constant 32 : index
          %swap3A_791 = tpu.vector_load %arg10[%swap3A_789, %swap3A_790] {strides = array<i32>} : memref<80x128xf32, #tpu.memory_space<vmem>>, vector<16xf32>,
          tpu.vector_store %arg10[%swap3A_789, %swap3A_790], %mul3A_786 {strides = array<i32>} : memref<80x128xf32, #tpu.memory_space<vmem>>, vector<16xf32>,
          %add3A_792 = arith.constant 3 : i32
          %add3A_793 = arith.addi %mul3A_471, %add3A_792 : i32
          %get3A_794 = arith.index_cast %add3A_793 : i32 to index
          %get3A_795 = arith.constant 48 : index
          %get3A_796 = tpu.vector_load %arg10[%get3A_794, %get3A_795] {strides = array<i32>} : memref<80x128xf32, #tpu.memory_space<vmem>>, vector<16xf32>,
          %mul3A_797 = arith.mulf %get3A_796, %gather3A_494 : vector<16xf32>
          %add3A_798 = arith.constant 3 : i32
          %add3A_799 = arith.addi %mul3A_471, %add3A_798 : i32
          %swap3A_800 = arith.index_cast %add3A_799 : i32 to index
          %swap3A_801 = arith.constant 48 : index
          %swap3A_802 = tpu.vector_load %arg10[%swap3A_800, %swap3A_801] {strides = array<i32>} : memref<80x128xf32, #tpu.memory_space<vmem>>, vector<16xf32>,
          tpu.vector_store %arg10[%swap3A_800, %swap3A_801], %mul3A_797 {strides = array<i32>} : memref<80x128xf32, #tpu.memory_space<vmem>>, vector<16xf32>,
          %add3A_803 = arith.constant 3 : i32
          %add3A_804 = arith.addi %mul3A_471, %add3A_803 : i32
          %get3A_805 = arith.index_cast %add3A_804 : i32 to index
          %get3A_806 = arith.constant 64 : index
          %get3A_807 = tpu.vector_load %arg10[%get3A_805, %get3A_806] {strides = array<i32>} : memref<80x128xf32, #tpu.memory_space<vmem>>, vector<16xf32>,
          %mul3A_808 = arith.mulf %get3A_807, %gather3A_494 : vector<16xf32>
          %add3A_809 = arith.constant 3 : i32
          %add3A_810 = arith.addi %mul3A_471, %add3A_809 : i32
          %swap3A_811 = arith.index_cast %add3A_810 : i32 to index
          %swap3A_812 = arith.constant 64 : index
          %swap3A_813 = tpu.vector_load %arg10[%swap3A_811, %swap3A_812] {strides = array<i32>} : memref<80x128xf32, #tpu.memory_space<vmem>>, vector<16xf32>,
          tpu.vector_store %arg10[%swap3A_811, %swap3A_812], %mul3A_808 {strides = array<i32>} : memref<80x128xf32, #tpu.memory_space<vmem>>, vector<16xf32>,
          %add3A_814 = arith.constant 3 : i32
          %add3A_815 = arith.addi %mul3A_471, %add3A_814 : i32
          %get3A_816 = arith.index_cast %add3A_815 : i32 to index
          %get3A_817 = arith.constant 80 : index
          %get3A_818 = tpu.vector_load %arg10[%get3A_816, %get3A_817] {strides = array<i32>} : memref<80x128xf32, #tpu.memory_space<vmem>>, vector<16xf32>,
          %mul3A_819 = arith.mulf %get3A_818, %gather3A_494 : vector<16xf32>
          %add3A_820 = arith.constant 3 : i32
          %add3A_821 = arith.addi %mul3A_471, %add3A_820 : i32
          %swap3A_822 = arith.index_cast %add3A_821 : i32 to index
          %swap3A_823 = arith.constant 80 : index
          %swap3A_824 = tpu.vector_load %arg10[%swap3A_822, %swap3A_823] {strides = array<i32>} : memref<80x128xf32, #tpu.memory_space<vmem>>, vector<16xf32>,
          tpu.vector_store %arg10[%swap3A_822, %swap3A_823], %mul3A_819 {strides = array<i32>} : memref<80x128xf32, #tpu.memory_space<vmem>>, vector<16xf32>,
          %add3A_825 = arith.constant 3 : i32
          %add3A_826 = arith.addi %mul3A_471, %add3A_825 : i32
          %get3A_827 = arith.index_cast %add3A_826 : i32 to index
          %get3A_828 = arith.constant 96 : index
          %get3A_829 = tpu.vector_load %arg10[%get3A_827, %get3A_828] {strides = array<i32>} : memref<80x128xf32, #tpu.memory_space<vmem>>, vector<16xf32>,
          %mul3A_830 = arith.mulf %get3A_829, %gather3A_494 : vector<16xf32>
          %add3A_831 = arith.constant 3 : i32
          %add3A_832 = arith.addi %mul3A_471, %add3A_831 : i32
          %swap3A_833 = arith.index_cast %add3A_832 : i32 to index
          %swap3A_834 = arith.constant 96 : index
          %swap3A_835 = tpu.vector_load %arg10[%swap3A_833, %swap3A_834] {strides = array<i32>} : memref<80x128xf32, #tpu.memory_space<vmem>>, vector<16xf32>,
          tpu.vector_store %arg10[%swap3A_833, %swap3A_834], %mul3A_830 {strides = array<i32>} : memref<80x128xf32, #tpu.memory_space<vmem>>, vector<16xf32>,
          %add3A_836 = arith.constant 3 : i32
          %add3A_837 = arith.addi %mul3A_471, %add3A_836 : i32
          %get3A_838 = arith.index_cast %add3A_837 : i32 to index
          %get3A_839 = arith.constant 112 : index
          %get3A_840 = tpu.vector_load %arg10[%get3A_838, %get3A_839] {strides = array<i32>} : memref<80x128xf32, #tpu.memory_space<vmem>>, vector<16xf32>,
          %mul3A_841 = arith.mulf %get3A_840, %gather3A_494 : vector<16xf32>
          %add3A_842 = arith.constant 3 : i32
          %add3A_843 = arith.addi %mul3A_471, %add3A_842 : i32
          %swap3A_844 = arith.index_cast %add3A_843 : i32 to index
          %swap3A_845 = arith.constant 112 : index
          %swap3A_846 = tpu.vector_load %arg10[%swap3A_844, %swap3A_845] {strides = array<i32>} : memref<80x128xf32, #tpu.memory_space<vmem>>, vector<16xf32>,
          tpu.vector_store %arg10[%swap3A_844, %swap3A_845], %mul3A_841 {strides = array<i32>} : memref<80x128xf32, #tpu.memory_space<vmem>>, vector<16xf32>,
          %scan3A_847 = arith.constant 0 : i32
          scf.yield %scan3A_847 : i32
        }
        %scan3A_456 = arith.constant 20 : i32
        %dma_start3A_457 = arith.constant 0 : i32
        %dma_start3A_458 = arith.constant 0 : i32
        %dma_start3A_459 = tpu.memref_slice %arg23[%dma_start3A_457, %dma_start3A_458] : memref<10240x128xf32, #tpu.memory_space<vmem_shared>> -> memref<10240x128xf32, #tpu.memory_space<vmem_shared>>
        tpu.enqueue_indirect_dma source(%arg10 : memref<80x128xf32, #tpu.memory_space<vmem>>) target(%dma_start3A_459 : memref<10240x128xf32, #tpu.memory_space<vmem_shared>>) offsets(%arg16 : memref<80xi32, #tpu.memory_space<vmem>>) semaphore(%arg22 : memref<!tpu.dma_semaphore, #tpu.memory_space<semaphore_mem>>) {add = true}
        %add3A_460 = arith.constant 2 : i32
        %add3A_461 = arith.addi %add3A_399, %add3A_460 : i32
        %le3A_462 = arith.constant 41 : i32
        %le3A_463 = arith.cmpi sle, %add3A_461, %le3A_462 : i32
        %convert_element_type3A_464 = arith.extui %le3A_463 : i1 to i32
        %cond3A_465 = arith.constant 0 : i32
        %cond3A_466 = arith.cmpi ne, %convert_element_type3A_464, %cond3A_465 : i32
        scf.if %cond3A_466 {
          %add3A_468 = arith.addi %while3A_214, %add3A_399 : i32
          %gt3A_469 = arith.constant 0 : i32
          %gt3A_470 = arith.cmpi sgt, %add3A_468, %gt3A_469 : i32
          %convert_element_type3A_471 = arith.extui %gt3A_470 : i1 to i32
          %cond3A_472 = arith.constant 0 : i32
          %cond3A_473 = arith.cmpi ne, %convert_element_type3A_471, %cond3A_472 : i32
          scf.if %cond3A_473 {
            %dma_wait3A_482 = arith.constant 0 : i32
            %dma_wait3A_483 = arith.constant 0 : i32
            %dma_wait3A_484 = tpu.memref_slice %arg23[%dma_wait3A_482, %dma_wait3A_483] : memref<10240x128xf32, #tpu.memory_space<vmem_shared>> -> memref<10240x128xf32, #tpu.memory_space<vmem_shared>>
            tpu.wait_indirect_dma semaphore(%arg21 : memref<!tpu.dma_semaphore, #tpu.memory_space<semaphore_mem>>) src(%arg9 : memref<80x128xf32, #tpu.memory_space<vmem>>) dst(%dma_wait3A_484 : memref<10240x128xf32, #tpu.memory_space<vmem_shared>>)
          } else {
          }
          %mul3A_474 = arith.constant 80 : i32
          %mul3A_475 = arith.muli %add3A_461, %mul3A_474 : i32
          %add3A_476 = arith.constant 3360 : i32
          %add3A_477 = arith.addi %add3A_476, %mul3A_475 : i32
          %dma_start3A_478 = tpu.memref_slice %arg12[%add3A_477] : memref<6720xi32, #tpu.memory_space<vmem>> -> memref<80xi32, #tpu.memory_space<vmem>>
          %dma_start3A_479 = arith.constant 0 : i32
          %dma_start3A_480 = arith.constant 0 : i32
          %dma_start3A_481 = tpu.memref_slice %arg2[%dma_start3A_479, %dma_start3A_480] : memref<10000x128xf32, #tpu.memory_space<hbm>> -> memref<10000x128xf32, #tpu.memory_space<hbm>>
          tpu.enqueue_indirect_dma source(%dma_start3A_481 : memref<10000x128xf32, #tpu.memory_space<hbm>>) target(%arg9 : memref<80x128xf32, #tpu.memory_space<vmem>>) offsets(%dma_start3A_478 : memref<80xi32, #tpu.memory_space<vmem>>) semaphore(%arg18 : memref<!tpu.dma_semaphore, #tpu.memory_space<semaphore_mem>>)
        } else {
        }
        %scan3A_467 = arith.constant 0 : i32
        scf.yield %scan3A_467 : i32
      }
      %scan3A_252 = arith.constant 14 : i32
      %while3A_253 = arith.constant 0 : i32
      scf.yield %while3A_253 : i32
    }
    %while3A_198 = arith.constant 1 : i32
    %while3A_199 = scf.for %while3A_214 = %while3A_195 to %while3A_191 step %while3A_198 iter_args(%while3A_215 = %while3A_197) -> (i32)  : i32 {
      %mul3A_216 = arith.constant 6 : i32
      %mul3A_217 = arith.muli %arg1, %mul3A_216 : i32
      %mul3A_218 = arith.constant 4 : i32
      %mul3A_219 = arith.muli %arg0, %mul3A_218 : i32
      %add3A_220 = arith.addi %mul3A_217, %mul3A_219 : i32
      %add3A_221 = arith.addi %add3A_220, %while3A_214 : i32
      %mul3A_222 = arith.constant 2 : i32
      %mul3A_223 = arith.muli %add3A_221, %mul3A_222 : i32
      %mul3A_224 = arith.constant 3360 : i32
      %mul3A_225 = arith.muli %mul3A_223, %mul3A_224 : i32
      "tpu.region"() ({
        %run_scoped3A = tpu.sem_alloc : memref<!tpu.dma_semaphore, #tpu.memory_space<semaphore_mem>>
        %dma_start3A_254 = tpu.memref_slice %arg5[%mul3A_225] : memref<645120xi32, #tpu.memory_space<hbm>> -> memref<6720xi32, #tpu.memory_space<hbm>>
        %dma_start3A_255 = tpu.memref_slice %arg5[%mul3A_225] : memref<645120xi32, #tpu.memory_space<hbm>> -> memref<6720xi32, #tpu.memory_space<hbm>>
        tpu.enqueue_dma source(%dma_start3A_255 : memref<6720xi32, #tpu.memory_space<hbm>>) target(%arg12 : memref<6720xi32, #tpu.memory_space<vmem>>) target_semaphore(%run_scoped3A : memref<!tpu.dma_semaphore, #tpu.memory_space<semaphore_mem>>)
        %dma_wait3A_256 = tpu.memref_slice %arg5[%mul3A_225] : memref<645120xi32, #tpu.memory_space<hbm>> -> memref<6720xi32, #tpu.memory_space<hbm>>
        %dma_wait3A_257 = tpu.memref_slice %arg5[%mul3A_225] : memref<645120xi32, #tpu.memory_space<hbm>> -> memref<6720xi32, #tpu.memory_space<hbm>>
        tpu.wait_dma2 semaphore(%run_scoped3A : memref<!tpu.dma_semaphore, #tpu.memory_space<semaphore_mem>>) src(%dma_wait3A_257 : memref<6720xi32, #tpu.memory_space<hbm>>) dst(%arg12 : memref<6720xi32, #tpu.memory_space<vmem>>)
        tpu.yield
      }) : () -> ()
      %mul3A_226 = arith.constant 3360 : i32
      %mul3A_227 = arith.muli %while3A_214, %mul3A_226 : i32
      %add3A_228 = arith.addi %add3A, %mul3A_227 : i32
      "tpu.region"() ({
        %run_scoped3A = tpu.sem_alloc : memref<!tpu.dma_semaphore, #tpu.memory_space<semaphore_mem>>
        %dma_start3A_254 = tpu.memref_slice %arg6[%add3A_228] : memref<322560xf32, #tpu.memory_space<hbm>> -> memref<3360xf32, #tpu.memory_space<hbm>>
        %dma_start3A_255 = tpu.memref_slice %arg6[%add3A_228] : memref<322560xf32, #tpu.memory_space<hbm>> -> memref<3360xf32, #tpu.memory_space<hbm>>
        tpu.enqueue_dma source(%dma_start3A_255 : memref<3360xf32, #tpu.memory_space<hbm>>) target(%arg11 : memref<3360xf32, #tpu.memory_space<vmem>>) target_semaphore(%run_scoped3A : memref<!tpu.dma_semaphore, #tpu.memory_space<semaphore_mem>>)
        %dma_wait3A_256 = tpu.memref_slice %arg6[%add3A_228] : memref<322560xf32, #tpu.memory_space<hbm>> -> memref<3360xf32, #tpu.memory_space<hbm>>
        %dma_wait3A_257 = tpu.memref_slice %arg6[%add3A_228] : memref<322560xf32, #tpu.memory_space<hbm>> -> memref<3360xf32, #tpu.memory_space<hbm>>
        tpu.wait_dma2 semaphore(%run_scoped3A : memref<!tpu.dma_semaphore, #tpu.memory_space<semaphore_mem>>) src(%dma_wait3A_257 : memref<3360xf32, #tpu.memory_space<hbm>>) dst(%arg11 : memref<3360xf32, #tpu.memory_space<vmem>>)
        tpu.yield
      }) : () -> ()
      %gt3A = arith.constant 0 : i32
      %gt3A_229 = arith.cmpi sgt, %while3A_214, %gt3A : i32
      %convert_element_type3A = arith.extui %gt3A_229 : i1 to i32
      %cond3A = arith.constant 0 : i32
      %cond3A_230 = arith.cmpi ne, %convert_element_type3A, %cond3A : i32
      scf.if %cond3A_230 {
        %dma_wait3A_254 = arith.constant 0 : i32
        %dma_wait3A_255 = arith.constant 0 : i32
        %dma_wait3A_256 = tpu.memref_slice %arg23[%dma_wait3A_254, %dma_wait3A_255] : memref<10240x128xf32, #tpu.memory_space<vmem_shared>> -> memref<10240x128xf32, #tpu.memory_space<vmem_shared>>
        tpu.wait_indirect_dma semaphore(%arg20 : memref<!tpu.dma_semaphore, #tpu.memory_space<semaphore_mem>>) src(%arg8 : memref<80x128xf32, #tpu.memory_space<vmem>>) dst(%dma_wait3A_256 : memref<10240x128xf32, #tpu.memory_space<vmem_shared>>)
      } else {
      }
      %dma_start3A_231 = arith.constant 3360 : i32
      %dma_start3A_232 = tpu.memref_slice %arg12[%dma_start3A_231] : memref<6720xi32, #tpu.memory_space<vmem>> -> memref<80xi32, #tpu.memory_space<vmem>>
      %dma_start3A_233 = arith.constant 0 : i32
      %dma_start3A_234 = arith.constant 0 : i32
      %dma_start3A_235 = tpu.memref_slice %arg2[%dma_start3A_233, %dma_start3A_234] : memref<10000x128xf32, #tpu.memory_space<hbm>> -> memref<10000x128xf32, #tpu.memory_space<hbm>>
      tpu.enqueue_indirect_dma source(%dma_start3A_235 : memref<10000x128xf32, #tpu.memory_space<hbm>>) target(%arg8 : memref<80x128xf32, #tpu.memory_space<vmem>>) offsets(%dma_start3A_232 : memref<80xi32, #tpu.memory_space<vmem>>) semaphore(%arg17 : memref<!tpu.dma_semaphore, #tpu.memory_space<semaphore_mem>>)
      %gt3A_236 = arith.constant 0 : i32
      %gt3A_237 = arith.cmpi sgt, %while3A_214, %gt3A_236 : i32
      %convert_element_type3A_238 = arith.extui %gt3A_237 : i1 to i32
      %cond3A_239 = arith.constant 0 : i32
      %cond3A_240 = arith.cmpi ne, %convert_element_type3A_238, %cond3A_239 : i32
      scf.if %cond3A_240 {
        %dma_wait3A_254 = arith.constant 0 : i32
        %dma_wait3A_255 = arith.constant 0 : i32
        %dma_wait3A_256 = tpu.memref_slice %arg23[%dma_wait3A_254, %dma_wait3A_255] : memref<10240x128xf32, #tpu.memory_space<vmem_shared>> -> memref<10240x128xf32, #tpu.memory_space<vmem_shared>>
        tpu.wait_indirect_dma semaphore(%arg21 : memref<!tpu.dma_semaphore, #tpu.memory_space<semaphore_mem>>) src(%arg9 : memref<80x128xf32, #tpu.memory_space<vmem>>) dst(%dma_wait3A_256 : memref<10240x128xf32, #tpu.memory_space<vmem_shared>>)
      } else {
      }
      %dma_start3A_241 = arith.constant 3440 : i32
      %dma_start3A_242 = tpu.memref_slice %arg12[%dma_start3A_241] : memref<6720xi32, #tpu.memory_space<vmem>> -> memref<80xi32, #tpu.memory_space<vmem>>
      %dma_start3A_243 = arith.constant 0 : i32
      %dma_start3A_244 = arith.constant 0 : i32
      %dma_start3A_245 = tpu.memref_slice %arg2[%dma_start3A_243, %dma_start3A_244] : memref<10000x128xf32, #tpu.memory_space<hbm>> -> memref<10000x128xf32, #tpu.memory_space<hbm>>
      tpu.enqueue_indirect_dma source(%dma_start3A_245 : memref<10000x128xf32, #tpu.memory_space<hbm>>) target(%arg9 : memref<80x128xf32, #tpu.memory_space<vmem>>) offsets(%dma_start3A_242 : memref<80xi32, #tpu.memory_space<vmem>>) semaphore(%arg18 : memref<!tpu.dma_semaphore, #tpu.memory_space<semaphore_mem>>)
      %scan3A_246 = arith.constant 0 : i32
      %scan3A_247 = arith.constant 0 : i32
      %scan3A_248 = arith.constant 14 : i32
      %scan3A_249 = arith.addi %scan3A_247, %scan3A_248 : i32
      %scan3A_250 = arith.constant 1 : i32
      %scan3A_251 = scf.for %scan3A_254 = %scan3A_247 to %scan3A_249 step %scan3A_250 iter_args(%scan3A_255 = %scan3A_246) -> (i32)  : i32 {
        %mul3A_256 = arith.constant 3 : i32
        %mul3A_257 = arith.muli %mul3A_256, %scan3A_254 : i32
        %add3A_258 = arith.constant 0 : i32
        %add3A_259 = arith.addi %mul3A_257, %add3A_258 : i32
        %mul3A_260 = arith.constant 80 : i32
        %mul3A_261 = arith.muli %add3A_259, %mul3A_260 : i32
        %add3A_262 = arith.constant 3360 : i32
        %add3A_263 = arith.addi %add3A_262, %mul3A_261 : i32
        %dma_wait3A_264 = tpu.memref_slice %arg12[%add3A_263] : memref<6720xi32, #tpu.memory_space<vmem>> -> memref<80xi32, #tpu.memory_space<vmem>>
        %dma_wait3A_265 = arith.constant 0 : i32
        %dma_wait3A_266 = arith.constant 0 : i32
        %dma_wait3A_267 = tpu.memref_slice %arg2[%dma_wait3A_265, %dma_wait3A_266] : memref<10000x128xf32, #tpu.memory_space<hbm>> -> memref<10000x128xf32, #tpu.memory_space<hbm>>
        tpu.wait_indirect_dma semaphore(%arg17 : memref<!tpu.dma_semaphore, #tpu.memory_space<semaphore_mem>>) src(%dma_wait3A_267 : memref<10000x128xf32, #tpu.memory_space<hbm>>) dst(%arg8 : memref<80x128xf32, #tpu.memory_space<vmem>>)
        %mul3A_268 = arith.constant 80 : i32
        %mul3A_269 = arith.muli %add3A_259, %mul3A_268 : i32
        %add3A_270 = arith.constant 0 : i32
        %add3A_271 = arith.addi %mul3A_269, %add3A_270 : i32
        %get3A = arith.index_cast %add3A_271 : i32 to index
        %get3A_272 = tpu.vector_load %arg12[%get3A] {strides = array<i32>} : memref<6720xi32, #tpu.memory_space<vmem>>, vector<16xi32>,
        %swap3A_273 = arith.constant 0 : index
        %swap3A_274 = tpu.vector_load %arg14[%swap3A_273] {strides = array<i32>} : memref<80xi32, #tpu.memory_space<vmem>>, vector<16xi32>,
        tpu.vector_store %arg14[%swap3A_273], %get3A_272 {strides = array<i32>} : memref<80xi32, #tpu.memory_space<vmem>>, vector<16xi32>,
        %mul3A_275 = arith.constant 80 : i32
        %mul3A_276 = arith.muli %add3A_259, %mul3A_275 : i32
        %add3A_277 = arith.constant 16 : i32
        %add3A_278 = arith.addi %mul3A_276, %add3A_277 : i32
        %get3A_279 = arith.index_cast %add3A_278 : i32 to index
        %get3A_280 = tpu.vector_load %arg12[%get3A_279] {strides = array<i32>} : memref<6720xi32, #tpu.memory_space<vmem>>, vector<16xi32>,
        %swap3A_281 = arith.constant 16 : index
        %swap3A_282 = tpu.vector_load %arg14[%swap3A_281] {strides = array<i32>} : memref<80xi32, #tpu.memory_space<vmem>>, vector<16xi32>,
        tpu.vector_store %arg14[%swap3A_281], %get3A_280 {strides = array<i32>} : memref<80xi32, #tpu.memory_space<vmem>>, vector<16xi32>,
        %mul3A_283 = arith.constant 80 : i32
        %mul3A_284 = arith.muli %add3A_259, %mul3A_283 : i32
        %add3A_285 = arith.constant 32 : i32
        %add3A_286 = arith.addi %mul3A_284, %add3A_285 : i32
        %get3A_287 = arith.index_cast %add3A_286 : i32 to index
        %get3A_288 = tpu.vector_load %arg12[%get3A_287] {strides = array<i32>} : memref<6720xi32, #tpu.memory_space<vmem>>, vector<16xi32>,
        %swap3A_289 = arith.constant 32 : index
        %swap3A_290 = tpu.vector_load %arg14[%swap3A_289] {strides = array<i32>} : memref<80xi32, #tpu.memory_space<vmem>>, vector<16xi32>,
        tpu.vector_store %arg14[%swap3A_289], %get3A_288 {strides = array<i32>} : memref<80xi32, #tpu.memory_space<vmem>>, vector<16xi32>,
        %mul3A_291 = arith.constant 80 : i32
        %mul3A_292 = arith.muli %add3A_259, %mul3A_291 : i32
        %add3A_293 = arith.constant 48 : i32
        %add3A_294 = arith.addi %mul3A_292, %add3A_293 : i32
        %get3A_295 = arith.index_cast %add3A_294 : i32 to index
        %get3A_296 = tpu.vector_load %arg12[%get3A_295] {strides = array<i32>} : memref<6720xi32, #tpu.memory_space<vmem>>, vector<16xi32>,
        %swap3A_297 = arith.constant 48 : index
        %swap3A_298 = tpu.vector_load %arg14[%swap3A_297] {strides = array<i32>} : memref<80xi32, #tpu.memory_space<vmem>>, vector<16xi32>,
        tpu.vector_store %arg14[%swap3A_297], %get3A_296 {strides = array<i32>} : memref<80xi32, #tpu.memory_space<vmem>>, vector<16xi32>,
        %mul3A_299 = arith.constant 80 : i32
        %mul3A_300 = arith.muli %add3A_259, %mul3A_299 : i32
        %add3A_301 = arith.constant 64 : i32
        %add3A_302 = arith.addi %mul3A_300, %add3A_301 : i32
        %get3A_303 = arith.index_cast %add3A_302 : i32 to index
        %get3A_304 = tpu.vector_load %arg12[%get3A_303] {strides = array<i32>} : memref<6720xi32, #tpu.memory_space<vmem>>, vector<16xi32>,
        %swap3A_305 = arith.constant 64 : index
        %swap3A_306 = tpu.vector_load %arg14[%swap3A_305] {strides = array<i32>} : memref<80xi32, #tpu.memory_space<vmem>>, vector<16xi32>,
        tpu.vector_store %arg14[%swap3A_305], %get3A_304 {strides = array<i32>} : memref<80xi32, #tpu.memory_space<vmem>>, vector<16xi32>,
        %mul3A_307 = arith.constant 80 : i32
        %mul3A_308 = arith.muli %add3A_259, %mul3A_307 : i32
        %scan3A_309 = arith.constant 0 : i32
        %scan3A_310 = arith.constant 0 : i32
        %scan3A_311 = arith.constant 20 : i32
        %scan3A_312 = arith.addi %scan3A_310, %scan3A_311 : i32
        %scan3A_313 = arith.constant 1 : i32
        %scan3A_314 = scf.for %scan3A_468 = %scan3A_310 to %scan3A_312 step %scan3A_313 iter_args(%scan3A_469 = %scan3A_309) -> (i32)  : i32 {
          %mul3A_470 = arith.constant 4 : i32
          %mul3A_471 = arith.muli %mul3A_470, %scan3A_468 : i32
          %add3A_472 = arith.addi %mul3A_308, %mul3A_471 : i32
          %add3A_473 = arith.constant 0 : i32
          %add3A_474 = arith.addi %add3A_472, %add3A_473 : i32
          %add3A_475 = vector.broadcast %add3A_474 : i32 to vector<16xi32>
          %add3A_476 = arith.addi %broadcast_in_dim3A_8, %add3A_475 : vector<16xi32>
          %gather3A = tpu.vector_load_idx %arg11[%add3A_476] : memref<3360xf32, #tpu.memory_space<vmem>>[vector<16xi32>], vector<16xf32>,
          %add3A_477 = arith.addi %mul3A_308, %mul3A_471 : i32
          %add3A_478 = arith.constant 1 : i32
          %add3A_479 = arith.addi %add3A_477, %add3A_478 : i32
          %add3A_480 = vector.broadcast %add3A_479 : i32 to vector<16xi32>
          %add3A_481 = arith.addi %broadcast_in_dim3A_8, %add3A_480 : vector<16xi32>
          %gather3A_482 = tpu.vector_load_idx %arg11[%add3A_481] : memref<3360xf32, #tpu.memory_space<vmem>>[vector<16xi32>], vector<16xf32>,
          %add3A_483 = arith.addi %mul3A_308, %mul3A_471 : i32
          %add3A_484 = arith.constant 2 : i32
          %add3A_485 = arith.addi %add3A_483, %add3A_484 : i32
          %add3A_486 = vector.broadcast %add3A_485 : i32 to vector<16xi32>
          %add3A_487 = arith.addi %broadcast_in_dim3A_8, %add3A_486 : vector<16xi32>
          %gather3A_488 = tpu.vector_load_idx %arg11[%add3A_487] : memref<3360xf32, #tpu.memory_space<vmem>>[vector<16xi32>], vector<16xf32>,
          %add3A_489 = arith.addi %mul3A_308, %mul3A_471 : i32
          %add3A_490 = arith.constant 3 : i32
          %add3A_491 = arith.addi %add3A_489, %add3A_490 : i32
          %add3A_492 = vector.broadcast %add3A_491 : i32 to vector<16xi32>
          %add3A_493 = arith.addi %broadcast_in_dim3A_8, %add3A_492 : vector<16xi32>
          %gather3A_494 = tpu.vector_load_idx %arg11[%add3A_493] : memref<3360xf32, #tpu.memory_space<vmem>>[vector<16xi32>], vector<16xf32>,
          %add3A_495 = arith.constant 0 : i32
          %add3A_496 = arith.addi %mul3A_471, %add3A_495 : i32
          %get3A_497 = arith.index_cast %add3A_496 : i32 to index
          %get3A_498 = arith.constant 0 : index
          %get3A_499 = tpu.vector_load %arg8[%get3A_497, %get3A_498] {strides = array<i32>} : memref<80x128xf32, #tpu.memory_space<vmem>>, vector<16xf32>,
          %mul3A_500 = arith.mulf %get3A_499, %gather3A : vector<16xf32>
          %add3A_501 = arith.constant 0 : i32
          %add3A_502 = arith.addi %mul3A_471, %add3A_501 : i32
          %swap3A_503 = arith.index_cast %add3A_502 : i32 to index
          %swap3A_504 = arith.constant 0 : index
          %swap3A_505 = tpu.vector_load %arg8[%swap3A_503, %swap3A_504] {strides = array<i32>} : memref<80x128xf32, #tpu.memory_space<vmem>>, vector<16xf32>,
          tpu.vector_store %arg8[%swap3A_503, %swap3A_504], %mul3A_500 {strides = array<i32>} : memref<80x128xf32, #tpu.memory_space<vmem>>, vector<16xf32>,
          %add3A_506 = arith.constant 0 : i32
          %add3A_507 = arith.addi %mul3A_471, %add3A_506 : i32
          %get3A_508 = arith.index_cast %add3A_507 : i32 to index
          %get3A_509 = arith.constant 16 : index
          %get3A_510 = tpu.vector_load %arg8[%get3A_508, %get3A_509] {strides = array<i32>} : memref<80x128xf32, #tpu.memory_space<vmem>>, vector<16xf32>,
          %mul3A_511 = arith.mulf %get3A_510, %gather3A : vector<16xf32>
          %add3A_512 = arith.constant 0 : i32
          %add3A_513 = arith.addi %mul3A_471, %add3A_512 : i32
          %swap3A_514 = arith.index_cast %add3A_513 : i32 to index
          %swap3A_515 = arith.constant 16 : index
          %swap3A_516 = tpu.vector_load %arg8[%swap3A_514, %swap3A_515] {strides = array<i32>} : memref<80x128xf32, #tpu.memory_space<vmem>>, vector<16xf32>,
          tpu.vector_store %arg8[%swap3A_514, %swap3A_515], %mul3A_511 {strides = array<i32>} : memref<80x128xf32, #tpu.memory_space<vmem>>, vector<16xf32>,
          %add3A_517 = arith.constant 0 : i32
          %add3A_518 = arith.addi %mul3A_471, %add3A_517 : i32
          %get3A_519 = arith.index_cast %add3A_518 : i32 to index
          %get3A_520 = arith.constant 32 : index
          %get3A_521 = tpu.vector_load %arg8[%get3A_519, %get3A_520] {strides = array<i32>} : memref<80x128xf32, #tpu.memory_space<vmem>>, vector<16xf32>,
          %mul3A_522 = arith.mulf %get3A_521, %gather3A : vector<16xf32>
          %add3A_523 = arith.constant 0 : i32
          %add3A_524 = arith.addi %mul3A_471, %add3A_523 : i32
          %swap3A_525 = arith.index_cast %add3A_524 : i32 to index
          %swap3A_526 = arith.constant 32 : index
          %swap3A_527 = tpu.vector_load %arg8[%swap3A_525, %swap3A_526] {strides = array<i32>} : memref<80x128xf32, #tpu.memory_space<vmem>>, vector<16xf32>,
          tpu.vector_store %arg8[%swap3A_525, %swap3A_526], %mul3A_522 {strides = array<i32>} : memref<80x128xf32, #tpu.memory_space<vmem>>, vector<16xf32>,
          %add3A_528 = arith.constant 0 : i32
          %add3A_529 = arith.addi %mul3A_471, %add3A_528 : i32
          %get3A_530 = arith.index_cast %add3A_529 : i32 to index
          %get3A_531 = arith.constant 48 : index
          %get3A_532 = tpu.vector_load %arg8[%get3A_530, %get3A_531] {strides = array<i32>} : memref<80x128xf32, #tpu.memory_space<vmem>>, vector<16xf32>,
          %mul3A_533 = arith.mulf %get3A_532, %gather3A : vector<16xf32>
          %add3A_534 = arith.constant 0 : i32
          %add3A_535 = arith.addi %mul3A_471, %add3A_534 : i32
          %swap3A_536 = arith.index_cast %add3A_535 : i32 to index
          %swap3A_537 = arith.constant 48 : index
          %swap3A_538 = tpu.vector_load %arg8[%swap3A_536, %swap3A_537] {strides = array<i32>} : memref<80x128xf32, #tpu.memory_space<vmem>>, vector<16xf32>,
          tpu.vector_store %arg8[%swap3A_536, %swap3A_537], %mul3A_533 {strides = array<i32>} : memref<80x128xf32, #tpu.memory_space<vmem>>, vector<16xf32>,
          %add3A_539 = arith.constant 0 : i32
          %add3A_540 = arith.addi %mul3A_471, %add3A_539 : i32
          %get3A_541 = arith.index_cast %add3A_540 : i32 to index
          %get3A_542 = arith.constant 64 : index
          %get3A_543 = tpu.vector_load %arg8[%get3A_541, %get3A_542] {strides = array<i32>} : memref<80x128xf32, #tpu.memory_space<vmem>>, vector<16xf32>,
          %mul3A_544 = arith.mulf %get3A_543, %gather3A : vector<16xf32>
          %add3A_545 = arith.constant 0 : i32
          %add3A_546 = arith.addi %mul3A_471, %add3A_545 : i32
          %swap3A_547 = arith.index_cast %add3A_546 : i32 to index
          %swap3A_548 = arith.constant 64 : index
          %swap3A_549 = tpu.vector_load %arg8[%swap3A_547, %swap3A_548] {strides = array<i32>} : memref<80x128xf32, #tpu.memory_space<vmem>>, vector<16xf32>,
          tpu.vector_store %arg8[%swap3A_547, %swap3A_548], %mul3A_544 {strides = array<i32>} : memref<80x128xf32, #tpu.memory_space<vmem>>, vector<16xf32>,
          %add3A_550 = arith.constant 0 : i32
          %add3A_551 = arith.addi %mul3A_471, %add3A_550 : i32
          %get3A_552 = arith.index_cast %add3A_551 : i32 to index
          %get3A_553 = arith.constant 80 : index
          %get3A_554 = tpu.vector_load %arg8[%get3A_552, %get3A_553] {strides = array<i32>} : memref<80x128xf32, #tpu.memory_space<vmem>>, vector<16xf32>,
          %mul3A_555 = arith.mulf %get3A_554, %gather3A : vector<16xf32>
          %add3A_556 = arith.constant 0 : i32
          %add3A_557 = arith.addi %mul3A_471, %add3A_556 : i32
          %swap3A_558 = arith.index_cast %add3A_557 : i32 to index
          %swap3A_559 = arith.constant 80 : index
          %swap3A_560 = tpu.vector_load %arg8[%swap3A_558, %swap3A_559] {strides = array<i32>} : memref<80x128xf32, #tpu.memory_space<vmem>>, vector<16xf32>,
          tpu.vector_store %arg8[%swap3A_558, %swap3A_559], %mul3A_555 {strides = array<i32>} : memref<80x128xf32, #tpu.memory_space<vmem>>, vector<16xf32>,
          %add3A_561 = arith.constant 0 : i32
          %add3A_562 = arith.addi %mul3A_471, %add3A_561 : i32
          %get3A_563 = arith.index_cast %add3A_562 : i32 to index
          %get3A_564 = arith.constant 96 : index
          %get3A_565 = tpu.vector_load %arg8[%get3A_563, %get3A_564] {strides = array<i32>} : memref<80x128xf32, #tpu.memory_space<vmem>>, vector<16xf32>,
          %mul3A_566 = arith.mulf %get3A_565, %gather3A : vector<16xf32>
          %add3A_567 = arith.constant 0 : i32
          %add3A_568 = arith.addi %mul3A_471, %add3A_567 : i32
          %swap3A_569 = arith.index_cast %add3A_568 : i32 to index
          %swap3A_570 = arith.constant 96 : index
          %swap3A_571 = tpu.vector_load %arg8[%swap3A_569, %swap3A_570] {strides = array<i32>} : memref<80x128xf32, #tpu.memory_space<vmem>>, vector<16xf32>,
          tpu.vector_store %arg8[%swap3A_569, %swap3A_570], %mul3A_566 {strides = array<i32>} : memref<80x128xf32, #tpu.memory_space<vmem>>, vector<16xf32>,
          %add3A_572 = arith.constant 0 : i32
          %add3A_573 = arith.addi %mul3A_471, %add3A_572 : i32
          %get3A_574 = arith.index_cast %add3A_573 : i32 to index
          %get3A_575 = arith.constant 112 : index
          %get3A_576 = tpu.vector_load %arg8[%get3A_574, %get3A_575] {strides = array<i32>} : memref<80x128xf32, #tpu.memory_space<vmem>>, vector<16xf32>,
          %mul3A_577 = arith.mulf %get3A_576, %gather3A : vector<16xf32>
          %add3A_578 = arith.constant 0 : i32
          %add3A_579 = arith.addi %mul3A_471, %add3A_578 : i32
          %swap3A_580 = arith.index_cast %add3A_579 : i32 to index
          %swap3A_581 = arith.constant 112 : index
          %swap3A_582 = tpu.vector_load %arg8[%swap3A_580, %swap3A_581] {strides = array<i32>} : memref<80x128xf32, #tpu.memory_space<vmem>>, vector<16xf32>,
          tpu.vector_store %arg8[%swap3A_580, %swap3A_581], %mul3A_577 {strides = array<i32>} : memref<80x128xf32, #tpu.memory_space<vmem>>, vector<16xf32>,
          %add3A_583 = arith.constant 1 : i32
          %add3A_584 = arith.addi %mul3A_471, %add3A_583 : i32
          %get3A_585 = arith.index_cast %add3A_584 : i32 to index
          %get3A_586 = arith.constant 0 : index
          %get3A_587 = tpu.vector_load %arg8[%get3A_585, %get3A_586] {strides = array<i32>} : memref<80x128xf32, #tpu.memory_space<vmem>>, vector<16xf32>,
          %mul3A_588 = arith.mulf %get3A_587, %gather3A_482 : vector<16xf32>
          %add3A_589 = arith.constant 1 : i32
          %add3A_590 = arith.addi %mul3A_471, %add3A_589 : i32
          %swap3A_591 = arith.index_cast %add3A_590 : i32 to index
          %swap3A_592 = arith.constant 0 : index
          %swap3A_593 = tpu.vector_load %arg8[%swap3A_591, %swap3A_592] {strides = array<i32>} : memref<80x128xf32, #tpu.memory_space<vmem>>, vector<16xf32>,
          tpu.vector_store %arg8[%swap3A_591, %swap3A_592], %mul3A_588 {strides = array<i32>} : memref<80x128xf32, #tpu.memory_space<vmem>>, vector<16xf32>,
          %add3A_594 = arith.constant 1 : i32
          %add3A_595 = arith.addi %mul3A_471, %add3A_594 : i32
          %get3A_596 = arith.index_cast %add3A_595 : i32 to index
          %get3A_597 = arith.constant 16 : index
          %get3A_598 = tpu.vector_load %arg8[%get3A_596, %get3A_597] {strides = array<i32>} : memref<80x128xf32, #tpu.memory_space<vmem>>, vector<16xf32>,
          %mul3A_599 = arith.mulf %get3A_598, %gather3A_482 : vector<16xf32>
          %add3A_600 = arith.constant 1 : i32
          %add3A_601 = arith.addi %mul3A_471, %add3A_600 : i32
          %swap3A_602 = arith.index_cast %add3A_601 : i32 to index
          %swap3A_603 = arith.constant 16 : index
          %swap3A_604 = tpu.vector_load %arg8[%swap3A_602, %swap3A_603] {strides = array<i32>} : memref<80x128xf32, #tpu.memory_space<vmem>>, vector<16xf32>,
          tpu.vector_store %arg8[%swap3A_602, %swap3A_603], %mul3A_599 {strides = array<i32>} : memref<80x128xf32, #tpu.memory_space<vmem>>, vector<16xf32>,
          %add3A_605 = arith.constant 1 : i32
          %add3A_606 = arith.addi %mul3A_471, %add3A_605 : i32
          %get3A_607 = arith.index_cast %add3A_606 : i32 to index
          %get3A_608 = arith.constant 32 : index
          %get3A_609 = tpu.vector_load %arg8[%get3A_607, %get3A_608] {strides = array<i32>} : memref<80x128xf32, #tpu.memory_space<vmem>>, vector<16xf32>,
          %mul3A_610 = arith.mulf %get3A_609, %gather3A_482 : vector<16xf32>
          %add3A_611 = arith.constant 1 : i32
          %add3A_612 = arith.addi %mul3A_471, %add3A_611 : i32
          %swap3A_613 = arith.index_cast %add3A_612 : i32 to index
          %swap3A_614 = arith.constant 32 : index
          %swap3A_615 = tpu.vector_load %arg8[%swap3A_613, %swap3A_614] {strides = array<i32>} : memref<80x128xf32, #tpu.memory_space<vmem>>, vector<16xf32>,
          tpu.vector_store %arg8[%swap3A_613, %swap3A_614], %mul3A_610 {strides = array<i32>} : memref<80x128xf32, #tpu.memory_space<vmem>>, vector<16xf32>,
          %add3A_616 = arith.constant 1 : i32
          %add3A_617 = arith.addi %mul3A_471, %add3A_616 : i32
          %get3A_618 = arith.index_cast %add3A_617 : i32 to index
          %get3A_619 = arith.constant 48 : index
          %get3A_620 = tpu.vector_load %arg8[%get3A_618, %get3A_619] {strides = array<i32>} : memref<80x128xf32, #tpu.memory_space<vmem>>, vector<16xf32>,
          %mul3A_621 = arith.mulf %get3A_620, %gather3A_482 : vector<16xf32>
          %add3A_622 = arith.constant 1 : i32
          %add3A_623 = arith.addi %mul3A_471, %add3A_622 : i32
          %swap3A_624 = arith.index_cast %add3A_623 : i32 to index
          %swap3A_625 = arith.constant 48 : index
          %swap3A_626 = tpu.vector_load %arg8[%swap3A_624, %swap3A_625] {strides = array<i32>} : memref<80x128xf32, #tpu.memory_space<vmem>>, vector<16xf32>,
          tpu.vector_store %arg8[%swap3A_624, %swap3A_625], %mul3A_621 {strides = array<i32>} : memref<80x128xf32, #tpu.memory_space<vmem>>, vector<16xf32>,
          %add3A_627 = arith.constant 1 : i32
          %add3A_628 = arith.addi %mul3A_471, %add3A_627 : i32
          %get3A_629 = arith.index_cast %add3A_628 : i32 to index
          %get3A_630 = arith.constant 64 : index
          %get3A_631 = tpu.vector_load %arg8[%get3A_629, %get3A_630] {strides = array<i32>} : memref<80x128xf32, #tpu.memory_space<vmem>>, vector<16xf32>,
          %mul3A_632 = arith.mulf %get3A_631, %gather3A_482 : vector<16xf32>
          %add3A_633 = arith.constant 1 : i32
          %add3A_634 = arith.addi %mul3A_471, %add3A_633 : i32
          %swap3A_635 = arith.index_cast %add3A_634 : i32 to index
          %swap3A_636 = arith.constant 64 : index
          %swap3A_637 = tpu.vector_load %arg8[%swap3A_635, %swap3A_636] {strides = array<i32>} : memref<80x128xf32, #tpu.memory_space<vmem>>, vector<16xf32>,
          tpu.vector_store %arg8[%swap3A_635, %swap3A_636], %mul3A_632 {strides = array<i32>} : memref<80x128xf32, #tpu.memory_space<vmem>>, vector<16xf32>,
          %add3A_638 = arith.constant 1 : i32
          %add3A_639 = arith.addi %mul3A_471, %add3A_638 : i32
          %get3A_640 = arith.index_cast %add3A_639 : i32 to index
          %get3A_641 = arith.constant 80 : index
          %get3A_642 = tpu.vector_load %arg8[%get3A_640, %get3A_641] {strides = array<i32>} : memref<80x128xf32, #tpu.memory_space<vmem>>, vector<16xf32>,
          %mul3A_643 = arith.mulf %get3A_642, %gather3A_482 : vector<16xf32>
          %add3A_644 = arith.constant 1 : i32
          %add3A_645 = arith.addi %mul3A_471, %add3A_644 : i32
          %swap3A_646 = arith.index_cast %add3A_645 : i32 to index
          %swap3A_647 = arith.constant 80 : index
          %swap3A_648 = tpu.vector_load %arg8[%swap3A_646, %swap3A_647] {strides = array<i32>} : memref<80x128xf32, #tpu.memory_space<vmem>>, vector<16xf32>,
          tpu.vector_store %arg8[%swap3A_646, %swap3A_647], %mul3A_643 {strides = array<i32>} : memref<80x128xf32, #tpu.memory_space<vmem>>, vector<16xf32>,
          %add3A_649 = arith.constant 1 : i32
          %add3A_650 = arith.addi %mul3A_471, %add3A_649 : i32
          %get3A_651 = arith.index_cast %add3A_650 : i32 to index
          %get3A_652 = arith.constant 96 : index
          %get3A_653 = tpu.vector_load %arg8[%get3A_651, %get3A_652] {strides = array<i32>} : memref<80x128xf32, #tpu.memory_space<vmem>>, vector<16xf32>,
          %mul3A_654 = arith.mulf %get3A_653, %gather3A_482 : vector<16xf32>
          %add3A_655 = arith.constant 1 : i32
          %add3A_656 = arith.addi %mul3A_471, %add3A_655 : i32
          %swap3A_657 = arith.index_cast %add3A_656 : i32 to index
          %swap3A_658 = arith.constant 96 : index
          %swap3A_659 = tpu.vector_load %arg8[%swap3A_657, %swap3A_658] {strides = array<i32>} : memref<80x128xf32, #tpu.memory_space<vmem>>, vector<16xf32>,
          tpu.vector_store %arg8[%swap3A_657, %swap3A_658], %mul3A_654 {strides = array<i32>} : memref<80x128xf32, #tpu.memory_space<vmem>>, vector<16xf32>,
          %add3A_660 = arith.constant 1 : i32
          %add3A_661 = arith.addi %mul3A_471, %add3A_660 : i32
          %get3A_662 = arith.index_cast %add3A_661 : i32 to index
          %get3A_663 = arith.constant 112 : index
          %get3A_664 = tpu.vector_load %arg8[%get3A_662, %get3A_663] {strides = array<i32>} : memref<80x128xf32, #tpu.memory_space<vmem>>, vector<16xf32>,
          %mul3A_665 = arith.mulf %get3A_664, %gather3A_482 : vector<16xf32>
          %add3A_666 = arith.constant 1 : i32
          %add3A_667 = arith.addi %mul3A_471, %add3A_666 : i32
          %swap3A_668 = arith.index_cast %add3A_667 : i32 to index
          %swap3A_669 = arith.constant 112 : index
          %swap3A_670 = tpu.vector_load %arg8[%swap3A_668, %swap3A_669] {strides = array<i32>} : memref<80x128xf32, #tpu.memory_space<vmem>>, vector<16xf32>,
          tpu.vector_store %arg8[%swap3A_668, %swap3A_669], %mul3A_665 {strides = array<i32>} : memref<80x128xf32, #tpu.memory_space<vmem>>, vector<16xf32>,
          %add3A_671 = arith.constant 2 : i32
          %add3A_672 = arith.addi %mul3A_471, %add3A_671 : i32
          %get3A_673 = arith.index_cast %add3A_672 : i32 to index
          %get3A_674 = arith.constant 0 : index
          %get3A_675 = tpu.vector_load %arg8[%get3A_673, %get3A_674] {strides = array<i32>} : memref<80x128xf32, #tpu.memory_space<vmem>>, vector<16xf32>,
          %mul3A_676 = arith.mulf %get3A_675, %gather3A_488 : vector<16xf32>
          %add3A_677 = arith.constant 2 : i32
          %add3A_678 = arith.addi %mul3A_471, %add3A_677 : i32
          %swap3A_679 = arith.index_cast %add3A_678 : i32 to index
          %swap3A_680 = arith.constant 0 : index
          %swap3A_681 = tpu.vector_load %arg8[%swap3A_679, %swap3A_680] {strides = array<i32>} : memref<80x128xf32, #tpu.memory_space<vmem>>, vector<16xf32>,
          tpu.vector_store %arg8[%swap3A_679, %swap3A_680], %mul3A_676 {strides = array<i32>} : memref<80x128xf32, #tpu.memory_space<vmem>>, vector<16xf32>,
          %add3A_682 = arith.constant 2 : i32
          %add3A_683 = arith.addi %mul3A_471, %add3A_682 : i32
          %get3A_684 = arith.index_cast %add3A_683 : i32 to index
          %get3A_685 = arith.constant 16 : index
          %get3A_686 = tpu.vector_load %arg8[%get3A_684, %get3A_685] {strides = array<i32>} : memref<80x128xf32, #tpu.memory_space<vmem>>, vector<16xf32>,
          %mul3A_687 = arith.mulf %get3A_686, %gather3A_488 : vector<16xf32>
          %add3A_688 = arith.constant 2 : i32
          %add3A_689 = arith.addi %mul3A_471, %add3A_688 : i32
          %swap3A_690 = arith.index_cast %add3A_689 : i32 to index
          %swap3A_691 = arith.constant 16 : index
          %swap3A_692 = tpu.vector_load %arg8[%swap3A_690, %swap3A_691] {strides = array<i32>} : memref<80x128xf32, #tpu.memory_space<vmem>>, vector<16xf32>,
          tpu.vector_store %arg8[%swap3A_690, %swap3A_691], %mul3A_687 {strides = array<i32>} : memref<80x128xf32, #tpu.memory_space<vmem>>, vector<16xf32>,
          %add3A_693 = arith.constant 2 : i32
          %add3A_694 = arith.addi %mul3A_471, %add3A_693 : i32
          %get3A_695 = arith.index_cast %add3A_694 : i32 to index
          %get3A_696 = arith.constant 32 : index
          %get3A_697 = tpu.vector_load %arg8[%get3A_695, %get3A_696] {strides = array<i32>} : memref<80x128xf32, #tpu.memory_space<vmem>>, vector<16xf32>,
          %mul3A_698 = arith.mulf %get3A_697, %gather3A_488 : vector<16xf32>
          %add3A_699 = arith.constant 2 : i32
          %add3A_700 = arith.addi %mul3A_471, %add3A_699 : i32
          %swap3A_701 = arith.index_cast %add3A_700 : i32 to index
          %swap3A_702 = arith.constant 32 : index
          %swap3A_703 = tpu.vector_load %arg8[%swap3A_701, %swap3A_702] {strides = array<i32>} : memref<80x128xf32, #tpu.memory_space<vmem>>, vector<16xf32>,
          tpu.vector_store %arg8[%swap3A_701, %swap3A_702], %mul3A_698 {strides = array<i32>} : memref<80x128xf32, #tpu.memory_space<vmem>>, vector<16xf32>,
          %add3A_704 = arith.constant 2 : i32
          %add3A_705 = arith.addi %mul3A_471, %add3A_704 : i32
          %get3A_706 = arith.index_cast %add3A_705 : i32 to index
          %get3A_707 = arith.constant 48 : index
          %get3A_708 = tpu.vector_load %arg8[%get3A_706, %get3A_707] {strides = array<i32>} : memref<80x128xf32, #tpu.memory_space<vmem>>, vector<16xf32>,
          %mul3A_709 = arith.mulf %get3A_708, %gather3A_488 : vector<16xf32>
          %add3A_710 = arith.constant 2 : i32
          %add3A_711 = arith.addi %mul3A_471, %add3A_710 : i32
          %swap3A_712 = arith.index_cast %add3A_711 : i32 to index
          %swap3A_713 = arith.constant 48 : index
          %swap3A_714 = tpu.vector_load %arg8[%swap3A_712, %swap3A_713] {strides = array<i32>} : memref<80x128xf32, #tpu.memory_space<vmem>>, vector<16xf32>,
          tpu.vector_store %arg8[%swap3A_712, %swap3A_713], %mul3A_709 {strides = array<i32>} : memref<80x128xf32, #tpu.memory_space<vmem>>, vector<16xf32>,
          %add3A_715 = arith.constant 2 : i32
          %add3A_716 = arith.addi %mul3A_471, %add3A_715 : i32
          %get3A_717 = arith.index_cast %add3A_716 : i32 to index
          %get3A_718 = arith.constant 64 : index
          %get3A_719 = tpu.vector_load %arg8[%get3A_717, %get3A_718] {strides = array<i32>} : memref<80x128xf32, #tpu.memory_space<vmem>>, vector<16xf32>,
          %mul3A_720 = arith.mulf %get3A_719, %gather3A_488 : vector<16xf32>
          %add3A_721 = arith.constant 2 : i32
          %add3A_722 = arith.addi %mul3A_471, %add3A_721 : i32
          %swap3A_723 = arith.index_cast %add3A_722 : i32 to index
          %swap3A_724 = arith.constant 64 : index
          %swap3A_725 = tpu.vector_load %arg8[%swap3A_723, %swap3A_724] {strides = array<i32>} : memref<80x128xf32, #tpu.memory_space<vmem>>, vector<16xf32>,
          tpu.vector_store %arg8[%swap3A_723, %swap3A_724], %mul3A_720 {strides = array<i32>} : memref<80x128xf32, #tpu.memory_space<vmem>>, vector<16xf32>,
          %add3A_726 = arith.constant 2 : i32
          %add3A_727 = arith.addi %mul3A_471, %add3A_726 : i32
          %get3A_728 = arith.index_cast %add3A_727 : i32 to index
          %get3A_729 = arith.constant 80 : index
          %get3A_730 = tpu.vector_load %arg8[%get3A_728, %get3A_729] {strides = array<i32>} : memref<80x128xf32, #tpu.memory_space<vmem>>, vector<16xf32>,
          %mul3A_731 = arith.mulf %get3A_730, %gather3A_488 : vector<16xf32>
          %add3A_732 = arith.constant 2 : i32
          %add3A_733 = arith.addi %mul3A_471, %add3A_732 : i32
          %swap3A_734 = arith.index_cast %add3A_733 : i32 to index
          %swap3A_735 = arith.constant 80 : index
          %swap3A_736 = tpu.vector_load %arg8[%swap3A_734, %swap3A_735] {strides = array<i32>} : memref<80x128xf32, #tpu.memory_space<vmem>>, vector<16xf32>,
          tpu.vector_store %arg8[%swap3A_734, %swap3A_735], %mul3A_731 {strides = array<i32>} : memref<80x128xf32, #tpu.memory_space<vmem>>, vector<16xf32>,
          %add3A_737 = arith.constant 2 : i32
          %add3A_738 = arith.addi %mul3A_471, %add3A_737 : i32
          %get3A_739 = arith.index_cast %add3A_738 : i32 to index
          %get3A_740 = arith.constant 96 : index
          %get3A_741 = tpu.vector_load %arg8[%get3A_739, %get3A_740] {strides = array<i32>} : memref<80x128xf32, #tpu.memory_space<vmem>>, vector<16xf32>,
          %mul3A_742 = arith.mulf %get3A_741, %gather3A_488 : vector<16xf32>
          %add3A_743 = arith.constant 2 : i32
          %add3A_744 = arith.addi %mul3A_471, %add3A_743 : i32
          %swap3A_745 = arith.index_cast %add3A_744 : i32 to index
          %swap3A_746 = arith.constant 96 : index
          %swap3A_747 = tpu.vector_load %arg8[%swap3A_745, %swap3A_746] {strides = array<i32>} : memref<80x128xf32, #tpu.memory_space<vmem>>, vector<16xf32>,
          tpu.vector_store %arg8[%swap3A_745, %swap3A_746], %mul3A_742 {strides = array<i32>} : memref<80x128xf32, #tpu.memory_space<vmem>>, vector<16xf32>,
          %add3A_748 = arith.constant 2 : i32
          %add3A_749 = arith.addi %mul3A_471, %add3A_748 : i32
          %get3A_750 = arith.index_cast %add3A_749 : i32 to index
          %get3A_751 = arith.constant 112 : index
          %get3A_752 = tpu.vector_load %arg8[%get3A_750, %get3A_751] {strides = array<i32>} : memref<80x128xf32, #tpu.memory_space<vmem>>, vector<16xf32>,
          %mul3A_753 = arith.mulf %get3A_752, %gather3A_488 : vector<16xf32>
          %add3A_754 = arith.constant 2 : i32
          %add3A_755 = arith.addi %mul3A_471, %add3A_754 : i32
          %swap3A_756 = arith.index_cast %add3A_755 : i32 to index
          %swap3A_757 = arith.constant 112 : index
          %swap3A_758 = tpu.vector_load %arg8[%swap3A_756, %swap3A_757] {strides = array<i32>} : memref<80x128xf32, #tpu.memory_space<vmem>>, vector<16xf32>,
          tpu.vector_store %arg8[%swap3A_756, %swap3A_757], %mul3A_753 {strides = array<i32>} : memref<80x128xf32, #tpu.memory_space<vmem>>, vector<16xf32>,
          %add3A_759 = arith.constant 3 : i32
          %add3A_760 = arith.addi %mul3A_471, %add3A_759 : i32
          %get3A_761 = arith.index_cast %add3A_760 : i32 to index
          %get3A_762 = arith.constant 0 : index
          %get3A_763 = tpu.vector_load %arg8[%get3A_761, %get3A_762] {strides = array<i32>} : memref<80x128xf32, #tpu.memory_space<vmem>>, vector<16xf32>,
          %mul3A_764 = arith.mulf %get3A_763, %gather3A_494 : vector<16xf32>
          %add3A_765 = arith.constant 3 : i32
          %add3A_766 = arith.addi %mul3A_471, %add3A_765 : i32
          %swap3A_767 = arith.index_cast %add3A_766 : i32 to index
          %swap3A_768 = arith.constant 0 : index
          %swap3A_769 = tpu.vector_load %arg8[%swap3A_767, %swap3A_768] {strides = array<i32>} : memref<80x128xf32, #tpu.memory_space<vmem>>, vector<16xf32>,
          tpu.vector_store %arg8[%swap3A_767, %swap3A_768], %mul3A_764 {strides = array<i32>} : memref<80x128xf32, #tpu.memory_space<vmem>>, vector<16xf32>,
          %add3A_770 = arith.constant 3 : i32
          %add3A_771 = arith.addi %mul3A_471, %add3A_770 : i32
          %get3A_772 = arith.index_cast %add3A_771 : i32 to index
          %get3A_773 = arith.constant 16 : index
          %get3A_774 = tpu.vector_load %arg8[%get3A_772, %get3A_773] {strides = array<i32>} : memref<80x128xf32, #tpu.memory_space<vmem>>, vector<16xf32>,
          %mul3A_775 = arith.mulf %get3A_774, %gather3A_494 : vector<16xf32>
          %add3A_776 = arith.constant 3 : i32
          %add3A_777 = arith.addi %mul3A_471, %add3A_776 : i32
          %swap3A_778 = arith.index_cast %add3A_777 : i32 to index
          %swap3A_779 = arith.constant 16 : index
          %swap3A_780 = tpu.vector_load %arg8[%swap3A_778, %swap3A_779] {strides = array<i32>} : memref<80x128xf32, #tpu.memory_space<vmem>>, vector<16xf32>,
          tpu.vector_store %arg8[%swap3A_778, %swap3A_779], %mul3A_775 {strides = array<i32>} : memref<80x128xf32, #tpu.memory_space<vmem>>, vector<16xf32>,
          %add3A_781 = arith.constant 3 : i32
          %add3A_782 = arith.addi %mul3A_471, %add3A_781 : i32
          %get3A_783 = arith.index_cast %add3A_782 : i32 to index
          %get3A_784 = arith.constant 32 : index
          %get3A_785 = tpu.vector_load %arg8[%get3A_783, %get3A_784] {strides = array<i32>} : memref<80x128xf32, #tpu.memory_space<vmem>>, vector<16xf32>,
          %mul3A_786 = arith.mulf %get3A_785, %gather3A_494 : vector<16xf32>
          %add3A_787 = arith.constant 3 : i32
          %add3A_788 = arith.addi %mul3A_471, %add3A_787 : i32
          %swap3A_789 = arith.index_cast %add3A_788 : i32 to index
          %swap3A_790 = arith.constant 32 : index
          %swap3A_791 = tpu.vector_load %arg8[%swap3A_789, %swap3A_790] {strides = array<i32>} : memref<80x128xf32, #tpu.memory_space<vmem>>, vector<16xf32>,
          tpu.vector_store %arg8[%swap3A_789, %swap3A_790], %mul3A_786 {strides = array<i32>} : memref<80x128xf32, #tpu.memory_space<vmem>>, vector<16xf32>,
          %add3A_792 = arith.constant 3 : i32
          %add3A_793 = arith.addi %mul3A_471, %add3A_792 : i32
          %get3A_794 = arith.index_cast %add3A_793 : i32 to index
          %get3A_795 = arith.constant 48 : index
          %get3A_796 = tpu.vector_load %arg8[%get3A_794, %get3A_795] {strides = array<i32>} : memref<80x128xf32, #tpu.memory_space<vmem>>, vector<16xf32>,
          %mul3A_797 = arith.mulf %get3A_796, %gather3A_494 : vector<16xf32>
          %add3A_798 = arith.constant 3 : i32
          %add3A_799 = arith.addi %mul3A_471, %add3A_798 : i32
          %swap3A_800 = arith.index_cast %add3A_799 : i32 to index
          %swap3A_801 = arith.constant 48 : index
          %swap3A_802 = tpu.vector_load %arg8[%swap3A_800, %swap3A_801] {strides = array<i32>} : memref<80x128xf32, #tpu.memory_space<vmem>>, vector<16xf32>,
          tpu.vector_store %arg8[%swap3A_800, %swap3A_801], %mul3A_797 {strides = array<i32>} : memref<80x128xf32, #tpu.memory_space<vmem>>, vector<16xf32>,
          %add3A_803 = arith.constant 3 : i32
          %add3A_804 = arith.addi %mul3A_471, %add3A_803 : i32
          %get3A_805 = arith.index_cast %add3A_804 : i32 to index
          %get3A_806 = arith.constant 64 : index
          %get3A_807 = tpu.vector_load %arg8[%get3A_805, %get3A_806] {strides = array<i32>} : memref<80x128xf32, #tpu.memory_space<vmem>>, vector<16xf32>,
          %mul3A_808 = arith.mulf %get3A_807, %gather3A_494 : vector<16xf32>
          %add3A_809 = arith.constant 3 : i32
          %add3A_810 = arith.addi %mul3A_471, %add3A_809 : i32
          %swap3A_811 = arith.index_cast %add3A_810 : i32 to index
          %swap3A_812 = arith.constant 64 : index
          %swap3A_813 = tpu.vector_load %arg8[%swap3A_811, %swap3A_812] {strides = array<i32>} : memref<80x128xf32, #tpu.memory_space<vmem>>, vector<16xf32>,
          tpu.vector_store %arg8[%swap3A_811, %swap3A_812], %mul3A_808 {strides = array<i32>} : memref<80x128xf32, #tpu.memory_space<vmem>>, vector<16xf32>,
          %add3A_814 = arith.constant 3 : i32
          %add3A_815 = arith.addi %mul3A_471, %add3A_814 : i32
          %get3A_816 = arith.index_cast %add3A_815 : i32 to index
          %get3A_817 = arith.constant 80 : index
          %get3A_818 = tpu.vector_load %arg8[%get3A_816, %get3A_817] {strides = array<i32>} : memref<80x128xf32, #tpu.memory_space<vmem>>, vector<16xf32>,
          %mul3A_819 = arith.mulf %get3A_818, %gather3A_494 : vector<16xf32>
          %add3A_820 = arith.constant 3 : i32
          %add3A_821 = arith.addi %mul3A_471, %add3A_820 : i32
          %swap3A_822 = arith.index_cast %add3A_821 : i32 to index
          %swap3A_823 = arith.constant 80 : index
          %swap3A_824 = tpu.vector_load %arg8[%swap3A_822, %swap3A_823] {strides = array<i32>} : memref<80x128xf32, #tpu.memory_space<vmem>>, vector<16xf32>,
          tpu.vector_store %arg8[%swap3A_822, %swap3A_823], %mul3A_819 {strides = array<i32>} : memref<80x128xf32, #tpu.memory_space<vmem>>, vector<16xf32>,
          %add3A_825 = arith.constant 3 : i32
          %add3A_826 = arith.addi %mul3A_471, %add3A_825 : i32
          %get3A_827 = arith.index_cast %add3A_826 : i32 to index
          %get3A_828 = arith.constant 96 : index
          %get3A_829 = tpu.vector_load %arg8[%get3A_827, %get3A_828] {strides = array<i32>} : memref<80x128xf32, #tpu.memory_space<vmem>>, vector<16xf32>,
          %mul3A_830 = arith.mulf %get3A_829, %gather3A_494 : vector<16xf32>
          %add3A_831 = arith.constant 3 : i32
          %add3A_832 = arith.addi %mul3A_471, %add3A_831 : i32
          %swap3A_833 = arith.index_cast %add3A_832 : i32 to index
          %swap3A_834 = arith.constant 96 : index
          %swap3A_835 = tpu.vector_load %arg8[%swap3A_833, %swap3A_834] {strides = array<i32>} : memref<80x128xf32, #tpu.memory_space<vmem>>, vector<16xf32>,
          tpu.vector_store %arg8[%swap3A_833, %swap3A_834], %mul3A_830 {strides = array<i32>} : memref<80x128xf32, #tpu.memory_space<vmem>>, vector<16xf32>,
          %add3A_836 = arith.constant 3 : i32
          %add3A_837 = arith.addi %mul3A_471, %add3A_836 : i32
          %get3A_838 = arith.index_cast %add3A_837 : i32 to index
          %get3A_839 = arith.constant 112 : index
          %get3A_840 = tpu.vector_load %arg8[%get3A_838, %get3A_839] {strides = array<i32>} : memref<80x128xf32, #tpu.memory_space<vmem>>, vector<16xf32>,
          %mul3A_841 = arith.mulf %get3A_840, %gather3A_494 : vector<16xf32>
          %add3A_842 = arith.constant 3 : i32
          %add3A_843 = arith.addi %mul3A_471, %add3A_842 : i32
          %swap3A_844 = arith.index_cast %add3A_843 : i32 to index
          %swap3A_845 = arith.constant 112 : index
          %swap3A_846 = tpu.vector_load %arg8[%swap3A_844, %swap3A_845] {strides = array<i32>} : memref<80x128xf32, #tpu.memory_space<vmem>>, vector<16xf32>,
          tpu.vector_store %arg8[%swap3A_844, %swap3A_845], %mul3A_841 {strides = array<i32>} : memref<80x128xf32, #tpu.memory_space<vmem>>, vector<16xf32>,
          %scan3A_847 = arith.constant 0 : i32
          scf.yield %scan3A_847 : i32
        }
        %scan3A_315 = arith.constant 20 : i32
        %dma_start3A_316 = arith.constant 0 : i32
        %dma_start3A_317 = arith.constant 0 : i32
        %dma_start3A_318 = tpu.memref_slice %arg23[%dma_start3A_316, %dma_start3A_317] : memref<10240x128xf32, #tpu.memory_space<vmem_shared>> -> memref<10240x128xf32, #tpu.memory_space<vmem_shared>>
        tpu.enqueue_indirect_dma source(%arg8 : memref<80x128xf32, #tpu.memory_space<vmem>>) target(%dma_start3A_318 : memref<10240x128xf32, #tpu.memory_space<vmem_shared>>) offsets(%arg14 : memref<80xi32, #tpu.memory_space<vmem>>) semaphore(%arg20 : memref<!tpu.dma_semaphore, #tpu.memory_space<semaphore_mem>>) {add = true}
        %add3A_319 = arith.constant 2 : i32
        %add3A_320 = arith.addi %add3A_259, %add3A_319 : i32
        %le3A = arith.constant 41 : i32
        %le3A_321 = arith.cmpi sle, %add3A_320, %le3A : i32
        %convert_element_type3A_322 = arith.extui %le3A_321 : i1 to i32
        %cond3A_323 = arith.constant 0 : i32
        %cond3A_324 = arith.cmpi ne, %convert_element_type3A_322, %cond3A_323 : i32
        scf.if %cond3A_324 {
          %add3A_468 = arith.addi %while3A_214, %add3A_259 : i32
          %gt3A_469 = arith.constant 0 : i32
          %gt3A_470 = arith.cmpi sgt, %add3A_468, %gt3A_469 : i32
          %convert_element_type3A_471 = arith.extui %gt3A_470 : i1 to i32
          %cond3A_472 = arith.constant 0 : i32
          %cond3A_473 = arith.cmpi ne, %convert_element_type3A_471, %cond3A_472 : i32
          scf.if %cond3A_473 {
            %dma_wait3A_482 = arith.constant 0 : i32
            %dma_wait3A_483 = arith.constant 0 : i32
            %dma_wait3A_484 = tpu.memref_slice %arg23[%dma_wait3A_482, %dma_wait3A_483] : memref<10240x128xf32, #tpu.memory_space<vmem_shared>> -> memref<10240x128xf32, #tpu.memory_space<vmem_shared>>
            tpu.wait_indirect_dma semaphore(%arg22 : memref<!tpu.dma_semaphore, #tpu.memory_space<semaphore_mem>>) src(%arg10 : memref<80x128xf32, #tpu.memory_space<vmem>>) dst(%dma_wait3A_484 : memref<10240x128xf32, #tpu.memory_space<vmem_shared>>)
          } else {
          }
          %mul3A_474 = arith.constant 80 : i32
          %mul3A_475 = arith.muli %add3A_320, %mul3A_474 : i32
          %add3A_476 = arith.constant 3360 : i32
          %add3A_477 = arith.addi %add3A_476, %mul3A_475 : i32
          %dma_start3A_478 = tpu.memref_slice %arg12[%add3A_477] : memref<6720xi32, #tpu.memory_space<vmem>> -> memref<80xi32, #tpu.memory_space<vmem>>
          %dma_start3A_479 = arith.constant 0 : i32
          %dma_start3A_480 = arith.constant 0 : i32
          %dma_start3A_481 = tpu.memref_slice %arg2[%dma_start3A_479, %dma_start3A_480] : memref<10000x128xf32, #tpu.memory_space<hbm>> -> memref<10000x128xf32, #tpu.memory_space<hbm>>
          tpu.enqueue_indirect_dma source(%dma_start3A_481 : memref<10000x128xf32, #tpu.memory_space<hbm>>) target(%arg10 : memref<80x128xf32, #tpu.memory_space<vmem>>) offsets(%dma_start3A_478 : memref<80xi32, #tpu.memory_space<vmem>>) semaphore(%arg19 : memref<!tpu.dma_semaphore, #tpu.memory_space<semaphore_mem>>)
        } else {
        }
        %mul3A_325 = arith.constant 3 : i32
        %mul3A_326 = arith.muli %mul3A_325, %scan3A_254 : i32
        %add3A_327 = arith.constant 1 : i32
        %add3A_328 = arith.addi %mul3A_326, %add3A_327 : i32
        %mul3A_329 = arith.constant 80 : i32
        %mul3A_330 = arith.muli %add3A_328, %mul3A_329 : i32
        %add3A_331 = arith.constant 3360 : i32
        %add3A_332 = arith.addi %add3A_331, %mul3A_330 : i32
        %dma_wait3A_333 = tpu.memref_slice %arg12[%add3A_332] : memref<6720xi32, #tpu.memory_space<vmem>> -> memref<80xi32, #tpu.memory_space<vmem>>
        %dma_wait3A_334 = arith.constant 0 : i32
        %dma_wait3A_335 = arith.constant 0 : i32
        %dma_wait3A_336 = tpu.memref_slice %arg2[%dma_wait3A_334, %dma_wait3A_335] : memref<10000x128xf32, #tpu.memory_space<hbm>> -> memref<10000x128xf32, #tpu.memory_space<hbm>>
        tpu.wait_indirect_dma semaphore(%arg18 : memref<!tpu.dma_semaphore, #tpu.memory_space<semaphore_mem>>) src(%dma_wait3A_336 : memref<10000x128xf32, #tpu.memory_space<hbm>>) dst(%arg9 : memref<80x128xf32, #tpu.memory_space<vmem>>)
        %mul3A_337 = arith.constant 80 : i32
        %mul3A_338 = arith.muli %add3A_328, %mul3A_337 : i32
        %add3A_339 = arith.constant 0 : i32
        %add3A_340 = arith.addi %mul3A_338, %add3A_339 : i32
        %get3A_341 = arith.index_cast %add3A_340 : i32 to index
        %get3A_342 = tpu.vector_load %arg12[%get3A_341] {strides = array<i32>} : memref<6720xi32, #tpu.memory_space<vmem>>, vector<16xi32>,
        %swap3A_343 = arith.constant 0 : index
        %swap3A_344 = tpu.vector_load %arg15[%swap3A_343] {strides = array<i32>} : memref<80xi32, #tpu.memory_space<vmem>>, vector<16xi32>,
        tpu.vector_store %arg15[%swap3A_343], %get3A_342 {strides = array<i32>} : memref<80xi32, #tpu.memory_space<vmem>>, vector<16xi32>,
        %mul3A_345 = arith.constant 80 : i32
        %mul3A_346 = arith.muli %add3A_328, %mul3A_345 : i32
        %add3A_347 = arith.constant 16 : i32
        %add3A_348 = arith.addi %mul3A_346, %add3A_347 : i32
        %get3A_349 = arith.index_cast %add3A_348 : i32 to index
        %get3A_350 = tpu.vector_load %arg12[%get3A_349] {strides = array<i32>} : memref<6720xi32, #tpu.memory_space<vmem>>, vector<16xi32>,
        %swap3A_351 = arith.constant 16 : index
        %swap3A_352 = tpu.vector_load %arg15[%swap3A_351] {strides = array<i32>} : memref<80xi32, #tpu.memory_space<vmem>>, vector<16xi32>,
        tpu.vector_store %arg15[%swap3A_351], %get3A_350 {strides = array<i32>} : memref<80xi32, #tpu.memory_space<vmem>>, vector<16xi32>,
        %mul3A_353 = arith.constant 80 : i32
        %mul3A_354 = arith.muli %add3A_328, %mul3A_353 : i32
        %add3A_355 = arith.constant 32 : i32
        %add3A_356 = arith.addi %mul3A_354, %add3A_355 : i32
        %get3A_357 = arith.index_cast %add3A_356 : i32 to index
        %get3A_358 = tpu.vector_load %arg12[%get3A_357] {strides = array<i32>} : memref<6720xi32, #tpu.memory_space<vmem>>, vector<16xi32>,
        %swap3A_359 = arith.constant 32 : index
        %swap3A_360 = tpu.vector_load %arg15[%swap3A_359] {strides = array<i32>} : memref<80xi32, #tpu.memory_space<vmem>>, vector<16xi32>,
        tpu.vector_store %arg15[%swap3A_359], %get3A_358 {strides = array<i32>} : memref<80xi32, #tpu.memory_space<vmem>>, vector<16xi32>,
        %mul3A_361 = arith.constant 80 : i32
        %mul3A_362 = arith.muli %add3A_328, %mul3A_361 : i32
        %add3A_363 = arith.constant 48 : i32
        %add3A_364 = arith.addi %mul3A_362, %add3A_363 : i32
        %get3A_365 = arith.index_cast %add3A_364 : i32 to index
        %get3A_366 = tpu.vector_load %arg12[%get3A_365] {strides = array<i32>} : memref<6720xi32, #tpu.memory_space<vmem>>, vector<16xi32>,
        %swap3A_367 = arith.constant 48 : index
        %swap3A_368 = tpu.vector_load %arg15[%swap3A_367] {strides = array<i32>} : memref<80xi32, #tpu.memory_space<vmem>>, vector<16xi32>,
        tpu.vector_store %arg15[%swap3A_367], %get3A_366 {strides = array<i32>} : memref<80xi32, #tpu.memory_space<vmem>>, vector<16xi32>,
        %mul3A_369 = arith.constant 80 : i32
        %mul3A_370 = arith.muli %add3A_328, %mul3A_369 : i32
        %add3A_371 = arith.constant 64 : i32
        %add3A_372 = arith.addi %mul3A_370, %add3A_371 : i32
        %get3A_373 = arith.index_cast %add3A_372 : i32 to index
        %get3A_374 = tpu.vector_load %arg12[%get3A_373] {strides = array<i32>} : memref<6720xi32, #tpu.memory_space<vmem>>, vector<16xi32>,
        %swap3A_375 = arith.constant 64 : index
        %swap3A_376 = tpu.vector_load %arg15[%swap3A_375] {strides = array<i32>} : memref<80xi32, #tpu.memory_space<vmem>>, vector<16xi32>,
        tpu.vector_store %arg15[%swap3A_375], %get3A_374 {strides = array<i32>} : memref<80xi32, #tpu.memory_space<vmem>>, vector<16xi32>,
        %mul3A_377 = arith.constant 80 : i32
        %mul3A_378 = arith.muli %add3A_328, %mul3A_377 : i32
        %scan3A_379 = arith.constant 0 : i32
        %scan3A_380 = arith.constant 0 : i32
        %scan3A_381 = arith.constant 20 : i32
        %scan3A_382 = arith.addi %scan3A_380, %scan3A_381 : i32
        %scan3A_383 = arith.constant 1 : i32
        %scan3A_384 = scf.for %scan3A_468 = %scan3A_380 to %scan3A_382 step %scan3A_383 iter_args(%scan3A_469 = %scan3A_379) -> (i32)  : i32 {
          %mul3A_470 = arith.constant 4 : i32
          %mul3A_471 = arith.muli %mul3A_470, %scan3A_468 : i32
          %add3A_472 = arith.addi %mul3A_378, %mul3A_471 : i32
          %add3A_473 = arith.constant 0 : i32
          %add3A_474 = arith.addi %add3A_472, %add3A_473 : i32
          %add3A_475 = vector.broadcast %add3A_474 : i32 to vector<16xi32>
          %add3A_476 = arith.addi %broadcast_in_dim3A_8, %add3A_475 : vector<16xi32>
          %gather3A = tpu.vector_load_idx %arg11[%add3A_476] : memref<3360xf32, #tpu.memory_space<vmem>>[vector<16xi32>], vector<16xf32>,
          %add3A_477 = arith.addi %mul3A_378, %mul3A_471 : i32
          %add3A_478 = arith.constant 1 : i32
          %add3A_479 = arith.addi %add3A_477, %add3A_478 : i32
          %add3A_480 = vector.broadcast %add3A_479 : i32 to vector<16xi32>
          %add3A_481 = arith.addi %broadcast_in_dim3A_8, %add3A_480 : vector<16xi32>
          %gather3A_482 = tpu.vector_load_idx %arg11[%add3A_481] : memref<3360xf32, #tpu.memory_space<vmem>>[vector<16xi32>], vector<16xf32>,
          %add3A_483 = arith.addi %mul3A_378, %mul3A_471 : i32
          %add3A_484 = arith.constant 2 : i32
          %add3A_485 = arith.addi %add3A_483, %add3A_484 : i32
          %add3A_486 = vector.broadcast %add3A_485 : i32 to vector<16xi32>
          %add3A_487 = arith.addi %broadcast_in_dim3A_8, %add3A_486 : vector<16xi32>
          %gather3A_488 = tpu.vector_load_idx %arg11[%add3A_487] : memref<3360xf32, #tpu.memory_space<vmem>>[vector<16xi32>], vector<16xf32>,
          %add3A_489 = arith.addi %mul3A_378, %mul3A_471 : i32
          %add3A_490 = arith.constant 3 : i32
          %add3A_491 = arith.addi %add3A_489, %add3A_490 : i32
          %add3A_492 = vector.broadcast %add3A_491 : i32 to vector<16xi32>
          %add3A_493 = arith.addi %broadcast_in_dim3A_8, %add3A_492 : vector<16xi32>
          %gather3A_494 = tpu.vector_load_idx %arg11[%add3A_493] : memref<3360xf32, #tpu.memory_space<vmem>>[vector<16xi32>], vector<16xf32>,
          %add3A_495 = arith.constant 0 : i32
          %add3A_496 = arith.addi %mul3A_471, %add3A_495 : i32
          %get3A_497 = arith.index_cast %add3A_496 : i32 to index
          %get3A_498 = arith.constant 0 : index
          %get3A_499 = tpu.vector_load %arg9[%get3A_497, %get3A_498] {strides = array<i32>} : memref<80x128xf32, #tpu.memory_space<vmem>>, vector<16xf32>,
          %mul3A_500 = arith.mulf %get3A_499, %gather3A : vector<16xf32>
          %add3A_501 = arith.constant 0 : i32
          %add3A_502 = arith.addi %mul3A_471, %add3A_501 : i32
          %swap3A_503 = arith.index_cast %add3A_502 : i32 to index
          %swap3A_504 = arith.constant 0 : index
          %swap3A_505 = tpu.vector_load %arg9[%swap3A_503, %swap3A_504] {strides = array<i32>} : memref<80x128xf32, #tpu.memory_space<vmem>>, vector<16xf32>,
          tpu.vector_store %arg9[%swap3A_503, %swap3A_504], %mul3A_500 {strides = array<i32>} : memref<80x128xf32, #tpu.memory_space<vmem>>, vector<16xf32>,
          %add3A_506 = arith.constant 0 : i32
          %add3A_507 = arith.addi %mul3A_471, %add3A_506 : i32
          %get3A_508 = arith.index_cast %add3A_507 : i32 to index
          %get3A_509 = arith.constant 16 : index
          %get3A_510 = tpu.vector_load %arg9[%get3A_508, %get3A_509] {strides = array<i32>} : memref<80x128xf32, #tpu.memory_space<vmem>>, vector<16xf32>,
          %mul3A_511 = arith.mulf %get3A_510, %gather3A : vector<16xf32>
          %add3A_512 = arith.constant 0 : i32
          %add3A_513 = arith.addi %mul3A_471, %add3A_512 : i32
          %swap3A_514 = arith.index_cast %add3A_513 : i32 to index
          %swap3A_515 = arith.constant 16 : index
          %swap3A_516 = tpu.vector_load %arg9[%swap3A_514, %swap3A_515] {strides = array<i32>} : memref<80x128xf32, #tpu.memory_space<vmem>>, vector<16xf32>,
          tpu.vector_store %arg9[%swap3A_514, %swap3A_515], %mul3A_511 {strides = array<i32>} : memref<80x128xf32, #tpu.memory_space<vmem>>, vector<16xf32>,
          %add3A_517 = arith.constant 0 : i32
          %add3A_518 = arith.addi %mul3A_471, %add3A_517 : i32
          %get3A_519 = arith.index_cast %add3A_518 : i32 to index
          %get3A_520 = arith.constant 32 : index
          %get3A_521 = tpu.vector_load %arg9[%get3A_519, %get3A_520] {strides = array<i32>} : memref<80x128xf32, #tpu.memory_space<vmem>>, vector<16xf32>,
          %mul3A_522 = arith.mulf %get3A_521, %gather3A : vector<16xf32>
          %add3A_523 = arith.constant 0 : i32
          %add3A_524 = arith.addi %mul3A_471, %add3A_523 : i32
          %swap3A_525 = arith.index_cast %add3A_524 : i32 to index
          %swap3A_526 = arith.constant 32 : index
          %swap3A_527 = tpu.vector_load %arg9[%swap3A_525, %swap3A_526] {strides = array<i32>} : memref<80x128xf32, #tpu.memory_space<vmem>>, vector<16xf32>,
          tpu.vector_store %arg9[%swap3A_525, %swap3A_526], %mul3A_522 {strides = array<i32>} : memref<80x128xf32, #tpu.memory_space<vmem>>, vector<16xf32>,
          %add3A_528 = arith.constant 0 : i32
          %add3A_529 = arith.addi %mul3A_471, %add3A_528 : i32
          %get3A_530 = arith.index_cast %add3A_529 : i32 to index
          %get3A_531 = arith.constant 48 : index
          %get3A_532 = tpu.vector_load %arg9[%get3A_530, %get3A_531] {strides = array<i32>} : memref<80x128xf32, #tpu.memory_space<vmem>>, vector<16xf32>,
          %mul3A_533 = arith.mulf %get3A_532, %gather3A : vector<16xf32>
          %add3A_534 = arith.constant 0 : i32
          %add3A_535 = arith.addi %mul3A_471, %add3A_534 : i32
          %swap3A_536 = arith.index_cast %add3A_535 : i32 to index
          %swap3A_537 = arith.constant 48 : index
          %swap3A_538 = tpu.vector_load %arg9[%swap3A_536, %swap3A_537] {strides = array<i32>} : memref<80x128xf32, #tpu.memory_space<vmem>>, vector<16xf32>,
          tpu.vector_store %arg9[%swap3A_536, %swap3A_537], %mul3A_533 {strides = array<i32>} : memref<80x128xf32, #tpu.memory_space<vmem>>, vector<16xf32>,
          %add3A_539 = arith.constant 0 : i32
          %add3A_540 = arith.addi %mul3A_471, %add3A_539 : i32
          %get3A_541 = arith.index_cast %add3A_540 : i32 to index
          %get3A_542 = arith.constant 64 : index
          %get3A_543 = tpu.vector_load %arg9[%get3A_541, %get3A_542] {strides = array<i32>} : memref<80x128xf32, #tpu.memory_space<vmem>>, vector<16xf32>,
          %mul3A_544 = arith.mulf %get3A_543, %gather3A : vector<16xf32>
          %add3A_545 = arith.constant 0 : i32
          %add3A_546 = arith.addi %mul3A_471, %add3A_545 : i32
          %swap3A_547 = arith.index_cast %add3A_546 : i32 to index
          %swap3A_548 = arith.constant 64 : index
          %swap3A_549 = tpu.vector_load %arg9[%swap3A_547, %swap3A_548] {strides = array<i32>} : memref<80x128xf32, #tpu.memory_space<vmem>>, vector<16xf32>,
          tpu.vector_store %arg9[%swap3A_547, %swap3A_548], %mul3A_544 {strides = array<i32>} : memref<80x128xf32, #tpu.memory_space<vmem>>, vector<16xf32>,
          %add3A_550 = arith.constant 0 : i32
          %add3A_551 = arith.addi %mul3A_471, %add3A_550 : i32
          %get3A_552 = arith.index_cast %add3A_551 : i32 to index
          %get3A_553 = arith.constant 80 : index
          %get3A_554 = tpu.vector_load %arg9[%get3A_552, %get3A_553] {strides = array<i32>} : memref<80x128xf32, #tpu.memory_space<vmem>>, vector<16xf32>,
          %mul3A_555 = arith.mulf %get3A_554, %gather3A : vector<16xf32>
          %add3A_556 = arith.constant 0 : i32
          %add3A_557 = arith.addi %mul3A_471, %add3A_556 : i32
          %swap3A_558 = arith.index_cast %add3A_557 : i32 to index
          %swap3A_559 = arith.constant 80 : index
          %swap3A_560 = tpu.vector_load %arg9[%swap3A_558, %swap3A_559] {strides = array<i32>} : memref<80x128xf32, #tpu.memory_space<vmem>>, vector<16xf32>,
          tpu.vector_store %arg9[%swap3A_558, %swap3A_559], %mul3A_555 {strides = array<i32>} : memref<80x128xf32, #tpu.memory_space<vmem>>, vector<16xf32>,
          %add3A_561 = arith.constant 0 : i32
          %add3A_562 = arith.addi %mul3A_471, %add3A_561 : i32
          %get3A_563 = arith.index_cast %add3A_562 : i32 to index
          %get3A_564 = arith.constant 96 : index
          %get3A_565 = tpu.vector_load %arg9[%get3A_563, %get3A_564] {strides = array<i32>} : memref<80x128xf32, #tpu.memory_space<vmem>>, vector<16xf32>,
          %mul3A_566 = arith.mulf %get3A_565, %gather3A : vector<16xf32>
          %add3A_567 = arith.constant 0 : i32
          %add3A_568 = arith.addi %mul3A_471, %add3A_567 : i32
          %swap3A_569 = arith.index_cast %add3A_568 : i32 to index
          %swap3A_570 = arith.constant 96 : index
          %swap3A_571 = tpu.vector_load %arg9[%swap3A_569, %swap3A_570] {strides = array<i32>} : memref<80x128xf32, #tpu.memory_space<vmem>>, vector<16xf32>,
          tpu.vector_store %arg9[%swap3A_569, %swap3A_570], %mul3A_566 {strides = array<i32>} : memref<80x128xf32, #tpu.memory_space<vmem>>, vector<16xf32>,
          %add3A_572 = arith.constant 0 : i32
          %add3A_573 = arith.addi %mul3A_471, %add3A_572 : i32
          %get3A_574 = arith.index_cast %add3A_573 : i32 to index
          %get3A_575 = arith.constant 112 : index
          %get3A_576 = tpu.vector_load %arg9[%get3A_574, %get3A_575] {strides = array<i32>} : memref<80x128xf32, #tpu.memory_space<vmem>>, vector<16xf32>,
          %mul3A_577 = arith.mulf %get3A_576, %gather3A : vector<16xf32>
          %add3A_578 = arith.constant 0 : i32
          %add3A_579 = arith.addi %mul3A_471, %add3A_578 : i32
          %swap3A_580 = arith.index_cast %add3A_579 : i32 to index
          %swap3A_581 = arith.constant 112 : index
          %swap3A_582 = tpu.vector_load %arg9[%swap3A_580, %swap3A_581] {strides = array<i32>} : memref<80x128xf32, #tpu.memory_space<vmem>>, vector<16xf32>,
          tpu.vector_store %arg9[%swap3A_580, %swap3A_581], %mul3A_577 {strides = array<i32>} : memref<80x128xf32, #tpu.memory_space<vmem>>, vector<16xf32>,
          %add3A_583 = arith.constant 1 : i32
          %add3A_584 = arith.addi %mul3A_471, %add3A_583 : i32
          %get3A_585 = arith.index_cast %add3A_584 : i32 to index
          %get3A_586 = arith.constant 0 : index
          %get3A_587 = tpu.vector_load %arg9[%get3A_585, %get3A_586] {strides = array<i32>} : memref<80x128xf32, #tpu.memory_space<vmem>>, vector<16xf32>,
          %mul3A_588 = arith.mulf %get3A_587, %gather3A_482 : vector<16xf32>
          %add3A_589 = arith.constant 1 : i32
          %add3A_590 = arith.addi %mul3A_471, %add3A_589 : i32
          %swap3A_591 = arith.index_cast %add3A_590 : i32 to index
          %swap3A_592 = arith.constant 0 : index
          %swap3A_593 = tpu.vector_load %arg9[%swap3A_591, %swap3A_592] {strides = array<i32>} : memref<80x128xf32, #tpu.memory_space<vmem>>, vector<16xf32>,
          tpu.vector_store %arg9[%swap3A_591, %swap3A_592], %mul3A_588 {strides = array<i32>} : memref<80x128xf32, #tpu.memory_space<vmem>>, vector<16xf32>,
          %add3A_594 = arith.constant 1 : i32
          %add3A_595 = arith.addi %mul3A_471, %add3A_594 : i32
          %get3A_596 = arith.index_cast %add3A_595 : i32 to index
          %get3A_597 = arith.constant 16 : index
          %get3A_598 = tpu.vector_load %arg9[%get3A_596, %get3A_597] {strides = array<i32>} : memref<80x128xf32, #tpu.memory_space<vmem>>, vector<16xf32>,
          %mul3A_599 = arith.mulf %get3A_598, %gather3A_482 : vector<16xf32>
          %add3A_600 = arith.constant 1 : i32
          %add3A_601 = arith.addi %mul3A_471, %add3A_600 : i32
          %swap3A_602 = arith.index_cast %add3A_601 : i32 to index
          %swap3A_603 = arith.constant 16 : index
          %swap3A_604 = tpu.vector_load %arg9[%swap3A_602, %swap3A_603] {strides = array<i32>} : memref<80x128xf32, #tpu.memory_space<vmem>>, vector<16xf32>,
          tpu.vector_store %arg9[%swap3A_602, %swap3A_603], %mul3A_599 {strides = array<i32>} : memref<80x128xf32, #tpu.memory_space<vmem>>, vector<16xf32>,
          %add3A_605 = arith.constant 1 : i32
          %add3A_606 = arith.addi %mul3A_471, %add3A_605 : i32
          %get3A_607 = arith.index_cast %add3A_606 : i32 to index
          %get3A_608 = arith.constant 32 : index
          %get3A_609 = tpu.vector_load %arg9[%get3A_607, %get3A_608] {strides = array<i32>} : memref<80x128xf32, #tpu.memory_space<vmem>>, vector<16xf32>,
          %mul3A_610 = arith.mulf %get3A_609, %gather3A_482 : vector<16xf32>
          %add3A_611 = arith.constant 1 : i32
          %add3A_612 = arith.addi %mul3A_471, %add3A_611 : i32
          %swap3A_613 = arith.index_cast %add3A_612 : i32 to index
          %swap3A_614 = arith.constant 32 : index
          %swap3A_615 = tpu.vector_load %arg9[%swap3A_613, %swap3A_614] {strides = array<i32>} : memref<80x128xf32, #tpu.memory_space<vmem>>, vector<16xf32>,
          tpu.vector_store %arg9[%swap3A_613, %swap3A_614], %mul3A_610 {strides = array<i32>} : memref<80x128xf32, #tpu.memory_space<vmem>>, vector<16xf32>,
          %add3A_616 = arith.constant 1 : i32
          %add3A_617 = arith.addi %mul3A_471, %add3A_616 : i32
          %get3A_618 = arith.index_cast %add3A_617 : i32 to index
          %get3A_619 = arith.constant 48 : index
          %get3A_620 = tpu.vector_load %arg9[%get3A_618, %get3A_619] {strides = array<i32>} : memref<80x128xf32, #tpu.memory_space<vmem>>, vector<16xf32>,
          %mul3A_621 = arith.mulf %get3A_620, %gather3A_482 : vector<16xf32>
          %add3A_622 = arith.constant 1 : i32
          %add3A_623 = arith.addi %mul3A_471, %add3A_622 : i32
          %swap3A_624 = arith.index_cast %add3A_623 : i32 to index
          %swap3A_625 = arith.constant 48 : index
          %swap3A_626 = tpu.vector_load %arg9[%swap3A_624, %swap3A_625] {strides = array<i32>} : memref<80x128xf32, #tpu.memory_space<vmem>>, vector<16xf32>,
          tpu.vector_store %arg9[%swap3A_624, %swap3A_625], %mul3A_621 {strides = array<i32>} : memref<80x128xf32, #tpu.memory_space<vmem>>, vector<16xf32>,
          %add3A_627 = arith.constant 1 : i32
          %add3A_628 = arith.addi %mul3A_471, %add3A_627 : i32
          %get3A_629 = arith.index_cast %add3A_628 : i32 to index
          %get3A_630 = arith.constant 64 : index
          %get3A_631 = tpu.vector_load %arg9[%get3A_629, %get3A_630] {strides = array<i32>} : memref<80x128xf32, #tpu.memory_space<vmem>>, vector<16xf32>,
          %mul3A_632 = arith.mulf %get3A_631, %gather3A_482 : vector<16xf32>
          %add3A_633 = arith.constant 1 : i32
          %add3A_634 = arith.addi %mul3A_471, %add3A_633 : i32
          %swap3A_635 = arith.index_cast %add3A_634 : i32 to index
          %swap3A_636 = arith.constant 64 : index
          %swap3A_637 = tpu.vector_load %arg9[%swap3A_635, %swap3A_636] {strides = array<i32>} : memref<80x128xf32, #tpu.memory_space<vmem>>, vector<16xf32>,
          tpu.vector_store %arg9[%swap3A_635, %swap3A_636], %mul3A_632 {strides = array<i32>} : memref<80x128xf32, #tpu.memory_space<vmem>>, vector<16xf32>,
          %add3A_638 = arith.constant 1 : i32
          %add3A_639 = arith.addi %mul3A_471, %add3A_638 : i32
          %get3A_640 = arith.index_cast %add3A_639 : i32 to index
          %get3A_641 = arith.constant 80 : index
          %get3A_642 = tpu.vector_load %arg9[%get3A_640, %get3A_641] {strides = array<i32>} : memref<80x128xf32, #tpu.memory_space<vmem>>, vector<16xf32>,
          %mul3A_643 = arith.mulf %get3A_642, %gather3A_482 : vector<16xf32>
          %add3A_644 = arith.constant 1 : i32
          %add3A_645 = arith.addi %mul3A_471, %add3A_644 : i32
          %swap3A_646 = arith.index_cast %add3A_645 : i32 to index
          %swap3A_647 = arith.constant 80 : index
          %swap3A_648 = tpu.vector_load %arg9[%swap3A_646, %swap3A_647] {strides = array<i32>} : memref<80x128xf32, #tpu.memory_space<vmem>>, vector<16xf32>,
          tpu.vector_store %arg9[%swap3A_646, %swap3A_647], %mul3A_643 {strides = array<i32>} : memref<80x128xf32, #tpu.memory_space<vmem>>, vector<16xf32>,
          %add3A_649 = arith.constant 1 : i32
          %add3A_650 = arith.addi %mul3A_471, %add3A_649 : i32
          %get3A_651 = arith.index_cast %add3A_650 : i32 to index
          %get3A_652 = arith.constant 96 : index
          %get3A_653 = tpu.vector_load %arg9[%get3A_651, %get3A_652] {strides = array<i32>} : memref<80x128xf32, #tpu.memory_space<vmem>>, vector<16xf32>,
          %mul3A_654 = arith.mulf %get3A_653, %gather3A_482 : vector<16xf32>
          %add3A_655 = arith.constant 1 : i32
          %add3A_656 = arith.addi %mul3A_471, %add3A_655 : i32
          %swap3A_657 = arith.index_cast %add3A_656 : i32 to index
          %swap3A_658 = arith.constant 96 : index
          %swap3A_659 = tpu.vector_load %arg9[%swap3A_657, %swap3A_658] {strides = array<i32>} : memref<80x128xf32, #tpu.memory_space<vmem>>, vector<16xf32>,
          tpu.vector_store %arg9[%swap3A_657, %swap3A_658], %mul3A_654 {strides = array<i32>} : memref<80x128xf32, #tpu.memory_space<vmem>>, vector<16xf32>,
          %add3A_660 = arith.constant 1 : i32
          %add3A_661 = arith.addi %mul3A_471, %add3A_660 : i32
          %get3A_662 = arith.index_cast %add3A_661 : i32 to index
          %get3A_663 = arith.constant 112 : index
          %get3A_664 = tpu.vector_load %arg9[%get3A_662, %get3A_663] {strides = array<i32>} : memref<80x128xf32, #tpu.memory_space<vmem>>, vector<16xf32>,
          %mul3A_665 = arith.mulf %get3A_664, %gather3A_482 : vector<16xf32>
          %add3A_666 = arith.constant 1 : i32
          %add3A_667 = arith.addi %mul3A_471, %add3A_666 : i32
          %swap3A_668 = arith.index_cast %add3A_667 : i32 to index
          %swap3A_669 = arith.constant 112 : index
          %swap3A_670 = tpu.vector_load %arg9[%swap3A_668, %swap3A_669] {strides = array<i32>} : memref<80x128xf32, #tpu.memory_space<vmem>>, vector<16xf32>,
          tpu.vector_store %arg9[%swap3A_668, %swap3A_669], %mul3A_665 {strides = array<i32>} : memref<80x128xf32, #tpu.memory_space<vmem>>, vector<16xf32>,
          %add3A_671 = arith.constant 2 : i32
          %add3A_672 = arith.addi %mul3A_471, %add3A_671 : i32
          %get3A_673 = arith.index_cast %add3A_672 : i32 to index
          %get3A_674 = arith.constant 0 : index
          %get3A_675 = tpu.vector_load %arg9[%get3A_673, %get3A_674] {strides = array<i32>} : memref<80x128xf32, #tpu.memory_space<vmem>>, vector<16xf32>,
          %mul3A_676 = arith.mulf %get3A_675, %gather3A_488 : vector<16xf32>
          %add3A_677 = arith.constant 2 : i32
          %add3A_678 = arith.addi %mul3A_471, %add3A_677 : i32
          %swap3A_679 = arith.index_cast %add3A_678 : i32 to index
          %swap3A_680 = arith.constant 0 : index
          %swap3A_681 = tpu.vector_load %arg9[%swap3A_679, %swap3A_680] {strides = array<i32>} : memref<80x128xf32, #tpu.memory_space<vmem>>, vector<16xf32>,
          tpu.vector_store %arg9[%swap3A_679, %swap3A_680], %mul3A_676 {strides = array<i32>} : memref<80x128xf32, #tpu.memory_space<vmem>>, vector<16xf32>,
          %add3A_682 = arith.constant 2 : i32
          %add3A_683 = arith.addi %mul3A_471, %add3A_682 : i32
          %get3A_684 = arith.index_cast %add3A_683 : i32 to index
          %get3A_685 = arith.constant 16 : index
          %get3A_686 = tpu.vector_load %arg9[%get3A_684, %get3A_685] {strides = array<i32>} : memref<80x128xf32, #tpu.memory_space<vmem>>, vector<16xf32>,
          %mul3A_687 = arith.mulf %get3A_686, %gather3A_488 : vector<16xf32>
          %add3A_688 = arith.constant 2 : i32
          %add3A_689 = arith.addi %mul3A_471, %add3A_688 : i32
          %swap3A_690 = arith.index_cast %add3A_689 : i32 to index
          %swap3A_691 = arith.constant 16 : index
          %swap3A_692 = tpu.vector_load %arg9[%swap3A_690, %swap3A_691] {strides = array<i32>} : memref<80x128xf32, #tpu.memory_space<vmem>>, vector<16xf32>,
          tpu.vector_store %arg9[%swap3A_690, %swap3A_691], %mul3A_687 {strides = array<i32>} : memref<80x128xf32, #tpu.memory_space<vmem>>, vector<16xf32>,
          %add3A_693 = arith.constant 2 : i32
          %add3A_694 = arith.addi %mul3A_471, %add3A_693 : i32
          %get3A_695 = arith.index_cast %add3A_694 : i32 to index
          %get3A_696 = arith.constant 32 : index
          %get3A_697 = tpu.vector_load %arg9[%get3A_695, %get3A_696] {strides = array<i32>} : memref<80x128xf32, #tpu.memory_space<vmem>>, vector<16xf32>,
          %mul3A_698 = arith.mulf %get3A_697, %gather3A_488 : vector<16xf32>
          %add3A_699 = arith.constant 2 : i32
          %add3A_700 = arith.addi %mul3A_471, %add3A_699 : i32
          %swap3A_701 = arith.index_cast %add3A_700 : i32 to index
          %swap3A_702 = arith.constant 32 : index
          %swap3A_703 = tpu.vector_load %arg9[%swap3A_701, %swap3A_702] {strides = array<i32>} : memref<80x128xf32, #tpu.memory_space<vmem>>, vector<16xf32>,
          tpu.vector_store %arg9[%swap3A_701, %swap3A_702], %mul3A_698 {strides = array<i32>} : memref<80x128xf32, #tpu.memory_space<vmem>>, vector<16xf32>,
          %add3A_704 = arith.constant 2 : i32
          %add3A_705 = arith.addi %mul3A_471, %add3A_704 : i32
          %get3A_706 = arith.index_cast %add3A_705 : i32 to index
          %get3A_707 = arith.constant 48 : index
          %get3A_708 = tpu.vector_load %arg9[%get3A_706, %get3A_707] {strides = array<i32>} : memref<80x128xf32, #tpu.memory_space<vmem>>, vector<16xf32>,
          %mul3A_709 = arith.mulf %get3A_708, %gather3A_488 : vector<16xf32>
          %add3A_710 = arith.constant 2 : i32
          %add3A_711 = arith.addi %mul3A_471, %add3A_710 : i32
          %swap3A_712 = arith.index_cast %add3A_711 : i32 to index
          %swap3A_713 = arith.constant 48 : index
          %swap3A_714 = tpu.vector_load %arg9[%swap3A_712, %swap3A_713] {strides = array<i32>} : memref<80x128xf32, #tpu.memory_space<vmem>>, vector<16xf32>,
          tpu.vector_store %arg9[%swap3A_712, %swap3A_713], %mul3A_709 {strides = array<i32>} : memref<80x128xf32, #tpu.memory_space<vmem>>, vector<16xf32>,
          %add3A_715 = arith.constant 2 : i32
          %add3A_716 = arith.addi %mul3A_471, %add3A_715 : i32
          %get3A_717 = arith.index_cast %add3A_716 : i32 to index
          %get3A_718 = arith.constant 64 : index
          %get3A_719 = tpu.vector_load %arg9[%get3A_717, %get3A_718] {strides = array<i32>} : memref<80x128xf32, #tpu.memory_space<vmem>>, vector<16xf32>,
          %mul3A_720 = arith.mulf %get3A_719, %gather3A_488 : vector<16xf32>
          %add3A_721 = arith.constant 2 : i32
          %add3A_722 = arith.addi %mul3A_471, %add3A_721 : i32
          %swap3A_723 = arith.index_cast %add3A_722 : i32 to index
          %swap3A_724 = arith.constant 64 : index
          %swap3A_725 = tpu.vector_load %arg9[%swap3A_723, %swap3A_724] {strides = array<i32>} : memref<80x128xf32, #tpu.memory_space<vmem>>, vector<16xf32>,
          tpu.vector_store %arg9[%swap3A_723, %swap3A_724], %mul3A_720 {strides = array<i32>} : memref<80x128xf32, #tpu.memory_space<vmem>>, vector<16xf32>,
          %add3A_726 = arith.constant 2 : i32
          %add3A_727 = arith.addi %mul3A_471, %add3A_726 : i32
          %get3A_728 = arith.index_cast %add3A_727 : i32 to index
          %get3A_729 = arith.constant 80 : index
          %get3A_730 = tpu.vector_load %arg9[%get3A_728, %get3A_729] {strides = array<i32>} : memref<80x128xf32, #tpu.memory_space<vmem>>, vector<16xf32>,
          %mul3A_731 = arith.mulf %get3A_730, %gather3A_488 : vector<16xf32>
          %add3A_732 = arith.constant 2 : i32
          %add3A_733 = arith.addi %mul3A_471, %add3A_732 : i32
          %swap3A_734 = arith.index_cast %add3A_733 : i32 to index
          %swap3A_735 = arith.constant 80 : index
          %swap3A_736 = tpu.vector_load %arg9[%swap3A_734, %swap3A_735] {strides = array<i32>} : memref<80x128xf32, #tpu.memory_space<vmem>>, vector<16xf32>,
          tpu.vector_store %arg9[%swap3A_734, %swap3A_735], %mul3A_731 {strides = array<i32>} : memref<80x128xf32, #tpu.memory_space<vmem>>, vector<16xf32>,
          %add3A_737 = arith.constant 2 : i32
          %add3A_738 = arith.addi %mul3A_471, %add3A_737 : i32
          %get3A_739 = arith.index_cast %add3A_738 : i32 to index
          %get3A_740 = arith.constant 96 : index
          %get3A_741 = tpu.vector_load %arg9[%get3A_739, %get3A_740] {strides = array<i32>} : memref<80x128xf32, #tpu.memory_space<vmem>>, vector<16xf32>,
          %mul3A_742 = arith.mulf %get3A_741, %gather3A_488 : vector<16xf32>
          %add3A_743 = arith.constant 2 : i32
          %add3A_744 = arith.addi %mul3A_471, %add3A_743 : i32
          %swap3A_745 = arith.index_cast %add3A_744 : i32 to index
          %swap3A_746 = arith.constant 96 : index
          %swap3A_747 = tpu.vector_load %arg9[%swap3A_745, %swap3A_746] {strides = array<i32>} : memref<80x128xf32, #tpu.memory_space<vmem>>, vector<16xf32>,
          tpu.vector_store %arg9[%swap3A_745, %swap3A_746], %mul3A_742 {strides = array<i32>} : memref<80x128xf32, #tpu.memory_space<vmem>>, vector<16xf32>,
          %add3A_748 = arith.constant 2 : i32
          %add3A_749 = arith.addi %mul3A_471, %add3A_748 : i32
          %get3A_750 = arith.index_cast %add3A_749 : i32 to index
          %get3A_751 = arith.constant 112 : index
          %get3A_752 = tpu.vector_load %arg9[%get3A_750, %get3A_751] {strides = array<i32>} : memref<80x128xf32, #tpu.memory_space<vmem>>, vector<16xf32>,
          %mul3A_753 = arith.mulf %get3A_752, %gather3A_488 : vector<16xf32>
          %add3A_754 = arith.constant 2 : i32
          %add3A_755 = arith.addi %mul3A_471, %add3A_754 : i32
          %swap3A_756 = arith.index_cast %add3A_755 : i32 to index
          %swap3A_757 = arith.constant 112 : index
          %swap3A_758 = tpu.vector_load %arg9[%swap3A_756, %swap3A_757] {strides = array<i32>} : memref<80x128xf32, #tpu.memory_space<vmem>>, vector<16xf32>,
          tpu.vector_store %arg9[%swap3A_756, %swap3A_757], %mul3A_753 {strides = array<i32>} : memref<80x128xf32, #tpu.memory_space<vmem>>, vector<16xf32>,
          %add3A_759 = arith.constant 3 : i32
          %add3A_760 = arith.addi %mul3A_471, %add3A_759 : i32
          %get3A_761 = arith.index_cast %add3A_760 : i32 to index
          %get3A_762 = arith.constant 0 : index
          %get3A_763 = tpu.vector_load %arg9[%get3A_761, %get3A_762] {strides = array<i32>} : memref<80x128xf32, #tpu.memory_space<vmem>>, vector<16xf32>,
          %mul3A_764 = arith.mulf %get3A_763, %gather3A_494 : vector<16xf32>
          %add3A_765 = arith.constant 3 : i32
          %add3A_766 = arith.addi %mul3A_471, %add3A_765 : i32
          %swap3A_767 = arith.index_cast %add3A_766 : i32 to index
          %swap3A_768 = arith.constant 0 : index
          %swap3A_769 = tpu.vector_load %arg9[%swap3A_767, %swap3A_768] {strides = array<i32>} : memref<80x128xf32, #tpu.memory_space<vmem>>, vector<16xf32>,
          tpu.vector_store %arg9[%swap3A_767, %swap3A_768], %mul3A_764 {strides = array<i32>} : memref<80x128xf32, #tpu.memory_space<vmem>>, vector<16xf32>,
          %add3A_770 = arith.constant 3 : i32
          %add3A_771 = arith.addi %mul3A_471, %add3A_770 : i32
          %get3A_772 = arith.index_cast %add3A_771 : i32 to index
          %get3A_773 = arith.constant 16 : index
          %get3A_774 = tpu.vector_load %arg9[%get3A_772, %get3A_773] {strides = array<i32>} : memref<80x128xf32, #tpu.memory_space<vmem>>, vector<16xf32>,
          %mul3A_775 = arith.mulf %get3A_774, %gather3A_494 : vector<16xf32>
          %add3A_776 = arith.constant 3 : i32
          %add3A_777 = arith.addi %mul3A_471, %add3A_776 : i32
          %swap3A_778 = arith.index_cast %add3A_777 : i32 to index
          %swap3A_779 = arith.constant 16 : index
          %swap3A_780 = tpu.vector_load %arg9[%swap3A_778, %swap3A_779] {strides = array<i32>} : memref<80x128xf32, #tpu.memory_space<vmem>>, vector<16xf32>,
          tpu.vector_store %arg9[%swap3A_778, %swap3A_779], %mul3A_775 {strides = array<i32>} : memref<80x128xf32, #tpu.memory_space<vmem>>, vector<16xf32>,
          %add3A_781 = arith.constant 3 : i32
          %add3A_782 = arith.addi %mul3A_471, %add3A_781 : i32
          %get3A_783 = arith.index_cast %add3A_782 : i32 to index
          %get3A_784 = arith.constant 32 : index
          %get3A_785 = tpu.vector_load %arg9[%get3A_783, %get3A_784] {strides = array<i32>} : memref<80x128xf32, #tpu.memory_space<vmem>>, vector<16xf32>,
          %mul3A_786 = arith.mulf %get3A_785, %gather3A_494 : vector<16xf32>
          %add3A_787 = arith.constant 3 : i32
          %add3A_788 = arith.addi %mul3A_471, %add3A_787 : i32
          %swap3A_789 = arith.index_cast %add3A_788 : i32 to index
          %swap3A_790 = arith.constant 32 : index
          %swap3A_791 = tpu.vector_load %arg9[%swap3A_789, %swap3A_790] {strides = array<i32>} : memref<80x128xf32, #tpu.memory_space<vmem>>, vector<16xf32>,
          tpu.vector_store %arg9[%swap3A_789, %swap3A_790], %mul3A_786 {strides = array<i32>} : memref<80x128xf32, #tpu.memory_space<vmem>>, vector<16xf32>,
          %add3A_792 = arith.constant 3 : i32
          %add3A_793 = arith.addi %mul3A_471, %add3A_792 : i32
          %get3A_794 = arith.index_cast %add3A_793 : i32 to index
          %get3A_795 = arith.constant 48 : index
          %get3A_796 = tpu.vector_load %arg9[%get3A_794, %get3A_795] {strides = array<i32>} : memref<80x128xf32, #tpu.memory_space<vmem>>, vector<16xf32>,
          %mul3A_797 = arith.mulf %get3A_796, %gather3A_494 : vector<16xf32>
          %add3A_798 = arith.constant 3 : i32
          %add3A_799 = arith.addi %mul3A_471, %add3A_798 : i32
          %swap3A_800 = arith.index_cast %add3A_799 : i32 to index
          %swap3A_801 = arith.constant 48 : index
          %swap3A_802 = tpu.vector_load %arg9[%swap3A_800, %swap3A_801] {strides = array<i32>} : memref<80x128xf32, #tpu.memory_space<vmem>>, vector<16xf32>,
          tpu.vector_store %arg9[%swap3A_800, %swap3A_801], %mul3A_797 {strides = array<i32>} : memref<80x128xf32, #tpu.memory_space<vmem>>, vector<16xf32>,
          %add3A_803 = arith.constant 3 : i32
          %add3A_804 = arith.addi %mul3A_471, %add3A_803 : i32
          %get3A_805 = arith.index_cast %add3A_804 : i32 to index
          %get3A_806 = arith.constant 64 : index
          %get3A_807 = tpu.vector_load %arg9[%get3A_805, %get3A_806] {strides = array<i32>} : memref<80x128xf32, #tpu.memory_space<vmem>>, vector<16xf32>,
          %mul3A_808 = arith.mulf %get3A_807, %gather3A_494 : vector<16xf32>
          %add3A_809 = arith.constant 3 : i32
          %add3A_810 = arith.addi %mul3A_471, %add3A_809 : i32
          %swap3A_811 = arith.index_cast %add3A_810 : i32 to index
          %swap3A_812 = arith.constant 64 : index
          %swap3A_813 = tpu.vector_load %arg9[%swap3A_811, %swap3A_812] {strides = array<i32>} : memref<80x128xf32, #tpu.memory_space<vmem>>, vector<16xf32>,
          tpu.vector_store %arg9[%swap3A_811, %swap3A_812], %mul3A_808 {strides = array<i32>} : memref<80x128xf32, #tpu.memory_space<vmem>>, vector<16xf32>,
          %add3A_814 = arith.constant 3 : i32
          %add3A_815 = arith.addi %mul3A_471, %add3A_814 : i32
          %get3A_816 = arith.index_cast %add3A_815 : i32 to index
          %get3A_817 = arith.constant 80 : index
          %get3A_818 = tpu.vector_load %arg9[%get3A_816, %get3A_817] {strides = array<i32>} : memref<80x128xf32, #tpu.memory_space<vmem>>, vector<16xf32>,
          %mul3A_819 = arith.mulf %get3A_818, %gather3A_494 : vector<16xf32>
          %add3A_820 = arith.constant 3 : i32
          %add3A_821 = arith.addi %mul3A_471, %add3A_820 : i32
          %swap3A_822 = arith.index_cast %add3A_821 : i32 to index
          %swap3A_823 = arith.constant 80 : index
          %swap3A_824 = tpu.vector_load %arg9[%swap3A_822, %swap3A_823] {strides = array<i32>} : memref<80x128xf32, #tpu.memory_space<vmem>>, vector<16xf32>,
          tpu.vector_store %arg9[%swap3A_822, %swap3A_823], %mul3A_819 {strides = array<i32>} : memref<80x128xf32, #tpu.memory_space<vmem>>, vector<16xf32>,
          %add3A_825 = arith.constant 3 : i32
          %add3A_826 = arith.addi %mul3A_471, %add3A_825 : i32
          %get3A_827 = arith.index_cast %add3A_826 : i32 to index
          %get3A_828 = arith.constant 96 : index
          %get3A_829 = tpu.vector_load %arg9[%get3A_827, %get3A_828] {strides = array<i32>} : memref<80x128xf32, #tpu.memory_space<vmem>>, vector<16xf32>,
          %mul3A_830 = arith.mulf %get3A_829, %gather3A_494 : vector<16xf32>
          %add3A_831 = arith.constant 3 : i32
          %add3A_832 = arith.addi %mul3A_471, %add3A_831 : i32
          %swap3A_833 = arith.index_cast %add3A_832 : i32 to index
          %swap3A_834 = arith.constant 96 : index
          %swap3A_835 = tpu.vector_load %arg9[%swap3A_833, %swap3A_834] {strides = array<i32>} : memref<80x128xf32, #tpu.memory_space<vmem>>, vector<16xf32>,
          tpu.vector_store %arg9[%swap3A_833, %swap3A_834], %mul3A_830 {strides = array<i32>} : memref<80x128xf32, #tpu.memory_space<vmem>>, vector<16xf32>,
          %add3A_836 = arith.constant 3 : i32
          %add3A_837 = arith.addi %mul3A_471, %add3A_836 : i32
          %get3A_838 = arith.index_cast %add3A_837 : i32 to index
          %get3A_839 = arith.constant 112 : index
          %get3A_840 = tpu.vector_load %arg9[%get3A_838, %get3A_839] {strides = array<i32>} : memref<80x128xf32, #tpu.memory_space<vmem>>, vector<16xf32>,
          %mul3A_841 = arith.mulf %get3A_840, %gather3A_494 : vector<16xf32>
          %add3A_842 = arith.constant 3 : i32
          %add3A_843 = arith.addi %mul3A_471, %add3A_842 : i32
          %swap3A_844 = arith.index_cast %add3A_843 : i32 to index
          %swap3A_845 = arith.constant 112 : index
          %swap3A_846 = tpu.vector_load %arg9[%swap3A_844, %swap3A_845] {strides = array<i32>} : memref<80x128xf32, #tpu.memory_space<vmem>>, vector<16xf32>,
          tpu.vector_store %arg9[%swap3A_844, %swap3A_845], %mul3A_841 {strides = array<i32>} : memref<80x128xf32, #tpu.memory_space<vmem>>, vector<16xf32>,
          %scan3A_847 = arith.constant 0 : i32
          scf.yield %scan3A_847 : i32
        }
        %scan3A_385 = arith.constant 20 : i32
        %dma_start3A_386 = arith.constant 0 : i32
        %dma_start3A_387 = arith.constant 0 : i32
        %dma_start3A_388 = tpu.memref_slice %arg23[%dma_start3A_386, %dma_start3A_387] : memref<10240x128xf32, #tpu.memory_space<vmem_shared>> -> memref<10240x128xf32, #tpu.memory_space<vmem_shared>>
        tpu.enqueue_indirect_dma source(%arg9 : memref<80x128xf32, #tpu.memory_space<vmem>>) target(%dma_start3A_388 : memref<10240x128xf32, #tpu.memory_space<vmem_shared>>) offsets(%arg15 : memref<80xi32, #tpu.memory_space<vmem>>) semaphore(%arg21 : memref<!tpu.dma_semaphore, #tpu.memory_space<semaphore_mem>>) {add = true}
        %add3A_389 = arith.constant 2 : i32
        %add3A_390 = arith.addi %add3A_328, %add3A_389 : i32
        %le3A_391 = arith.constant 41 : i32
        %le3A_392 = arith.cmpi sle, %add3A_390, %le3A_391 : i32
        %convert_element_type3A_393 = arith.extui %le3A_392 : i1 to i32
        %cond3A_394 = arith.constant 0 : i32
        %cond3A_395 = arith.cmpi ne, %convert_element_type3A_393, %cond3A_394 : i32
        scf.if %cond3A_395 {
          %add3A_468 = arith.addi %while3A_214, %add3A_328 : i32
          %gt3A_469 = arith.constant 0 : i32
          %gt3A_470 = arith.cmpi sgt, %add3A_468, %gt3A_469 : i32
          %convert_element_type3A_471 = arith.extui %gt3A_470 : i1 to i32
          %cond3A_472 = arith.constant 0 : i32
          %cond3A_473 = arith.cmpi ne, %convert_element_type3A_471, %cond3A_472 : i32
          scf.if %cond3A_473 {
            %dma_wait3A_482 = arith.constant 0 : i32
            %dma_wait3A_483 = arith.constant 0 : i32
            %dma_wait3A_484 = tpu.memref_slice %arg23[%dma_wait3A_482, %dma_wait3A_483] : memref<10240x128xf32, #tpu.memory_space<vmem_shared>> -> memref<10240x128xf32, #tpu.memory_space<vmem_shared>>
            tpu.wait_indirect_dma semaphore(%arg20 : memref<!tpu.dma_semaphore, #tpu.memory_space<semaphore_mem>>) src(%arg8 : memref<80x128xf32, #tpu.memory_space<vmem>>) dst(%dma_wait3A_484 : memref<10240x128xf32, #tpu.memory_space<vmem_shared>>)
          } else {
          }
          %mul3A_474 = arith.constant 80 : i32
          %mul3A_475 = arith.muli %add3A_390, %mul3A_474 : i32
          %add3A_476 = arith.constant 3360 : i32
          %add3A_477 = arith.addi %add3A_476, %mul3A_475 : i32
          %dma_start3A_478 = tpu.memref_slice %arg12[%add3A_477] : memref<6720xi32, #tpu.memory_space<vmem>> -> memref<80xi32, #tpu.memory_space<vmem>>
          %dma_start3A_479 = arith.constant 0 : i32
          %dma_start3A_480 = arith.constant 0 : i32
          %dma_start3A_481 = tpu.memref_slice %arg2[%dma_start3A_479, %dma_start3A_480] : memref<10000x128xf32, #tpu.memory_space<hbm>> -> memref<10000x128xf32, #tpu.memory_space<hbm>>
          tpu.enqueue_indirect_dma source(%dma_start3A_481 : memref<10000x128xf32, #tpu.memory_space<hbm>>) target(%arg8 : memref<80x128xf32, #tpu.memory_space<vmem>>) offsets(%dma_start3A_478 : memref<80xi32, #tpu.memory_space<vmem>>) semaphore(%arg17 : memref<!tpu.dma_semaphore, #tpu.memory_space<semaphore_mem>>)
        } else {
        }
        %mul3A_396 = arith.constant 3 : i32
        %mul3A_397 = arith.muli %mul3A_396, %scan3A_254 : i32
        %add3A_398 = arith.constant 2 : i32
        %add3A_399 = arith.addi %mul3A_397, %add3A_398 : i32
        %mul3A_400 = arith.constant 80 : i32
        %mul3A_401 = arith.muli %add3A_399, %mul3A_400 : i32
        %add3A_402 = arith.constant 3360 : i32
        %add3A_403 = arith.addi %add3A_402, %mul3A_401 : i32
        %dma_wait3A_404 = tpu.memref_slice %arg12[%add3A_403] : memref<6720xi32, #tpu.memory_space<vmem>> -> memref<80xi32, #tpu.memory_space<vmem>>
        %dma_wait3A_405 = arith.constant 0 : i32
        %dma_wait3A_406 = arith.constant 0 : i32
        %dma_wait3A_407 = tpu.memref_slice %arg2[%dma_wait3A_405, %dma_wait3A_406] : memref<10000x128xf32, #tpu.memory_space<hbm>> -> memref<10000x128xf32, #tpu.memory_space<hbm>>
        tpu.wait_indirect_dma semaphore(%arg19 : memref<!tpu.dma_semaphore, #tpu.memory_space<semaphore_mem>>) src(%dma_wait3A_407 : memref<10000x128xf32, #tpu.memory_space<hbm>>) dst(%arg10 : memref<80x128xf32, #tpu.memory_space<vmem>>)
        %mul3A_408 = arith.constant 80 : i32
        %mul3A_409 = arith.muli %add3A_399, %mul3A_408 : i32
        %add3A_410 = arith.constant 0 : i32
        %add3A_411 = arith.addi %mul3A_409, %add3A_410 : i32
        %get3A_412 = arith.index_cast %add3A_411 : i32 to index
        %get3A_413 = tpu.vector_load %arg12[%get3A_412] {strides = array<i32>} : memref<6720xi32, #tpu.memory_space<vmem>>, vector<16xi32>,
        %swap3A_414 = arith.constant 0 : index
        %swap3A_415 = tpu.vector_load %arg16[%swap3A_414] {strides = array<i32>} : memref<80xi32, #tpu.memory_space<vmem>>, vector<16xi32>,
        tpu.vector_store %arg16[%swap3A_414], %get3A_413 {strides = array<i32>} : memref<80xi32, #tpu.memory_space<vmem>>, vector<16xi32>,
        %mul3A_416 = arith.constant 80 : i32
        %mul3A_417 = arith.muli %add3A_399, %mul3A_416 : i32
        %add3A_418 = arith.constant 16 : i32
        %add3A_419 = arith.addi %mul3A_417, %add3A_418 : i32
        %get3A_420 = arith.index_cast %add3A_419 : i32 to index
        %get3A_421 = tpu.vector_load %arg12[%get3A_420] {strides = array<i32>} : memref<6720xi32, #tpu.memory_space<vmem>>, vector<16xi32>,
        %swap3A_422 = arith.constant 16 : index
        %swap3A_423 = tpu.vector_load %arg16[%swap3A_422] {strides = array<i32>} : memref<80xi32, #tpu.memory_space<vmem>>, vector<16xi32>,
        tpu.vector_store %arg16[%swap3A_422], %get3A_421 {strides = array<i32>} : memref<80xi32, #tpu.memory_space<vmem>>, vector<16xi32>,
        %mul3A_424 = arith.constant 80 : i32
        %mul3A_425 = arith.muli %add3A_399, %mul3A_424 : i32
        %add3A_426 = arith.constant 32 : i32
        %add3A_427 = arith.addi %mul3A_425, %add3A_426 : i32
        %get3A_428 = arith.index_cast %add3A_427 : i32 to index
        %get3A_429 = tpu.vector_load %arg12[%get3A_428] {strides = array<i32>} : memref<6720xi32, #tpu.memory_space<vmem>>, vector<16xi32>,
        %swap3A_430 = arith.constant 32 : index
        %swap3A_431 = tpu.vector_load %arg16[%swap3A_430] {strides = array<i32>} : memref<80xi32, #tpu.memory_space<vmem>>, vector<16xi32>,
        tpu.vector_store %arg16[%swap3A_430], %get3A_429 {strides = array<i32>} : memref<80xi32, #tpu.memory_space<vmem>>, vector<16xi32>,
        %mul3A_432 = arith.constant 80 : i32
        %mul3A_433 = arith.muli %add3A_399, %mul3A_432 : i32
        %add3A_434 = arith.constant 48 : i32
        %add3A_435 = arith.addi %mul3A_433, %add3A_434 : i32
        %get3A_436 = arith.index_cast %add3A_435 : i32 to index
        %get3A_437 = tpu.vector_load %arg12[%get3A_436] {strides = array<i32>} : memref<6720xi32, #tpu.memory_space<vmem>>, vector<16xi32>,
        %swap3A_438 = arith.constant 48 : index
        %swap3A_439 = tpu.vector_load %arg16[%swap3A_438] {strides = array<i32>} : memref<80xi32, #tpu.memory_space<vmem>>, vector<16xi32>,
        tpu.vector_store %arg16[%swap3A_438], %get3A_437 {strides = array<i32>} : memref<80xi32, #tpu.memory_space<vmem>>, vector<16xi32>,
        %mul3A_440 = arith.constant 80 : i32
        %mul3A_441 = arith.muli %add3A_399, %mul3A_440 : i32
        %add3A_442 = arith.constant 64 : i32
        %add3A_443 = arith.addi %mul3A_441, %add3A_442 : i32
        %get3A_444 = arith.index_cast %add3A_443 : i32 to index
        %get3A_445 = tpu.vector_load %arg12[%get3A_444] {strides = array<i32>} : memref<6720xi32, #tpu.memory_space<vmem>>, vector<16xi32>,
        %swap3A_446 = arith.constant 64 : index
        %swap3A_447 = tpu.vector_load %arg16[%swap3A_446] {strides = array<i32>} : memref<80xi32, #tpu.memory_space<vmem>>, vector<16xi32>,
        tpu.vector_store %arg16[%swap3A_446], %get3A_445 {strides = array<i32>} : memref<80xi32, #tpu.memory_space<vmem>>, vector<16xi32>,
        %mul3A_448 = arith.constant 80 : i32
        %mul3A_449 = arith.muli %add3A_399, %mul3A_448 : i32
        %scan3A_450 = arith.constant 0 : i32
        %scan3A_451 = arith.constant 0 : i32
        %scan3A_452 = arith.constant 20 : i32
        %scan3A_453 = arith.addi %scan3A_451, %scan3A_452 : i32
        %scan3A_454 = arith.constant 1 : i32
        %scan3A_455 = scf.for %scan3A_468 = %scan3A_451 to %scan3A_453 step %scan3A_454 iter_args(%scan3A_469 = %scan3A_450) -> (i32)  : i32 {
          %mul3A_470 = arith.constant 4 : i32
          %mul3A_471 = arith.muli %mul3A_470, %scan3A_468 : i32
          %add3A_472 = arith.addi %mul3A_449, %mul3A_471 : i32
          %add3A_473 = arith.constant 0 : i32
          %add3A_474 = arith.addi %add3A_472, %add3A_473 : i32
          %add3A_475 = vector.broadcast %add3A_474 : i32 to vector<16xi32>
          %add3A_476 = arith.addi %broadcast_in_dim3A_8, %add3A_475 : vector<16xi32>
          %gather3A = tpu.vector_load_idx %arg11[%add3A_476] : memref<3360xf32, #tpu.memory_space<vmem>>[vector<16xi32>], vector<16xf32>,
          %add3A_477 = arith.addi %mul3A_449, %mul3A_471 : i32
          %add3A_478 = arith.constant 1 : i32
          %add3A_479 = arith.addi %add3A_477, %add3A_478 : i32
          %add3A_480 = vector.broadcast %add3A_479 : i32 to vector<16xi32>
          %add3A_481 = arith.addi %broadcast_in_dim3A_8, %add3A_480 : vector<16xi32>
          %gather3A_482 = tpu.vector_load_idx %arg11[%add3A_481] : memref<3360xf32, #tpu.memory_space<vmem>>[vector<16xi32>], vector<16xf32>,
          %add3A_483 = arith.addi %mul3A_449, %mul3A_471 : i32
          %add3A_484 = arith.constant 2 : i32
          %add3A_485 = arith.addi %add3A_483, %add3A_484 : i32
          %add3A_486 = vector.broadcast %add3A_485 : i32 to vector<16xi32>
          %add3A_487 = arith.addi %broadcast_in_dim3A_8, %add3A_486 : vector<16xi32>
          %gather3A_488 = tpu.vector_load_idx %arg11[%add3A_487] : memref<3360xf32, #tpu.memory_space<vmem>>[vector<16xi32>], vector<16xf32>,
          %add3A_489 = arith.addi %mul3A_449, %mul3A_471 : i32
          %add3A_490 = arith.constant 3 : i32
          %add3A_491 = arith.addi %add3A_489, %add3A_490 : i32
          %add3A_492 = vector.broadcast %add3A_491 : i32 to vector<16xi32>
          %add3A_493 = arith.addi %broadcast_in_dim3A_8, %add3A_492 : vector<16xi32>
          %gather3A_494 = tpu.vector_load_idx %arg11[%add3A_493] : memref<3360xf32, #tpu.memory_space<vmem>>[vector<16xi32>], vector<16xf32>,
          %add3A_495 = arith.constant 0 : i32
          %add3A_496 = arith.addi %mul3A_471, %add3A_495 : i32
          %get3A_497 = arith.index_cast %add3A_496 : i32 to index
          %get3A_498 = arith.constant 0 : index
          %get3A_499 = tpu.vector_load %arg10[%get3A_497, %get3A_498] {strides = array<i32>} : memref<80x128xf32, #tpu.memory_space<vmem>>, vector<16xf32>,
          %mul3A_500 = arith.mulf %get3A_499, %gather3A : vector<16xf32>
          %add3A_501 = arith.constant 0 : i32
          %add3A_502 = arith.addi %mul3A_471, %add3A_501 : i32
          %swap3A_503 = arith.index_cast %add3A_502 : i32 to index
          %swap3A_504 = arith.constant 0 : index
          %swap3A_505 = tpu.vector_load %arg10[%swap3A_503, %swap3A_504] {strides = array<i32>} : memref<80x128xf32, #tpu.memory_space<vmem>>, vector<16xf32>,
          tpu.vector_store %arg10[%swap3A_503, %swap3A_504], %mul3A_500 {strides = array<i32>} : memref<80x128xf32, #tpu.memory_space<vmem>>, vector<16xf32>,
          %add3A_506 = arith.constant 0 : i32
          %add3A_507 = arith.addi %mul3A_471, %add3A_506 : i32
          %get3A_508 = arith.index_cast %add3A_507 : i32 to index
          %get3A_509 = arith.constant 16 : index
          %get3A_510 = tpu.vector_load %arg10[%get3A_508, %get3A_509] {strides = array<i32>} : memref<80x128xf32, #tpu.memory_space<vmem>>, vector<16xf32>,
          %mul3A_511 = arith.mulf %get3A_510, %gather3A : vector<16xf32>
          %add3A_512 = arith.constant 0 : i32
          %add3A_513 = arith.addi %mul3A_471, %add3A_512 : i32
          %swap3A_514 = arith.index_cast %add3A_513 : i32 to index
          %swap3A_515 = arith.constant 16 : index
          %swap3A_516 = tpu.vector_load %arg10[%swap3A_514, %swap3A_515] {strides = array<i32>} : memref<80x128xf32, #tpu.memory_space<vmem>>, vector<16xf32>,
          tpu.vector_store %arg10[%swap3A_514, %swap3A_515], %mul3A_511 {strides = array<i32>} : memref<80x128xf32, #tpu.memory_space<vmem>>, vector<16xf32>,
          %add3A_517 = arith.constant 0 : i32
          %add3A_518 = arith.addi %mul3A_471, %add3A_517 : i32
          %get3A_519 = arith.index_cast %add3A_518 : i32 to index
          %get3A_520 = arith.constant 32 : index
          %get3A_521 = tpu.vector_load %arg10[%get3A_519, %get3A_520] {strides = array<i32>} : memref<80x128xf32, #tpu.memory_space<vmem>>, vector<16xf32>,
          %mul3A_522 = arith.mulf %get3A_521, %gather3A : vector<16xf32>
          %add3A_523 = arith.constant 0 : i32
          %add3A_524 = arith.addi %mul3A_471, %add3A_523 : i32
          %swap3A_525 = arith.index_cast %add3A_524 : i32 to index
          %swap3A_526 = arith.constant 32 : index
          %swap3A_527 = tpu.vector_load %arg10[%swap3A_525, %swap3A_526] {strides = array<i32>} : memref<80x128xf32, #tpu.memory_space<vmem>>, vector<16xf32>,
          tpu.vector_store %arg10[%swap3A_525, %swap3A_526], %mul3A_522 {strides = array<i32>} : memref<80x128xf32, #tpu.memory_space<vmem>>, vector<16xf32>,
          %add3A_528 = arith.constant 0 : i32
          %add3A_529 = arith.addi %mul3A_471, %add3A_528 : i32
          %get3A_530 = arith.index_cast %add3A_529 : i32 to index
          %get3A_531 = arith.constant 48 : index
          %get3A_532 = tpu.vector_load %arg10[%get3A_530, %get3A_531] {strides = array<i32>} : memref<80x128xf32, #tpu.memory_space<vmem>>, vector<16xf32>,
          %mul3A_533 = arith.mulf %get3A_532, %gather3A : vector<16xf32>
          %add3A_534 = arith.constant 0 : i32
          %add3A_535 = arith.addi %mul3A_471, %add3A_534 : i32
          %swap3A_536 = arith.index_cast %add3A_535 : i32 to index
          %swap3A_537 = arith.constant 48 : index
          %swap3A_538 = tpu.vector_load %arg10[%swap3A_536, %swap3A_537] {strides = array<i32>} : memref<80x128xf32, #tpu.memory_space<vmem>>, vector<16xf32>,
          tpu.vector_store %arg10[%swap3A_536, %swap3A_537], %mul3A_533 {strides = array<i32>} : memref<80x128xf32, #tpu.memory_space<vmem>>, vector<16xf32>,
          %add3A_539 = arith.constant 0 : i32
          %add3A_540 = arith.addi %mul3A_471, %add3A_539 : i32
          %get3A_541 = arith.index_cast %add3A_540 : i32 to index
          %get3A_542 = arith.constant 64 : index
          %get3A_543 = tpu.vector_load %arg10[%get3A_541, %get3A_542] {strides = array<i32>} : memref<80x128xf32, #tpu.memory_space<vmem>>, vector<16xf32>,
          %mul3A_544 = arith.mulf %get3A_543, %gather3A : vector<16xf32>
          %add3A_545 = arith.constant 0 : i32
          %add3A_546 = arith.addi %mul3A_471, %add3A_545 : i32
          %swap3A_547 = arith.index_cast %add3A_546 : i32 to index
          %swap3A_548 = arith.constant 64 : index
          %swap3A_549 = tpu.vector_load %arg10[%swap3A_547, %swap3A_548] {strides = array<i32>} : memref<80x128xf32, #tpu.memory_space<vmem>>, vector<16xf32>,
          tpu.vector_store %arg10[%swap3A_547, %swap3A_548], %mul3A_544 {strides = array<i32>} : memref<80x128xf32, #tpu.memory_space<vmem>>, vector<16xf32>,
          %add3A_550 = arith.constant 0 : i32
          %add3A_551 = arith.addi %mul3A_471, %add3A_550 : i32
          %get3A_552 = arith.index_cast %add3A_551 : i32 to index
          %get3A_553 = arith.constant 80 : index
          %get3A_554 = tpu.vector_load %arg10[%get3A_552, %get3A_553] {strides = array<i32>} : memref<80x128xf32, #tpu.memory_space<vmem>>, vector<16xf32>,
          %mul3A_555 = arith.mulf %get3A_554, %gather3A : vector<16xf32>
          %add3A_556 = arith.constant 0 : i32
          %add3A_557 = arith.addi %mul3A_471, %add3A_556 : i32
          %swap3A_558 = arith.index_cast %add3A_557 : i32 to index
          %swap3A_559 = arith.constant 80 : index
          %swap3A_560 = tpu.vector_load %arg10[%swap3A_558, %swap3A_559] {strides = array<i32>} : memref<80x128xf32, #tpu.memory_space<vmem>>, vector<16xf32>,
          tpu.vector_store %arg10[%swap3A_558, %swap3A_559], %mul3A_555 {strides = array<i32>} : memref<80x128xf32, #tpu.memory_space<vmem>>, vector<16xf32>,
          %add3A_561 = arith.constant 0 : i32
          %add3A_562 = arith.addi %mul3A_471, %add3A_561 : i32
          %get3A_563 = arith.index_cast %add3A_562 : i32 to index
          %get3A_564 = arith.constant 96 : index
          %get3A_565 = tpu.vector_load %arg10[%get3A_563, %get3A_564] {strides = array<i32>} : memref<80x128xf32, #tpu.memory_space<vmem>>, vector<16xf32>,
          %mul3A_566 = arith.mulf %get3A_565, %gather3A : vector<16xf32>
          %add3A_567 = arith.constant 0 : i32
          %add3A_568 = arith.addi %mul3A_471, %add3A_567 : i32
          %swap3A_569 = arith.index_cast %add3A_568 : i32 to index
          %swap3A_570 = arith.constant 96 : index
          %swap3A_571 = tpu.vector_load %arg10[%swap3A_569, %swap3A_570] {strides = array<i32>} : memref<80x128xf32, #tpu.memory_space<vmem>>, vector<16xf32>,
          tpu.vector_store %arg10[%swap3A_569, %swap3A_570], %mul3A_566 {strides = array<i32>} : memref<80x128xf32, #tpu.memory_space<vmem>>, vector<16xf32>,
          %add3A_572 = arith.constant 0 : i32
          %add3A_573 = arith.addi %mul3A_471, %add3A_572 : i32
          %get3A_574 = arith.index_cast %add3A_573 : i32 to index
          %get3A_575 = arith.constant 112 : index
          %get3A_576 = tpu.vector_load %arg10[%get3A_574, %get3A_575] {strides = array<i32>} : memref<80x128xf32, #tpu.memory_space<vmem>>, vector<16xf32>,
          %mul3A_577 = arith.mulf %get3A_576, %gather3A : vector<16xf32>
          %add3A_578 = arith.constant 0 : i32
          %add3A_579 = arith.addi %mul3A_471, %add3A_578 : i32
          %swap3A_580 = arith.index_cast %add3A_579 : i32 to index
          %swap3A_581 = arith.constant 112 : index
          %swap3A_582 = tpu.vector_load %arg10[%swap3A_580, %swap3A_581] {strides = array<i32>} : memref<80x128xf32, #tpu.memory_space<vmem>>, vector<16xf32>,
          tpu.vector_store %arg10[%swap3A_580, %swap3A_581], %mul3A_577 {strides = array<i32>} : memref<80x128xf32, #tpu.memory_space<vmem>>, vector<16xf32>,
          %add3A_583 = arith.constant 1 : i32
          %add3A_584 = arith.addi %mul3A_471, %add3A_583 : i32
          %get3A_585 = arith.index_cast %add3A_584 : i32 to index
          %get3A_586 = arith.constant 0 : index
          %get3A_587 = tpu.vector_load %arg10[%get3A_585, %get3A_586] {strides = array<i32>} : memref<80x128xf32, #tpu.memory_space<vmem>>, vector<16xf32>,
          %mul3A_588 = arith.mulf %get3A_587, %gather3A_482 : vector<16xf32>
          %add3A_589 = arith.constant 1 : i32
          %add3A_590 = arith.addi %mul3A_471, %add3A_589 : i32
          %swap3A_591 = arith.index_cast %add3A_590 : i32 to index
          %swap3A_592 = arith.constant 0 : index
          %swap3A_593 = tpu.vector_load %arg10[%swap3A_591, %swap3A_592] {strides = array<i32>} : memref<80x128xf32, #tpu.memory_space<vmem>>, vector<16xf32>,
          tpu.vector_store %arg10[%swap3A_591, %swap3A_592], %mul3A_588 {strides = array<i32>} : memref<80x128xf32, #tpu.memory_space<vmem>>, vector<16xf32>,
          %add3A_594 = arith.constant 1 : i32
          %add3A_595 = arith.addi %mul3A_471, %add3A_594 : i32
          %get3A_596 = arith.index_cast %add3A_595 : i32 to index
          %get3A_597 = arith.constant 16 : index
          %get3A_598 = tpu.vector_load %arg10[%get3A_596, %get3A_597] {strides = array<i32>} : memref<80x128xf32, #tpu.memory_space<vmem>>, vector<16xf32>,
          %mul3A_599 = arith.mulf %get3A_598, %gather3A_482 : vector<16xf32>
          %add3A_600 = arith.constant 1 : i32
          %add3A_601 = arith.addi %mul3A_471, %add3A_600 : i32
          %swap3A_602 = arith.index_cast %add3A_601 : i32 to index
          %swap3A_603 = arith.constant 16 : index
          %swap3A_604 = tpu.vector_load %arg10[%swap3A_602, %swap3A_603] {strides = array<i32>} : memref<80x128xf32, #tpu.memory_space<vmem>>, vector<16xf32>,
          tpu.vector_store %arg10[%swap3A_602, %swap3A_603], %mul3A_599 {strides = array<i32>} : memref<80x128xf32, #tpu.memory_space<vmem>>, vector<16xf32>,
          %add3A_605 = arith.constant 1 : i32
          %add3A_606 = arith.addi %mul3A_471, %add3A_605 : i32
          %get3A_607 = arith.index_cast %add3A_606 : i32 to index
          %get3A_608 = arith.constant 32 : index
          %get3A_609 = tpu.vector_load %arg10[%get3A_607, %get3A_608] {strides = array<i32>} : memref<80x128xf32, #tpu.memory_space<vmem>>, vector<16xf32>,
          %mul3A_610 = arith.mulf %get3A_609, %gather3A_482 : vector<16xf32>
          %add3A_611 = arith.constant 1 : i32
          %add3A_612 = arith.addi %mul3A_471, %add3A_611 : i32
          %swap3A_613 = arith.index_cast %add3A_612 : i32 to index
          %swap3A_614 = arith.constant 32 : index
          %swap3A_615 = tpu.vector_load %arg10[%swap3A_613, %swap3A_614] {strides = array<i32>} : memref<80x128xf32, #tpu.memory_space<vmem>>, vector<16xf32>,
          tpu.vector_store %arg10[%swap3A_613, %swap3A_614], %mul3A_610 {strides = array<i32>} : memref<80x128xf32, #tpu.memory_space<vmem>>, vector<16xf32>,
          %add3A_616 = arith.constant 1 : i32
          %add3A_617 = arith.addi %mul3A_471, %add3A_616 : i32
          %get3A_618 = arith.index_cast %add3A_617 : i32 to index
          %get3A_619 = arith.constant 48 : index
          %get3A_620 = tpu.vector_load %arg10[%get3A_618, %get3A_619] {strides = array<i32>} : memref<80x128xf32, #tpu.memory_space<vmem>>, vector<16xf32>,
          %mul3A_621 = arith.mulf %get3A_620, %gather3A_482 : vector<16xf32>
          %add3A_622 = arith.constant 1 : i32
          %add3A_623 = arith.addi %mul3A_471, %add3A_622 : i32
          %swap3A_624 = arith.index_cast %add3A_623 : i32 to index
          %swap3A_625 = arith.constant 48 : index
          %swap3A_626 = tpu.vector_load %arg10[%swap3A_624, %swap3A_625] {strides = array<i32>} : memref<80x128xf32, #tpu.memory_space<vmem>>, vector<16xf32>,
          tpu.vector_store %arg10[%swap3A_624, %swap3A_625], %mul3A_621 {strides = array<i32>} : memref<80x128xf32, #tpu.memory_space<vmem>>, vector<16xf32>,
          %add3A_627 = arith.constant 1 : i32
          %add3A_628 = arith.addi %mul3A_471, %add3A_627 : i32
          %get3A_629 = arith.index_cast %add3A_628 : i32 to index
          %get3A_630 = arith.constant 64 : index
          %get3A_631 = tpu.vector_load %arg10[%get3A_629, %get3A_630] {strides = array<i32>} : memref<80x128xf32, #tpu.memory_space<vmem>>, vector<16xf32>,
          %mul3A_632 = arith.mulf %get3A_631, %gather3A_482 : vector<16xf32>
          %add3A_633 = arith.constant 1 : i32
          %add3A_634 = arith.addi %mul3A_471, %add3A_633 : i32
          %swap3A_635 = arith.index_cast %add3A_634 : i32 to index
          %swap3A_636 = arith.constant 64 : index
          %swap3A_637 = tpu.vector_load %arg10[%swap3A_635, %swap3A_636] {strides = array<i32>} : memref<80x128xf32, #tpu.memory_space<vmem>>, vector<16xf32>,
          tpu.vector_store %arg10[%swap3A_635, %swap3A_636], %mul3A_632 {strides = array<i32>} : memref<80x128xf32, #tpu.memory_space<vmem>>, vector<16xf32>,
          %add3A_638 = arith.constant 1 : i32
          %add3A_639 = arith.addi %mul3A_471, %add3A_638 : i32
          %get3A_640 = arith.index_cast %add3A_639 : i32 to index
          %get3A_641 = arith.constant 80 : index
          %get3A_642 = tpu.vector_load %arg10[%get3A_640, %get3A_641] {strides = array<i32>} : memref<80x128xf32, #tpu.memory_space<vmem>>, vector<16xf32>,
          %mul3A_643 = arith.mulf %get3A_642, %gather3A_482 : vector<16xf32>
          %add3A_644 = arith.constant 1 : i32
          %add3A_645 = arith.addi %mul3A_471, %add3A_644 : i32
          %swap3A_646 = arith.index_cast %add3A_645 : i32 to index
          %swap3A_647 = arith.constant 80 : index
          %swap3A_648 = tpu.vector_load %arg10[%swap3A_646, %swap3A_647] {strides = array<i32>} : memref<80x128xf32, #tpu.memory_space<vmem>>, vector<16xf32>,
          tpu.vector_store %arg10[%swap3A_646, %swap3A_647], %mul3A_643 {strides = array<i32>} : memref<80x128xf32, #tpu.memory_space<vmem>>, vector<16xf32>,
          %add3A_649 = arith.constant 1 : i32
          %add3A_650 = arith.addi %mul3A_471, %add3A_649 : i32
          %get3A_651 = arith.index_cast %add3A_650 : i32 to index
          %get3A_652 = arith.constant 96 : index
          %get3A_653 = tpu.vector_load %arg10[%get3A_651, %get3A_652] {strides = array<i32>} : memref<80x128xf32, #tpu.memory_space<vmem>>, vector<16xf32>,
          %mul3A_654 = arith.mulf %get3A_653, %gather3A_482 : vector<16xf32>
          %add3A_655 = arith.constant 1 : i32
          %add3A_656 = arith.addi %mul3A_471, %add3A_655 : i32
          %swap3A_657 = arith.index_cast %add3A_656 : i32 to index
          %swap3A_658 = arith.constant 96 : index
          %swap3A_659 = tpu.vector_load %arg10[%swap3A_657, %swap3A_658] {strides = array<i32>} : memref<80x128xf32, #tpu.memory_space<vmem>>, vector<16xf32>,
          tpu.vector_store %arg10[%swap3A_657, %swap3A_658], %mul3A_654 {strides = array<i32>} : memref<80x128xf32, #tpu.memory_space<vmem>>, vector<16xf32>,
          %add3A_660 = arith.constant 1 : i32
          %add3A_661 = arith.addi %mul3A_471, %add3A_660 : i32
          %get3A_662 = arith.index_cast %add3A_661 : i32 to index
          %get3A_663 = arith.constant 112 : index
          %get3A_664 = tpu.vector_load %arg10[%get3A_662, %get3A_663] {strides = array<i32>} : memref<80x128xf32, #tpu.memory_space<vmem>>, vector<16xf32>,
          %mul3A_665 = arith.mulf %get3A_664, %gather3A_482 : vector<16xf32>
          %add3A_666 = arith.constant 1 : i32
          %add3A_667 = arith.addi %mul3A_471, %add3A_666 : i32
          %swap3A_668 = arith.index_cast %add3A_667 : i32 to index
          %swap3A_669 = arith.constant 112 : index
          %swap3A_670 = tpu.vector_load %arg10[%swap3A_668, %swap3A_669] {strides = array<i32>} : memref<80x128xf32, #tpu.memory_space<vmem>>, vector<16xf32>,
          tpu.vector_store %arg10[%swap3A_668, %swap3A_669], %mul3A_665 {strides = array<i32>} : memref<80x128xf32, #tpu.memory_space<vmem>>, vector<16xf32>,
          %add3A_671 = arith.constant 2 : i32
          %add3A_672 = arith.addi %mul3A_471, %add3A_671 : i32
          %get3A_673 = arith.index_cast %add3A_672 : i32 to index
          %get3A_674 = arith.constant 0 : index
          %get3A_675 = tpu.vector_load %arg10[%get3A_673, %get3A_674] {strides = array<i32>} : memref<80x128xf32, #tpu.memory_space<vmem>>, vector<16xf32>,
          %mul3A_676 = arith.mulf %get3A_675, %gather3A_488 : vector<16xf32>
          %add3A_677 = arith.constant 2 : i32
          %add3A_678 = arith.addi %mul3A_471, %add3A_677 : i32
          %swap3A_679 = arith.index_cast %add3A_678 : i32 to index
          %swap3A_680 = arith.constant 0 : index
          %swap3A_681 = tpu.vector_load %arg10[%swap3A_679, %swap3A_680] {strides = array<i32>} : memref<80x128xf32, #tpu.memory_space<vmem>>, vector<16xf32>,
          tpu.vector_store %arg10[%swap3A_679, %swap3A_680], %mul3A_676 {strides = array<i32>} : memref<80x128xf32, #tpu.memory_space<vmem>>, vector<16xf32>,
          %add3A_682 = arith.constant 2 : i32
          %add3A_683 = arith.addi %mul3A_471, %add3A_682 : i32
          %get3A_684 = arith.index_cast %add3A_683 : i32 to index
          %get3A_685 = arith.constant 16 : index
          %get3A_686 = tpu.vector_load %arg10[%get3A_684, %get3A_685] {strides = array<i32>} : memref<80x128xf32, #tpu.memory_space<vmem>>, vector<16xf32>,
          %mul3A_687 = arith.mulf %get3A_686, %gather3A_488 : vector<16xf32>
          %add3A_688 = arith.constant 2 : i32
          %add3A_689 = arith.addi %mul3A_471, %add3A_688 : i32
          %swap3A_690 = arith.index_cast %add3A_689 : i32 to index
          %swap3A_691 = arith.constant 16 : index
          %swap3A_692 = tpu.vector_load %arg10[%swap3A_690, %swap3A_691] {strides = array<i32>} : memref<80x128xf32, #tpu.memory_space<vmem>>, vector<16xf32>,
          tpu.vector_store %arg10[%swap3A_690, %swap3A_691], %mul3A_687 {strides = array<i32>} : memref<80x128xf32, #tpu.memory_space<vmem>>, vector<16xf32>,
          %add3A_693 = arith.constant 2 : i32
          %add3A_694 = arith.addi %mul3A_471, %add3A_693 : i32
          %get3A_695 = arith.index_cast %add3A_694 : i32 to index
          %get3A_696 = arith.constant 32 : index
          %get3A_697 = tpu.vector_load %arg10[%get3A_695, %get3A_696] {strides = array<i32>} : memref<80x128xf32, #tpu.memory_space<vmem>>, vector<16xf32>,
          %mul3A_698 = arith.mulf %get3A_697, %gather3A_488 : vector<16xf32>
          %add3A_699 = arith.constant 2 : i32
          %add3A_700 = arith.addi %mul3A_471, %add3A_699 : i32
          %swap3A_701 = arith.index_cast %add3A_700 : i32 to index
          %swap3A_702 = arith.constant 32 : index
          %swap3A_703 = tpu.vector_load %arg10[%swap3A_701, %swap3A_702] {strides = array<i32>} : memref<80x128xf32, #tpu.memory_space<vmem>>, vector<16xf32>,
          tpu.vector_store %arg10[%swap3A_701, %swap3A_702], %mul3A_698 {strides = array<i32>} : memref<80x128xf32, #tpu.memory_space<vmem>>, vector<16xf32>,
          %add3A_704 = arith.constant 2 : i32
          %add3A_705 = arith.addi %mul3A_471, %add3A_704 : i32
          %get3A_706 = arith.index_cast %add3A_705 : i32 to index
          %get3A_707 = arith.constant 48 : index
          %get3A_708 = tpu.vector_load %arg10[%get3A_706, %get3A_707] {strides = array<i32>} : memref<80x128xf32, #tpu.memory_space<vmem>>, vector<16xf32>,
          %mul3A_709 = arith.mulf %get3A_708, %gather3A_488 : vector<16xf32>
          %add3A_710 = arith.constant 2 : i32
          %add3A_711 = arith.addi %mul3A_471, %add3A_710 : i32
          %swap3A_712 = arith.index_cast %add3A_711 : i32 to index
          %swap3A_713 = arith.constant 48 : index
          %swap3A_714 = tpu.vector_load %arg10[%swap3A_712, %swap3A_713] {strides = array<i32>} : memref<80x128xf32, #tpu.memory_space<vmem>>, vector<16xf32>,
          tpu.vector_store %arg10[%swap3A_712, %swap3A_713], %mul3A_709 {strides = array<i32>} : memref<80x128xf32, #tpu.memory_space<vmem>>, vector<16xf32>,
          %add3A_715 = arith.constant 2 : i32
          %add3A_716 = arith.addi %mul3A_471, %add3A_715 : i32
          %get3A_717 = arith.index_cast %add3A_716 : i32 to index
          %get3A_718 = arith.constant 64 : index
          %get3A_719 = tpu.vector_load %arg10[%get3A_717, %get3A_718] {strides = array<i32>} : memref<80x128xf32, #tpu.memory_space<vmem>>, vector<16xf32>,
          %mul3A_720 = arith.mulf %get3A_719, %gather3A_488 : vector<16xf32>
          %add3A_721 = arith.constant 2 : i32
          %add3A_722 = arith.addi %mul3A_471, %add3A_721 : i32
          %swap3A_723 = arith.index_cast %add3A_722 : i32 to index
          %swap3A_724 = arith.constant 64 : index
          %swap3A_725 = tpu.vector_load %arg10[%swap3A_723, %swap3A_724] {strides = array<i32>} : memref<80x128xf32, #tpu.memory_space<vmem>>, vector<16xf32>,
          tpu.vector_store %arg10[%swap3A_723, %swap3A_724], %mul3A_720 {strides = array<i32>} : memref<80x128xf32, #tpu.memory_space<vmem>>, vector<16xf32>,
          %add3A_726 = arith.constant 2 : i32
          %add3A_727 = arith.addi %mul3A_471, %add3A_726 : i32
          %get3A_728 = arith.index_cast %add3A_727 : i32 to index
          %get3A_729 = arith.constant 80 : index
          %get3A_730 = tpu.vector_load %arg10[%get3A_728, %get3A_729] {strides = array<i32>} : memref<80x128xf32, #tpu.memory_space<vmem>>, vector<16xf32>,
          %mul3A_731 = arith.mulf %get3A_730, %gather3A_488 : vector<16xf32>
          %add3A_732 = arith.constant 2 : i32
          %add3A_733 = arith.addi %mul3A_471, %add3A_732 : i32
          %swap3A_734 = arith.index_cast %add3A_733 : i32 to index
          %swap3A_735 = arith.constant 80 : index
          %swap3A_736 = tpu.vector_load %arg10[%swap3A_734, %swap3A_735] {strides = array<i32>} : memref<80x128xf32, #tpu.memory_space<vmem>>, vector<16xf32>,
          tpu.vector_store %arg10[%swap3A_734, %swap3A_735], %mul3A_731 {strides = array<i32>} : memref<80x128xf32, #tpu.memory_space<vmem>>, vector<16xf32>,
          %add3A_737 = arith.constant 2 : i32
          %add3A_738 = arith.addi %mul3A_471, %add3A_737 : i32
          %get3A_739 = arith.index_cast %add3A_738 : i32 to index
          %get3A_740 = arith.constant 96 : index
          %get3A_741 = tpu.vector_load %arg10[%get3A_739, %get3A_740] {strides = array<i32>} : memref<80x128xf32, #tpu.memory_space<vmem>>, vector<16xf32>,
          %mul3A_742 = arith.mulf %get3A_741, %gather3A_488 : vector<16xf32>
          %add3A_743 = arith.constant 2 : i32
          %add3A_744 = arith.addi %mul3A_471, %add3A_743 : i32
          %swap3A_745 = arith.index_cast %add3A_744 : i32 to index
          %swap3A_746 = arith.constant 96 : index
          %swap3A_747 = tpu.vector_load %arg10[%swap3A_745, %swap3A_746] {strides = array<i32>} : memref<80x128xf32, #tpu.memory_space<vmem>>, vector<16xf32>,
          tpu.vector_store %arg10[%swap3A_745, %swap3A_746], %mul3A_742 {strides = array<i32>} : memref<80x128xf32, #tpu.memory_space<vmem>>, vector<16xf32>,
          %add3A_748 = arith.constant 2 : i32
          %add3A_749 = arith.addi %mul3A_471, %add3A_748 : i32
          %get3A_750 = arith.index_cast %add3A_749 : i32 to index
          %get3A_751 = arith.constant 112 : index
          %get3A_752 = tpu.vector_load %arg10[%get3A_750, %get3A_751] {strides = array<i32>} : memref<80x128xf32, #tpu.memory_space<vmem>>, vector<16xf32>,
          %mul3A_753 = arith.mulf %get3A_752, %gather3A_488 : vector<16xf32>
          %add3A_754 = arith.constant 2 : i32
          %add3A_755 = arith.addi %mul3A_471, %add3A_754 : i32
          %swap3A_756 = arith.index_cast %add3A_755 : i32 to index
          %swap3A_757 = arith.constant 112 : index
          %swap3A_758 = tpu.vector_load %arg10[%swap3A_756, %swap3A_757] {strides = array<i32>} : memref<80x128xf32, #tpu.memory_space<vmem>>, vector<16xf32>,
          tpu.vector_store %arg10[%swap3A_756, %swap3A_757], %mul3A_753 {strides = array<i32>} : memref<80x128xf32, #tpu.memory_space<vmem>>, vector<16xf32>,
          %add3A_759 = arith.constant 3 : i32
          %add3A_760 = arith.addi %mul3A_471, %add3A_759 : i32
          %get3A_761 = arith.index_cast %add3A_760 : i32 to index
          %get3A_762 = arith.constant 0 : index
          %get3A_763 = tpu.vector_load %arg10[%get3A_761, %get3A_762] {strides = array<i32>} : memref<80x128xf32, #tpu.memory_space<vmem>>, vector<16xf32>,
          %mul3A_764 = arith.mulf %get3A_763, %gather3A_494 : vector<16xf32>
          %add3A_765 = arith.constant 3 : i32
          %add3A_766 = arith.addi %mul3A_471, %add3A_765 : i32
          %swap3A_767 = arith.index_cast %add3A_766 : i32 to index
          %swap3A_768 = arith.constant 0 : index
          %swap3A_769 = tpu.vector_load %arg10[%swap3A_767, %swap3A_768] {strides = array<i32>} : memref<80x128xf32, #tpu.memory_space<vmem>>, vector<16xf32>,
          tpu.vector_store %arg10[%swap3A_767, %swap3A_768], %mul3A_764 {strides = array<i32>} : memref<80x128xf32, #tpu.memory_space<vmem>>, vector<16xf32>,
          %add3A_770 = arith.constant 3 : i32
          %add3A_771 = arith.addi %mul3A_471, %add3A_770 : i32
          %get3A_772 = arith.index_cast %add3A_771 : i32 to index
          %get3A_773 = arith.constant 16 : index
          %get3A_774 = tpu.vector_load %arg10[%get3A_772, %get3A_773] {strides = array<i32>} : memref<80x128xf32, #tpu.memory_space<vmem>>, vector<16xf32>,
          %mul3A_775 = arith.mulf %get3A_774, %gather3A_494 : vector<16xf32>
          %add3A_776 = arith.constant 3 : i32
          %add3A_777 = arith.addi %mul3A_471, %add3A_776 : i32
          %swap3A_778 = arith.index_cast %add3A_777 : i32 to index
          %swap3A_779 = arith.constant 16 : index
          %swap3A_780 = tpu.vector_load %arg10[%swap3A_778, %swap3A_779] {strides = array<i32>} : memref<80x128xf32, #tpu.memory_space<vmem>>, vector<16xf32>,
          tpu.vector_store %arg10[%swap3A_778, %swap3A_779], %mul3A_775 {strides = array<i32>} : memref<80x128xf32, #tpu.memory_space<vmem>>, vector<16xf32>,
          %add3A_781 = arith.constant 3 : i32
          %add3A_782 = arith.addi %mul3A_471, %add3A_781 : i32
          %get3A_783 = arith.index_cast %add3A_782 : i32 to index
          %get3A_784 = arith.constant 32 : index
          %get3A_785 = tpu.vector_load %arg10[%get3A_783, %get3A_784] {strides = array<i32>} : memref<80x128xf32, #tpu.memory_space<vmem>>, vector<16xf32>,
          %mul3A_786 = arith.mulf %get3A_785, %gather3A_494 : vector<16xf32>
          %add3A_787 = arith.constant 3 : i32
          %add3A_788 = arith.addi %mul3A_471, %add3A_787 : i32
          %swap3A_789 = arith.index_cast %add3A_788 : i32 to index
          %swap3A_790 = arith.constant 32 : index
          %swap3A_791 = tpu.vector_load %arg10[%swap3A_789, %swap3A_790] {strides = array<i32>} : memref<80x128xf32, #tpu.memory_space<vmem>>, vector<16xf32>,
          tpu.vector_store %arg10[%swap3A_789, %swap3A_790], %mul3A_786 {strides = array<i32>} : memref<80x128xf32, #tpu.memory_space<vmem>>, vector<16xf32>,
          %add3A_792 = arith.constant 3 : i32
          %add3A_793 = arith.addi %mul3A_471, %add3A_792 : i32
          %get3A_794 = arith.index_cast %add3A_793 : i32 to index
          %get3A_795 = arith.constant 48 : index
          %get3A_796 = tpu.vector_load %arg10[%get3A_794, %get3A_795] {strides = array<i32>} : memref<80x128xf32, #tpu.memory_space<vmem>>, vector<16xf32>,
          %mul3A_797 = arith.mulf %get3A_796, %gather3A_494 : vector<16xf32>
          %add3A_798 = arith.constant 3 : i32
          %add3A_799 = arith.addi %mul3A_471, %add3A_798 : i32
          %swap3A_800 = arith.index_cast %add3A_799 : i32 to index
          %swap3A_801 = arith.constant 48 : index
          %swap3A_802 = tpu.vector_load %arg10[%swap3A_800, %swap3A_801] {strides = array<i32>} : memref<80x128xf32, #tpu.memory_space<vmem>>, vector<16xf32>,
          tpu.vector_store %arg10[%swap3A_800, %swap3A_801], %mul3A_797 {strides = array<i32>} : memref<80x128xf32, #tpu.memory_space<vmem>>, vector<16xf32>,
          %add3A_803 = arith.constant 3 : i32
          %add3A_804 = arith.addi %mul3A_471, %add3A_803 : i32
          %get3A_805 = arith.index_cast %add3A_804 : i32 to index
          %get3A_806 = arith.constant 64 : index
          %get3A_807 = tpu.vector_load %arg10[%get3A_805, %get3A_806] {strides = array<i32>} : memref<80x128xf32, #tpu.memory_space<vmem>>, vector<16xf32>,
          %mul3A_808 = arith.mulf %get3A_807, %gather3A_494 : vector<16xf32>
          %add3A_809 = arith.constant 3 : i32
          %add3A_810 = arith.addi %mul3A_471, %add3A_809 : i32
          %swap3A_811 = arith.index_cast %add3A_810 : i32 to index
          %swap3A_812 = arith.constant 64 : index
          %swap3A_813 = tpu.vector_load %arg10[%swap3A_811, %swap3A_812] {strides = array<i32>} : memref<80x128xf32, #tpu.memory_space<vmem>>, vector<16xf32>,
          tpu.vector_store %arg10[%swap3A_811, %swap3A_812], %mul3A_808 {strides = array<i32>} : memref<80x128xf32, #tpu.memory_space<vmem>>, vector<16xf32>,
          %add3A_814 = arith.constant 3 : i32
          %add3A_815 = arith.addi %mul3A_471, %add3A_814 : i32
          %get3A_816 = arith.index_cast %add3A_815 : i32 to index
          %get3A_817 = arith.constant 80 : index
          %get3A_818 = tpu.vector_load %arg10[%get3A_816, %get3A_817] {strides = array<i32>} : memref<80x128xf32, #tpu.memory_space<vmem>>, vector<16xf32>,
          %mul3A_819 = arith.mulf %get3A_818, %gather3A_494 : vector<16xf32>
          %add3A_820 = arith.constant 3 : i32
          %add3A_821 = arith.addi %mul3A_471, %add3A_820 : i32
          %swap3A_822 = arith.index_cast %add3A_821 : i32 to index
          %swap3A_823 = arith.constant 80 : index
          %swap3A_824 = tpu.vector_load %arg10[%swap3A_822, %swap3A_823] {strides = array<i32>} : memref<80x128xf32, #tpu.memory_space<vmem>>, vector<16xf32>,
          tpu.vector_store %arg10[%swap3A_822, %swap3A_823], %mul3A_819 {strides = array<i32>} : memref<80x128xf32, #tpu.memory_space<vmem>>, vector<16xf32>,
          %add3A_825 = arith.constant 3 : i32
          %add3A_826 = arith.addi %mul3A_471, %add3A_825 : i32
          %get3A_827 = arith.index_cast %add3A_826 : i32 to index
          %get3A_828 = arith.constant 96 : index
          %get3A_829 = tpu.vector_load %arg10[%get3A_827, %get3A_828] {strides = array<i32>} : memref<80x128xf32, #tpu.memory_space<vmem>>, vector<16xf32>,
          %mul3A_830 = arith.mulf %get3A_829, %gather3A_494 : vector<16xf32>
          %add3A_831 = arith.constant 3 : i32
          %add3A_832 = arith.addi %mul3A_471, %add3A_831 : i32
          %swap3A_833 = arith.index_cast %add3A_832 : i32 to index
          %swap3A_834 = arith.constant 96 : index
          %swap3A_835 = tpu.vector_load %arg10[%swap3A_833, %swap3A_834] {strides = array<i32>} : memref<80x128xf32, #tpu.memory_space<vmem>>, vector<16xf32>,
          tpu.vector_store %arg10[%swap3A_833, %swap3A_834], %mul3A_830 {strides = array<i32>} : memref<80x128xf32, #tpu.memory_space<vmem>>, vector<16xf32>,
          %add3A_836 = arith.constant 3 : i32
          %add3A_837 = arith.addi %mul3A_471, %add3A_836 : i32
          %get3A_838 = arith.index_cast %add3A_837 : i32 to index
          %get3A_839 = arith.constant 112 : index
          %get3A_840 = tpu.vector_load %arg10[%get3A_838, %get3A_839] {strides = array<i32>} : memref<80x128xf32, #tpu.memory_space<vmem>>, vector<16xf32>,
          %mul3A_841 = arith.mulf %get3A_840, %gather3A_494 : vector<16xf32>
          %add3A_842 = arith.constant 3 : i32
          %add3A_843 = arith.addi %mul3A_471, %add3A_842 : i32
          %swap3A_844 = arith.index_cast %add3A_843 : i32 to index
          %swap3A_845 = arith.constant 112 : index
          %swap3A_846 = tpu.vector_load %arg10[%swap3A_844, %swap3A_845] {strides = array<i32>} : memref<80x128xf32, #tpu.memory_space<vmem>>, vector<16xf32>,
          tpu.vector_store %arg10[%swap3A_844, %swap3A_845], %mul3A_841 {strides = array<i32>} : memref<80x128xf32, #tpu.memory_space<vmem>>, vector<16xf32>,
          %scan3A_847 = arith.constant 0 : i32
          scf.yield %scan3A_847 : i32
        }
        %scan3A_456 = arith.constant 20 : i32
        %dma_start3A_457 = arith.constant 0 : i32
        %dma_start3A_458 = arith.constant 0 : i32
        %dma_start3A_459 = tpu.memref_slice %arg23[%dma_start3A_457, %dma_start3A_458] : memref<10240x128xf32, #tpu.memory_space<vmem_shared>> -> memref<10240x128xf32, #tpu.memory_space<vmem_shared>>
        tpu.enqueue_indirect_dma source(%arg10 : memref<80x128xf32, #tpu.memory_space<vmem>>) target(%dma_start3A_459 : memref<10240x128xf32, #tpu.memory_space<vmem_shared>>) offsets(%arg16 : memref<80xi32, #tpu.memory_space<vmem>>) semaphore(%arg22 : memref<!tpu.dma_semaphore, #tpu.memory_space<semaphore_mem>>) {add = true}
        %add3A_460 = arith.constant 2 : i32
        %add3A_461 = arith.addi %add3A_399, %add3A_460 : i32
        %le3A_462 = arith.constant 41 : i32
        %le3A_463 = arith.cmpi sle, %add3A_461, %le3A_462 : i32
        %convert_element_type3A_464 = arith.extui %le3A_463 : i1 to i32
        %cond3A_465 = arith.constant 0 : i32
        %cond3A_466 = arith.cmpi ne, %convert_element_type3A_464, %cond3A_465 : i32
        scf.if %cond3A_466 {
          %add3A_468 = arith.addi %while3A_214, %add3A_399 : i32
          %gt3A_469 = arith.constant 0 : i32
          %gt3A_470 = arith.cmpi sgt, %add3A_468, %gt3A_469 : i32
          %convert_element_type3A_471 = arith.extui %gt3A_470 : i1 to i32
          %cond3A_472 = arith.constant 0 : i32
          %cond3A_473 = arith.cmpi ne, %convert_element_type3A_471, %cond3A_472 : i32
          scf.if %cond3A_473 {
            %dma_wait3A_482 = arith.constant 0 : i32
            %dma_wait3A_483 = arith.constant 0 : i32
            %dma_wait3A_484 = tpu.memref_slice %arg23[%dma_wait3A_482, %dma_wait3A_483] : memref<10240x128xf32, #tpu.memory_space<vmem_shared>> -> memref<10240x128xf32, #tpu.memory_space<vmem_shared>>
            tpu.wait_indirect_dma semaphore(%arg21 : memref<!tpu.dma_semaphore, #tpu.memory_space<semaphore_mem>>) src(%arg9 : memref<80x128xf32, #tpu.memory_space<vmem>>) dst(%dma_wait3A_484 : memref<10240x128xf32, #tpu.memory_space<vmem_shared>>)
          } else {
          }
          %mul3A_474 = arith.constant 80 : i32
          %mul3A_475 = arith.muli %add3A_461, %mul3A_474 : i32
          %add3A_476 = arith.constant 3360 : i32
          %add3A_477 = arith.addi %add3A_476, %mul3A_475 : i32
          %dma_start3A_478 = tpu.memref_slice %arg12[%add3A_477] : memref<6720xi32, #tpu.memory_space<vmem>> -> memref<80xi32, #tpu.memory_space<vmem>>
          %dma_start3A_479 = arith.constant 0 : i32
          %dma_start3A_480 = arith.constant 0 : i32
          %dma_start3A_481 = tpu.memref_slice %arg2[%dma_start3A_479, %dma_start3A_480] : memref<10000x128xf32, #tpu.memory_space<hbm>> -> memref<10000x128xf32, #tpu.memory_space<hbm>>
          tpu.enqueue_indirect_dma source(%dma_start3A_481 : memref<10000x128xf32, #tpu.memory_space<hbm>>) target(%arg9 : memref<80x128xf32, #tpu.memory_space<vmem>>) offsets(%dma_start3A_478 : memref<80xi32, #tpu.memory_space<vmem>>) semaphore(%arg18 : memref<!tpu.dma_semaphore, #tpu.memory_space<semaphore_mem>>)
        } else {
        }
        %scan3A_467 = arith.constant 0 : i32
        scf.yield %scan3A_467 : i32
      }
      %scan3A_252 = arith.constant 14 : i32
      %while3A_253 = arith.constant 0 : i32
      scf.yield %while3A_253 : i32
    }
    %dma_wait3A_200 = arith.constant 0 : i32
    %dma_wait3A_201 = arith.constant 0 : i32
    %dma_wait3A_202 = tpu.memref_slice %arg23[%dma_wait3A_200, %dma_wait3A_201] : memref<10240x128xf32, #tpu.memory_space<vmem_shared>> -> memref<10240x128xf32, #tpu.memory_space<vmem_shared>>
    tpu.wait_indirect_dma semaphore(%arg20 : memref<!tpu.dma_semaphore, #tpu.memory_space<semaphore_mem>>) src(%arg8 : memref<80x128xf32, #tpu.memory_space<vmem>>) dst(%dma_wait3A_202 : memref<10240x128xf32, #tpu.memory_space<vmem_shared>>)
    %dma_wait3A_203 = arith.constant 0 : i32
    %dma_wait3A_204 = arith.constant 0 : i32
    %dma_wait3A_205 = tpu.memref_slice %arg23[%dma_wait3A_203, %dma_wait3A_204] : memref<10240x128xf32, #tpu.memory_space<vmem_shared>> -> memref<10240x128xf32, #tpu.memory_space<vmem_shared>>
    tpu.wait_indirect_dma semaphore(%arg21 : memref<!tpu.dma_semaphore, #tpu.memory_space<semaphore_mem>>) src(%arg9 : memref<80x128xf32, #tpu.memory_space<vmem>>) dst(%dma_wait3A_205 : memref<10240x128xf32, #tpu.memory_space<vmem_shared>>)
    %dma_wait3A_206 = arith.constant 0 : i32
    %dma_wait3A_207 = arith.constant 0 : i32
    %dma_wait3A_208 = tpu.memref_slice %arg23[%dma_wait3A_206, %dma_wait3A_207] : memref<10240x128xf32, #tpu.memory_space<vmem_shared>> -> memref<10240x128xf32, #tpu.memory_space<vmem_shared>>
    tpu.wait_indirect_dma semaphore(%arg22 : memref<!tpu.dma_semaphore, #tpu.memory_space<semaphore_mem>>) src(%arg10 : memref<80x128xf32, #tpu.memory_space<vmem>>) dst(%dma_wait3A_208 : memref<10240x128xf32, #tpu.memory_space<vmem_shared>>)
    "tpu.trace_stop"() : () -> ()
    %barrier3A_209 = arith.constant 0 : index
    tpu.barrier barrier_id(%barrier3A_209)
    "tpu.trace_start"() <{level = 10 : i32, message = "copyout"}> : () -> ()
    %mul3A_210 = arith.constant 640 : i32
    %mul3A_211 = arith.muli %arg1, %mul3A_210 : i32
    %mul3A_212 = arith.constant 640 : i32
    %mul3A_213 = arith.muli %arg1, %mul3A_212 : i32
    "tpu.region"() ({
      %run_scoped3A = tpu.sem_alloc : memref<!tpu.dma_semaphore, #tpu.memory_space<semaphore_mem>>
      %dma_start3A_214 = arith.constant 0 : i32
      %dma_start3A_215 = tpu.memref_slice %arg7[%arg0, %mul3A_213, %dma_start3A_214] : memref<2x10240x128xf32, #tpu.memory_space<hbm>> -> memref<1x640x128xf32, #tpu.memory_space<hbm>>
      %dma_start3A_216 = tpu.memref_squeeze %dma_start3A_215 : memref<1x640x128xf32, #tpu.memory_space<hbm>> -> memref<640x128xf32, #tpu.memory_space<hbm>>
      %dma_start3A_217 = arith.constant 0 : i32
      %dma_start3A_218 = tpu.memref_slice %arg23[%mul3A_211, %dma_start3A_217] : memref<10240x128xf32, #tpu.memory_space<vmem_shared>> -> memref<640x128xf32, #tpu.memory_space<vmem_shared>>
      tpu.enqueue_dma source(%dma_start3A_218 : memref<640x128xf32, #tpu.memory_space<vmem_shared>>) target(%dma_start3A_216 : memref<640x128xf32, #tpu.memory_space<hbm>>) target_semaphore(%run_scoped3A : memref<!tpu.dma_semaphore, #tpu.memory_space<semaphore_mem>>)
      %dma_wait3A_219 = arith.constant 0 : i32
      %dma_wait3A_220 = tpu.memref_slice %arg7[%arg0, %mul3A_213, %dma_wait3A_219] : memref<2x10240x128xf32, #tpu.memory_space<hbm>> -> memref<1x640x128xf32, #tpu.memory_space<hbm>>
      %dma_wait3A_221 = tpu.memref_squeeze %dma_wait3A_220 : memref<1x640x128xf32, #tpu.memory_space<hbm>> -> memref<640x128xf32, #tpu.memory_space<hbm>>
      %dma_wait3A_222 = arith.constant 0 : i32
      %dma_wait3A_223 = tpu.memref_slice %arg23[%mul3A_211, %dma_wait3A_222] : memref<10240x128xf32, #tpu.memory_space<vmem_shared>> -> memref<640x128xf32, #tpu.memory_space<vmem_shared>>
      tpu.wait_dma2 semaphore(%run_scoped3A : memref<!tpu.dma_semaphore, #tpu.memory_space<semaphore_mem>>) src(%dma_wait3A_223 : memref<640x128xf32, #tpu.memory_space<vmem_shared>>) dst(%dma_wait3A_221 : memref<640x128xf32, #tpu.memory_space<hbm>>)
      tpu.yield
    }) : () -> ()
    "tpu.trace_stop"() : () -> ()
    return
  }
}

module attributes {stable_mosaic.version = 14 : i64} {
  func.func @_tc_prep_body(%arg0: i32, %arg1: memref<1000x128xf32, #tpu.memory_space<vmem>>, %arg2: memref<128x128xf32, #tpu.memory_space<vmem>>, %arg3: memref<128x128xf32, #tpu.memory_space<vmem>>, %arg4: memref<1xf32, #tpu.memory_space<smem>>, %arg5: memref<1000x128xf32, #tpu.memory_space<vmem>>, %arg6: memref<1000x128xf32, #tpu.memory_space<vmem>>) attributes {dimension_semantics = [#tpu.dimension_semantics<arbitrary>], iteration_bounds = array<i64: 10>, scalar_prefetch = 0 : i64, scratch_operands = 0 : i64, tpu.core_type = #tpu.core_type<tc>, window_params = [{transform_indices = @transform_0, window_bounds = array<i64: 1000, 128>}, {pipeline_mode = #tpu.pipeline_mode<synchronous>, transform_indices = @transform_1, window_bounds = array<i64: 128, 128>}, {pipeline_mode = #tpu.pipeline_mode<synchronous>, transform_indices = @transform_2, window_bounds = array<i64: 128, 128>}, {transform_indices = @transform_3, window_bounds = array<i64: 1>}, {transform_indices = @transform_4, window_bounds = array<i64: 1000, 128>}, {transform_indices = @transform_5, window_bounds = array<i64: 1000, 128>}]} {
    %get3A = arith.constant 0 : index
    %get3A_0 = arith.constant 0 : index
    %get3A_1 = vector.load %arg1[%get3A, %get3A_0] : memref<1000x128xf32, #tpu.memory_space<vmem>>, vector<1000x128xf32>
    %get3A_2 = arith.constant 0 : index
    %get3A_3 = arith.constant 0 : index
    %get3A_4 = vector.load %arg2[%get3A_2, %get3A_3] : memref<128x128xf32, #tpu.memory_space<vmem>>, vector<128x128xf32>
    %dot_general3A = arith.constant dense<0.000000e+00> : vector<1000x128xf32>
    %dot_general3A_5 = tpu.matmul %get3A_1, %get3A_4, %dot_general3A {dimension_numbers = #tpu.dot_dimension_numbers<[1], [0], [0], [1], [0, 0, 1, 1], [], []>, transpose_lhs_hint = false} : vector<1000x128xf32>, vector<128x128xf32>, vector<1000x128xf32> -> vector<1000x128xf32>
    %swap3A = arith.constant 0 : index
    %swap3A_6 = arith.constant 0 : index
    %swap3A_7 = vector.load %arg5[%swap3A, %swap3A_6] : memref<1000x128xf32, #tpu.memory_space<vmem>>, vector<1000x128xf32>
    tpu.vector_store %arg5[%swap3A, %swap3A_6], %dot_general3A_5 {strides = array<i32>} : memref<1000x128xf32, #tpu.memory_space<vmem>>, vector<1000x128xf32>,
    %get3A_8 = arith.constant 0 : index
    %get3A_9 = arith.constant 0 : index
    %get3A_10 = vector.load %arg3[%get3A_8, %get3A_9] : memref<128x128xf32, #tpu.memory_space<vmem>>, vector<128x128xf32>
    %dot_general3A_11 = arith.constant dense<0.000000e+00> : vector<1000x128xf32>
    %dot_general3A_12 = tpu.matmul %dot_general3A_5, %get3A_10, %dot_general3A_11 {dimension_numbers = #tpu.dot_dimension_numbers<[1], [0], [0], [1], [0, 0, 1, 1], [], []>, transpose_lhs_hint = false} : vector<1000x128xf32>, vector<128x128xf32>, vector<1000x128xf32> -> vector<1000x128xf32>
    %get3A_13 = arith.constant 0 : index
    %get3A_14 = memref.load %arg4[%get3A_13] : memref<1xf32, #tpu.memory_space<smem>>
    %add3A = vector.broadcast %get3A_14 : f32 to vector<1000x128xf32>
    %add3A_15 = arith.addf %dot_general3A_12, %add3A : vector<1000x128xf32>
    %swap3A_16 = arith.constant 0 : index
    %swap3A_17 = arith.constant 0 : index
    %swap3A_18 = vector.load %arg6[%swap3A_16, %swap3A_17] : memref<1000x128xf32, #tpu.memory_space<vmem>>, vector<1000x128xf32>
    tpu.vector_store %arg6[%swap3A_16, %swap3A_17], %add3A_15 {strides = array<i32>} : memref<1000x128xf32, #tpu.memory_space<vmem>>, vector<1000x128xf32>,
    return
  }
  func.func @transform_0(%arg0: i32) -> (i32, i32) {
    %c0_i32 = arith.constant 0 : i32
    %c0_i32_0 = arith.constant 0 : i32
    return %arg0, %c0_i32 : i32, i32
  }
  func.func @transform_1(%arg0: i32) -> (i32, i32) {
    %c0_i32 = arith.constant 0 : i32
    %c0_i32_0 = arith.constant 0 : i32
    %c0_i32_1 = arith.constant 0 : i32
    return %c0_i32, %c0_i32_0 : i32, i32
  }
  func.func @transform_2(%arg0: i32) -> (i32, i32) {
    %c0_i32 = arith.constant 0 : i32
    %c0_i32_0 = arith.constant 0 : i32
    %c0_i32_1 = arith.constant 0 : i32
    return %c0_i32, %c0_i32_0 : i32, i32
  }
  func.func @transform_3(%arg0: i32) -> i32 {
    %c0_i32 = arith.constant 0 : i32
    %c0_i32_0 = arith.constant 0 : i32
    return %c0_i32 : i32
  }
  func.func @transform_4(%arg0: i32) -> (i32, i32) {
    %c0_i32 = arith.constant 0 : i32
    %c0_i32_0 = arith.constant 0 : i32
    return %arg0, %c0_i32 : i32, i32
  }
  func.func @transform_5(%arg0: i32) -> (i32, i32) {
    %c0_i32 = arith.constant 0 : i32
    %c0_i32_0 = arith.constant 0 : i32
    return %arg0, %c0_i32 : i32, i32
  }
}

module attributes {stable_mosaic.version = 14 : i64} {
  func.func @_tc_add_body(%arg0: i32, %arg1: memref<1000x128xf32, #tpu.memory_space<vmem>>, %arg2: memref<1000x128xf32, #tpu.memory_space<vmem>>, %arg3: memref<1000x128xf32, #tpu.memory_space<vmem>>) attributes {dimension_semantics = [#tpu.dimension_semantics<arbitrary>], iteration_bounds = array<i64: 10>, scalar_prefetch = 0 : i64, scratch_operands = 0 : i64, tpu.core_type = #tpu.core_type<tc>, window_params = [{transform_indices = @transform_0, window_bounds = array<i64: 1000, 128>}, {transform_indices = @transform_1, window_bounds = array<i64: 1000, 128>}, {transform_indices = @transform_2, window_bounds = array<i64: 1000, 128>}]} {
    %get3A = arith.constant 0 : index
    %get3A_0 = arith.constant 0 : index
    %get3A_1 = vector.load %arg1[%get3A, %get3A_0] : memref<1000x128xf32, #tpu.memory_space<vmem>>, vector<1000x128xf32>
    %get3A_2 = arith.constant 0 : index
    %get3A_3 = arith.constant 0 : index
    %get3A_4 = vector.load %arg2[%get3A_2, %get3A_3] : memref<1000x128xf32, #tpu.memory_space<vmem>>, vector<1000x128xf32>
    %add3A = arith.addf %get3A_1, %get3A_4 : vector<1000x128xf32>
    %swap3A = arith.constant 0 : index
    %swap3A_5 = arith.constant 0 : index
    %swap3A_6 = vector.load %arg3[%swap3A, %swap3A_5] : memref<1000x128xf32, #tpu.memory_space<vmem>>, vector<1000x128xf32>
    tpu.vector_store %arg3[%swap3A, %swap3A_5], %add3A {strides = array<i32>} : memref<1000x128xf32, #tpu.memory_space<vmem>>, vector<1000x128xf32>,
    return
  }
  func.func @transform_0(%arg0: i32) -> (i32, i32) {
    %c0_i32 = arith.constant 0 : i32
    %c0_i32_0 = arith.constant 0 : i32
    return %arg0, %c0_i32 : i32, i32
  }
  func.func @transform_1(%arg0: i32) -> (i32, i32) {
    %c0_i32 = arith.constant 0 : i32
    %c0_i32_0 = arith.constant 0 : i32
    return %arg0, %c0_i32 : i32, i32
  }
  func.func @transform_2(%arg0: i32) -> (i32, i32) {
    %c0_i32 = arith.constant 0 : i32
    %c0_i32_0 = arith.constant 0 : i32
    return %arg0, %c0_i32 : i32, i32
  }
}

</mosaic_0001>

<sc_bundles>
// kernel: _run.5.cloned.1.call-start
scs
__scs_entry_jumppad:
0x0: {  	(pc) =	sbr.rel $0x88, $3  }
0x1: {  	(tag) =	ssettag $0x0;
	lr =	simm.s32 $0x1  }
0x2: {  	[smem:$0x3F9B] =	sst lr;
	_ =	strace $0xD0000000  }
0x3: {  	_ = 	snop  }
0x4: {  	_ = 	snop  }
0x5: {  	_ = 	snop  }
0x6: {  	_ = 	snop  }
0x7: {  	_ = 	snop  }
__scs_overlays_trampoline_lowered:
0x8: {  	[smem:$0x3FAA] =	sst s0  }
0x9: {  	[smem:$0x3FAB] =	sst s1  }
0xa: {  	[smem:$0x3FAC] =	sst s2  }
0xb: {  	[smem:$0x3FAD] =	sst s3  }
0xc: {  	[smem:$0x3FAE] =	sst s4  }
0xd: {  	[smem:$0x3FAF] =	sst s5  }
0xe: {  	[smem:$0x3FB0] =	sst s6  }
0xf: {  	[smem:$0x3FB1] =	sst s7  }
0x10: {  	[smem:$0x3FB2] =	sst s8  }
0x11: {  	[smem:$0x3FB3] =	sst s9;
	s0 =	simm.s32 @!p0 $0x0  }
0x12: {  	s1 =	sld [smem:$0x3F99];
	s0 =	simm.s32 @p0 $0x1  }
0x13: {  	[smem:$0x3FB4] =	sst s0;
	s0 =	simm.s32 @!p1 $0x0  }
0x14: {  	s2 =	sld [smem:$0x3F98];
	s0 =	simm.s32 @p1 $0x1  }
0x15: {  	[smem:$0x3FB5] =	sst s0;
	s0 =	simm.s32 @!p2 $0x0  }
0x16: {  	s3 =	sld [smem:$0x3FDB];
	s0 =	simm.s32 @p2 $0x1  }
0x17: {  	s4 =	simm.s32 $0x1BF5;
	[smem:$0x3FB7] =	sst s0  }
0x18: {  	s0 =	sld [smem:$0x3F9A];
	_ =	swait.ge [sflag:s4], $0x0  }
0x19: {  	s7 =	sld [smem:$0x3F9B]  }
0x1a: {  	s8 =	sadd.s32 $0xFFFFE003, lr  }
0x1b: {  	s9 =	sadd.s32 $0xFFFFFEF7, lr;
	s5 =	simm.s32 $0xFFFFFFFF;
	p2 =	slt.u32 s8, $0xFFFFF086  }
0x1c: {  	p1 =	slt.u32 s9, $0xF7A;
	s5 =	simm.s32 @!p2 $0x0  }
0x1d: {  	s5 =	simm.s32 @p1 $0x1;
	p0 =	seq.s32 s7, s2  }
0x1e: {  	s7 =	smul.u32 @!p0 $0xF7A, s2;
	p2 =	seq.s32 @!p0 s5, $0x0  }
0x1f: {  	s9 =	smul.u32 $0xF7A, s1;
	s8 =	simm.s32 @!p0 $0x1BF5;
	p2 =	por !p2, p0  }
0x20: {  	[sflag:s8] =	ssyncset.s32 @!p0 $0xFFFFF086;
	s6 =	sadd.s32 @!p0 s3, s7;
	s7 =	simm.s32 @!p0 $0x108  }
0x21: {  	s3 =	sadd.s32 s3, s9;
	s6 =	sadd.s32 @!p0 $0x88, s6;
	s7 =	simm.s32 @p2 $0x1082  }
0x22: {  	[simem:s7], [sflag:s8] =	dma.local @!p0 [hbm:s6], $0xF7A  }
0x23: {  	s9 =	sor.u32 $0xD0000000, s2;
	s6 =	simm.s32 $0x108;
	_ =	swait.ge @!p0 [sflag:s8], $0x0  }
0x24: {  	s3 =	sadd.s32 $0x88, s3;
	s6 =	simm.s32 @!p1 $0x1082;
	[sflag:s4] =	ssyncset.s32 $0xFFFFF086  }
0x25: {  	[simem:s6], [sflag:s4] =	dma.local [hbm:s3], $0xF7A  }
0x26: {  	[smem:$0x3F9B] =	sst s1;
	(tag) =	ssettag s2;
	_ =	strace s9  }
0x27: {  	s1 =	sld [smem:$0x3FAB]  }
0x28: {  	s2 =	sld [smem:$0x3FAC]  }
0x29: {  	s4 =	sld [smem:$0x3FAE]  }
0x2a: {  	p0 =	seq.s32 s5, $0x0;
	s5 =	sld [smem:$0x3FAF]  }
0x2b: {  	s6 =	sld [smem:$0x3FB0]  }
0x2c: {  	s7 =	sld [smem:$0x3FB1]  }
0x2d: {  	s3 =	simm.s32 $0x108;
	s8 =	sld [smem:$0x3FB2]  }
0x2e: {  	s3 =	simm.s32 @!p0 $0x1082;
	s9 =	sld [smem:$0x3FB3]  }
0x2f: {  	lr =	sadd.s32 s0, s3;
	s0 =	sld [smem:$0x3FAA]  }
0x30: {  	s3 =	sld [smem:$0x3FAD]  }
0x31: {  	[smem:$0x3FB6] =	sst s10  }
0x32: {  	s10 =	sld [smem:$0x3FB4];
	_ =	sdelay $0x3  }
0x33: {  	p0 =	seq.s32 s10, $0x1;
	s10 =	sld [smem:$0x3FB6];
	_ =	sdelay $0x3  }
0x34: {  	[smem:$0x3FB6] =	sst s10  }
0x35: {  	s10 =	sld [smem:$0x3FB5];
	_ =	sdelay $0x3  }
0x36: {  	p1 =	seq.s32 s10, $0x1;
	s10 =	sld [smem:$0x3FB6];
	_ =	sdelay $0x3  }
0x37: {  	[smem:$0x3FB6] =	sst s10  }
0x38: {  	s10 =	sld [smem:$0x3FB7]  }
0x39: {  	_ = 	snop;
	(pc) =	sbr.ind lr, $3  }
0x3a: {  	_ = 	snop  }
0x3b: {  	_ = 	snop  }
0x3c: {  	p2 =	seq.s32 s10, $0x1;
	s10 =	sld [smem:$0x3FB6]  }
0x3d: {  	_ =	shalt  }
0x3e: {  	_ =	shalt  }
0x3f: {  	_ =	shalt  }
0x40: {  	_ =	shalt  }
0x41: {  	_ =	shalt  }
0x42: {  	_ =	shalt  }
0x43: {  	_ =	shalt  }
0x44: {  	_ =	shalt  }
0x45: {  	_ =	shalt  }
0x46: {  	_ =	shalt  }
0x47: {  	_ =	shalt  }
0x48: {  	_ =	shalt  }
0x49: {  	_ =	shalt  }
0x4a: {  	_ =	shalt  }
0x4b: {  	_ =	shalt  }
0x4c: {  	_ =	shalt  }
0x4d: {  	_ =	shalt  }
0x4e: {  	_ =	shalt  }
0x4f: {  	_ =	shalt  }
0x50: {  	_ =	shalt  }
0x51: {  	_ =	shalt  }
0x52: {  	_ =	shalt  }
0x53: {  	_ =	shalt  }
0x54: {  	_ =	shalt  }
0x55: {  	_ =	shalt  }
0x56: {  	_ =	shalt  }
0x57: {  	_ =	shalt  }
0x58: {  	_ =	shalt  }
0x59: {  	_ =	shalt  }
0x5a: {  	_ =	shalt  }
0x5b: {  	_ =	shalt  }
0x5c: {  	_ =	shalt  }
0x5d: {  	_ =	shalt  }
0x5e: {  	_ =	shalt  }
0x5f: {  	_ =	shalt  }
0x60: {  	_ =	shalt  }
0x61: {  	_ =	shalt  }
0x62: {  	_ =	shalt  }
0x63: {  	_ =	shalt  }
0x64: {  	_ =	shalt  }
0x65: {  	_ =	shalt  }
0x66: {  	_ =	shalt  }
0x67: {  	_ =	shalt  }
0x68: {  	_ =	shalt  }
0x69: {  	_ =	shalt  }
0x6a: {  	_ =	shalt  }
0x6b: {  	_ =	shalt  }
0x6c: {  	_ =	shalt  }
0x6d: {  	_ =	shalt  }
0x6e: {  	_ =	shalt  }
0x6f: {  	_ =	shalt  }
0x70: {  	_ =	shalt  }
0x71: {  	_ =	shalt  }
0x72: {  	_ =	shalt  }
0x73: {  	_ =	shalt  }
0x74: {  	_ =	shalt  }
0x75: {  	_ =	shalt  }
0x76: {  	_ =	shalt  }
0x77: {  	_ =	shalt  }
0x78: {  	_ =	shalt  }
0x79: {  	_ =	shalt  }
0x7a: {  	_ =	shalt  }
0x7b: {  	_ =	shalt  }
0x7c: {  	_ =	shalt  }
0x7d: {  	_ =	shalt  }
0x7e: {  	_ =	shalt  }
0x7f: {  	_ =	shalt  }
0x80: {  	_ =	shalt  }
0x81: {  	_ =	shalt  }
0x82: {  	_ =	shalt  }
0x83: {  	_ =	shalt  }
0x84: {  	_ =	shalt  }
0x85: {  	_ =	shalt  }
0x86: {  	_ =	shalt  }
0x87: {  	_ =	shalt  }
.Lfunc_end0:
.L_simem_size_0:
called_computation_lowered:
.L_overlay_start_0:
0x88: {  	s2 =	sld [smem:$0x3FD9]  }
0x89: {  	s3 =	sld [smem:$0x3FFE];
	_ =	sdelay $0x1  }
0x8a: {  	s1 =	srdreg.scid  }
0x8b: {  	s0 =	sand.u32 $0x1, s1  }
0x8c: {  	s14 =	sshll.u32 s0, $0xA;
	s2 =	sadd.s32 s3, s2  }
0x8d: {  	s2 =	sadd.s32 s2, s14  }
0x8e: {  	[smem:$0x3FC2] =	sst s2  }
0x8f: {  	_ = 	snop  }
0x90: {  	s2 =	sld [smem:$0x3FD0];
	_ =	sdelay $0x2  }
0x91: {  	s15 =	simm.s32 $0xA;
	s4 =	simm.s32 $0x10  }
0x92: {  	[smem:s4], [sflag:s15] =	dma.local [hbm:s2], $0x1  }
0x93: {  	_ =	swait.eq [sflag:s15], $0x1  }
0x94: {  	[sflag:s15] =	ssyncset.done $0x0  }
0x95: {  	s16 =	sld [smem:$0x10];
	[sflag:s15] =	ssyncadd.s32 $0xFFFFFFFF  }
0x96: {  	s17 =	sld [smem:$0x11];
	(tm) =	ssettm $0x1  }
0x97: {  	s18 =	sld [smem:$0x3FFB];
	_ =	sdelay $0x3  }
0x98: {  	_ =	strace s18  }
0x99: {  	s4 =	sld [smem:$0x3FFC];
	_ =	sdelay $0x3  }
0x9a: {  	_ =	strace s4  }
0x9b: {  	s4 =	sld [smem:$0x3FFD];
	_ =	sdelay $0x3  }
0x9c: {  	_ =	strace s4  }
0x9d: {  	_ =	strace $0x8FFFFFFF  }
0x9e: {  	s19 =	sld [smem:$0x3FDB];
	_ =	sdelay $0x1  }
0x9f: {  	s5 =	simm.s32 $_scs_section_size  }
0xa0: {  	s6 =	simm.s32 $_size__tile_overlayer_lowered;
	s7 =	simm.s32 $_tile_overlayer_lowered  }
0xa1: {  	s22 =	simm.s32 $0x1BFF;
	s21 =	sshll.u32 s7, $0x1;
	s4 =	sadd.s32 s5, s19  }
0xa2: {  	s8 =	simm.s32 $0x0;
	s20 =	sshll.u32 s6, $0x1;
	s6 =	sadd.s32 s21, s4  }
0xa3: {  	[timem:s8], [sflag:s22] =	dma.local [hbm:s6], s20  }
0xa4: {  	_ =	swait.ge [sflag:s22], s20  }
0xa5: {  	s5 =	ssub.s32 $0x0, s20;
	[sflag:s22] =	ssyncset.done $0x0  }
0xa6: {  	[sflag:s22] =	ssyncadd.s32 s5;
	_ =	sdelay $0x1  }
0xa7: {  	s23 =	simm.s32 $0x1B8B  }
0xa8: {  	_ =	swait.ge [sflag:s23], $0x1  }
0xa9: {  	[sflag:s23] =	ssyncset.done $0x0  }
0xaa: {  	s25 =	simm.s32 $0x1B8E;
	s24 =	sld [smem:$0x3FFE];
	[sflag:s23] =	ssyncadd.s32 $0xFFFFFFFF  }
0xab: {  	s26 =	simm.s32 $execute0_lowered;
	[smem:$0x3FD2] =	sst s25  }
0xac: {  	s6 =	sshll.u32 s26, $0x1;
	_ =	strace $0x80000046;
	[dreg:$0x1] =	wrdreg $0xFFFFFFFF  }
0xad: {  	s28 =	simm.s32 $_size_execute0_lowered;
	s4 =	sadd.s32 s4, s6;
	[dreg:$0x0] =	wrdreg $0x0  }
0xae: {  	s6 =	sshll.u32 s28, $0x1;
	[dreg:$0x2] =	wrdreg s4  }
0xaf: {  	[dreg:$0x3] =	wrdreg s6  }
0xb0: {  	[dreg:$0x4] =	wrdreg $0xC0  }
0xb1: {  	_ =	task [dreg:s8], $0x5FFFF  }
0xb2: {  	[dreg:$0x1] =	wrdreg $0xFFFFFFFF  }
0xb3: {  	[dreg:$0x0] =	wrdreg $0x60  }
0xb4: {  	[dreg:$0x2] =	wrdreg s16  }
0xb5: {  	[dreg:$0x3] =	wrdreg s17  }
0xb6: {  	[dreg:$0x4] =	wrdreg s24  }
0xb7: {  	[dreg:$0x5] =	wrdreg $0xA0A00  }
0xb8: {  	[dreg:$0x6] =	wrdreg $0x1E0A00  }
0xb9: {  	[dreg:$0x7] =	wrdreg $0x9  }
0xba: {  	_ =	task.clear_ibuf [dreg:s8], $0x8FFFF;
	_ =	strace $0x90000046  }
0xbb: {  	s29 =	simm.s32 $0x9;
	_ =	strace $0x8000004D  }
0xbc: {  	_ =	swait.ge [sflag:s29], $0x1  }
0xbd: {  	[sflag:s29] =	ssyncadd.s32 $0xFFFFFFFF  }
0xbe: {  	_ =	strace $0x9000004D  }
0xbf: {  	_ =	sfence  }
0xc0: {  	s30 =	sld [smem:$0x0];
	_ =	sdelay $0x2  }
0xc1: {  	s31 =	sshll.u32 s1, $0xD;
	s1 =	sshrl.u32 s1, $0x2  }
0xc2: {  	s3 =	sand.u32 $0x4000, s31;
	s1 =	sadd.s32 s1, s30  }
0xc3: {  	s0 =	sor.u32 s3, s0;
	s1 =	sshll.u32 s1, $0x11  }
0xc4: {  	s0 =	sor.u32 s1, s0  }
0xc5: {  	s0 =	sadd.s32 $0x8F2B, s0  }
0xc6: {  	[sflag:s0] =	ssyncadd.remote.s32 $0x1  }
0xc7: {  	_ =	sfence.sel $0xFFFF  }
0xc8: {  	[dreg:$0x0] =	wrdreg $0xFFFFFFFF;
	(pc) =	sbr.abs _section_cstart, $3  }
0xc9: {  	[dreg:$0x1] =	wrdreg $0xFFFFFFFF  }
0xca: {  	_ =	task.clear_ibuf [dreg:s8], $0x2FFFF;
	_ =	strace $0x9FFFFFFF  }
0xcb: {  	(tm) =	ssettm $0x7FFFFFFF  }
tec
execute0_lowered:
.L_overlay_start_1:
0x0: {  	(tag) =	ssettag $0x1  }
0x1: {  	s1 =	rddreg [dreg:$0x0]  }
0x2: {  	s0 =	rddreg [dreg:$0x2]  }
0x3: {  	s4 =	rddreg [dreg:$0x3]  }
0x4: {  	s14 =	rddreg [dreg:$0x4];
	s13 =	stileid.u32  }
0x5: {  	s2 =	srdreg.scid;
	s3 =	smul.u32 $0x14000, s13  }
0x6: {  	s6 =	simm.s32 $0x0;
	s30 =	simm.s32 $0x7;
	s23 =	smul.u32 $0x4EC0, s13  }
0x7: {  	s31 =	simm.s32 $0x1;
	s2 =	sand.u32 $0x1, s2;
	s10 =	smul.u32 $0x50000, s13  }
0x8: {  	[smem:$0x7FF] =	sst s6;
	s7 =	sadd.s32 $0x15200, s0;
	s24 =	smul.u32 $0x280, s13  }
0x9: {  	s8 =	sadd.s32 $0x1600, s0;
	s9 =	sadd.s32 $0x65800, s0;
	s5 =	smul.u32 $0x140000, s2  }
0xa: {  	_ =	strace $0x80000047;
	[dreg:$0x6] =	wrdreg s7;
	s15 =	ssub.s32 $0x2, s2  }
0xb: {  	s11 =	smul.u32 $0x3480, s2;
	s17 =	sshll.u32 s2, $0x1;
	s16 =	sshrl.u32 s15, $0x1  }
0xc: {  	s10 =	sshrl.u32 s10, $0x2;
	s12 =	ssub.s32 $0x4, s17;
	s26 =	sadd.s32 s24, s14  }
0xd: {  	s14 =	simm.s32 $0x7800;
	[dreg:$0x7] =	wrdreg s23;
	s18 =	sadd.s32 s10, s4  }
0xe: {  	s17 =	simm.s32 $0x2;
	[dreg:$0x10] =	wrdreg s26;
	s19 =	sadd.s32 $0x2800, s18  }
0xf: {  	s5 =	sadd.s32 s3, s5;
	s20 =	sadd.s32 $0x5000, s18;
	[dreg:$0x9] =	wrdreg s19  }
0x10: {  	s11 =	sadd.s32 s11, s23;
	s21 =	sadd.s32 $0x7800, s18;
	[dreg:$0xa] =	wrdreg s20  }
0x11: {  	s5 =	sshrl.u32 s5, $0x3;
	s22 =	sadd.s32 $0xA000, s18;
	[dreg:$0xb] =	wrdreg s21  }
0x12: {  	s10 =	sadd.s32 $0xC800, s18;
	s25 =	sadd.s32 $0xF000, s18;
	[dreg:$0xc] =	wrdreg s22  }
0x13: {  	s7 =	sadd.s32 $0x11800, s18;
	s18 =	simm.s32 $0xA000;
	[dreg:$0xd] =	wrdreg s10  }
0x14: {  	s0 =	sadd.s32 s5, s0;
	s5 =	ssub.s32 s15, s16;
	[dreg:$0xe] =	wrdreg s25  }
0x15: {  	s15 =	sadd.s32 s3, s4;
	[dreg:$0xf] =	wrdreg s7;
	s3 =	sadd.s32 $0x5000, s24  }
0x16: {  	s24 =	smul.u32 $0x6, s13;
	s25 =	sshll.u32 s2, $0x2;
	[dreg:$0x11] =	wrdreg s3  }
0x17: {  	s7 =	simm.s32 $0x50;
	s16 =	simm.s32 $0x9FB0;
	[dreg:$0x8] =	wrdreg s15  }
.Ltmp0:
0x18: {  	s0 =	sadd.s32 $0x15800, s0;
	[dreg:$0x13] =	wrdreg s25;
	(pc) =	sbr.rel .LBB2_1-.Ltmp0, $4  }
0x19: {  	s19 =	simm.s32 $0x3;
	s28 =	smax.u32 s5, $0x1;
	[dreg:$0x14] =	wrdreg s0  }
0x1a: {  	v0 =	vlaneseq.u32;
	s20 =	simm.s32 $0xA050;
	s26 =	sadd.s32 s25, s12;
	[dreg:$0x15] =	wrdreg s28  }
0x1b: {  	v1 =	vimm.f32 $0.0e+00;
	v2 =	vor.u32 $0x10, v0;
	s5 =	simm.s32 $0x5000;
	s3 =	simm.s32 $0x0;
	[dreg:$0x12] =	wrdreg s24  }
0x1c: {  	v3 =	vor.u32 $0x20, v0;
	v4 =	vor.u32 $0x30, v0;
	v5 =	vor.u32 $0x40, v0;
	s29 =	sadd.s32 s25, s24;
	s0 =	simm.s32 $0x2800;
	[dreg:$0x16] =	wrdreg s26  }
.LBB2_22:
0x1d: {  	s2 =	simm.s32 $0x4  }
0x1e: {  	_ =	swait.ge [sflag:s2], $0x2800  }
0x1f: {  	[sflag:s2] =	ssyncset.done $0x0  }
0x20: {  	s23 =	simm.s32 $0x5;
	[sflag:s2] =	ssyncadd.s32 $0xFFFFD800  }
0x21: {  	_ =	swait.ge [sflag:s23], $0x2800  }
0x22: {  	[sflag:s23] =	ssyncset.done $0x0  }
0x23: {  	s24 =	simm.s32 $0x6;
	[sflag:s23] =	ssyncadd.s32 $0xFFFFD800  }
0x24: {  	_ =	swait.ge [sflag:s24], $0x2800  }
0x25: {  	[sflag:s24] =	ssyncset.done $0x0  }
0x26: {  	[sflag:s24] =	ssyncadd.s32 $0xFFFFD800  }
0x27: {  	_ =	strace $0x9000004B  }
0x28: {  	[bflag:$0x0] =	sbarrier.arrive $0xFFFF  }
0x29: {  	s25 =	stileid.u32;
	_ =	strace $0x8000004C  }
0x2a: {  	s2 =	sshll.u32 s25, $0x6;
	s15 =	rddreg [dreg:$0x8]  }
0x2b: {  	s2 =	sor.u32 $0x1C07, s2;
	s10 =	rddreg [dreg:$0x14];
	s3 =	sshrl.u32 s15, $0x3  }
0x2c: {  	[hbm:s10], [sflag:s2] =	dma.local [spmem:s3], $0x2800  }
0x2d: {  	_ =	swait.ge [sflag:s30], $0x2800  }
0x2e: {  	s26 =	rddreg [dreg:$0x17]  }
0x2f: {  	[sflag:s30] =	ssyncset.done $0x0;
	s28 =	rddreg [dreg:$0x15];
	s3 =	sadd.s32 $0x1, s26  }
0x30: {  	[sflag:s30] =	ssyncadd.s32 $0xFFFFD800;
	p0 =	sne.s32 s3, s28  }
.Ltmp1:
0x31: {  	_ =	strace $0x9000004C;
	(pc) =	sbr.rel @!p0 .LBB2_23-.Ltmp1, $4  }
0x32: {  	s23 =	rddreg [dreg:$0x7]  }
0x33: {  	s24 =	rddreg [dreg:$0x12]  }
0x34: {  	s25 =	rddreg [dreg:$0x13]  }
0x35: {  	s26 =	rddreg [dreg:$0x16]  }
.LBB2_1:
0x36: {  	[dreg:$0x17] =	wrdreg s3;
	s10 =	simm.s32 $0x0;
	s13 =	simm.s32 $0x200  }
.LBB2_2:
0x37: {  	p0 =	sne.s32 s13, $0x9E00;
	[tilespmem:s10+$0x5070] =	vst v1  }
0x38: {  	[tilespmem:s10+$0x0] =	vst v1  }
0x39: {  	[tilespmem:s10+$0x5000] =	vst v1  }
0x3a: {  	[tilespmem:s10+$0x10] =	vst v1  }
0x3b: {  	[tilespmem:s10+$0x5010] =	vst v1  }
0x3c: {  	[tilespmem:s10+$0x20] =	vst v1  }
0x3d: {  	[tilespmem:s10+$0x5020] =	vst v1  }
0x3e: {  	[tilespmem:s10+$0x30] =	vst v1  }
0x3f: {  	[tilespmem:s10+$0x5030] =	vst v1  }
0x40: {  	[tilespmem:s10+$0x40] =	vst v1  }
0x41: {  	[tilespmem:s10+$0x5040] =	vst v1  }
.Ltmp2:
0x42: {  	[tilespmem:s10+$0x50] =	vst v1;
	(pc) =	sbr.rel @p0 .LBB2_2-.Ltmp2, $4  }
0x43: {  	[tilespmem:s10+$0x5050] =	vst v1  }
0x44: {  	[tilespmem:s10+$0x60] =	vst v1  }
0x45: {  	[tilespmem:s10+$0x5060] =	vst v1  }
0x46: {  	[tilespmem:s10+$0x70] =	vst v1;
	s10 =	sshra.s32 s13, $0x2;
	s13 =	sadd.s32 $0x200, s13  }
0x47: {  	[tilespmem:s10+$0x5070] =	vst v1  }
0x48: {  	[tilespmem:s10+$0x0] =	vst v1  }
0x49: {  	[tilespmem:s10+$0x5000] =	vst v1  }
0x4a: {  	[tilespmem:s10+$0x10] =	vst v1  }
0x4b: {  	[tilespmem:s10+$0x5010] =	vst v1  }
0x4c: {  	[tilespmem:s10+$0x20] =	vst v1  }
0x4d: {  	[tilespmem:s10+$0x5020] =	vst v1  }
0x4e: {  	[tilespmem:s10+$0x30] =	vst v1  }
0x4f: {  	[tilespmem:s10+$0x5030] =	vst v1  }
0x50: {  	[tilespmem:s10+$0x40] =	vst v1  }
0x51: {  	[tilespmem:s10+$0x5040] =	vst v1  }
0x52: {  	[tilespmem:s10+$0x50] =	vst v1  }
0x53: {  	[tilespmem:s10+$0x5050] =	vst v1  }
0x54: {  	[tilespmem:s10+$0x60] =	vst v1  }
0x55: {  	[tilespmem:s10+$0x5060] =	vst v1  }
0x56: {  	[tilespmem:s10+$0x70] =	vst v1;
	s10 =	simm.s32 $0x0;
	s2 =	rddreg [dreg:$0x9]  }
0x57: {  	[spmem:s15] =	stream.linear.scatter [tilespmem:s10], [sflag:$0x1], $0x2800, $0x38;
	[tilespmem:$0x1E320] =	vst v63  }
0x58: {  	s21 =	rddreg [dreg:$0xa]  }
0x59: {  	[spmem:s2] =	stream.linear.scatter [tilespmem:s10], [sflag:$0x1], $0x2800, $0x38;
	[tilespmem:$0x1E320] =	vst v63  }
0x5a: {  	s22 =	rddreg [dreg:$0xb]  }
0x5b: {  	[spmem:s21] =	stream.linear.scatter [tilespmem:s10], [sflag:$0x1], $0x2800, $0x38;
	[tilespmem:$0x1E320] =	vst v63  }
0x5c: {  	s28 =	rddreg [dreg:$0xc]  }
0x5d: {  	[spmem:s22] =	stream.linear.scatter [tilespmem:s10], [sflag:$0x1], $0x2800, $0x38;
	[tilespmem:$0x1E320] =	vst v63  }
0x5e: {  	s3 =	rddreg [dreg:$0xd]  }
0x5f: {  	[spmem:s28] =	stream.linear.scatter [tilespmem:s10], [sflag:$0x1], $0x2800, $0x38;
	[tilespmem:$0x1E320] =	vst v63  }
0x60: {  	s13 =	rddreg [dreg:$0xe]  }
0x61: {  	[spmem:s3] =	stream.linear.scatter [tilespmem:s10], [sflag:$0x1], $0x2800, $0x38;
	[tilespmem:$0x1E320] =	vst v63  }
0x62: {  	s15 =	rddreg [dreg:$0xf]  }
0x63: {  	[spmem:s13] =	stream.linear.scatter [tilespmem:s10], [sflag:$0x1], $0x2800, $0x38;
	[tilespmem:$0x1E320] =	vst v63  }
0x64: {  	s21 =	rddreg [dreg:$0x10]  }
0x65: {  	[spmem:s15] =	stream.linear.scatter [tilespmem:s10], [sflag:$0x1], $0x2800, $0x38;
	[tilespmem:$0x1E320] =	vst v63  }
0x66: {  	s3 =	rddreg [dreg:$0x11]  }
0x67: {  	[spmem:s21] =	stream.linear.scatter [tilespmem:s3], [sflag:$0x7], $0x280, $0x38;
	[tilespmem:$0x1E320] =	vst v63  }
0x68: {  	_ =	swait.ge [sflag:s30], $0x280  }
0x69: {  	[sflag:s30] =	ssyncset.done $0x0  }
0x6a: {  	[sflag:s30] =	ssyncadd.s32 $0xFFFFFD80  }
0x6b: {  	_ =	swait.ge [sflag:s31], $0x2800  }
0x6c: {  	[sflag:s31] =	ssyncset.done $0x0  }
0x6d: {  	[sflag:s31] =	ssyncadd.s32 $0xFFFFD800  }
0x6e: {  	_ =	swait.ge [sflag:s31], $0x2800  }
0x6f: {  	[sflag:s31] =	ssyncset.done $0x0  }
0x70: {  	[sflag:s31] =	ssyncadd.s32 $0xFFFFD800  }
0x71: {  	_ =	swait.ge [sflag:s31], $0x2800  }
0x72: {  	[sflag:s31] =	ssyncset.done $0x0  }
0x73: {  	[sflag:s31] =	ssyncadd.s32 $0xFFFFD800  }
0x74: {  	_ =	swait.ge [sflag:s31], $0x2800  }
0x75: {  	[sflag:s31] =	ssyncset.done $0x0  }
0x76: {  	[sflag:s31] =	ssyncadd.s32 $0xFFFFD800  }
0x77: {  	_ =	swait.ge [sflag:s31], $0x2800  }
0x78: {  	[sflag:s31] =	ssyncset.done $0x0  }
0x79: {  	[sflag:s31] =	ssyncadd.s32 $0xFFFFD800  }
0x7a: {  	_ =	swait.ge [sflag:s31], $0x2800  }
0x7b: {  	[sflag:s31] =	ssyncset.done $0x0  }
0x7c: {  	[sflag:s31] =	ssyncadd.s32 $0xFFFFD800  }
0x7d: {  	_ =	swait.ge [sflag:s31], $0x2800  }
0x7e: {  	[sflag:s31] =	ssyncset.done $0x0  }
0x7f: {  	[sflag:s31] =	ssyncadd.s32 $0xFFFFD800  }
0x80: {  	_ =	swait.ge [sflag:s31], $0x2800  }
0x81: {  	[sflag:s31] =	ssyncset.done $0x0  }
0x82: {  	[sflag:s31] =	ssyncadd.s32 $0xFFFFD800  }
0x83: {  	[tilespmem:$0x9F60] =	vst v0  }
0x84: {  	[tilespmem:$0x9F70] =	vst v2  }
0x85: {  	[tilespmem:$0x9F80] =	vst v3  }
0x86: {  	[tilespmem:$0x9F90] =	vst v4  }
0x87: {  	[tilespmem:$0x9FA0] =	vst v5  }
0x88: {  	[bflag:$0x0] =	sbarrier.arrive $0xFFFF  }
0x89: {  	s22 =	rddreg [dreg:$0x1]  }
0x8a: {  	[tilespmem:s10], [sflag:$0x7] =	stream.linear.gather [hbm4b:s22+s10], $0x2800, $0x38;
	[tilespmem:$0x1E320] =	vst v63  }
0x8b: {  	_ =	swait.ge [sflag:s30], $0x2800  }
0x8c: {  	[sflag:s30] =	ssyncset.done $0x0  }
0x8d: {  	s28 =	rddreg [dreg:$0x6];
	[sflag:s30] =	ssyncadd.s32 $0xFFFFD800  }
0x8e: {  	[tilespmem:s0], [sflag:$0x7] =	stream.linear.gather [hbm4b:s28+s10], $0x2800, $0x38;
	[tilespmem:$0x1E320] =	vst v63  }
0x8f: {  	_ =	swait.ge [sflag:s30], $0x2800  }
0x90: {  	[sflag:s30] =	ssyncset.done $0x0  }
0x91: {  	s2 =	simm.s32 $0x8;
	[sflag:s30] =	ssyncadd.s32 $0xFFFFD800  }
0x92: {  	s13 =	simm.s32 $0x0;
	s3 =	simm.s32 $0x8520;
	_ =	strace $0x80000048  }
.LBB2_4:
0x93: {  	s15 =	sadd.s32 s24, s13  }
0x94: {  	s15 =	smul.u32 $0x348, s15;
	_ =	sdelay $0x1  }
0x95: {  	s15 =	sadd.s32 s8, s15  }
0x96: {  	[tilespmem:s3], [sflag:$0x8] =	stream.linear.gather [hbm4b:s15+s10], $0x1A40, $0x200038;
	[tilespmem:$0x1E320] =	vst v63  }
0x97: {  	_ =	swait.ge [sflag:s2], $0x1A40  }
0x98: {  	[sflag:s2] =	ssyncset.done $0x0  }
0x99: {  	s15 =	simm.s32 $0x0;
	[sflag:s2] =	ssyncadd.s32 $0xFFFFE5C0  }
0x9a: {  	v6 =	vld [tilespmem:s15+$0x8520]  }
0x9b: {  	s21 =	simm.s32 $0x40;
	v7 =	vld [tilespmem:s15+$0x9240]  }
.LBB2_5:
0x9c: {  	p0 =	sne.s32 s21, $0x3440;
	_ =	sdelay $0x5  }
0x9d: {  	v8 =	vld.idx.msk [tilespmem:v6+s6+$0x0], $0xffff  }
0x9e: {  	v7 =	vld.idx.msk [tilespmem:v7+s0+$0x0], $0xffff;
	_ =	sdelay $0x5  }
0x9f: {  	v7 =	vadd.f32 v7, v8;
	_ =	sdelay $0x1  }
0xa0: {  	v8 =	vmul.f32 $5.000000070e-02, v7;
	_ =	sdelay $0x1  }
0xa1: {  	v7 =	vmax.f32 v7, v8  }
0xa2: {  	v7 =	vmul.f32 $1.442695020e+00, v7;
	_ =	sdelay $0x1  }
0xa3: {  	(erf) = vpow2.f32 v7;
	_ =	sdelay $0x8  }
.Ltmp3:
0xa4: {  	v7 =	vpop (erf);
	(pc) =	sbr.rel @p0 .LBB2_5-.Ltmp3, $4  }
0xa5: {  	[tilespmem:s15+$0x7800] =	vst v7  }
0xa6: {  	s15 =	sshra.s32 s21, $0x2;
	[tilespmem:v6+s5+$0x0] =	vst.idx.add.f32.msk $0xffff, v7  }
0xa7: {  	v6 =	vld [tilespmem:s15+$0x8520]  }
0xa8: {  	s21 =	sadd.s32 $0x40, s21;
	v7 =	vld [tilespmem:s15+$0x9240]  }
0xa9: {  	_ =	sdelay $0x6  }
0xaa: {  	v8 =	vld.idx.msk [tilespmem:v6+s6+$0x0], $0xffff  }
0xab: {  	v7 =	vld.idx.msk [tilespmem:v7+s0+$0x0], $0xffff;
	_ =	sdelay $0x4  }
0xac: {  	v7 =	vadd.f32 v7, v8;
	_ =	sdelay $0x1  }
0xad: {  	v8 =	vmul.f32 $5.000000070e-02, v7;
	_ =	sdelay $0x1  }
0xae: {  	v7 =	vmax.f32 v7, v8  }
0xaf: {  	v7 =	vmul.f32 $1.442695020e+00, v7;
	_ =	sdelay $0x1  }
0xb0: {  	(erf) = vpow2.f32 v7;
	_ =	sdelay $0x3  }
0xb1: {  	p0 =	slt.u32 s13, s25  }
0xb2: {  	p1 =	sge.u32 @!p0 s13, s26  }
0xb3: {  	p0 =	por p1, p0  }
0xb4: {  	s21 =	smul.u32 @!p0 $0xD20, s13;
	_ =	sdelay $0x1  }
0xb5: {  	s21 =	sadd.s32 @!p0 s23, s21;
	v7 =	vpop (erf)  }
0xb6: {  	s22 =	simm.s32 @!p0 $0x7800;
	s13 =	sadd.s32 $0x1, s13;
	[tilespmem:s15+$0x7800] =	vst v7;
	s15 =	sshrl.u32 @!p0 s21, $0x3  }
0xb7: {  	p1 =	sne.s32 s13, $0x6;
	s21 =	simm.s32 @!p0 $0x0;
	[tilespmem:v6+s5+$0x0] =	vst.idx.add.f32.msk $0xffff, v7;
	s15 =	sadd.s32 @!p0 s9, s15  }
0xb8: {  	[hbm4b:s15+s21] =	stream.linear.scatter @!p0 [tilespmem:s22], [sflag:$0x7], $0xD20, $0x200038;
	[tilespmem:$0x1E320] =	vst v63  }
.Ltmp4:
0xb9: {  	_ = 	snop;
	(pc) =	sbr.rel @p1 .LBB2_4-.Ltmp4, $4  }
0xba: {  	s15 =	simm.s32 @!p0 $0x7  }
0xbb: {  	_ =	swait.ge @!p0 [sflag:s15], $0xD20  }
0xbc: {  	[sflag:s15] =	ssyncset.done @!p0 $0x0  }
0xbd: {  	[sflag:s15] =	ssyncadd.s32 @!p0 $0xFFFFF2E0  }
0xbe: {  	_ =	strace $0x90000048  }
0xbf: {  	_ =	strace $0x80000049  }
0xc0: {  	s10 =	simm.s32 $0x9F60;
	s2 =	rddreg [dreg:$0x4]  }
0xc1: {  	[spmem:s2] =	stream.indirect.scatter.add.f32 [tilespmem:s5], [sflag:$0x7], $0x80, s10, s7, $0x2000b8;
	[tilespmem:$0x1E320] =	vst v63  }
0xc2: {  	_ =	swait.ge [sflag:s30], $0x2800  }
0xc3: {  	[sflag:s30] =	ssyncset.done $0x0  }
0xc4: {  	[sflag:s30] =	ssyncadd.s32 $0xFFFFD800  }
0xc5: {  	[bflag:$0x0] =	sbarrier.arrive $0xFFFF  }
0xc6: {  	[tilespmem:s5], [sflag:$0x7] =	stream.linear.gather [spmem:s2], $0x2800, $0x200038;
	[tilespmem:$0x1E320] =	vst v63  }
0xc7: {  	_ =	swait.ge [sflag:s30], $0x2800  }
0xc8: {  	[sflag:s30] =	ssyncset.done $0x0  }
0xc9: {  	[sflag:s30] =	ssyncadd.s32 $0xFFFFD800  }
0xca: {  	_ =	strace $0x90000049  }
0xcb: {  	s13 =	simm.s32 $0x0;
	s10 =	simm.s32 $0x0;
	_ =	strace $0x8000004A  }
.LBB2_8:
0xcc: {  	s15 =	sadd.s32 s13, s29  }
0xcd: {  	s15 =	smul.u32 $0x1A40, s15;
	_ =	sdelay $0x1  }
0xce: {  	s15 =	sshrl.u32 s15, $0x3  }
0xcf: {  	s21 =	smul.u32 $0xD20, s13;
	s15 =	sadd.s32 s8, s15  }
0xd0: {  	[tilespmem:s3], [sflag:$0x7] =	stream.linear.gather [hbm4b:s15+s10], $0xD20, $0x200038;
	[tilespmem:$0x1E320] =	vst v63  }
0xd1: {  	s28 =	sadd.s32 s11, s21;
	_ =	swait.ge [sflag:s30], $0xD20  }
0xd2: {  	s15 =	sshrl.u32 s28, $0x3;
	[sflag:s30] =	ssyncset.done $0x0  }
0xd3: {  	s15 =	sadd.s32 s9, s15;
	[sflag:s30] =	ssyncadd.s32 $0xFFFFF2E0  }
0xd4: {  	[tilespmem:s14], [sflag:$0x7] =	stream.linear.gather [hbm4b:s15+s10], $0xD20, $0x200038;
	[tilespmem:$0x1E320] =	vst v63  }
0xd5: {  	_ =	swait.ge [sflag:s30], $0xD20  }
0xd6: {  	[sflag:s30] =	ssyncset.done $0x0  }
0xd7: {  	s21 =	simm.s32 $0x0;
	[sflag:s30] =	ssyncadd.s32 $0xFFFFF2E0  }
0xd8: {  	v6 =	vld [tilespmem:s21+$0x8520];
	_ =	sdelay $0x7  }
0xd9: {  	v6 =	vld.idx.msk [tilespmem:v6+s5+$0x0], $0xffff;
	_ =	sdelay $0x4  }
0xda: {  	(erf) = vrcp.f32 v6;
	_ =	sdelay $0x2  }
0xdb: {  	s22 =	simm.s32 $0x10  }
0xdc: {  	s23 =	simm.s32 $0x80;
	v6 =	vld [tilespmem:s22+$0x8520]  }
.LBB2_9:
0xdd: {  	p0 =	sne.s32 s23, $0x3440;
	v7 =	vld [tilespmem:s21+$0x7800];
	_ =	sdelay $0x3  }
0xde: {  	v8 =	vpop (erf)  }
0xdf: {  	v7 =	vmul.f32 v8, v7;
	_ =	sdelay $0x1  }
0xe0: {  	[tilespmem:s21+$0x7800] =	vst v7;
	s21 =	smov.u32 s22  }
0xe1: {  	v6 =	vld.idx.msk [tilespmem:v6+s5+$0x0], $0xffff;
	_ =	sdelay $0x5  }
.Ltmp5:
0xe2: {  	(erf) = vrcp.f32 v6;
	(pc) =	sbr.rel @p0 .LBB2_9-.Ltmp5, $3  }
0xe3: {  	_ =	sdelay $0x1  }
0xe4: {  	s22 =	sshra.s32 s23, $0x2  }
0xe5: {  	s23 =	sadd.s32 $0x40, s23;
	v6 =	vld [tilespmem:s22+$0x8520]  }
0xe6: {  	v7 =	vld [tilespmem:s21+$0x7800];
	_ =	sdelay $0x3  }
0xe7: {  	v8 =	vpop (erf)  }
0xe8: {  	v7 =	vmul.f32 v8, v7;
	_ =	sdelay $0x1  }
0xe9: {  	[tilespmem:s21+$0x7800] =	vst v7  }
0xea: {  	v6 =	vld.idx.msk [tilespmem:v6+s5+$0x0], $0xffff;
	_ =	sdelay $0x4  }
0xeb: {  	(erf) = vrcp.f32 v6;
	_ =	sdelay $0x4  }
0xec: {  	v6 =	vld [tilespmem:s22+$0x7800];
	_ =	sdelay $0x3  }
0xed: {  	v7 =	vpop (erf)  }
0xee: {  	s13 =	sadd.s32 $0x1, s13;
	v6 =	vmul.f32 v7, v6  }
0xef: {  	p0 =	sne.s32 s13, s12  }
.Ltmp6:
0xf0: {  	[tilespmem:s22+$0x7800] =	vst v6;
	(pc) =	sbr.rel @p0 .LBB2_8-.Ltmp6, $4  }
0xf1: {  	[hbm4b:s15+s6] =	stream.linear.scatter [tilespmem:s14], [sflag:$0x7], $0xD20, $0x200038;
	[tilespmem:$0x1E320] =	vst v63  }
0xf2: {  	_ =	swait.ge [sflag:s30], $0xD20  }
0xf3: {  	[sflag:s30] =	ssyncset.done $0x0  }
0xf4: {  	[sflag:s30] =	ssyncadd.s32 $0xFFFFF2E0  }
.Ltmp7:
0xf5: {  	(pc) =	sbr.rel .LBB2_12-.Ltmp7, $3  }
0xf6: {  	_ =	sdelay $0x1  }
0xf7: {  	_ =	strace $0x9000004A  }
0xf8: {  	s21 =	simm.s32 $0x0;
	_ =	strace $0x8000004B  }
.LBB2_21:
0xf9: {  	s21 =	sadd.s32 $0x1, s21  }
0xfa: {  	p0 =	sne.s32 s21, s12  }
.Ltmp8:
0xfb: {  	_ = 	snop;
	(pc) =	sbr.rel @!p0 .LBB2_22-.Ltmp8, $1  }
0xfc: {  	_ =	sdelay $0x3  }
.LBB2_12:
0xfd: {  	s10 =	sadd.s32 s21, s29  }
0xfe: {  	s10 =	smul.u32 $0x1A40, s10;
	_ =	sdelay $0x1  }
0xff: {  	s10 =	sshrl.u32 s10, $0x3  }
0x100: {  	s13 =	smul.u32 $0xD20, s21;
	s2 =	simm.s32 $0x8520;
	s10 =	sadd.s32 s8, s10  }
0x101: {  	[tilespmem:s2], [sflag:$0x7] =	stream.linear.gather [hbm4b:s10+s6], $0x1A40, $0x200038;
	[tilespmem:$0x1E320] =	vst v63  }
0x102: {  	s26 =	sadd.s32 s11, s13;
	_ =	swait.ge [sflag:s30], $0x1A40  }
0x103: {  	s10 =	sshrl.u32 s26, $0x3;
	[sflag:s30] =	ssyncset.done $0x0  }
0x104: {  	s10 =	sadd.s32 s9, s10;
	[sflag:s30] =	ssyncadd.s32 $0xFFFFE5C0  }
0x105: {  	[tilespmem:s14], [sflag:$0x7] =	stream.linear.gather [hbm4b:s10+s6], $0xD20, $0x200038;
	[tilespmem:$0x1E320] =	vst v63  }
0x106: {  	p0 =	seq.s32 s21, $0x0;
	_ =	swait.ge [sflag:s30], $0xD20  }
0x107: {  	s15 =	simm.s32 @p0 $0x0;
	[sflag:s30] =	ssyncset.done $0x0  }
0x108: {  	s13 =	simm.s32 @p0 $0x9240;
	s10 =	simm.s32 @p0 $0x50;
	[sflag:s30] =	ssyncadd.s32 $0xFFFFF2E0  }
0x109: {  	[tilespmem:s15], [sflag:$0x1] =	stream.indirect.gather @p0 [hbm4b:s1+s10], $0x80, s13, s10, $0x2000b8;
	[tilespmem:$0x1E320] =	vst v63  }
0x10a: {  	s10 =	simm.s32 @!p0 $0x4  }
0x10b: {  	_ =	swait.ge @!p0 [sflag:s10], $0x2800  }
0x10c: {  	s13 =	simm.s32 @!p0 $0x9240;
	[sflag:s10] =	ssyncset.done @!p0 $0x0  }
0x10d: {  	s15 =	simm.s32 @!p0 $0x0;
	[sflag:s10] =	ssyncadd.s32 @!p0 $0xFFFFD800;
	s10 =	simm.s32 @!p0 $0x50  }
0x10e: {  	[tilespmem:s15], [sflag:$0x1] =	stream.indirect.gather @!p0 [hbm4b:s1+s10], $0x80, s13, s10, $0x2000b8;
	[tilespmem:$0x1E320] =	vst v63  }
0x10f: {  	s10 =	simm.s32 @!p0 $0x5  }
0x110: {  	_ =	swait.ge @!p0 [sflag:s10], $0x2800  }
0x111: {  	s28 =	simm.s32 $0x9290;
	[sflag:s10] =	ssyncset.done @!p0 $0x0  }
0x112: {  	s22 =	simm.s32 $0x0;
	s25 =	simm.s32 $0x0;
	[sflag:s10] =	ssyncadd.s32 @!p0 $0xFFFFD800  }
0x113: {  	[tilespmem:s0], [sflag:$0x2] =	stream.indirect.gather [hbm4b:s1+s7], $0x80, s28, s7, $0x2000b8;
	[tilespmem:$0x1E320] =	vst v63  }
.LBB2_13:
0x114: {  	_ =	swait.ge [sflag:s31], $0x2800  }
0x115: {  	s10 =	smul.u32 $0xF0, s25;
	[sflag:s31] =	ssyncset.done $0x0  }
0x116: {  	[sflag:s31] =	ssyncadd.s32 $0xFFFFD800  }
0x117: {  	v6 =	vld [tilespmem:s10+$0x8520];
	_ =	sdelay $0x4  }
0x118: {  	[tilespmem:$0x9FB0] =	vst v6  }
0x119: {  	v6 =	vld [tilespmem:s10+$0x8530];
	_ =	sdelay $0x4  }
0x11a: {  	[tilespmem:$0x9FC0] =	vst v6  }
0x11b: {  	v6 =	vld [tilespmem:s10+$0x8540];
	_ =	sdelay $0x4  }
0x11c: {  	[tilespmem:$0x9FD0] =	vst v6  }
0x11d: {  	v6 =	vld [tilespmem:s10+$0x8550];
	_ =	sdelay $0x4  }
0x11e: {  	[tilespmem:$0x9FE0] =	vst v6  }
0x11f: {  	v6 =	vld [tilespmem:s10+$0x8560];
	_ =	sdelay $0x4  }
0x120: {  	s13 =	simm.s32 $0x100;
	[tilespmem:$0x9FF0] =	vst v6  }
0x121: {  	v9 =	vld [tilespmem:s13+$0xD0]  }
0x122: {  	v15 =	vld [tilespmem:s13+$0xFFFFFFF0]  }
0x123: {  	v10 =	vld [tilespmem:s13+$0x0]  }
0x124: {  	v11 =	vld [tilespmem:s13+$0x10]  }
0x125: {  	v13 =	vld [tilespmem:s13+$0x20]  }
0x126: {  	v16 =	vld [tilespmem:s13+$0x30]  }
0x127: {  	v17 =	vld [tilespmem:s13+$0x70]  }
0x128: {  	s28 =	sadd.s32 $0x0, s22;
	v18 =	vld [tilespmem:s13+$0x40]  }
0x129: {  	s15 =	sadd.s32 $0x1, s28;
	v27 =	vld [tilespmem:s13+$0x60]  }
0x12a: {  	s23 =	sadd.s32 $0x2, s28;
	v7 =	vmov s15;
	v12 =	vld [tilespmem:s13+$0x80]  }
0x12b: {  	v8 =	vmov s23;
	v7 =	vand.u32 $0xFFFFFFFD, v7;
	v14 =	vld [tilespmem:s13+$0x90]  }
0x12c: {  	v22 =	vbroadcast v7, $0x0;
	v7 =	vand.u32 $0xFFFFFFFE, v8;
	s10 =	sadd.s32 $0x3, s28;
	v19 =	vld [tilespmem:s13+$0xA0]  }
0x12d: {  	v8 =	vbroadcast v7, $0x0;
	v21 =	vmov s10;
	v20 =	vld [tilespmem:s13+$0xB0]  }
0x12e: {  	v24 =	vld [tilespmem:s13+$0xC0]  }
0x12f: {  	v6 =	vmov s28;
	v25 =	vld [tilespmem:s13+$0xE0]  }
0x130: {  	v6 =	vand.u32 $0xFFFFFFFC, v6;
	v23 =	vld [tilespmem:s13+$0xFFFFFFE0]  }
0x131: {  	v26 =	vld [tilespmem:s13+$0xFFFFFFD0];
	v6 =	vbroadcast v6, $0x0  }
0x132: {  	v7 =	vld.idx.msk [tilespmem:v21+s14+$0x0], $0xffff  }
0x133: {  	v8 =	vld.idx.msk [tilespmem:v8+s14+$0x0], $0xffff  }
0x134: {  	v21 =	vld [tilespmem:s13+$0xFFFFFFA0]  }
0x135: {  	v29 =	vld [tilespmem:s13+$0xFFFFFF80]  }
0x136: {  	v31 =	vld [tilespmem:s13+$0xFFFFFF70]  }
0x137: {  	v9 =	vmul.f32 v9, v7;
	v28 =	vld.idx.msk [tilespmem:v6+s14+$0x0], $0xffff  }
0x138: {  	v12 =	vmul.f32 v12, v7;
	v6 =	vld.idx.msk [tilespmem:v22+s14+$0x0], $0xffff  }
0x139: {  	v62 =	vld [tilespmem:s13+$0xFFFFFF20];
	v30 =	vmul.f32 v14, v7;
	[tilespmem:s13+$0xD0] =	vst v9  }
0x13a: {  	v14 =	vmul.f32 v19, v7;
	v10 =	vmul.f32 v10, v8;
	v22 =	vld [tilespmem:s13+$0xFFFFFF90];
	[tilespmem:s13+$0x80] =	vst v12  }
0x13b: {  	v32 =	vmul.f32 v11, v8;
	[tilespmem:s13+$0x90] =	vst v30;
	v12 =	vmul.f32 v20, v7;
	v20 =	vld [tilespmem:s13+$0xFFFFFF40]  }
0x13c: {  	v19 =	vld [tilespmem:s13+$0xFFFFFF60];
	v13 =	vmul.f32 v13, v8;
	v16 =	vmul.f32 v16, v8;
	[tilespmem:s13+$0x0] =	vst v10  }
0x13d: {  	v17 =	vmul.f32 v17, v8;
	[tilespmem:s13+$0x10] =	vst v32;
	v9 =	vmul.f32 v23, v6;
	v23 =	vld [tilespmem:s13+$0xFFFFFF50]  }
0x13e: {  	v18 =	vmul.f32 v18, v8;
	[tilespmem:s13+$0x20] =	vst v13;
	v11 =	vmul.f32 v26, v6;
	v26 =	vld [tilespmem:s13+$0xFFFFFF30]  }
0x13f: {  	v27 =	vmul.f32 v27, v8;
	[tilespmem:s13+$0x30] =	vst v16;
	v13 =	vmul.f32 v22, v6;
	v22 =	vld [tilespmem:s13+$0xFFFFFF10]  }
0x140: {  	v33 =	vld [tilespmem:s13+$0xFFFFFFB0];
	[tilespmem:s13+$0x70] =	vst v17;
	v16 =	vmul.f32 v29, v6;
	v17 =	vmul.f32 v20, v28  }
0x141: {  	[tilespmem:s13+$0x40] =	vst v18;
	v29 =	vld [tilespmem:s13+$0xFFFFFF00];
	v20 =	vmul.f32 v24, v7;
	v24 =	vmul.f32 v62, v28  }
0x142: {  	v18 =	vmul.f32 v25, v7;
	[tilespmem:s13+$0xFFFFFF40] =	vst v17;
	v63 =	vmul.f32 v23, v28  }
0x143: {  	[tilespmem:s13+$0xFFFFFF20] =	vst v24;
	v23 =	vmul.f32 v19, v28;
	v19 =	vmul.f32 v26, v28  }
0x144: {  	v10 =	vmul.f32 v21, v6;
	v24 =	vld [tilespmem:s13+$0xF0];
	v25 =	vmul.f32 v22, v28;
	[tilespmem:s13+$0xFFFFFF50] =	vst v63  }
0x145: {  	v21 =	vmul.f32 v31, v28;
	v17 =	vmul.f32 v15, v6;
	v22 =	vld [tilespmem:s13+$0xFFFFFFC0];
	[tilespmem:s13+$0xFFFFFF30] =	vst v19  }
0x146: {  	s15 =	simm.s32 $0x300;
	s10 =	simm.s32 $0x4;
	v26 =	vmul.f32 v33, v6;
	v19 =	vmul.f32 v29, v28;
	[tilespmem:s13+$0xFFFFFF10] =	vst v25;
	v25 =	vld [tilespmem:s13+$0x50]  }
.LBB2_14:
0x147: {  	s23 =	sadd.s32 s10, s22;
	v28 =	vld [tilespmem:s15+$0xD0];
	p0 =	sne.s32 s10, $0x4C;
	s10 =	sadd.s32 $0x4, s10;
	[tilespmem:s13+$0xFFFFFF60] =	vst v23  }
0x148: {  	v23 =	vmov s23;
	s26 =	sadd.s32 $0x1, s23;
	s24 =	sadd.s32 $0x2, s23;
	s23 =	sadd.s32 $0x3, s23;
	v15 =	vld [tilespmem:s15+$0xFFFFFFF0];
	[tilespmem:s13+$0x60] =	vst v27  }
0x149: {  	v23 =	vand.u32 $0xFFFFFFFC, v23;
	v27 =	vmov s26;
	v29 =	vmov s24;
	v30 =	vld [tilespmem:s15+$0x0];
	[tilespmem:s13+$0xFFFFFFB0] =	vst v26  }
0x14a: {  	v23 =	vbroadcast v23, $0x0;
	v26 =	vand.u32 $0xFFFFFFFD, v27;
	v27 =	vld [tilespmem:s15+$0x10];
	[tilespmem:s13+$0xA0] =	vst v14;
	v7 =	vmul.f32 v24, v7  }
0x14b: {  	v24 =	vand.u32 $0xFFFFFFFE, v29;
	v14 =	vbroadcast v26, $0x0;
	v26 =	vld [tilespmem:s15+$0x20];
	[tilespmem:s13+$0xFFFFFF70] =	vst v21;
	v8 =	vmul.f32 v25, v8  }
0x14c: {  	v6 =	vmul.f32 v22, v6;
	v21 =	vbroadcast v24, $0x0;
	v24 =	vld [tilespmem:s15+$0x30];
	[tilespmem:s13+$0xF0] =	vst v7  }
0x14d: {  	v22 =	vld [tilespmem:s15+$0x70];
	[tilespmem:s13+$0x50] =	vst v8  }
0x14e: {  	v25 =	vld [tilespmem:s15+$0x40];
	[tilespmem:s13+$0xB0] =	vst v12  }
0x14f: {  	v29 =	vld [tilespmem:s15+$0x60];
	[tilespmem:s13+$0xFFFFFF80] =	vst v16  }
0x150: {  	v12 =	vld [tilespmem:s15+$0x80];
	[tilespmem:s13+$0xC0] =	vst v20  }
0x151: {  	v16 =	vld [tilespmem:s15+$0x90];
	[tilespmem:s13+$0xFFFFFFE0] =	vst v9  }
0x152: {  	v9 =	vld [tilespmem:s15+$0xA0];
	[tilespmem:s13+$0xFFFFFFD0] =	vst v11  }
0x153: {  	v11 =	vld [tilespmem:s15+$0xB0];
	[tilespmem:s13+$0xFFFFFF90] =	vst v13  }
0x154: {  	v7 =	vmov s23;
	v20 =	vld [tilespmem:s15+$0xC0];
	[tilespmem:s13+$0xE0] =	vst v18  }
0x155: {  	v18 =	vld [tilespmem:s15+$0xE0];
	[tilespmem:s13+$0xFFFFFFC0] =	vst v6  }
0x156: {  	v13 =	vld [tilespmem:s15+$0xFFFFFFE0];
	[tilespmem:s13+$0xFFFFFFA0] =	vst v10  }
0x157: {  	v10 =	vld [tilespmem:s15+$0xFFFFFFD0];
	[tilespmem:s13+$0xFFFFFFF0] =	vst v17  }
0x158: {  	[tilespmem:s13+$0xFFFFFF00] =	vst v19;
	s13 =	smov.u32 s15  }
0x159: {  	v7 =	vld.idx.msk [tilespmem:v7+s14+$0x0], $0xffff  }
0x15a: {  	v19 =	vld.idx.msk [tilespmem:v23+s14+$0x0], $0xffff  }
0x15b: {  	v6 =	vld.idx.msk [tilespmem:v14+s14+$0x0], $0xffff  }
0x15c: {  	v8 =	vld.idx.msk [tilespmem:v21+s14+$0x0], $0xffff  }
0x15d: {  	v31 =	vld [tilespmem:s15+$0xFFFFFFB0]  }
0x15e: {  	v17 =	vld [tilespmem:s15+$0xFFFFFFA0]  }
0x15f: {  	v23 =	vmul.f32 v12, v7;
	v28 =	vmul.f32 v28, v7;
	v21 =	vld [tilespmem:s15+$0xFFFFFF90]  }
0x160: {  	v16 =	vmul.f32 v16, v7;
	v14 =	vmul.f32 v9, v7;
	v32 =	vld [tilespmem:s15+$0xFFFFFF80]  }
0x161: {  	v12 =	vmul.f32 v11, v7;
	v9 =	vmul.f32 v13, v6;
	v33 =	vld [tilespmem:s15+$0xFFFFFF70];
	[tilespmem:s15+$0xD0] =	vst v28  }
0x162: {  	v11 =	vmul.f32 v10, v6;
	v30 =	vmul.f32 v30, v8;
	v28 =	vld [tilespmem:s15+$0xFFFFFF60];
	[tilespmem:s15+$0x80] =	vst v23  }
0x163: {  	v34 =	vld [tilespmem:s15+$0xFFFFFF50];
	v10 =	vmul.f32 v17, v6;
	v17 =	vmul.f32 v27, v8;
	[tilespmem:s15+$0x90] =	vst v16  }
0x164: {  	v23 =	vmul.f32 v26, v8;
	v27 =	vld [tilespmem:s15+$0xFFFFFF40];
	v13 =	vmul.f32 v21, v6;
	[tilespmem:s15+$0x0] =	vst v30  }
0x165: {  	v26 =	vld [tilespmem:s15+$0xFFFFFF30];
	v16 =	vmul.f32 v32, v6;
	[tilespmem:s15+$0x10] =	vst v17;
	v17 =	vmul.f32 v24, v8  }
0x166: {  	v22 =	vmul.f32 v22, v8;
	v24 =	vld [tilespmem:s15+$0xFFFFFF20];
	v21 =	vmul.f32 v33, v19;
	[tilespmem:s15+$0x20] =	vst v23  }
0x167: {  	v30 =	vld [tilespmem:s15+$0xFFFFFF10];
	v23 =	vmul.f32 v28, v19;
	[tilespmem:s15+$0x30] =	vst v17;
	v17 =	vmul.f32 v25, v8  }
0x168: {  	v20 =	vmul.f32 v20, v7;
	v25 =	vld [tilespmem:s15+$0xFFFFFF00];
	v28 =	vmul.f32 v34, v19;
	[tilespmem:s15+$0x70] =	vst v22  }
0x169: {  	v18 =	vmul.f32 v18, v7;
	v22 =	vmul.f32 v27, v19;
	[tilespmem:s15+$0x40] =	vst v17  }
.Ltmp9:
0x16a: {  	v17 =	vmul.f32 v15, v6;
	v26 =	vmul.f32 v26, v19;
	[tilespmem:s15+$0xFFFFFF50] =	vst v28;
	(pc) =	sbr.rel @p0 .LBB2_14-.Ltmp9, $4  }
0x16b: {  	v15 =	vmul.f32 v24, v19;
	[tilespmem:s15+$0xFFFFFF40] =	vst v22  }
0x16c: {  	v27 =	vmul.f32 v30, v19;
	[tilespmem:s15+$0xFFFFFF30] =	vst v26;
	v22 =	vld [tilespmem:s15+$0xFFFFFFC0]  }
0x16d: {  	v19 =	vmul.f32 v25, v19;
	[tilespmem:s15+$0xFFFFFF20] =	vst v15;
	v24 =	vld [tilespmem:s15+$0xF0]  }
0x16e: {  	v26 =	vmul.f32 v31, v6;
	s15 =	sadd.s32 $0x200, s15;
	[tilespmem:s13+$0xFFFFFF10] =	vst v27;
	v25 =	vld [tilespmem:s13+$0x50];
	v27 =	vmul.f32 v29, v8  }
0x16f: {  	[tilespmem:s13+$0xFFFFFF60] =	vst v23  }
0x170: {  	[tilespmem:s13+$0xA0] =	vst v14  }
0x171: {  	[tilespmem:s13+$0xFFFFFF70] =	vst v21  }
0x172: {  	[tilespmem:s13+$0xB0] =	vst v12  }
0x173: {  	[tilespmem:s13+$0xFFFFFF80] =	vst v16  }
0x174: {  	[tilespmem:s13+$0xC0] =	vst v20  }
0x175: {  	[tilespmem:s13+$0xFFFFFFE0] =	vst v9  }
0x176: {  	[tilespmem:s13+$0xFFFFFFD0] =	vst v11  }
0x177: {  	[tilespmem:s13+$0xFFFFFF90] =	vst v13  }
0x178: {  	[tilespmem:s13+$0xE0] =	vst v18  }
0x179: {  	[tilespmem:s13+$0xFFFFFFA0] =	vst v10  }
0x17a: {  	[tilespmem:s13+$0xFFFFFFF0] =	vst v17  }
0x17b: {  	[tilespmem:s13+$0xFFFFFF00] =	vst v19  }
0x17c: {  	[tilespmem:s13+$0x60] =	vst v27;
	v6 =	vmul.f32 v22, v6  }
0x17d: {  	s10 =	smul.u32 $0x3, s25;
	[tilespmem:s13+$0xFFFFFFB0] =	vst v26;
	v7 =	vmul.f32 v24, v7  }
0x17e: {  	v8 =	vmul.f32 v25, v8;
	[tilespmem:s13+$0xFFFFFFC0] =	vst v6  }
0x17f: {  	s15 =	sadd.s32 s21, s10;
	[tilespmem:s13+$0xF0] =	vst v7  }
0x180: {  	p0 =	slt.s32 s15, $0x1;
	[tilespmem:s13+$0x50] =	vst v8;
	s13 =	sadd.s32 $0x2, s10  }
0x181: {  	[spmem:s4] =	stream.indirect.scatter.add.f32 [tilespmem:s6], [sflag:$0x4], $0x80, s16, s7, $0x2000b8;
	[tilespmem:$0x1E320] =	vst v63  }
0x182: {  	s15 =	simm.s32 @!p0 $0x6;
	s23 =	smul.u32 $0x140, s13  }
0x183: {  	_ =	swait.ge @!p0 [sflag:s15], $0x2800  }
0x184: {  	[sflag:s15] =	ssyncset.done @!p0 $0x0;
	s23 =	sshra.s32 s23, $0x2  }
0x185: {  	[sflag:s15] =	ssyncadd.s32 @!p0 $0xFFFFD800;
	s28 =	sadd.s32 $0x9240, s23  }
0x186: {  	[tilespmem:s5], [sflag:$0x3] =	stream.indirect.gather [hbm4b:s1+s7], $0x80, s28, s7, $0x2000b8;
	[tilespmem:$0x1E320] =	vst v63  }
0x187: {  	s26 =	sadd.s32 $0x1, s10;
	_ =	swait.ge [sflag:s17], $0x2800  }
0x188: {  	s10 =	smul.u32 $0x50, s26;
	[sflag:s17] =	ssyncset.done $0x0  }
0x189: {  	[sflag:s17] =	ssyncadd.s32 $0xFFFFD800  }
0x18a: {  	v6 =	vld [tilespmem:s10+$0x8520];
	_ =	sdelay $0x4  }
0x18b: {  	[tilespmem:$0xA000] =	vst v6  }
0x18c: {  	v6 =	vld [tilespmem:s10+$0x8530];
	_ =	sdelay $0x4  }
0x18d: {  	[tilespmem:$0xA010] =	vst v6  }
0x18e: {  	v6 =	vld [tilespmem:s10+$0x8540];
	_ =	sdelay $0x4  }
0x18f: {  	[tilespmem:$0xA020] =	vst v6  }
0x190: {  	v6 =	vld [tilespmem:s10+$0x8550];
	_ =	sdelay $0x4  }
0x191: {  	[tilespmem:$0xA030] =	vst v6  }
0x192: {  	v6 =	vld [tilespmem:s10+$0x8560];
	_ =	sdelay $0x4  }
0x193: {  	s15 =	simm.s32 $0x2900;
	[tilespmem:$0xA040] =	vst v6  }
0x194: {  	v9 =	vld [tilespmem:s15+$0xD0]  }
0x195: {  	v15 =	vld [tilespmem:s15+$0xFFFFFFF0]  }
0x196: {  	v10 =	vld [tilespmem:s15+$0x0]  }
0x197: {  	v11 =	vld [tilespmem:s15+$0x10]  }
0x198: {  	v13 =	vld [tilespmem:s15+$0x20]  }
0x199: {  	v16 =	vld [tilespmem:s15+$0x30]  }
0x19a: {  	v17 =	vld [tilespmem:s15+$0x70]  }
0x19b: {  	v18 =	vld [tilespmem:s15+$0x40]  }
0x19c: {  	s2 =	sadd.s32 $0xFFFFFFB0, s22;
	v27 =	vld [tilespmem:s15+$0x60]  }
0x19d: {  	s28 =	sadd.s32 $0xA2, s2;
	v12 =	vld [tilespmem:s15+$0x80]  }
0x19e: {  	v8 =	vmov s28;
	v14 =	vld [tilespmem:s15+$0x90]  }
0x19f: {  	v8 =	vand.u32 $0xFFFFFFFE, v8;
	s10 =	sadd.s32 $0xA3, s2;
	v19 =	vld [tilespmem:s15+$0xA0]  }
0x1a0: {  	v8 =	vbroadcast v8, $0x0;
	v21 =	vmov s10;
	v20 =	vld [tilespmem:s15+$0xB0]  }
0x1a1: {  	s3 =	sadd.s32 $0xA0, s2;
	v24 =	vld [tilespmem:s15+$0xC0]  }
0x1a2: {  	s24 =	sadd.s32 $0xA1, s2;
	v6 =	vmov s3;
	v25 =	vld [tilespmem:s15+$0xE0]  }
0x1a3: {  	v7 =	vmov s24;
	v6 =	vand.u32 $0xFFFFFFFC, v6;
	v23 =	vld [tilespmem:s15+$0xFFFFFFE0]  }
0x1a4: {  	v7 =	vand.u32 $0xFFFFFFFD, v7;
	v26 =	vld [tilespmem:s15+$0xFFFFFFD0];
	v6 =	vbroadcast v6, $0x0  }
0x1a5: {  	v22 =	vbroadcast v7, $0x0;
	v7 =	vld.idx.msk [tilespmem:v21+s14+$0x0], $0xffff  }
0x1a6: {  	v8 =	vld.idx.msk [tilespmem:v8+s14+$0x0], $0xffff  }
0x1a7: {  	v21 =	vld [tilespmem:s15+$0xFFFFFFA0]  }
0x1a8: {  	v29 =	vld [tilespmem:s15+$0xFFFFFF80]  }
0x1a9: {  	v31 =	vld [tilespmem:s15+$0xFFFFFF70]  }
0x1aa: {  	v9 =	vmul.f32 v9, v7;
	v28 =	vld.idx.msk [tilespmem:v6+s14+$0x0], $0xffff  }
0x1ab: {  	v12 =	vmul.f32 v12, v7;
	v6 =	vld.idx.msk [tilespmem:v22+s14+$0x0], $0xffff  }
0x1ac: {  	v62 =	vld [tilespmem:s15+$0xFFFFFF20];
	v30 =	vmul.f32 v14, v7;
	[tilespmem:s15+$0xD0] =	vst v9  }
0x1ad: {  	v14 =	vmul.f32 v19, v7;
	v10 =	vmul.f32 v10, v8;
	v22 =	vld [tilespmem:s15+$0xFFFFFF90];
	[tilespmem:s15+$0x80] =	vst v12  }
0x1ae: {  	v32 =	vmul.f32 v11, v8;
	[tilespmem:s15+$0x90] =	vst v30;
	v12 =	vmul.f32 v20, v7;
	v20 =	vld [tilespmem:s15+$0xFFFFFF40]  }
0x1af: {  	v19 =	vld [tilespmem:s15+$0xFFFFFF60];
	v13 =	vmul.f32 v13, v8;
	v16 =	vmul.f32 v16, v8;
	[tilespmem:s15+$0x0] =	vst v10  }
0x1b0: {  	v17 =	vmul.f32 v17, v8;
	[tilespmem:s15+$0x10] =	vst v32;
	v9 =	vmul.f32 v23, v6;
	v23 =	vld [tilespmem:s15+$0xFFFFFF50]  }
0x1b1: {  	v18 =	vmul.f32 v18, v8;
	[tilespmem:s15+$0x20] =	vst v13;
	v11 =	vmul.f32 v26, v6;
	v26 =	vld [tilespmem:s15+$0xFFFFFF30]  }
0x1b2: {  	v27 =	vmul.f32 v27, v8;
	[tilespmem:s15+$0x30] =	vst v16;
	v13 =	vmul.f32 v22, v6;
	v22 =	vld [tilespmem:s15+$0xFFFFFF10]  }
0x1b3: {  	v33 =	vld [tilespmem:s15+$0xFFFFFFB0];
	[tilespmem:s15+$0x70] =	vst v17;
	v16 =	vmul.f32 v29, v6;
	v17 =	vmul.f32 v20, v28  }
0x1b4: {  	[tilespmem:s15+$0x40] =	vst v18;
	v29 =	vld [tilespmem:s15+$0xFFFFFF00];
	v20 =	vmul.f32 v24, v7;
	v24 =	vmul.f32 v62, v28  }
0x1b5: {  	v18 =	vmul.f32 v25, v7;
	[tilespmem:s15+$0xFFFFFF40] =	vst v17;
	v63 =	vmul.f32 v23, v28  }
0x1b6: {  	[tilespmem:s15+$0xFFFFFF20] =	vst v24;
	v23 =	vmul.f32 v19, v28;
	v19 =	vmul.f32 v26, v28  }
0x1b7: {  	v10 =	vmul.f32 v21, v6;
	v24 =	vld [tilespmem:s15+$0xF0];
	v25 =	vmul.f32 v22, v28;
	[tilespmem:s15+$0xFFFFFF50] =	vst v63  }
0x1b8: {  	v21 =	vmul.f32 v31, v28;
	v17 =	vmul.f32 v15, v6;
	v22 =	vld [tilespmem:s15+$0xFFFFFFC0];
	[tilespmem:s15+$0xFFFFFF30] =	vst v19  }
0x1b9: {  	s23 =	simm.s32 $0x2B00;
	s10 =	simm.s32 $0xFFFFFFB4;
	v26 =	vmul.f32 v33, v6;
	v19 =	vmul.f32 v29, v28;
	[tilespmem:s15+$0xFFFFFF10] =	vst v25;
	v25 =	vld [tilespmem:s15+$0x50]  }
.LBB2_16:
0x1ba: {  	s24 =	sadd.s32 s10, s22  }
0x1bb: {  	v28 =	vld [tilespmem:s23+$0xD0];
	p0 =	sne.s32 s10, $0xFFFFFFFC;
	s10 =	sadd.s32 $0x4, s10;
	[tilespmem:s15+$0xFFFFFF60] =	vst v23;
	s28 =	sadd.s32 $0xA0, s24  }
0x1bc: {  	s2 =	sadd.s32 $0xA1, s24;
	s3 =	sadd.s32 $0xA2, s24;
	v15 =	vld [tilespmem:s23+$0xFFFFFFF0];
	[tilespmem:s15+$0x60] =	vst v27;
	v23 =	vmov s28  }
0x1bd: {  	v27 =	vmov s2;
	v29 =	vmov s3;
	s2 =	sadd.s32 $0xA3, s24;
	v30 =	vld [tilespmem:s23+$0x0];
	[tilespmem:s15+$0xFFFFFFB0] =	vst v26  }
0x1be: {  	v23 =	vand.u32 $0xFFFFFFFC, v23;
	v26 =	vand.u32 $0xFFFFFFFE, v29;
	v29 =	vld [tilespmem:s23+$0x10];
	[tilespmem:s15+$0xA0] =	vst v14;
	v7 =	vmul.f32 v24, v7  }
0x1bf: {  	v14 =	vbroadcast v23, $0x0;
	v23 =	vand.u32 $0xFFFFFFFD, v27;
	v24 =	vld [tilespmem:s23+$0x20];
	[tilespmem:s15+$0xFFFFFF70] =	vst v21;
	v8 =	vmul.f32 v25, v8  }
0x1c0: {  	v6 =	vmul.f32 v22, v6;
	v21 =	vbroadcast v23, $0x0;
	v23 =	vld [tilespmem:s23+$0x30];
	[tilespmem:s15+$0xF0] =	vst v7  }
0x1c1: {  	v22 =	vbroadcast v26, $0x0;
	v25 =	vld [tilespmem:s23+$0x70];
	[tilespmem:s15+$0x50] =	vst v8  }
0x1c2: {  	v26 =	vld [tilespmem:s23+$0x40];
	[tilespmem:s15+$0xB0] =	vst v12  }
0x1c3: {  	v27 =	vld [tilespmem:s23+$0x60];
	[tilespmem:s15+$0xFFFFFF80] =	vst v16  }
0x1c4: {  	v12 =	vld [tilespmem:s23+$0x80];
	[tilespmem:s15+$0xC0] =	vst v20  }
0x1c5: {  	v16 =	vld [tilespmem:s23+$0x90];
	[tilespmem:s15+$0xFFFFFFE0] =	vst v9  }
0x1c6: {  	v9 =	vld [tilespmem:s23+$0xA0];
	[tilespmem:s15+$0xFFFFFFD0] =	vst v11  }
0x1c7: {  	v11 =	vld [tilespmem:s23+$0xB0];
	[tilespmem:s15+$0xFFFFFF90] =	vst v13  }
0x1c8: {  	v7 =	vmov s2;
	v20 =	vld [tilespmem:s23+$0xC0];
	[tilespmem:s15+$0xE0] =	vst v18  }
0x1c9: {  	v18 =	vld [tilespmem:s23+$0xE0];
	[tilespmem:s15+$0xFFFFFFC0] =	vst v6  }
0x1ca: {  	v13 =	vld [tilespmem:s23+$0xFFFFFFE0];
	[tilespmem:s15+$0xFFFFFFA0] =	vst v10  }
0x1cb: {  	v10 =	vld [tilespmem:s23+$0xFFFFFFD0];
	[tilespmem:s15+$0xFFFFFFF0] =	vst v17  }
0x1cc: {  	[tilespmem:s15+$0xFFFFFF00] =	vst v19;
	s15 =	smov.u32 s23  }
0x1cd: {  	v7 =	vld.idx.msk [tilespmem:v7+s14+$0x0], $0xffff  }
0x1ce: {  	v19 =	vld.idx.msk [tilespmem:v14+s14+$0x0], $0xffff  }
0x1cf: {  	v6 =	vld.idx.msk [tilespmem:v21+s14+$0x0], $0xffff  }
0x1d0: {  	v8 =	vld.idx.msk [tilespmem:v22+s14+$0x0], $0xffff  }
0x1d1: {  	v31 =	vld [tilespmem:s23+$0xFFFFFFB0]  }
0x1d2: {  	v17 =	vld [tilespmem:s23+$0xFFFFFFA0]  }
0x1d3: {  	v22 =	vmul.f32 v12, v7;
	v28 =	vmul.f32 v28, v7;
	v21 =	vld [tilespmem:s23+$0xFFFFFF90]  }
0x1d4: {  	v16 =	vmul.f32 v16, v7;
	v14 =	vmul.f32 v9, v7;
	v32 =	vld [tilespmem:s23+$0xFFFFFF80]  }
0x1d5: {  	v12 =	vmul.f32 v11, v7;
	v9 =	vmul.f32 v13, v6;
	v33 =	vld [tilespmem:s23+$0xFFFFFF70];
	[tilespmem:s23+$0xD0] =	vst v28  }
0x1d6: {  	v11 =	vmul.f32 v10, v6;
	v30 =	vmul.f32 v30, v8;
	v28 =	vld [tilespmem:s23+$0xFFFFFF60];
	[tilespmem:s23+$0x80] =	vst v22  }
0x1d7: {  	v22 =	vld [tilespmem:s23+$0xFFFFFF50];
	v10 =	vmul.f32 v17, v6;
	v17 =	vmul.f32 v29, v8;
	[tilespmem:s23+$0x90] =	vst v16  }
0x1d8: {  	v24 =	vmul.f32 v24, v8;
	v29 =	vld [tilespmem:s23+$0xFFFFFF40];
	v13 =	vmul.f32 v21, v6;
	[tilespmem:s23+$0x0] =	vst v30  }
0x1d9: {  	v30 =	vld [tilespmem:s23+$0xFFFFFF30];
	v16 =	vmul.f32 v32, v6;
	[tilespmem:s23+$0x10] =	vst v17;
	v17 =	vmul.f32 v23, v8  }
0x1da: {  	v32 =	vld [tilespmem:s23+$0xFFFFFF20];
	v21 =	vmul.f32 v33, v19;
	[tilespmem:s23+$0x20] =	vst v24;
	v24 =	vmul.f32 v25, v8  }
0x1db: {  	v25 =	vld [tilespmem:s23+$0xFFFFFF10];
	v23 =	vmul.f32 v28, v19;
	[tilespmem:s23+$0x30] =	vst v17;
	v17 =	vmul.f32 v26, v8  }
0x1dc: {  	v20 =	vmul.f32 v20, v7;
	v26 =	vld [tilespmem:s23+$0xFFFFFF00];
	v22 =	vmul.f32 v22, v19;
	[tilespmem:s23+$0x70] =	vst v24  }
0x1dd: {  	v18 =	vmul.f32 v18, v7;
	v24 =	vmul.f32 v29, v19;
	[tilespmem:s23+$0x40] =	vst v17  }
.Ltmp10:
0x1de: {  	v17 =	vmul.f32 v15, v6;
	v28 =	vmul.f32 v30, v19;
	[tilespmem:s23+$0xFFFFFF50] =	vst v22;
	(pc) =	sbr.rel @p0 .LBB2_16-.Ltmp10, $4  }
0x1df: {  	v15 =	vmul.f32 v32, v19;
	[tilespmem:s23+$0xFFFFFF40] =	vst v24  }
0x1e0: {  	v25 =	vmul.f32 v25, v19;
	[tilespmem:s23+$0xFFFFFF30] =	vst v28;
	v22 =	vld [tilespmem:s23+$0xFFFFFFC0]  }
0x1e1: {  	v19 =	vmul.f32 v26, v19;
	[tilespmem:s23+$0xFFFFFF20] =	vst v15;
	v24 =	vld [tilespmem:s23+$0xF0]  }
0x1e2: {  	v27 =	vmul.f32 v27, v8;
	v26 =	vmul.f32 v31, v6;
	s23 =	sadd.s32 $0x200, s23;
	[tilespmem:s15+$0xFFFFFF10] =	vst v25;
	v25 =	vld [tilespmem:s15+$0x50]  }
0x1e3: {  	[tilespmem:s15+$0xFFFFFF60] =	vst v23  }
0x1e4: {  	[tilespmem:s15+$0xA0] =	vst v14  }
0x1e5: {  	[tilespmem:s15+$0xFFFFFF70] =	vst v21  }
0x1e6: {  	[tilespmem:s15+$0xB0] =	vst v12  }
0x1e7: {  	[tilespmem:s15+$0xFFFFFF80] =	vst v16  }
0x1e8: {  	[tilespmem:s15+$0xC0] =	vst v20  }
0x1e9: {  	[tilespmem:s15+$0xFFFFFFE0] =	vst v9  }
0x1ea: {  	[tilespmem:s15+$0xFFFFFFD0] =	vst v11  }
0x1eb: {  	[tilespmem:s15+$0xFFFFFF90] =	vst v13  }
0x1ec: {  	[tilespmem:s15+$0xE0] =	vst v18  }
0x1ed: {  	[tilespmem:s15+$0xFFFFFFA0] =	vst v10  }
0x1ee: {  	[tilespmem:s15+$0xFFFFFFF0] =	vst v17  }
0x1ef: {  	[tilespmem:s15+$0xFFFFFF00] =	vst v19  }
0x1f0: {  	p0 =	seq.s32 s25, $0xD;
	[tilespmem:s15+$0x60] =	vst v27;
	v6 =	vmul.f32 v22, v6  }
0x1f1: {  	[tilespmem:s15+$0xFFFFFFB0] =	vst v26;
	s2 =	sadd.s32 @!p0 s21, s26;
	v7 =	vmul.f32 v24, v7  }
0x1f2: {  	p1 =	slt.s32 @!p0 s2, $0x1;
	v8 =	vmul.f32 v25, v8;
	[tilespmem:s15+$0xFFFFFFC0] =	vst v6  }
0x1f3: {  	p1 =	por p1, p0;
	[tilespmem:s15+$0xF0] =	vst v7  }
0x1f4: {  	s2 =	simm.s32 @!p1 $0x4;
	[tilespmem:s15+$0x50] =	vst v8  }
0x1f5: {  	[spmem:s4] =	stream.indirect.scatter.add.f32 [tilespmem:s0], [sflag:$0x5], $0x80, s18, s7, $0x2000b8;
	[tilespmem:$0x1E320] =	vst v63  }
0x1f6: {  	s3 =	smul.u32 @!p0 $0x3C0, s25;
	_ =	swait.ge @!p1 [sflag:s2], $0x2800  }
0x1f7: {  	[sflag:s2] =	ssyncset.done @!p1 $0x0  }
0x1f8: {  	[sflag:s2] =	ssyncadd.s32 @!p1 $0xFFFFD800;
	s2 =	sshra.s32 @!p0 s3, $0x2  }
0x1f9: {  	s10 =	simm.s32 @!p0 $0x0;
	s3 =	simm.s32 @!p0 $0x50;
	s2 =	sadd.s32 @!p0 $0x9330, s2  }
0x1fa: {  	[tilespmem:s10], [sflag:$0x1] =	stream.indirect.gather @!p0 [hbm4b:s1+s3], $0x80, s2, s3, $0x2000b8;
	[tilespmem:$0x1E320] =	vst v63  }
0x1fb: {  	_ =	swait.ge [sflag:s19], $0x2800  }
0x1fc: {  	s23 =	smul.u32 $0x50, s13;
	[sflag:s19] =	ssyncset.done $0x0  }
0x1fd: {  	[sflag:s19] =	ssyncadd.s32 $0xFFFFD800  }
0x1fe: {  	v6 =	vld [tilespmem:s23+$0x8520];
	_ =	sdelay $0x4  }
0x1ff: {  	[tilespmem:$0xA050] =	vst v6  }
0x200: {  	v6 =	vld [tilespmem:s23+$0x8530];
	_ =	sdelay $0x4  }
0x201: {  	[tilespmem:$0xA060] =	vst v6  }
0x202: {  	v6 =	vld [tilespmem:s23+$0x8540];
	_ =	sdelay $0x4  }
0x203: {  	[tilespmem:$0xA070] =	vst v6  }
0x204: {  	v6 =	vld [tilespmem:s23+$0x8550];
	_ =	sdelay $0x4  }
0x205: {  	[tilespmem:$0xA080] =	vst v6  }
0x206: {  	v6 =	vld [tilespmem:s23+$0x8560];
	_ =	sdelay $0x4  }
0x207: {  	s15 =	simm.s32 $0x5100;
	[tilespmem:$0xA090] =	vst v6  }
0x208: {  	v9 =	vld [tilespmem:s15+$0xD0]  }
0x209: {  	v15 =	vld [tilespmem:s15+$0xFFFFFFF0]  }
0x20a: {  	v10 =	vld [tilespmem:s15+$0x0]  }
0x20b: {  	v11 =	vld [tilespmem:s15+$0x10]  }
0x20c: {  	v13 =	vld [tilespmem:s15+$0x20]  }
0x20d: {  	v16 =	vld [tilespmem:s15+$0x30]  }
0x20e: {  	v17 =	vld [tilespmem:s15+$0x70]  }
0x20f: {  	v18 =	vld [tilespmem:s15+$0x40]  }
0x210: {  	v27 =	vld [tilespmem:s15+$0x60]  }
0x211: {  	v12 =	vld [tilespmem:s15+$0x80]  }
0x212: {  	s24 =	sadd.s32 $0xFFFFFFB0, s22;
	v14 =	vld [tilespmem:s15+$0x90]  }
0x213: {  	s2 =	sadd.s32 $0xF3, s24;
	s23 =	sadd.s32 $0xF2, s24;
	v19 =	vld [tilespmem:s15+$0xA0]  }
0x214: {  	v21 =	vmov s2;
	v8 =	vmov s23;
	v20 =	vld [tilespmem:s15+$0xB0]  }
0x215: {  	s26 =	sadd.s32 $0xF0, s24;
	v8 =	vand.u32 $0xFFFFFFFE, v8;
	v24 =	vld [tilespmem:s15+$0xC0]  }
0x216: {  	s28 =	sadd.s32 $0xF1, s24;
	v8 =	vbroadcast v8, $0x0;
	v6 =	vmov s26;
	v25 =	vld [tilespmem:s15+$0xE0]  }
0x217: {  	v7 =	vmov s28;
	v6 =	vand.u32 $0xFFFFFFFC, v6;
	v23 =	vld [tilespmem:s15+$0xFFFFFFE0]  }
0x218: {  	v7 =	vand.u32 $0xFFFFFFFD, v7;
	v26 =	vld [tilespmem:s15+$0xFFFFFFD0];
	v6 =	vbroadcast v6, $0x0  }
0x219: {  	v22 =	vbroadcast v7, $0x0;
	v7 =	vld.idx.msk [tilespmem:v21+s14+$0x0], $0xffff  }
0x21a: {  	v21 =	vld [tilespmem:s15+$0xFFFFFFA0]  }
0x21b: {  	v29 =	vld [tilespmem:s15+$0xFFFFFF80]  }
0x21c: {  	v8 =	vld.idx.msk [tilespmem:v8+s14+$0x0], $0xffff  }
0x21d: {  	v31 =	vld [tilespmem:s15+$0xFFFFFF70]  }
0x21e: {  	v9 =	vmul.f32 v9, v7;
	v28 =	vld.idx.msk [tilespmem:v6+s14+$0x0], $0xffff  }
0x21f: {  	v12 =	vmul.f32 v12, v7;
	v6 =	vld.idx.msk [tilespmem:v22+s14+$0x0], $0xffff  }
0x220: {  	v62 =	vld [tilespmem:s15+$0xFFFFFF20];
	v30 =	vmul.f32 v14, v7;
	[tilespmem:s15+$0xD0] =	vst v9  }
0x221: {  	v14 =	vmul.f32 v19, v7;
	v22 =	vld [tilespmem:s15+$0xFFFFFF90];
	[tilespmem:s15+$0x80] =	vst v12;
	v10 =	vmul.f32 v10, v8  }
0x222: {  	[tilespmem:s15+$0x90] =	vst v30;
	v12 =	vmul.f32 v20, v7;
	v20 =	vld [tilespmem:s15+$0xFFFFFF40];
	v32 =	vmul.f32 v11, v8  }
0x223: {  	v19 =	vld [tilespmem:s15+$0xFFFFFF60];
	v13 =	vmul.f32 v13, v8;
	v16 =	vmul.f32 v16, v8;
	[tilespmem:s15+$0x0] =	vst v10  }
0x224: {  	v17 =	vmul.f32 v17, v8;
	[tilespmem:s15+$0x10] =	vst v32;
	v9 =	vmul.f32 v23, v6;
	v23 =	vld [tilespmem:s15+$0xFFFFFF50]  }
0x225: {  	v18 =	vmul.f32 v18, v8;
	[tilespmem:s15+$0x20] =	vst v13;
	v11 =	vmul.f32 v26, v6;
	v26 =	vld [tilespmem:s15+$0xFFFFFF30]  }
0x226: {  	v27 =	vmul.f32 v27, v8;
	[tilespmem:s15+$0x30] =	vst v16;
	v13 =	vmul.f32 v22, v6;
	v22 =	vld [tilespmem:s15+$0xFFFFFF10]  }
0x227: {  	v33 =	vld [tilespmem:s15+$0xFFFFFFB0];
	[tilespmem:s15+$0x70] =	vst v17;
	v16 =	vmul.f32 v29, v6;
	v17 =	vmul.f32 v20, v28  }
0x228: {  	[tilespmem:s15+$0x40] =	vst v18;
	v29 =	vld [tilespmem:s15+$0xFFFFFF00];
	v20 =	vmul.f32 v24, v7;
	v24 =	vmul.f32 v62, v28  }
0x229: {  	v18 =	vmul.f32 v25, v7;
	[tilespmem:s15+$0xFFFFFF40] =	vst v17;
	v63 =	vmul.f32 v23, v28  }
0x22a: {  	[tilespmem:s15+$0xFFFFFF20] =	vst v24;
	v23 =	vmul.f32 v19, v28;
	v19 =	vmul.f32 v26, v28  }
0x22b: {  	v10 =	vmul.f32 v21, v6;
	v24 =	vld [tilespmem:s15+$0xF0];
	v25 =	vmul.f32 v22, v28;
	[tilespmem:s15+$0xFFFFFF50] =	vst v63  }
0x22c: {  	v21 =	vmul.f32 v31, v28;
	v17 =	vmul.f32 v15, v6;
	v22 =	vld [tilespmem:s15+$0xFFFFFFC0];
	[tilespmem:s15+$0xFFFFFF30] =	vst v19  }
0x22d: {  	s10 =	simm.s32 $0xFFFFFFB4;
	s23 =	simm.s32 $0x5300;
	v26 =	vmul.f32 v33, v6;
	v19 =	vmul.f32 v29, v28;
	[tilespmem:s15+$0xFFFFFF10] =	vst v25;
	v25 =	vld [tilespmem:s15+$0x50]  }
.LBB2_18:
0x22e: {  	s2 =	sadd.s32 s10, s22  }
0x22f: {  	v28 =	vld [tilespmem:s23+$0xD0];
	p1 =	sne.s32 s10, $0xFFFFFFFC;
	s10 =	sadd.s32 $0x4, s10;
	[tilespmem:s15+$0xFFFFFF60] =	vst v23;
	s3 =	sadd.s32 $0xF0, s2  }
0x230: {  	s24 =	sadd.s32 $0xF1, s2;
	s26 =	sadd.s32 $0xF2, s2;
	v15 =	vld [tilespmem:s23+$0xFFFFFFF0];
	[tilespmem:s15+$0x60] =	vst v27;
	v23 =	vmov s3  }
0x231: {  	s2 =	sadd.s32 $0xF3, s2;
	v27 =	vmov s24;
	v29 =	vmov s26;
	v30 =	vld [tilespmem:s23+$0x0];
	[tilespmem:s15+$0xFFFFFFB0] =	vst v26  }
0x232: {  	v23 =	vand.u32 $0xFFFFFFFC, v23;
	v26 =	vand.u32 $0xFFFFFFFE, v29;
	v29 =	vld [tilespmem:s23+$0x10];
	[tilespmem:s15+$0xA0] =	vst v14;
	v7 =	vmul.f32 v24, v7  }
0x233: {  	v14 =	vbroadcast v23, $0x0;
	v23 =	vand.u32 $0xFFFFFFFD, v27;
	v24 =	vld [tilespmem:s23+$0x20];
	[tilespmem:s15+$0xFFFFFF70] =	vst v21;
	v8 =	vmul.f32 v25, v8  }
0x234: {  	v6 =	vmul.f32 v22, v6;
	v21 =	vbroadcast v23, $0x0;
	v23 =	vld [tilespmem:s23+$0x30];
	[tilespmem:s15+$0xF0] =	vst v7  }
0x235: {  	v22 =	vbroadcast v26, $0x0;
	v25 =	vld [tilespmem:s23+$0x70];
	[tilespmem:s15+$0x50] =	vst v8  }
0x236: {  	v26 =	vld [tilespmem:s23+$0x40];
	[tilespmem:s15+$0xB0] =	vst v12  }
0x237: {  	v27 =	vld [tilespmem:s23+$0x60];
	[tilespmem:s15+$0xFFFFFF80] =	vst v16  }
0x238: {  	v12 =	vld [tilespmem:s23+$0x80];
	[tilespmem:s15+$0xC0] =	vst v20  }
0x239: {  	v16 =	vld [tilespmem:s23+$0x90];
	[tilespmem:s15+$0xFFFFFFE0] =	vst v9  }
0x23a: {  	v9 =	vld [tilespmem:s23+$0xA0];
	[tilespmem:s15+$0xFFFFFFD0] =	vst v11  }
0x23b: {  	v11 =	vld [tilespmem:s23+$0xB0];
	[tilespmem:s15+$0xFFFFFF90] =	vst v13  }
0x23c: {  	v7 =	vmov s2;
	v20 =	vld [tilespmem:s23+$0xC0];
	[tilespmem:s15+$0xE0] =	vst v18  }
0x23d: {  	v18 =	vld [tilespmem:s23+$0xE0];
	[tilespmem:s15+$0xFFFFFFC0] =	vst v6  }
0x23e: {  	v13 =	vld [tilespmem:s23+$0xFFFFFFE0];
	[tilespmem:s15+$0xFFFFFFA0] =	vst v10  }
0x23f: {  	v10 =	vld [tilespmem:s23+$0xFFFFFFD0];
	[tilespmem:s15+$0xFFFFFFF0] =	vst v17  }
0x240: {  	[tilespmem:s15+$0xFFFFFF00] =	vst v19;
	s15 =	smov.u32 s23  }
0x241: {  	v7 =	vld.idx.msk [tilespmem:v7+s14+$0x0], $0xffff  }
0x242: {  	v19 =	vld.idx.msk [tilespmem:v14+s14+$0x0], $0xffff  }
0x243: {  	v6 =	vld.idx.msk [tilespmem:v21+s14+$0x0], $0xffff  }
0x244: {  	v8 =	vld.idx.msk [tilespmem:v22+s14+$0x0], $0xffff  }
0x245: {  	v31 =	vld [tilespmem:s23+$0xFFFFFFB0]  }
0x246: {  	v17 =	vld [tilespmem:s23+$0xFFFFFFA0]  }
0x247: {  	v22 =	vmul.f32 v12, v7;
	v28 =	vmul.f32 v28, v7;
	v21 =	vld [tilespmem:s23+$0xFFFFFF90]  }
0x248: {  	v16 =	vmul.f32 v16, v7;
	v14 =	vmul.f32 v9, v7;
	v32 =	vld [tilespmem:s23+$0xFFFFFF80]  }
0x249: {  	v12 =	vmul.f32 v11, v7;
	v9 =	vmul.f32 v13, v6;
	v33 =	vld [tilespmem:s23+$0xFFFFFF70];
	[tilespmem:s23+$0xD0] =	vst v28  }
0x24a: {  	v11 =	vmul.f32 v10, v6;
	v30 =	vmul.f32 v30, v8;
	v28 =	vld [tilespmem:s23+$0xFFFFFF60];
	[tilespmem:s23+$0x80] =	vst v22  }
0x24b: {  	v22 =	vld [tilespmem:s23+$0xFFFFFF50];
	v10 =	vmul.f32 v17, v6;
	v17 =	vmul.f32 v29, v8;
	[tilespmem:s23+$0x90] =	vst v16  }
0x24c: {  	v24 =	vmul.f32 v24, v8;
	v29 =	vld [tilespmem:s23+$0xFFFFFF40];
	v13 =	vmul.f32 v21, v6;
	[tilespmem:s23+$0x0] =	vst v30  }
0x24d: {  	v30 =	vld [tilespmem:s23+$0xFFFFFF30];
	v16 =	vmul.f32 v32, v6;
	[tilespmem:s23+$0x10] =	vst v17;
	v17 =	vmul.f32 v23, v8  }
0x24e: {  	v32 =	vld [tilespmem:s23+$0xFFFFFF20];
	v21 =	vmul.f32 v33, v19;
	[tilespmem:s23+$0x20] =	vst v24;
	v24 =	vmul.f32 v25, v8  }
0x24f: {  	v25 =	vld [tilespmem:s23+$0xFFFFFF10];
	v23 =	vmul.f32 v28, v19;
	[tilespmem:s23+$0x30] =	vst v17;
	v17 =	vmul.f32 v26, v8  }
0x250: {  	v20 =	vmul.f32 v20, v7;
	v26 =	vld [tilespmem:s23+$0xFFFFFF00];
	v22 =	vmul.f32 v22, v19;
	[tilespmem:s23+$0x70] =	vst v24  }
0x251: {  	v18 =	vmul.f32 v18, v7;
	v24 =	vmul.f32 v29, v19;
	[tilespmem:s23+$0x40] =	vst v17  }
.Ltmp11:
0x252: {  	v17 =	vmul.f32 v15, v6;
	v28 =	vmul.f32 v30, v19;
	[tilespmem:s23+$0xFFFFFF50] =	vst v22;
	(pc) =	sbr.rel @p1 .LBB2_18-.Ltmp11, $4  }
0x253: {  	v15 =	vmul.f32 v32, v19;
	[tilespmem:s23+$0xFFFFFF40] =	vst v24  }
0x254: {  	v25 =	vmul.f32 v25, v19;
	[tilespmem:s23+$0xFFFFFF30] =	vst v28;
	v22 =	vld [tilespmem:s23+$0xFFFFFFC0]  }
0x255: {  	v19 =	vmul.f32 v26, v19;
	[tilespmem:s23+$0xFFFFFF20] =	vst v15;
	v24 =	vld [tilespmem:s23+$0xF0]  }
0x256: {  	v27 =	vmul.f32 v27, v8;
	v26 =	vmul.f32 v31, v6;
	s23 =	sadd.s32 $0x200, s23;
	[tilespmem:s15+$0xFFFFFF10] =	vst v25;
	v25 =	vld [tilespmem:s15+$0x50]  }
0x257: {  	[tilespmem:s15+$0xFFFFFF60] =	vst v23  }
0x258: {  	[tilespmem:s15+$0xA0] =	vst v14  }
0x259: {  	[tilespmem:s15+$0xFFFFFF70] =	vst v21  }
0x25a: {  	[tilespmem:s15+$0xB0] =	vst v12  }
0x25b: {  	[tilespmem:s15+$0xFFFFFF80] =	vst v16  }
0x25c: {  	[tilespmem:s15+$0xC0] =	vst v20  }
0x25d: {  	[tilespmem:s15+$0xFFFFFFE0] =	vst v9  }
0x25e: {  	[tilespmem:s15+$0xFFFFFFD0] =	vst v11  }
0x25f: {  	[tilespmem:s15+$0xFFFFFF90] =	vst v13  }
0x260: {  	[tilespmem:s15+$0xE0] =	vst v18  }
0x261: {  	[tilespmem:s15+$0xFFFFFFA0] =	vst v10  }
0x262: {  	[tilespmem:s15+$0xFFFFFFF0] =	vst v17  }
0x263: {  	[tilespmem:s15+$0xFFFFFF00] =	vst v19  }
0x264: {  	[tilespmem:s15+$0x60] =	vst v27;
	v6 =	vmul.f32 v22, v6  }
.Ltmp12:
0x265: {  	[tilespmem:s15+$0xFFFFFFB0] =	vst v26;
	v7 =	vmul.f32 v24, v7;
	(pc) =	sbr.rel @p0 .LBB2_21-.Ltmp12, $4  }
0x266: {  	v8 =	vmul.f32 v25, v8;
	[tilespmem:s15+$0xFFFFFFC0] =	vst v6  }
0x267: {  	[tilespmem:s15+$0xF0] =	vst v7  }
0x268: {  	[tilespmem:s15+$0x50] =	vst v8  }
0x269: {  	[spmem:s4] =	stream.indirect.scatter.add.f32 [tilespmem:s5], [sflag:$0x6], $0x80, s20, s7, $0x2000b8;
	[tilespmem:$0x1E320] =	vst v63  }
0x26a: {  	s2 =	sadd.s32 s21, s13  }
0x26b: {  	s3 =	smul.u32 $0x3C0, s25;
	p0 =	slt.s32 s2, $0x1  }
.Ltmp13:
0x26c: {  	s2 =	simm.s32 @!p0 $0x5;
	(pc) =	sbr.rel .LBB2_13-.Ltmp13, $4  }
0x26d: {  	_ =	swait.ge @!p0 [sflag:s2], $0x2800  }
0x26e: {  	s25 =	sadd.s32 $0x1, s25;
	s3 =	sshra.s32 s3, $0x2;
	[sflag:s2] =	ssyncset.done @!p0 $0x0  }
0x26f: {  	s22 =	sadd.s32 $0xF0, s22;
	s28 =	sadd.s32 $0x9380, s3;
	[sflag:s2] =	ssyncadd.s32 @!p0 $0xFFFFD800  }
0x270: {  	[tilespmem:s0], [sflag:$0x2] =	stream.indirect.gather [hbm4b:s1+s7], $0x80, s28, s7, $0x2000b8;
	[tilespmem:$0x1E320] =	vst v63  }
.LBB2_23:
0x271: {  	_ =	sfence.sel $0x180000  }
0x272: {  	[bflag:$0x0] =	sbarrier.arrive $0xFFFF  }
0x273: {  	_ =	strace $0x90000047  }
0x274: {  	s0 =	stileid.u32;
	[bflag:$0x2] =	sbarrier.arrive $0xFFFF  }
0x275: {  	p0 =	sne.s32 s0, $0x0;
	s0 =	rddreg [dreg:$0x5]  }
0x276: {  	s0 =	sadd.s32 @!p0 $0x100000, s0  }
0x277: {  	[sflag:s0] =	ssyncadd.tile.s32 @!p0 $0x1;
	_ =	shalt  }
.Lfunc_end2:
_tile_overlayer_lowered:
.L_overlay_start_2:
0x278: {  	(tag) =	ssettag $0x2  }
0x279: {  	s0 =	rddreg [dreg:$0x0];
	s2 =	stileid.u32  }
0x27a: {  	s1 =	rddreg [dreg:$0x1];
	p0 =	sne.s32 s2, $0x0  }
0x27b: {  	s3 =	rddreg [dreg:$0x2];
	[bflag:$0x3] =	sbarrier.arrive $0xFFFF;
	s2 =	simm.s32 @!p0 $0x1C07  }
0x27c: {  	[timem:s3], [sflag:s2] =	dma.local @!p0 [hbm:s0], s1  }
0x27d: {  	s0 =	simm.s32 @!p0 $0x7  }
0x27e: {  	_ =	swait.ge @!p0 [sflag:s0], s1  }
0x27f: {  	s1 =	ssub.s32 @!p0 $0x0, s1;
	[sflag:s0] =	ssyncset.done @!p0 $0x0  }
0x280: {  	[sflag:s0] =	ssyncadd.s32 @!p0 s1  }
0x281: {  	[bflag:$0x3] =	sbarrier.arrive $0xFFFF  }
0x282: {  	_ =	shalt  }

</sc_bundles>
